<compile_context>
chip_gen: v7x
topology: tpu7x:2x2x1
jax: 0.10.2.dev20260603
libtpu: 0.0.44.dev20260713+nightly
codegen_flags: <defaults>
</compile_context>

<pallas_src>
import functools

import jax
import jax.numpy as jnp
from jax import lax
from jax.experimental import pallas as pl
from jax.experimental.pallas import tpu as pltpu
from jax.experimental.pallas import tpu_sc as plsc

_NC, _NS = 2, 16
_NW = _NC * _NS
_C = 40
_CG = 80
_NBUF = 5
_LANES = 16


def _node_projections(nodes2d, eW1r, eW1s):
    n, d = nodes2d.shape

    def body(x_ref, wr_ref, ws_ref, pr_ref, ps_ref):
        x = x_ref[...]
        pr_ref[...] = jnp.dot(x, wr_ref[...], preferred_element_type=jnp.float32)
        ps_ref[...] = jnp.dot(x, ws_ref[...], preferred_element_type=jnp.float32)

    return pl.pallas_call(
        body,
        out_shape=(
            jax.ShapeDtypeStruct((n, d), jnp.float32),
            jax.ShapeDtypeStruct((n, d), jnp.float32),
        ),
    )(nodes2d, eW1r, eW1s)


def _gather_messages(PR, PS, snd3, rcv3):
    n, d = PR.shape
    nw, nch, c = rcv3.shape
    e = nw * nch * c
    epw = nch * c
    assert nch % _NBUF == 0

    mesh = plsc.VectorSubcoreMesh(core_axis_name="c", subcore_axis_name="s")

    @functools.partial(
        pl.kernel,
        out_type=jax.ShapeDtypeStruct((e, d), jnp.float32),
        mesh=mesh,
        scratch_types=(
            [pltpu.VMEM((c,), jnp.int32)] * (2 * _NBUF)
            + [pltpu.VMEM((c, d), jnp.float32)] * (2 * _NBUF)
            + [pltpu.SemaphoreType.DMA] * (5 * _NBUF)
        ),
    )
    def k(pr_hbm, ps_hbm, snd_hbm, rcv_hbm, g_hbm, *scr):
        idxr = scr[0:_NBUF]
        idxs = scr[_NBUF : 2 * _NBUF]
        bufr = scr[2 * _NBUF : 3 * _NBUF]
        bufs = scr[3 * _NBUF : 4 * _NBUF]
        semir = scr[4 * _NBUF : 5 * _NBUF]
        semis = scr[5 * _NBUF : 6 * _NBUF]
        semr = scr[6 * _NBUF : 7 * _NBUF]
        sems = scr[7 * _NBUF : 8 * _NBUF]
        semo = scr[8 * _NBUF : 9 * _NBUF]

        wid = lax.axis_index("s") * _NC + lax.axis_index("c")
        base_w = wid * epw

        for b in range(_NBUF):
            pltpu.async_copy(rcv_hbm.at[wid, b], idxr[b], semir[b])
            pltpu.async_copy(snd_hbm.at[wid, b], idxs[b], semis[b])

        def body(j5, carry):
            jj = j5 * _NBUF
            for b in range(_NBUF):
                j = jj + b
                pltpu.make_async_copy(rcv_hbm.at[wid, j], idxr[b], semir[b]).wait()
                pltpu.make_async_copy(snd_hbm.at[wid, j], idxs[b], semis[b]).wait()
                pltpu.async_copy(pr_hbm.at[idxr[b]], bufr[b], semr[b])
                pltpu.async_copy(ps_hbm.at[idxs[b]], bufs[b], sems[b])
            for b in range(_NBUF):
                j = jj + b
                pltpu.make_async_copy(pr_hbm.at[idxr[b]], bufr[b], semr[b]).wait()
                pltpu.make_async_copy(ps_hbm.at[idxs[b]], bufs[b], sems[b]).wait()
                br, bs = bufr[b], bufs[b]

                def row(r, cc):
                    for v in range(d // _LANES):
                        sl = pl.ds(v * _LANES, _LANES)
                        br[r, sl] = br[r, sl] + bs[r, sl]
                    return cc

                lax.fori_loop(0, c, row, 0, unroll=2)
                pltpu.async_copy(br, g_hbm.at[pl.ds(base_w + j * c, c)], semo[b])
            for b in range(_NBUF):
                j = jj + b
                pltpu.make_async_copy(
                    bufr[b], g_hbm.at[pl.ds(base_w + j * c, c)], semo[b]
                ).wait()
                nj = jj + _NBUF + b

                @pl.when(nj < nch)
                def _():
                    pltpu.async_copy(rcv_hbm.at[wid, nj], idxr[b], semir[b])
                    pltpu.async_copy(snd_hbm.at[wid, nj], idxs[b], semis[b])

            return carry

        lax.fori_loop(0, nch // _NBUF, body, 0)

    return k(PR, PS, snd3, rcv3)


def _edge_mlp(edges2d, G, eW1a, eb1, eW2, eb2):
    e, d = edges2d.shape
    eb = 4000
    assert e % eb == 0

    def body(x_ref, g_ref, w1_ref, b1_ref, w2_ref, b2_ref, o_ref):
        h = jnp.dot(x_ref[...], w1_ref[...], preferred_element_type=jnp.float32)
        h = jnp.maximum(h + g_ref[...] + b1_ref[...], 0.0)
        o_ref[...] = (
            jnp.dot(h, w2_ref[...], preferred_element_type=jnp.float32) + b2_ref[...]
        )

    return pl.pallas_call(
        body,
        grid=(e // eb,),
        in_specs=[
            pl.BlockSpec((eb, d), lambda i: (i, 0)),
            pl.BlockSpec((eb, d), lambda i: (i, 0)),
            pl.BlockSpec((d, d), lambda i: (0, 0)),
            pl.BlockSpec((1, d), lambda i: (0, 0)),
            pl.BlockSpec((d, d), lambda i: (0, 0)),
            pl.BlockSpec((1, d), lambda i: (0, 0)),
        ],
        out_specs=pl.BlockSpec((eb, d), lambda i: (i, 0)),
        out_shape=jax.ShapeDtypeStruct((e, d), jnp.float32),
    )(edges2d, G, eW1a, eb1, eW2, eb2)


def _scatter_inbox(edges_new, rcv3, zeros_nd):
    e, d = edges_new.shape
    n = zeros_nd.shape[0]
    nw, nch, c = rcv3.shape
    epw = nch * c
    assert nch % _NBUF == 0
    stripe = (n // (8 * _NS)) * 8
    rem = n - stripe * _NS

    mesh = plsc.VectorSubcoreMesh(core_axis_name="c", subcore_axis_name="s")

    @functools.partial(
        pl.kernel,
        out_type=jax.ShapeDtypeStruct((_NC, n, d), jnp.float32),
        mesh=mesh,
        scratch_types=(
            [pltpu.VMEM((c,), jnp.int32)] * _NBUF
            + [pltpu.VMEM((c, d), jnp.float32)] * _NBUF
            + [pltpu.VMEM_SHARED((n, d), jnp.float32)]
            + [pltpu.SemaphoreType.DMA] * (3 * _NBUF)
        ),
    )
    def k(en_hbm, rcv_hbm, z_hbm, out_hbm, *scr):
        idxb = scr[0:_NBUF]
        rows = scr[_NBUF : 2 * _NBUF]
        acc = scr[2 * _NBUF]
        semi = scr[2 * _NBUF + 1 : 3 * _NBUF + 1]
        seme = scr[3 * _NBUF + 1 : 4 * _NBUF + 1]
        sema = scr[4 * _NBUF + 1 : 5 * _NBUF + 1]

        cid = lax.axis_index("c")
        sid = lax.axis_index("s")
        wid = cid * _NS + sid
        base_w = wid * epw

        row0 = sid * stripe
        pltpu.sync_copy(z_hbm.at[pl.ds(row0, stripe)], acc.at[pl.ds(row0, stripe)])
        if rem:
            @pl.when(sid == _NS - 1)
            def _():
                r0 = stripe * _NS
                pltpu.sync_copy(z_hbm.at[pl.ds(r0, rem)], acc.at[pl.ds(r0, rem)])
        plsc.subcore_barrier()

        for b in range(_NBUF):
            pltpu.async_copy(rcv_hbm.at[wid, b], idxb[b], semi[b])
            pltpu.async_copy(en_hbm.at[pl.ds(base_w + b * c, c)], rows[b], seme[b])

        def body(j5, carry):
            jj = j5 * _NBUF
            scats = []
            for b in range(_NBUF):
                j = jj + b
                pltpu.make_async_copy(rcv_hbm.at[wid, j], idxb[b], semi[b]).wait()
                pltpu.make_async_copy(
                    en_hbm.at[pl.ds(base_w + j * c, c)], rows[b], seme[b]
                ).wait()
                scats.append(
                    pltpu.async_copy(rows[b], acc.at[idxb[b]], sema[b], add=True)
                )
            for b in range(_NBUF):
                scats[b].wait()
                nj = jj + _NBUF + b

                @pl.when(nj < nch)
                def _():
                    pltpu.async_copy(rcv_hbm.at[wid, nj], idxb[b], semi[b])
                    pltpu.async_copy(
                        en_hbm.at[pl.ds(base_w + nj * c, c)], rows[b], seme[b]
                    )

            return carry

        lax.fori_loop(0, nch // _NBUF, body, 0)

        plsc.subcore_barrier()
        pltpu.sync_copy(acc.at[pl.ds(row0, stripe)], out_hbm.at[cid, pl.ds(row0, stripe)])
        if rem:
            @pl.when(sid == _NS - 1)
            def _():
                r0 = stripe * _NS
                pltpu.sync_copy(acc.at[pl.ds(r0, rem)], out_hbm.at[cid, pl.ds(r0, rem)])

    return k(edges_new, rcv3, zeros_nd)


def _node_mlp(nodes2d, p0, p1, nW1a, nW1b, nb1, nW2, nb2):
    n, d = nodes2d.shape

    def body(x_ref, p0_ref, p1_ref, wa_ref, wb_ref, b1_ref, w2_ref, b2_ref, o_ref):
        x = x_ref[...]
        inbox = p0_ref[...] + p1_ref[...]
        h = (
            jnp.dot(x, wa_ref[...], preferred_element_type=jnp.float32)
            + jnp.dot(inbox, wb_ref[...], preferred_element_type=jnp.float32)
            + b1_ref[...]
        )
        h = jnp.maximum(h, 0.0)
        o_ref[...] = (
            x + jnp.dot(h, w2_ref[...], preferred_element_type=jnp.float32) + b2_ref[...]
        )

    return pl.pallas_call(
        body,
        out_shape=jax.ShapeDtypeStruct((n, d), jnp.float32),
    )(nodes2d, p0, p1, nW1a, nW1b, nb1, nW2, nb2)


def kernel(nodes, edges, senders, receivers, eW1, eb1, eW2, eb2, nW1, nb1, nW2, nb2):
    b, n, d = nodes.shape
    e = edges.shape[1]
    nodes2d = nodes.reshape(n, d)
    edges2d = edges.reshape(e, d)
    epw = e // _NW
    nchg = epw // _CG
    nch = epw // _C
    assert epw * _NW == e and nch * _C == epw and nch % _NBUF == 0
    assert nchg * _CG == epw and nchg % _NBUF == 0
    snd3 = senders.reshape(_NW, nchg, _CG)
    rcv3 = receivers.reshape(_NW, nchg, _CG)
    rcv3s = receivers.reshape(_NW, nch, _C)

    eW1a, eW1r, eW1s = eW1[:d], eW1[d : 2 * d], eW1[2 * d :]
    nW1a, nW1b = nW1[:d], nW1[d:]
    eb1_2 = eb1.reshape(1, d)
    eb2_2 = eb2.reshape(1, d)
    nb1_2 = nb1.reshape(1, d)
    nb2_2 = nb2.reshape(1, d)

    PR, PS = _node_projections(nodes2d, eW1r, eW1s)
    G = _gather_messages(PR, PS, snd3, rcv3)
    edges_new = _edge_mlp(edges2d, G, eW1a, eb1_2, eW2, eb2_2)
    zeros_nd = jnp.zeros((n, d), jnp.float32)
    partials = _scatter_inbox(edges_new, rcv3s, zeros_nd)
    nodes_out = _node_mlp(
        nodes2d, partials[0], partials[1], nW1a, nW1b, nb1_2, nW2, nb2_2
    )
    return nodes_out.reshape(b, n, d), edges_new.reshape(b, e, d)

# --- scband reference (transcript-rebuilt; emitter-appended) ---
"""Pipeline reference for scband-mesh-net-block-32830730011095 (READ-ONLY COPY).

The authoritative reference and input builder live on the scoring server;
editing this copy changes nothing except your own understanding.
"""

import jax, jax.numpy as jnp
import numpy as np


def _mlp2(x, W1, b1, W2, b2):
    # 2-layer MLP: Linear -> ReLU -> Linear
    h = jax.nn.relu(x @ W1 + b1)
    return h @ W2 + b2


def setup_inputs(seed: int = 0) -> dict:
    key = jax.random.key(seed)
    ks = jax.random.split(key, 12)
    B, N, E, d = 1, 10000, 320000, 128
    nodes = jax.random.normal(ks[0], (B, N, d), dtype=jnp.float32)
    edges = jax.random.normal(ks[1], (B, E, d), dtype=jnp.float32)
    senders = jax.random.randint(ks[2], (E,), 0, N, dtype=jnp.int32)
    receivers = jax.random.randint(ks[3], (E,), 0, N, dtype=jnp.int32)
    # edge MLP: in=3*d, hidden=d, out=d (l=2 layers)
    eW1 = jax.random.normal(ks[4], (3 * d, d), dtype=jnp.float32) * (1.0 / np.sqrt(3 * d))
    eb1 = jnp.zeros((d,), dtype=jnp.float32)
    eW2 = jax.random.normal(ks[5], (d, d), dtype=jnp.float32) * (1.0 / np.sqrt(d))
    eb2 = jnp.zeros((d,), dtype=jnp.float32)
    # node MLP: in=2*d, hidden=dim=d, out=d (l=2 layers)
    nW1 = jax.random.normal(ks[6], (2 * d, d), dtype=jnp.float32) * (1.0 / np.sqrt(2 * d))
    nb1 = jnp.zeros((d,), dtype=jnp.float32)
    nW2 = jax.random.normal(ks[7], (d, d), dtype=jnp.float32) * (1.0 / np.sqrt(d))
    nb2 = jnp.zeros((d,), dtype=jnp.float32)
    return {"nodes": nodes, "edges": edges, "senders": senders, "receivers": receivers,
            "eW1": eW1, "eb1": eb1, "eW2": eW2, "eb2": eb2,
            "nW1": nW1, "nb1": nb1, "nW2": nW2, "nb2": nb2}


def reference(nodes, edges, senders, receivers, eW1, eb1, eW2, eb2, nW1, nb1, nW2, nb2):
    # edges = edge_mlp(cat(edges, nodes[:, receivers], nodes[:, senders]))
    edge_in = jnp.concatenate((edges, nodes[:, receivers], nodes[:, senders]), axis=-1)
    edges_new = _mlp2(edge_in, eW1, eb1, eW2, eb2)
    # inbox = zeros_like(nodes).index_add(1, receivers, edges_new)
    inbox = jnp.zeros(nodes.shape, dtype=nodes.dtype).at[:, receivers].add(edges_new)
    # nodes_out = nodes + node_mlp(cat(nodes, inbox))
    node_in = jnp.concatenate((nodes, inbox), axis=-1)
    nodes_out = nodes + _mlp2(node_in, nW1, nb1, nW2, nb2)
    return (nodes_out, edges_new)

if __name__ == "__main__":
    import jax
    _d = setup_inputs()
    print(jax.jit(kernel)(*tuple(_d.values())))

</pallas_src>

<mosaic_0001>
#map = affine_map<(d0, d1) -> (0, 0)>
#map1 = affine_map<(d0, d1) -> (0, 0, 0)>
module attributes {stable_mosaic.version = 14 : i64} {
  func.func @k(%arg0: i32, %arg1: i32, %arg2: memref<10000x128xf32, #tpu.memory_space<hbm>>, %arg3: memref<10000x128xf32, #tpu.memory_space<hbm>>, %arg4: memref<32x125x80xi32, #tpu.memory_space<hbm>>, %arg5: memref<32x125x80xi32, #tpu.memory_space<hbm>>, %arg6: memref<320000x128xf32, #tpu.memory_space<hbm>>, %arg7: memref<80xi32, #tpu.memory_space<vmem>>, %arg8: memref<80xi32, #tpu.memory_space<vmem>>, %arg9: memref<80xi32, #tpu.memory_space<vmem>>, %arg10: memref<80xi32, #tpu.memory_space<vmem>>, %arg11: memref<80xi32, #tpu.memory_space<vmem>>, %arg12: memref<80xi32, #tpu.memory_space<vmem>>, %arg13: memref<80xi32, #tpu.memory_space<vmem>>, %arg14: memref<80xi32, #tpu.memory_space<vmem>>, %arg15: memref<80xi32, #tpu.memory_space<vmem>>, %arg16: memref<80xi32, #tpu.memory_space<vmem>>, %arg17: memref<80x128xf32, #tpu.memory_space<vmem>>, %arg18: memref<80x128xf32, #tpu.memory_space<vmem>>, %arg19: memref<80x128xf32, #tpu.memory_space<vmem>>, %arg20: memref<80x128xf32, #tpu.memory_space<vmem>>, %arg21: memref<80x128xf32, #tpu.memory_space<vmem>>, %arg22: memref<80x128xf32, #tpu.memory_space<vmem>>, %arg23: memref<80x128xf32, #tpu.memory_space<vmem>>, %arg24: memref<80x128xf32, #tpu.memory_space<vmem>>, %arg25: memref<80x128xf32, #tpu.memory_space<vmem>>, %arg26: memref<80x128xf32, #tpu.memory_space<vmem>>, %arg27: memref<!tpu.dma_semaphore, #tpu.memory_space<semaphore_mem>>, %arg28: memref<!tpu.dma_semaphore, #tpu.memory_space<semaphore_mem>>, %arg29: memref<!tpu.dma_semaphore, #tpu.memory_space<semaphore_mem>>, %arg30: memref<!tpu.dma_semaphore, #tpu.memory_space<semaphore_mem>>, %arg31: memref<!tpu.dma_semaphore, #tpu.memory_space<semaphore_mem>>, %arg32: memref<!tpu.dma_semaphore, #tpu.memory_space<semaphore_mem>>, %arg33: memref<!tpu.dma_semaphore, #tpu.memory_space<semaphore_mem>>, %arg34: memref<!tpu.dma_semaphore, #tpu.memory_space<semaphore_mem>>, %arg35: memref<!tpu.dma_semaphore, #tpu.memory_space<semaphore_mem>>, %arg36: memref<!tpu.dma_semaphore, #tpu.memory_space<semaphore_mem>>, %arg37: memref<!tpu.dma_semaphore, #tpu.memory_space<semaphore_mem>>, %arg38: memref<!tpu.dma_semaphore, #tpu.memory_space<semaphore_mem>>, %arg39: memref<!tpu.dma_semaphore, #tpu.memory_space<semaphore_mem>>, %arg40: memref<!tpu.dma_semaphore, #tpu.memory_space<semaphore_mem>>, %arg41: memref<!tpu.dma_semaphore, #tpu.memory_space<semaphore_mem>>, %arg42: memref<!tpu.dma_semaphore, #tpu.memory_space<semaphore_mem>>, %arg43: memref<!tpu.dma_semaphore, #tpu.memory_space<semaphore_mem>>, %arg44: memref<!tpu.dma_semaphore, #tpu.memory_space<semaphore_mem>>, %arg45: memref<!tpu.dma_semaphore, #tpu.memory_space<semaphore_mem>>, %arg46: memref<!tpu.dma_semaphore, #tpu.memory_space<semaphore_mem>>, %arg47: memref<!tpu.dma_semaphore, #tpu.memory_space<semaphore_mem>>, %arg48: memref<!tpu.dma_semaphore, #tpu.memory_space<semaphore_mem>>, %arg49: memref<!tpu.dma_semaphore, #tpu.memory_space<semaphore_mem>>, %arg50: memref<!tpu.dma_semaphore, #tpu.memory_space<semaphore_mem>>, %arg51: memref<!tpu.dma_semaphore, #tpu.memory_space<semaphore_mem>>) attributes {dimension_semantics = [#tpu.dimension_semantics<core_parallel>, #tpu.dimension_semantics<subcore_parallel>], iteration_bounds = array<i64: 2, 16>, scalar_prefetch = 0 : i64, scratch_operands = 45 : i64, tpu.core_type = #tpu.core_type<sc_vector_subcore>, window_params = [{transform_indices = #map}, {transform_indices = #map}, {transform_indices = #map1}, {transform_indices = #map1}, {transform_indices = #map}]} {
    %mul3A = arith.constant 2 : i32
    %mul3A_0 = arith.muli %arg1, %mul3A : i32
    %add3A = arith.addi %mul3A_0, %arg0 : i32
    %mul3A_1 = arith.constant 10000 : i32
    %mul3A_2 = arith.muli %add3A, %mul3A_1 : i32
    %dma_start3A = arith.constant 0 : i32
    %dma_start3A_3 = arith.constant 0 : i32
    %dma_start3A_4 = tpu.memref_slice %arg5[%add3A, %dma_start3A, %dma_start3A_3] : memref<32x125x80xi32, #tpu.memory_space<hbm>> -> memref<1x1x80xi32, #tpu.memory_space<hbm>>
    %dma_start3A_5 = tpu.memref_squeeze %dma_start3A_4 : memref<1x1x80xi32, #tpu.memory_space<hbm>> -> memref<80xi32, #tpu.memory_space<hbm>>
    %dma_start3A_6 = arith.constant 0 : i32
    %dma_start3A_7 = tpu.memref_slice %arg5[%add3A, %dma_start3A, %dma_start3A_6] : memref<32x125x80xi32, #tpu.memory_space<hbm>> -> memref<1x1x80xi32, #tpu.memory_space<hbm>>
    %dma_start3A_8 = tpu.memref_squeeze %dma_start3A_7 : memref<1x1x80xi32, #tpu.memory_space<hbm>> -> memref<80xi32, #tpu.memory_space<hbm>>
    tpu.enqueue_dma source(%dma_start3A_8 : memref<80xi32, #tpu.memory_space<hbm>>) target(%arg7 : memref<80xi32, #tpu.memory_space<vmem>>) target_semaphore(%arg27 : memref<!tpu.dma_semaphore, #tpu.memory_space<semaphore_mem>>)
    %dma_start3A_9 = arith.constant 0 : i32
    %dma_start3A_10 = arith.constant 0 : i32
    %dma_start3A_11 = tpu.memref_slice %arg4[%add3A, %dma_start3A_9, %dma_start3A_10] : memref<32x125x80xi32, #tpu.memory_space<hbm>> -> memref<1x1x80xi32, #tpu.memory_space<hbm>>
    %dma_start3A_12 = tpu.memref_squeeze %dma_start3A_11 : memref<1x1x80xi32, #tpu.memory_space<hbm>> -> memref<80xi32, #tpu.memory_space<hbm>>
    %dma_start3A_13 = arith.constant 0 : i32
    %dma_start3A_14 = tpu.memref_slice %arg4[%add3A, %dma_start3A_9, %dma_start3A_13] : memref<32x125x80xi32, #tpu.memory_space<hbm>> -> memref<1x1x80xi32, #tpu.memory_space<hbm>>
    %dma_start3A_15 = tpu.memref_squeeze %dma_start3A_14 : memref<1x1x80xi32, #tpu.memory_space<hbm>> -> memref<80xi32, #tpu.memory_space<hbm>>
    tpu.enqueue_dma source(%dma_start3A_15 : memref<80xi32, #tpu.memory_space<hbm>>) target(%arg12 : memref<80xi32, #tpu.memory_space<vmem>>) target_semaphore(%arg32 : memref<!tpu.dma_semaphore, #tpu.memory_space<semaphore_mem>>)
    %dma_start3A_16 = arith.constant 1 : i32
    %dma_start3A_17 = arith.constant 0 : i32
    %dma_start3A_18 = tpu.memref_slice %arg5[%add3A, %dma_start3A_16, %dma_start3A_17] : memref<32x125x80xi32, #tpu.memory_space<hbm>> -> memref<1x1x80xi32, #tpu.memory_space<hbm>>
    %dma_start3A_19 = tpu.memref_squeeze %dma_start3A_18 : memref<1x1x80xi32, #tpu.memory_space<hbm>> -> memref<80xi32, #tpu.memory_space<hbm>>
    %dma_start3A_20 = arith.constant 0 : i32
    %dma_start3A_21 = tpu.memref_slice %arg5[%add3A, %dma_start3A_16, %dma_start3A_20] : memref<32x125x80xi32, #tpu.memory_space<hbm>> -> memref<1x1x80xi32, #tpu.memory_space<hbm>>
    %dma_start3A_22 = tpu.memref_squeeze %dma_start3A_21 : memref<1x1x80xi32, #tpu.memory_space<hbm>> -> memref<80xi32, #tpu.memory_space<hbm>>
    tpu.enqueue_dma source(%dma_start3A_22 : memref<80xi32, #tpu.memory_space<hbm>>) target(%arg8 : memref<80xi32, #tpu.memory_space<vmem>>) target_semaphore(%arg28 : memref<!tpu.dma_semaphore, #tpu.memory_space<semaphore_mem>>)
    %dma_start3A_23 = arith.constant 1 : i32
    %dma_start3A_24 = arith.constant 0 : i32
    %dma_start3A_25 = tpu.memref_slice %arg4[%add3A, %dma_start3A_23, %dma_start3A_24] : memref<32x125x80xi32, #tpu.memory_space<hbm>> -> memref<1x1x80xi32, #tpu.memory_space<hbm>>
    %dma_start3A_26 = tpu.memref_squeeze %dma_start3A_25 : memref<1x1x80xi32, #tpu.memory_space<hbm>> -> memref<80xi32, #tpu.memory_space<hbm>>
    %dma_start3A_27 = arith.constant 0 : i32
    %dma_start3A_28 = tpu.memref_slice %arg4[%add3A, %dma_start3A_23, %dma_start3A_27] : memref<32x125x80xi32, #tpu.memory_space<hbm>> -> memref<1x1x80xi32, #tpu.memory_space<hbm>>
    %dma_start3A_29 = tpu.memref_squeeze %dma_start3A_28 : memref<1x1x80xi32, #tpu.memory_space<hbm>> -> memref<80xi32, #tpu.memory_space<hbm>>
    tpu.enqueue_dma source(%dma_start3A_29 : memref<80xi32, #tpu.memory_space<hbm>>) target(%arg13 : memref<80xi32, #tpu.memory_space<vmem>>) target_semaphore(%arg33 : memref<!tpu.dma_semaphore, #tpu.memory_space<semaphore_mem>>)
    %dma_start3A_30 = arith.constant 2 : i32
    %dma_start3A_31 = arith.constant 0 : i32
    %dma_start3A_32 = tpu.memref_slice %arg5[%add3A, %dma_start3A_30, %dma_start3A_31] : memref<32x125x80xi32, #tpu.memory_space<hbm>> -> memref<1x1x80xi32, #tpu.memory_space<hbm>>
    %dma_start3A_33 = tpu.memref_squeeze %dma_start3A_32 : memref<1x1x80xi32, #tpu.memory_space<hbm>> -> memref<80xi32, #tpu.memory_space<hbm>>
    %dma_start3A_34 = arith.constant 0 : i32
    %dma_start3A_35 = tpu.memref_slice %arg5[%add3A, %dma_start3A_30, %dma_start3A_34] : memref<32x125x80xi32, #tpu.memory_space<hbm>> -> memref<1x1x80xi32, #tpu.memory_space<hbm>>
    %dma_start3A_36 = tpu.memref_squeeze %dma_start3A_35 : memref<1x1x80xi32, #tpu.memory_space<hbm>> -> memref<80xi32, #tpu.memory_space<hbm>>
    tpu.enqueue_dma source(%dma_start3A_36 : memref<80xi32, #tpu.memory_space<hbm>>) target(%arg9 : memref<80xi32, #tpu.memory_space<vmem>>) target_semaphore(%arg29 : memref<!tpu.dma_semaphore, #tpu.memory_space<semaphore_mem>>)
    %dma_start3A_37 = arith.constant 2 : i32
    %dma_start3A_38 = arith.constant 0 : i32
    %dma_start3A_39 = tpu.memref_slice %arg4[%add3A, %dma_start3A_37, %dma_start3A_38] : memref<32x125x80xi32, #tpu.memory_space<hbm>> -> memref<1x1x80xi32, #tpu.memory_space<hbm>>
    %dma_start3A_40 = tpu.memref_squeeze %dma_start3A_39 : memref<1x1x80xi32, #tpu.memory_space<hbm>> -> memref<80xi32, #tpu.memory_space<hbm>>
    %dma_start3A_41 = arith.constant 0 : i32
    %dma_start3A_42 = tpu.memref_slice %arg4[%add3A, %dma_start3A_37, %dma_start3A_41] : memref<32x125x80xi32, #tpu.memory_space<hbm>> -> memref<1x1x80xi32, #tpu.memory_space<hbm>>
    %dma_start3A_43 = tpu.memref_squeeze %dma_start3A_42 : memref<1x1x80xi32, #tpu.memory_space<hbm>> -> memref<80xi32, #tpu.memory_space<hbm>>
    tpu.enqueue_dma source(%dma_start3A_43 : memref<80xi32, #tpu.memory_space<hbm>>) target(%arg14 : memref<80xi32, #tpu.memory_space<vmem>>) target_semaphore(%arg34 : memref<!tpu.dma_semaphore, #tpu.memory_space<semaphore_mem>>)
    %dma_start3A_44 = arith.constant 3 : i32
    %dma_start3A_45 = arith.constant 0 : i32
    %dma_start3A_46 = tpu.memref_slice %arg5[%add3A, %dma_start3A_44, %dma_start3A_45] : memref<32x125x80xi32, #tpu.memory_space<hbm>> -> memref<1x1x80xi32, #tpu.memory_space<hbm>>
    %dma_start3A_47 = tpu.memref_squeeze %dma_start3A_46 : memref<1x1x80xi32, #tpu.memory_space<hbm>> -> memref<80xi32, #tpu.memory_space<hbm>>
    %dma_start3A_48 = arith.constant 0 : i32
    %dma_start3A_49 = tpu.memref_slice %arg5[%add3A, %dma_start3A_44, %dma_start3A_48] : memref<32x125x80xi32, #tpu.memory_space<hbm>> -> memref<1x1x80xi32, #tpu.memory_space<hbm>>
    %dma_start3A_50 = tpu.memref_squeeze %dma_start3A_49 : memref<1x1x80xi32, #tpu.memory_space<hbm>> -> memref<80xi32, #tpu.memory_space<hbm>>
    tpu.enqueue_dma source(%dma_start3A_50 : memref<80xi32, #tpu.memory_space<hbm>>) target(%arg10 : memref<80xi32, #tpu.memory_space<vmem>>) target_semaphore(%arg30 : memref<!tpu.dma_semaphore, #tpu.memory_space<semaphore_mem>>)
    %dma_start3A_51 = arith.constant 3 : i32
    %dma_start3A_52 = arith.constant 0 : i32
    %dma_start3A_53 = tpu.memref_slice %arg4[%add3A, %dma_start3A_51, %dma_start3A_52] : memref<32x125x80xi32, #tpu.memory_space<hbm>> -> memref<1x1x80xi32, #tpu.memory_space<hbm>>
    %dma_start3A_54 = tpu.memref_squeeze %dma_start3A_53 : memref<1x1x80xi32, #tpu.memory_space<hbm>> -> memref<80xi32, #tpu.memory_space<hbm>>
    %dma_start3A_55 = arith.constant 0 : i32
    %dma_start3A_56 = tpu.memref_slice %arg4[%add3A, %dma_start3A_51, %dma_start3A_55] : memref<32x125x80xi32, #tpu.memory_space<hbm>> -> memref<1x1x80xi32, #tpu.memory_space<hbm>>
    %dma_start3A_57 = tpu.memref_squeeze %dma_start3A_56 : memref<1x1x80xi32, #tpu.memory_space<hbm>> -> memref<80xi32, #tpu.memory_space<hbm>>
    tpu.enqueue_dma source(%dma_start3A_57 : memref<80xi32, #tpu.memory_space<hbm>>) target(%arg15 : memref<80xi32, #tpu.memory_space<vmem>>) target_semaphore(%arg35 : memref<!tpu.dma_semaphore, #tpu.memory_space<semaphore_mem>>)
    %dma_start3A_58 = arith.constant 4 : i32
    %dma_start3A_59 = arith.constant 0 : i32
    %dma_start3A_60 = tpu.memref_slice %arg5[%add3A, %dma_start3A_58, %dma_start3A_59] : memref<32x125x80xi32, #tpu.memory_space<hbm>> -> memref<1x1x80xi32, #tpu.memory_space<hbm>>
    %dma_start3A_61 = tpu.memref_squeeze %dma_start3A_60 : memref<1x1x80xi32, #tpu.memory_space<hbm>> -> memref<80xi32, #tpu.memory_space<hbm>>
    %dma_start3A_62 = arith.constant 0 : i32
    %dma_start3A_63 = tpu.memref_slice %arg5[%add3A, %dma_start3A_58, %dma_start3A_62] : memref<32x125x80xi32, #tpu.memory_space<hbm>> -> memref<1x1x80xi32, #tpu.memory_space<hbm>>
    %dma_start3A_64 = tpu.memref_squeeze %dma_start3A_63 : memref<1x1x80xi32, #tpu.memory_space<hbm>> -> memref<80xi32, #tpu.memory_space<hbm>>
    tpu.enqueue_dma source(%dma_start3A_64 : memref<80xi32, #tpu.memory_space<hbm>>) target(%arg11 : memref<80xi32, #tpu.memory_space<vmem>>) target_semaphore(%arg31 : memref<!tpu.dma_semaphore, #tpu.memory_space<semaphore_mem>>)
    %dma_start3A_65 = arith.constant 4 : i32
    %dma_start3A_66 = arith.constant 0 : i32
    %dma_start3A_67 = tpu.memref_slice %arg4[%add3A, %dma_start3A_65, %dma_start3A_66] : memref<32x125x80xi32, #tpu.memory_space<hbm>> -> memref<1x1x80xi32, #tpu.memory_space<hbm>>
    %dma_start3A_68 = tpu.memref_squeeze %dma_start3A_67 : memref<1x1x80xi32, #tpu.memory_space<hbm>> -> memref<80xi32, #tpu.memory_space<hbm>>
    %dma_start3A_69 = arith.constant 0 : i32
    %dma_start3A_70 = tpu.memref_slice %arg4[%add3A, %dma_start3A_65, %dma_start3A_69] : memref<32x125x80xi32, #tpu.memory_space<hbm>> -> memref<1x1x80xi32, #tpu.memory_space<hbm>>
    %dma_start3A_71 = tpu.memref_squeeze %dma_start3A_70 : memref<1x1x80xi32, #tpu.memory_space<hbm>> -> memref<80xi32, #tpu.memory_space<hbm>>
    tpu.enqueue_dma source(%dma_start3A_71 : memref<80xi32, #tpu.memory_space<hbm>>) target(%arg16 : memref<80xi32, #tpu.memory_space<vmem>>) target_semaphore(%arg36 : memref<!tpu.dma_semaphore, #tpu.memory_space<semaphore_mem>>)
    %scan3A = arith.constant 0 : i32
    %scan3A_72 = arith.constant 0 : i32
    %scan3A_73 = arith.constant 25 : i32
    %scan3A_74 = arith.addi %scan3A_72, %scan3A_73 : i32
    %scan3A_75 = arith.constant 1 : i32
    scf.for %scan3A_77 = %scan3A_72 to %scan3A_74 step %scan3A_75  : i32 {
      %mul3A_78 = arith.constant 5 : i32
      %mul3A_79 = arith.muli %scan3A_77, %mul3A_78 : i32
      %add3A_80 = arith.constant 0 : i32
      %add3A_81 = arith.addi %mul3A_79, %add3A_80 : i32
      %dma_wait3A = arith.constant 0 : i32
      %dma_wait3A_82 = tpu.memref_slice %arg5[%add3A, %add3A_81, %dma_wait3A] : memref<32x125x80xi32, #tpu.memory_space<hbm>> -> memref<1x1x80xi32, #tpu.memory_space<hbm>>
      %dma_wait3A_83 = tpu.memref_squeeze %dma_wait3A_82 : memref<1x1x80xi32, #tpu.memory_space<hbm>> -> memref<80xi32, #tpu.memory_space<hbm>>
      %dma_wait3A_84 = arith.constant 0 : i32
      %dma_wait3A_85 = tpu.memref_slice %arg5[%add3A, %add3A_81, %dma_wait3A_84] : memref<32x125x80xi32, #tpu.memory_space<hbm>> -> memref<1x1x80xi32, #tpu.memory_space<hbm>>
      %dma_wait3A_86 = tpu.memref_squeeze %dma_wait3A_85 : memref<1x1x80xi32, #tpu.memory_space<hbm>> -> memref<80xi32, #tpu.memory_space<hbm>>
      tpu.wait_dma2 semaphore(%arg27 : memref<!tpu.dma_semaphore, #tpu.memory_space<semaphore_mem>>) src(%dma_wait3A_86 : memref<80xi32, #tpu.memory_space<hbm>>) dst(%arg7 : memref<80xi32, #tpu.memory_space<vmem>>)
      %dma_wait3A_87 = arith.constant 0 : i32
      %dma_wait3A_88 = tpu.memref_slice %arg4[%add3A, %add3A_81, %dma_wait3A_87] : memref<32x125x80xi32, #tpu.memory_space<hbm>> -> memref<1x1x80xi32, #tpu.memory_space<hbm>>
      %dma_wait3A_89 = tpu.memref_squeeze %dma_wait3A_88 : memref<1x1x80xi32, #tpu.memory_space<hbm>> -> memref<80xi32, #tpu.memory_space<hbm>>
      %dma_wait3A_90 = arith.constant 0 : i32
      %dma_wait3A_91 = tpu.memref_slice %arg4[%add3A, %add3A_81, %dma_wait3A_90] : memref<32x125x80xi32, #tpu.memory_space<hbm>> -> memref<1x1x80xi32, #tpu.memory_space<hbm>>
      %dma_wait3A_92 = tpu.memref_squeeze %dma_wait3A_91 : memref<1x1x80xi32, #tpu.memory_space<hbm>> -> memref<80xi32, #tpu.memory_space<hbm>>
      tpu.wait_dma2 semaphore(%arg32 : memref<!tpu.dma_semaphore, #tpu.memory_space<semaphore_mem>>) src(%dma_wait3A_92 : memref<80xi32, #tpu.memory_space<hbm>>) dst(%arg12 : memref<80xi32, #tpu.memory_space<vmem>>)
      %dma_start3A_93 = arith.constant 0 : i32
      %dma_start3A_94 = arith.constant 0 : i32
      %dma_start3A_95 = tpu.memref_slice %arg2[%dma_start3A_93, %dma_start3A_94] : memref<10000x128xf32, #tpu.memory_space<hbm>> -> memref<10000x128xf32, #tpu.memory_space<hbm>>
      tpu.enqueue_indirect_dma source(%dma_start3A_95 : memref<10000x128xf32, #tpu.memory_space<hbm>>) target(%arg17 : memref<80x128xf32, #tpu.memory_space<vmem>>) offsets(%arg7 : memref<80xi32, #tpu.memory_space<vmem>>) semaphore(%arg37 : memref<!tpu.dma_semaphore, #tpu.memory_space<semaphore_mem>>)
      %dma_start3A_96 = arith.constant 0 : i32
      %dma_start3A_97 = arith.constant 0 : i32
      %dma_start3A_98 = tpu.memref_slice %arg3[%dma_start3A_96, %dma_start3A_97] : memref<10000x128xf32, #tpu.memory_space<hbm>> -> memref<10000x128xf32, #tpu.memory_space<hbm>>
      tpu.enqueue_indirect_dma source(%dma_start3A_98 : memref<10000x128xf32, #tpu.memory_space<hbm>>) target(%arg22 : memref<80x128xf32, #tpu.memory_space<vmem>>) offsets(%arg12 : memref<80xi32, #tpu.memory_space<vmem>>) semaphore(%arg42 : memref<!tpu.dma_semaphore, #tpu.memory_space<semaphore_mem>>)
      %add3A_99 = arith.constant 1 : i32
      %add3A_100 = arith.addi %mul3A_79, %add3A_99 : i32
      %dma_wait3A_101 = arith.constant 0 : i32
      %dma_wait3A_102 = tpu.memref_slice %arg5[%add3A, %add3A_100, %dma_wait3A_101] : memref<32x125x80xi32, #tpu.memory_space<hbm>> -> memref<1x1x80xi32, #tpu.memory_space<hbm>>
      %dma_wait3A_103 = tpu.memref_squeeze %dma_wait3A_102 : memref<1x1x80xi32, #tpu.memory_space<hbm>> -> memref<80xi32, #tpu.memory_space<hbm>>
      %dma_wait3A_104 = arith.constant 0 : i32
      %dma_wait3A_105 = tpu.memref_slice %arg5[%add3A, %add3A_100, %dma_wait3A_104] : memref<32x125x80xi32, #tpu.memory_space<hbm>> -> memref<1x1x80xi32, #tpu.memory_space<hbm>>
      %dma_wait3A_106 = tpu.memref_squeeze %dma_wait3A_105 : memref<1x1x80xi32, #tpu.memory_space<hbm>> -> memref<80xi32, #tpu.memory_space<hbm>>
      tpu.wait_dma2 semaphore(%arg28 : memref<!tpu.dma_semaphore, #tpu.memory_space<semaphore_mem>>) src(%dma_wait3A_106 : memref<80xi32, #tpu.memory_space<hbm>>) dst(%arg8 : memref<80xi32, #tpu.memory_space<vmem>>)
      %dma_wait3A_107 = arith.constant 0 : i32
      %dma_wait3A_108 = tpu.memref_slice %arg4[%add3A, %add3A_100, %dma_wait3A_107] : memref<32x125x80xi32, #tpu.memory_space<hbm>> -> memref<1x1x80xi32, #tpu.memory_space<hbm>>
      %dma_wait3A_109 = tpu.memref_squeeze %dma_wait3A_108 : memref<1x1x80xi32, #tpu.memory_space<hbm>> -> memref<80xi32, #tpu.memory_space<hbm>>
      %dma_wait3A_110 = arith.constant 0 : i32
      %dma_wait3A_111 = tpu.memref_slice %arg4[%add3A, %add3A_100, %dma_wait3A_110] : memref<32x125x80xi32, #tpu.memory_space<hbm>> -> memref<1x1x80xi32, #tpu.memory_space<hbm>>
      %dma_wait3A_112 = tpu.memref_squeeze %dma_wait3A_111 : memref<1x1x80xi32, #tpu.memory_space<hbm>> -> memref<80xi32, #tpu.memory_space<hbm>>
      tpu.wait_dma2 semaphore(%arg33 : memref<!tpu.dma_semaphore, #tpu.memory_space<semaphore_mem>>) src(%dma_wait3A_112 : memref<80xi32, #tpu.memory_space<hbm>>) dst(%arg13 : memref<80xi32, #tpu.memory_space<vmem>>)
      %dma_start3A_113 = arith.constant 0 : i32
      %dma_start3A_114 = arith.constant 0 : i32
      %dma_start3A_115 = tpu.memref_slice %arg2[%dma_start3A_113, %dma_start3A_114] : memref<10000x128xf32, #tpu.memory_space<hbm>> -> memref<10000x128xf32, #tpu.memory_space<hbm>>
      tpu.enqueue_indirect_dma source(%dma_start3A_115 : memref<10000x128xf32, #tpu.memory_space<hbm>>) target(%arg18 : memref<80x128xf32, #tpu.memory_space<vmem>>) offsets(%arg8 : memref<80xi32, #tpu.memory_space<vmem>>) semaphore(%arg38 : memref<!tpu.dma_semaphore, #tpu.memory_space<semaphore_mem>>)
      %dma_start3A_116 = arith.constant 0 : i32
      %dma_start3A_117 = arith.constant 0 : i32
      %dma_start3A_118 = tpu.memref_slice %arg3[%dma_start3A_116, %dma_start3A_117] : memref<10000x128xf32, #tpu.memory_space<hbm>> -> memref<10000x128xf32, #tpu.memory_space<hbm>>
      tpu.enqueue_indirect_dma source(%dma_start3A_118 : memref<10000x128xf32, #tpu.memory_space<hbm>>) target(%arg23 : memref<80x128xf32, #tpu.memory_space<vmem>>) offsets(%arg13 : memref<80xi32, #tpu.memory_space<vmem>>) semaphore(%arg43 : memref<!tpu.dma_semaphore, #tpu.memory_space<semaphore_mem>>)
      %add3A_119 = arith.constant 2 : i32
      %add3A_120 = arith.addi %mul3A_79, %add3A_119 : i32
      %dma_wait3A_121 = arith.constant 0 : i32
      %dma_wait3A_122 = tpu.memref_slice %arg5[%add3A, %add3A_120, %dma_wait3A_121] : memref<32x125x80xi32, #tpu.memory_space<hbm>> -> memref<1x1x80xi32, #tpu.memory_space<hbm>>
      %dma_wait3A_123 = tpu.memref_squeeze %dma_wait3A_122 : memref<1x1x80xi32, #tpu.memory_space<hbm>> -> memref<80xi32, #tpu.memory_space<hbm>>
      %dma_wait3A_124 = arith.constant 0 : i32
      %dma_wait3A_125 = tpu.memref_slice %arg5[%add3A, %add3A_120, %dma_wait3A_124] : memref<32x125x80xi32, #tpu.memory_space<hbm>> -> memref<1x1x80xi32, #tpu.memory_space<hbm>>
      %dma_wait3A_126 = tpu.memref_squeeze %dma_wait3A_125 : memref<1x1x80xi32, #tpu.memory_space<hbm>> -> memref<80xi32, #tpu.memory_space<hbm>>
      tpu.wait_dma2 semaphore(%arg29 : memref<!tpu.dma_semaphore, #tpu.memory_space<semaphore_mem>>) src(%dma_wait3A_126 : memref<80xi32, #tpu.memory_space<hbm>>) dst(%arg9 : memref<80xi32, #tpu.memory_space<vmem>>)
      %dma_wait3A_127 = arith.constant 0 : i32
      %dma_wait3A_128 = tpu.memref_slice %arg4[%add3A, %add3A_120, %dma_wait3A_127] : memref<32x125x80xi32, #tpu.memory_space<hbm>> -> memref<1x1x80xi32, #tpu.memory_space<hbm>>
      %dma_wait3A_129 = tpu.memref_squeeze %dma_wait3A_128 : memref<1x1x80xi32, #tpu.memory_space<hbm>> -> memref<80xi32, #tpu.memory_space<hbm>>
      %dma_wait3A_130 = arith.constant 0 : i32
      %dma_wait3A_131 = tpu.memref_slice %arg4[%add3A, %add3A_120, %dma_wait3A_130] : memref<32x125x80xi32, #tpu.memory_space<hbm>> -> memref<1x1x80xi32, #tpu.memory_space<hbm>>
      %dma_wait3A_132 = tpu.memref_squeeze %dma_wait3A_131 : memref<1x1x80xi32, #tpu.memory_space<hbm>> -> memref<80xi32, #tpu.memory_space<hbm>>
      tpu.wait_dma2 semaphore(%arg34 : memref<!tpu.dma_semaphore, #tpu.memory_space<semaphore_mem>>) src(%dma_wait3A_132 : memref<80xi32, #tpu.memory_space<hbm>>) dst(%arg14 : memref<80xi32, #tpu.memory_space<vmem>>)
      %dma_start3A_133 = arith.constant 0 : i32
      %dma_start3A_134 = arith.constant 0 : i32
      %dma_start3A_135 = tpu.memref_slice %arg2[%dma_start3A_133, %dma_start3A_134] : memref<10000x128xf32, #tpu.memory_space<hbm>> -> memref<10000x128xf32, #tpu.memory_space<hbm>>
      tpu.enqueue_indirect_dma source(%dma_start3A_135 : memref<10000x128xf32, #tpu.memory_space<hbm>>) target(%arg19 : memref<80x128xf32, #tpu.memory_space<vmem>>) offsets(%arg9 : memref<80xi32, #tpu.memory_space<vmem>>) semaphore(%arg39 : memref<!tpu.dma_semaphore, #tpu.memory_space<semaphore_mem>>)
      %dma_start3A_136 = arith.constant 0 : i32
      %dma_start3A_137 = arith.constant 0 : i32
      %dma_start3A_138 = tpu.memref_slice %arg3[%dma_start3A_136, %dma_start3A_137] : memref<10000x128xf32, #tpu.memory_space<hbm>> -> memref<10000x128xf32, #tpu.memory_space<hbm>>
      tpu.enqueue_indirect_dma source(%dma_start3A_138 : memref<10000x128xf32, #tpu.memory_space<hbm>>) target(%arg24 : memref<80x128xf32, #tpu.memory_space<vmem>>) offsets(%arg14 : memref<80xi32, #tpu.memory_space<vmem>>) semaphore(%arg44 : memref<!tpu.dma_semaphore, #tpu.memory_space<semaphore_mem>>)
      %add3A_139 = arith.constant 3 : i32
      %add3A_140 = arith.addi %mul3A_79, %add3A_139 : i32
      %dma_wait3A_141 = arith.constant 0 : i32
      %dma_wait3A_142 = tpu.memref_slice %arg5[%add3A, %add3A_140, %dma_wait3A_141] : memref<32x125x80xi32, #tpu.memory_space<hbm>> -> memref<1x1x80xi32, #tpu.memory_space<hbm>>
      %dma_wait3A_143 = tpu.memref_squeeze %dma_wait3A_142 : memref<1x1x80xi32, #tpu.memory_space<hbm>> -> memref<80xi32, #tpu.memory_space<hbm>>
      %dma_wait3A_144 = arith.constant 0 : i32
      %dma_wait3A_145 = tpu.memref_slice %arg5[%add3A, %add3A_140, %dma_wait3A_144] : memref<32x125x80xi32, #tpu.memory_space<hbm>> -> memref<1x1x80xi32, #tpu.memory_space<hbm>>
      %dma_wait3A_146 = tpu.memref_squeeze %dma_wait3A_145 : memref<1x1x80xi32, #tpu.memory_space<hbm>> -> memref<80xi32, #tpu.memory_space<hbm>>
      tpu.wait_dma2 semaphore(%arg30 : memref<!tpu.dma_semaphore, #tpu.memory_space<semaphore_mem>>) src(%dma_wait3A_146 : memref<80xi32, #tpu.memory_space<hbm>>) dst(%arg10 : memref<80xi32, #tpu.memory_space<vmem>>)
      %dma_wait3A_147 = arith.constant 0 : i32
      %dma_wait3A_148 = tpu.memref_slice %arg4[%add3A, %add3A_140, %dma_wait3A_147] : memref<32x125x80xi32, #tpu.memory_space<hbm>> -> memref<1x1x80xi32, #tpu.memory_space<hbm>>
      %dma_wait3A_149 = tpu.memref_squeeze %dma_wait3A_148 : memref<1x1x80xi32, #tpu.memory_space<hbm>> -> memref<80xi32, #tpu.memory_space<hbm>>
      %dma_wait3A_150 = arith.constant 0 : i32
      %dma_wait3A_151 = tpu.memref_slice %arg4[%add3A, %add3A_140, %dma_wait3A_150] : memref<32x125x80xi32, #tpu.memory_space<hbm>> -> memref<1x1x80xi32, #tpu.memory_space<hbm>>
      %dma_wait3A_152 = tpu.memref_squeeze %dma_wait3A_151 : memref<1x1x80xi32, #tpu.memory_space<hbm>> -> memref<80xi32, #tpu.memory_space<hbm>>
      tpu.wait_dma2 semaphore(%arg35 : memref<!tpu.dma_semaphore, #tpu.memory_space<semaphore_mem>>) src(%dma_wait3A_152 : memref<80xi32, #tpu.memory_space<hbm>>) dst(%arg15 : memref<80xi32, #tpu.memory_space<vmem>>)
      %dma_start3A_153 = arith.constant 0 : i32
      %dma_start3A_154 = arith.constant 0 : i32
      %dma_start3A_155 = tpu.memref_slice %arg2[%dma_start3A_153, %dma_start3A_154] : memref<10000x128xf32, #tpu.memory_space<hbm>> -> memref<10000x128xf32, #tpu.memory_space<hbm>>
      tpu.enqueue_indirect_dma source(%dma_start3A_155 : memref<10000x128xf32, #tpu.memory_space<hbm>>) target(%arg20 : memref<80x128xf32, #tpu.memory_space<vmem>>) offsets(%arg10 : memref<80xi32, #tpu.memory_space<vmem>>) semaphore(%arg40 : memref<!tpu.dma_semaphore, #tpu.memory_space<semaphore_mem>>)
      %dma_start3A_156 = arith.constant 0 : i32
      %dma_start3A_157 = arith.constant 0 : i32
      %dma_start3A_158 = tpu.memref_slice %arg3[%dma_start3A_156, %dma_start3A_157] : memref<10000x128xf32, #tpu.memory_space<hbm>> -> memref<10000x128xf32, #tpu.memory_space<hbm>>
      tpu.enqueue_indirect_dma source(%dma_start3A_158 : memref<10000x128xf32, #tpu.memory_space<hbm>>) target(%arg25 : memref<80x128xf32, #tpu.memory_space<vmem>>) offsets(%arg15 : memref<80xi32, #tpu.memory_space<vmem>>) semaphore(%arg45 : memref<!tpu.dma_semaphore, #tpu.memory_space<semaphore_mem>>)
      %add3A_159 = arith.constant 4 : i32
      %add3A_160 = arith.addi %mul3A_79, %add3A_159 : i32
      %dma_wait3A_161 = arith.constant 0 : i32
      %dma_wait3A_162 = tpu.memref_slice %arg5[%add3A, %add3A_160, %dma_wait3A_161] : memref<32x125x80xi32, #tpu.memory_space<hbm>> -> memref<1x1x80xi32, #tpu.memory_space<hbm>>
      %dma_wait3A_163 = tpu.memref_squeeze %dma_wait3A_162 : memref<1x1x80xi32, #tpu.memory_space<hbm>> -> memref<80xi32, #tpu.memory_space<hbm>>
      %dma_wait3A_164 = arith.constant 0 : i32
      %dma_wait3A_165 = tpu.memref_slice %arg5[%add3A, %add3A_160, %dma_wait3A_164] : memref<32x125x80xi32, #tpu.memory_space<hbm>> -> memref<1x1x80xi32, #tpu.memory_space<hbm>>
      %dma_wait3A_166 = tpu.memref_squeeze %dma_wait3A_165 : memref<1x1x80xi32, #tpu.memory_space<hbm>> -> memref<80xi32, #tpu.memory_space<hbm>>
      tpu.wait_dma2 semaphore(%arg31 : memref<!tpu.dma_semaphore, #tpu.memory_space<semaphore_mem>>) src(%dma_wait3A_166 : memref<80xi32, #tpu.memory_space<hbm>>) dst(%arg11 : memref<80xi32, #tpu.memory_space<vmem>>)
      %dma_wait3A_167 = arith.constant 0 : i32
      %dma_wait3A_168 = tpu.memref_slice %arg4[%add3A, %add3A_160, %dma_wait3A_167] : memref<32x125x80xi32, #tpu.memory_space<hbm>> -> memref<1x1x80xi32, #tpu.memory_space<hbm>>
      %dma_wait3A_169 = tpu.memref_squeeze %dma_wait3A_168 : memref<1x1x80xi32, #tpu.memory_space<hbm>> -> memref<80xi32, #tpu.memory_space<hbm>>
      %dma_wait3A_170 = arith.constant 0 : i32
      %dma_wait3A_171 = tpu.memref_slice %arg4[%add3A, %add3A_160, %dma_wait3A_170] : memref<32x125x80xi32, #tpu.memory_space<hbm>> -> memref<1x1x80xi32, #tpu.memory_space<hbm>>
      %dma_wait3A_172 = tpu.memref_squeeze %dma_wait3A_171 : memref<1x1x80xi32, #tpu.memory_space<hbm>> -> memref<80xi32, #tpu.memory_space<hbm>>
      tpu.wait_dma2 semaphore(%arg36 : memref<!tpu.dma_semaphore, #tpu.memory_space<semaphore_mem>>) src(%dma_wait3A_172 : memref<80xi32, #tpu.memory_space<hbm>>) dst(%arg16 : memref<80xi32, #tpu.memory_space<vmem>>)
      %dma_start3A_173 = arith.constant 0 : i32
      %dma_start3A_174 = arith.constant 0 : i32
      %dma_start3A_175 = tpu.memref_slice %arg2[%dma_start3A_173, %dma_start3A_174] : memref<10000x128xf32, #tpu.memory_space<hbm>> -> memref<10000x128xf32, #tpu.memory_space<hbm>>
      tpu.enqueue_indirect_dma source(%dma_start3A_175 : memref<10000x128xf32, #tpu.memory_space<hbm>>) target(%arg21 : memref<80x128xf32, #tpu.memory_space<vmem>>) offsets(%arg11 : memref<80xi32, #tpu.memory_space<vmem>>) semaphore(%arg41 : memref<!tpu.dma_semaphore, #tpu.memory_space<semaphore_mem>>)
      %dma_start3A_176 = arith.constant 0 : i32
      %dma_start3A_177 = arith.constant 0 : i32
      %dma_start3A_178 = tpu.memref_slice %arg3[%dma_start3A_176, %dma_start3A_177] : memref<10000x128xf32, #tpu.memory_space<hbm>> -> memref<10000x128xf32, #tpu.memory_space<hbm>>
      tpu.enqueue_indirect_dma source(%dma_start3A_178 : memref<10000x128xf32, #tpu.memory_space<hbm>>) target(%arg26 : memref<80x128xf32, #tpu.memory_space<vmem>>) offsets(%arg16 : memref<80xi32, #tpu.memory_space<vmem>>) semaphore(%arg46 : memref<!tpu.dma_semaphore, #tpu.memory_space<semaphore_mem>>)
      %add3A_179 = arith.constant 0 : i32
      %add3A_180 = arith.addi %mul3A_79, %add3A_179 : i32
      %dma_wait3A_181 = arith.constant 0 : i32
      %dma_wait3A_182 = arith.constant 0 : i32
      %dma_wait3A_183 = tpu.memref_slice %arg2[%dma_wait3A_181, %dma_wait3A_182] : memref<10000x128xf32, #tpu.memory_space<hbm>> -> memref<10000x128xf32, #tpu.memory_space<hbm>>
      tpu.wait_indirect_dma semaphore(%arg37 : memref<!tpu.dma_semaphore, #tpu.memory_space<semaphore_mem>>) src(%dma_wait3A_183 : memref<10000x128xf32, #tpu.memory_space<hbm>>) dst(%arg17 : memref<80x128xf32, #tpu.memory_space<vmem>>)
      %dma_wait3A_184 = arith.constant 0 : i32
      %dma_wait3A_185 = arith.constant 0 : i32
      %dma_wait3A_186 = tpu.memref_slice %arg3[%dma_wait3A_184, %dma_wait3A_185] : memref<10000x128xf32, #tpu.memory_space<hbm>> -> memref<10000x128xf32, #tpu.memory_space<hbm>>
      tpu.wait_indirect_dma semaphore(%arg42 : memref<!tpu.dma_semaphore, #tpu.memory_space<semaphore_mem>>) src(%dma_wait3A_186 : memref<10000x128xf32, #tpu.memory_space<hbm>>) dst(%arg22 : memref<80x128xf32, #tpu.memory_space<vmem>>)
      %scan3A_187 = arith.constant 0 : i32
      %scan3A_188 = arith.constant 0 : i32
      %scan3A_189 = arith.constant 80 : i32
      %scan3A_190 = arith.addi %scan3A_188, %scan3A_189 : i32
      %scan3A_191 = arith.constant 2 : i32
      scf.for %scan3A_371 = %scan3A_188 to %scan3A_190 step %scan3A_191  : i32 {
        %get3A = arith.index_cast %scan3A_371 : i32 to index
        %get3A_372 = arith.constant 0 : index
        %get3A_373 = tpu.vector_load %arg17[%get3A, %get3A_372] {strides = array<i32>} : memref<80x128xf32, #tpu.memory_space<vmem>>, vector<1x16xf32>,
        %get3A_374 = vector.shape_cast %get3A_373 : vector<1x16xf32> to vector<16xf32>
        %get3A_375 = arith.index_cast %scan3A_371 : i32 to index
        %get3A_376 = arith.constant 0 : index
        %get3A_377 = tpu.vector_load %arg22[%get3A_375, %get3A_376] {strides = array<i32>} : memref<80x128xf32, #tpu.memory_space<vmem>>, vector<1x16xf32>,
        %get3A_378 = vector.shape_cast %get3A_377 : vector<1x16xf32> to vector<16xf32>
        %add3A_379 = arith.addf %get3A_374, %get3A_378 : vector<16xf32>
        %swap3A = arith.index_cast %scan3A_371 : i32 to index
        %swap3A_380 = arith.constant 0 : index
        %swap3A_381 = tpu.vector_load %arg17[%swap3A, %swap3A_380] {strides = array<i32>} : memref<80x128xf32, #tpu.memory_space<vmem>>, vector<1x16xf32>,
        %swap3A_382 = vector.shape_cast %swap3A_381 : vector<1x16xf32> to vector<16xf32>
        %swap3A_383 = vector.shape_cast %add3A_379 : vector<16xf32> to vector<1x16xf32>
        tpu.vector_store %arg17[%swap3A, %swap3A_380], %swap3A_383 {strides = array<i32>} : memref<80x128xf32, #tpu.memory_space<vmem>>, vector<1x16xf32>,
        %get3A_384 = arith.index_cast %scan3A_371 : i32 to index
        %get3A_385 = arith.constant 16 : index
        %get3A_386 = tpu.vector_load %arg17[%get3A_384, %get3A_385] {strides = array<i32>} : memref<80x128xf32, #tpu.memory_space<vmem>>, vector<1x16xf32>,
        %get3A_387 = vector.shape_cast %get3A_386 : vector<1x16xf32> to vector<16xf32>
        %get3A_388 = arith.index_cast %scan3A_371 : i32 to index
        %get3A_389 = arith.constant 16 : index
        %get3A_390 = tpu.vector_load %arg22[%get3A_388, %get3A_389] {strides = array<i32>} : memref<80x128xf32, #tpu.memory_space<vmem>>, vector<1x16xf32>,
        %get3A_391 = vector.shape_cast %get3A_390 : vector<1x16xf32> to vector<16xf32>
        %add3A_392 = arith.addf %get3A_387, %get3A_391 : vector<16xf32>
        %swap3A_393 = arith.index_cast %scan3A_371 : i32 to index
        %swap3A_394 = arith.constant 16 : index
        %swap3A_395 = tpu.vector_load %arg17[%swap3A_393, %swap3A_394] {strides = array<i32>} : memref<80x128xf32, #tpu.memory_space<vmem>>, vector<1x16xf32>,
        %swap3A_396 = vector.shape_cast %swap3A_395 : vector<1x16xf32> to vector<16xf32>
        %swap3A_397 = vector.shape_cast %add3A_392 : vector<16xf32> to vector<1x16xf32>
        tpu.vector_store %arg17[%swap3A_393, %swap3A_394], %swap3A_397 {strides = array<i32>} : memref<80x128xf32, #tpu.memory_space<vmem>>, vector<1x16xf32>,
        %get3A_398 = arith.index_cast %scan3A_371 : i32 to index
        %get3A_399 = arith.constant 32 : index
        %get3A_400 = tpu.vector_load %arg17[%get3A_398, %get3A_399] {strides = array<i32>} : memref<80x128xf32, #tpu.memory_space<vmem>>, vector<1x16xf32>,
        %get3A_401 = vector.shape_cast %get3A_400 : vector<1x16xf32> to vector<16xf32>
        %get3A_402 = arith.index_cast %scan3A_371 : i32 to index
        %get3A_403 = arith.constant 32 : index
        %get3A_404 = tpu.vector_load %arg22[%get3A_402, %get3A_403] {strides = array<i32>} : memref<80x128xf32, #tpu.memory_space<vmem>>, vector<1x16xf32>,
        %get3A_405 = vector.shape_cast %get3A_404 : vector<1x16xf32> to vector<16xf32>
        %add3A_406 = arith.addf %get3A_401, %get3A_405 : vector<16xf32>
        %swap3A_407 = arith.index_cast %scan3A_371 : i32 to index
        %swap3A_408 = arith.constant 32 : index
        %swap3A_409 = tpu.vector_load %arg17[%swap3A_407, %swap3A_408] {strides = array<i32>} : memref<80x128xf32, #tpu.memory_space<vmem>>, vector<1x16xf32>,
        %swap3A_410 = vector.shape_cast %swap3A_409 : vector<1x16xf32> to vector<16xf32>
        %swap3A_411 = vector.shape_cast %add3A_406 : vector<16xf32> to vector<1x16xf32>
        tpu.vector_store %arg17[%swap3A_407, %swap3A_408], %swap3A_411 {strides = array<i32>} : memref<80x128xf32, #tpu.memory_space<vmem>>, vector<1x16xf32>,
        %get3A_412 = arith.index_cast %scan3A_371 : i32 to index
        %get3A_413 = arith.constant 48 : index
        %get3A_414 = tpu.vector_load %arg17[%get3A_412, %get3A_413] {strides = array<i32>} : memref<80x128xf32, #tpu.memory_space<vmem>>, vector<1x16xf32>,
        %get3A_415 = vector.shape_cast %get3A_414 : vector<1x16xf32> to vector<16xf32>
        %get3A_416 = arith.index_cast %scan3A_371 : i32 to index
        %get3A_417 = arith.constant 48 : index
        %get3A_418 = tpu.vector_load %arg22[%get3A_416, %get3A_417] {strides = array<i32>} : memref<80x128xf32, #tpu.memory_space<vmem>>, vector<1x16xf32>,
        %get3A_419 = vector.shape_cast %get3A_418 : vector<1x16xf32> to vector<16xf32>
        %add3A_420 = arith.addf %get3A_415, %get3A_419 : vector<16xf32>
        %swap3A_421 = arith.index_cast %scan3A_371 : i32 to index
        %swap3A_422 = arith.constant 48 : index
        %swap3A_423 = tpu.vector_load %arg17[%swap3A_421, %swap3A_422] {strides = array<i32>} : memref<80x128xf32, #tpu.memory_space<vmem>>, vector<1x16xf32>,
        %swap3A_424 = vector.shape_cast %swap3A_423 : vector<1x16xf32> to vector<16xf32>
        %swap3A_425 = vector.shape_cast %add3A_420 : vector<16xf32> to vector<1x16xf32>
        tpu.vector_store %arg17[%swap3A_421, %swap3A_422], %swap3A_425 {strides = array<i32>} : memref<80x128xf32, #tpu.memory_space<vmem>>, vector<1x16xf32>,
        %get3A_426 = arith.index_cast %scan3A_371 : i32 to index
        %get3A_427 = arith.constant 64 : index
        %get3A_428 = tpu.vector_load %arg17[%get3A_426, %get3A_427] {strides = array<i32>} : memref<80x128xf32, #tpu.memory_space<vmem>>, vector<1x16xf32>,
        %get3A_429 = vector.shape_cast %get3A_428 : vector<1x16xf32> to vector<16xf32>
        %get3A_430 = arith.index_cast %scan3A_371 : i32 to index
        %get3A_431 = arith.constant 64 : index
        %get3A_432 = tpu.vector_load %arg22[%get3A_430, %get3A_431] {strides = array<i32>} : memref<80x128xf32, #tpu.memory_space<vmem>>, vector<1x16xf32>,
        %get3A_433 = vector.shape_cast %get3A_432 : vector<1x16xf32> to vector<16xf32>
        %add3A_434 = arith.addf %get3A_429, %get3A_433 : vector<16xf32>
        %swap3A_435 = arith.index_cast %scan3A_371 : i32 to index
        %swap3A_436 = arith.constant 64 : index
        %swap3A_437 = tpu.vector_load %arg17[%swap3A_435, %swap3A_436] {strides = array<i32>} : memref<80x128xf32, #tpu.memory_space<vmem>>, vector<1x16xf32>,
        %swap3A_438 = vector.shape_cast %swap3A_437 : vector<1x16xf32> to vector<16xf32>
        %swap3A_439 = vector.shape_cast %add3A_434 : vector<16xf32> to vector<1x16xf32>
        tpu.vector_store %arg17[%swap3A_435, %swap3A_436], %swap3A_439 {strides = array<i32>} : memref<80x128xf32, #tpu.memory_space<vmem>>, vector<1x16xf32>,
        %get3A_440 = arith.index_cast %scan3A_371 : i32 to index
        %get3A_441 = arith.constant 80 : index
        %get3A_442 = tpu.vector_load %arg17[%get3A_440, %get3A_441] {strides = array<i32>} : memref<80x128xf32, #tpu.memory_space<vmem>>, vector<1x16xf32>,
        %get3A_443 = vector.shape_cast %get3A_442 : vector<1x16xf32> to vector<16xf32>
        %get3A_444 = arith.index_cast %scan3A_371 : i32 to index
        %get3A_445 = arith.constant 80 : index
        %get3A_446 = tpu.vector_load %arg22[%get3A_444, %get3A_445] {strides = array<i32>} : memref<80x128xf32, #tpu.memory_space<vmem>>, vector<1x16xf32>,
        %get3A_447 = vector.shape_cast %get3A_446 : vector<1x16xf32> to vector<16xf32>
        %add3A_448 = arith.addf %get3A_443, %get3A_447 : vector<16xf32>
        %swap3A_449 = arith.index_cast %scan3A_371 : i32 to index
        %swap3A_450 = arith.constant 80 : index
        %swap3A_451 = tpu.vector_load %arg17[%swap3A_449, %swap3A_450] {strides = array<i32>} : memref<80x128xf32, #tpu.memory_space<vmem>>, vector<1x16xf32>,
        %swap3A_452 = vector.shape_cast %swap3A_451 : vector<1x16xf32> to vector<16xf32>
        %swap3A_453 = vector.shape_cast %add3A_448 : vector<16xf32> to vector<1x16xf32>
        tpu.vector_store %arg17[%swap3A_449, %swap3A_450], %swap3A_453 {strides = array<i32>} : memref<80x128xf32, #tpu.memory_space<vmem>>, vector<1x16xf32>,
        %get3A_454 = arith.index_cast %scan3A_371 : i32 to index
        %get3A_455 = arith.constant 96 : index
        %get3A_456 = tpu.vector_load %arg17[%get3A_454, %get3A_455] {strides = array<i32>} : memref<80x128xf32, #tpu.memory_space<vmem>>, vector<1x16xf32>,
        %get3A_457 = vector.shape_cast %get3A_456 : vector<1x16xf32> to vector<16xf32>
        %get3A_458 = arith.index_cast %scan3A_371 : i32 to index
        %get3A_459 = arith.constant 96 : index
        %get3A_460 = tpu.vector_load %arg22[%get3A_458, %get3A_459] {strides = array<i32>} : memref<80x128xf32, #tpu.memory_space<vmem>>, vector<1x16xf32>,
        %get3A_461 = vector.shape_cast %get3A_460 : vector<1x16xf32> to vector<16xf32>
        %add3A_462 = arith.addf %get3A_457, %get3A_461 : vector<16xf32>
        %swap3A_463 = arith.index_cast %scan3A_371 : i32 to index
        %swap3A_464 = arith.constant 96 : index
        %swap3A_465 = tpu.vector_load %arg17[%swap3A_463, %swap3A_464] {strides = array<i32>} : memref<80x128xf32, #tpu.memory_space<vmem>>, vector<1x16xf32>,
        %swap3A_466 = vector.shape_cast %swap3A_465 : vector<1x16xf32> to vector<16xf32>
        %swap3A_467 = vector.shape_cast %add3A_462 : vector<16xf32> to vector<1x16xf32>
        tpu.vector_store %arg17[%swap3A_463, %swap3A_464], %swap3A_467 {strides = array<i32>} : memref<80x128xf32, #tpu.memory_space<vmem>>, vector<1x16xf32>,
        %get3A_468 = arith.index_cast %scan3A_371 : i32 to index
        %get3A_469 = arith.constant 112 : index
        %get3A_470 = tpu.vector_load %arg17[%get3A_468, %get3A_469] {strides = array<i32>} : memref<80x128xf32, #tpu.memory_space<vmem>>, vector<1x16xf32>,
        %get3A_471 = vector.shape_cast %get3A_470 : vector<1x16xf32> to vector<16xf32>
        %get3A_472 = arith.index_cast %scan3A_371 : i32 to index
        %get3A_473 = arith.constant 112 : index
        %get3A_474 = tpu.vector_load %arg22[%get3A_472, %get3A_473] {strides = array<i32>} : memref<80x128xf32, #tpu.memory_space<vmem>>, vector<1x16xf32>,
        %get3A_475 = vector.shape_cast %get3A_474 : vector<1x16xf32> to vector<16xf32>
        %add3A_476 = arith.addf %get3A_471, %get3A_475 : vector<16xf32>
        %swap3A_477 = arith.index_cast %scan3A_371 : i32 to index
        %swap3A_478 = arith.constant 112 : index
        %swap3A_479 = tpu.vector_load %arg17[%swap3A_477, %swap3A_478] {strides = array<i32>} : memref<80x128xf32, #tpu.memory_space<vmem>>, vector<1x16xf32>,
        %swap3A_480 = vector.shape_cast %swap3A_479 : vector<1x16xf32> to vector<16xf32>
        %swap3A_481 = vector.shape_cast %add3A_476 : vector<16xf32> to vector<1x16xf32>
        tpu.vector_store %arg17[%swap3A_477, %swap3A_478], %swap3A_481 {strides = array<i32>} : memref<80x128xf32, #tpu.memory_space<vmem>>, vector<1x16xf32>,
        %scan3A_482 = arith.constant 1 : i32
        %scan3A_483 = arith.addi %scan3A_371, %scan3A_482 : i32
        %get3A_484 = arith.index_cast %scan3A_483 : i32 to index
        %get3A_485 = arith.constant 0 : index
        %get3A_486 = tpu.vector_load %arg17[%get3A_484, %get3A_485] {strides = array<i32>} : memref<80x128xf32, #tpu.memory_space<vmem>>, vector<1x16xf32>,
        %get3A_487 = vector.shape_cast %get3A_486 : vector<1x16xf32> to vector<16xf32>
        %get3A_488 = arith.index_cast %scan3A_483 : i32 to index
        %get3A_489 = arith.constant 0 : index
        %get3A_490 = tpu.vector_load %arg22[%get3A_488, %get3A_489] {strides = array<i32>} : memref<80x128xf32, #tpu.memory_space<vmem>>, vector<1x16xf32>,
        %get3A_491 = vector.shape_cast %get3A_490 : vector<1x16xf32> to vector<16xf32>
        %add3A_492 = arith.addf %get3A_487, %get3A_491 : vector<16xf32>
        %swap3A_493 = arith.index_cast %scan3A_483 : i32 to index
        %swap3A_494 = arith.constant 0 : index
        %swap3A_495 = tpu.vector_load %arg17[%swap3A_493, %swap3A_494] {strides = array<i32>} : memref<80x128xf32, #tpu.memory_space<vmem>>, vector<1x16xf32>,
        %swap3A_496 = vector.shape_cast %swap3A_495 : vector<1x16xf32> to vector<16xf32>
        %swap3A_497 = vector.shape_cast %add3A_492 : vector<16xf32> to vector<1x16xf32>
        tpu.vector_store %arg17[%swap3A_493, %swap3A_494], %swap3A_497 {strides = array<i32>} : memref<80x128xf32, #tpu.memory_space<vmem>>, vector<1x16xf32>,
        %get3A_498 = arith.index_cast %scan3A_483 : i32 to index
        %get3A_499 = arith.constant 16 : index
        %get3A_500 = tpu.vector_load %arg17[%get3A_498, %get3A_499] {strides = array<i32>} : memref<80x128xf32, #tpu.memory_space<vmem>>, vector<1x16xf32>,
        %get3A_501 = vector.shape_cast %get3A_500 : vector<1x16xf32> to vector<16xf32>
        %get3A_502 = arith.index_cast %scan3A_483 : i32 to index
        %get3A_503 = arith.constant 16 : index
        %get3A_504 = tpu.vector_load %arg22[%get3A_502, %get3A_503] {strides = array<i32>} : memref<80x128xf32, #tpu.memory_space<vmem>>, vector<1x16xf32>,
        %get3A_505 = vector.shape_cast %get3A_504 : vector<1x16xf32> to vector<16xf32>
        %add3A_506 = arith.addf %get3A_501, %get3A_505 : vector<16xf32>
        %swap3A_507 = arith.index_cast %scan3A_483 : i32 to index
        %swap3A_508 = arith.constant 16 : index
        %swap3A_509 = tpu.vector_load %arg17[%swap3A_507, %swap3A_508] {strides = array<i32>} : memref<80x128xf32, #tpu.memory_space<vmem>>, vector<1x16xf32>,
        %swap3A_510 = vector.shape_cast %swap3A_509 : vector<1x16xf32> to vector<16xf32>
        %swap3A_511 = vector.shape_cast %add3A_506 : vector<16xf32> to vector<1x16xf32>
        tpu.vector_store %arg17[%swap3A_507, %swap3A_508], %swap3A_511 {strides = array<i32>} : memref<80x128xf32, #tpu.memory_space<vmem>>, vector<1x16xf32>,
        %get3A_512 = arith.index_cast %scan3A_483 : i32 to index
        %get3A_513 = arith.constant 32 : index
        %get3A_514 = tpu.vector_load %arg17[%get3A_512, %get3A_513] {strides = array<i32>} : memref<80x128xf32, #tpu.memory_space<vmem>>, vector<1x16xf32>,
        %get3A_515 = vector.shape_cast %get3A_514 : vector<1x16xf32> to vector<16xf32>
        %get3A_516 = arith.index_cast %scan3A_483 : i32 to index
        %get3A_517 = arith.constant 32 : index
        %get3A_518 = tpu.vector_load %arg22[%get3A_516, %get3A_517] {strides = array<i32>} : memref<80x128xf32, #tpu.memory_space<vmem>>, vector<1x16xf32>,
        %get3A_519 = vector.shape_cast %get3A_518 : vector<1x16xf32> to vector<16xf32>
        %add3A_520 = arith.addf %get3A_515, %get3A_519 : vector<16xf32>
        %swap3A_521 = arith.index_cast %scan3A_483 : i32 to index
        %swap3A_522 = arith.constant 32 : index
        %swap3A_523 = tpu.vector_load %arg17[%swap3A_521, %swap3A_522] {strides = array<i32>} : memref<80x128xf32, #tpu.memory_space<vmem>>, vector<1x16xf32>,
        %swap3A_524 = vector.shape_cast %swap3A_523 : vector<1x16xf32> to vector<16xf32>
        %swap3A_525 = vector.shape_cast %add3A_520 : vector<16xf32> to vector<1x16xf32>
        tpu.vector_store %arg17[%swap3A_521, %swap3A_522], %swap3A_525 {strides = array<i32>} : memref<80x128xf32, #tpu.memory_space<vmem>>, vector<1x16xf32>,
        %get3A_526 = arith.index_cast %scan3A_483 : i32 to index
        %get3A_527 = arith.constant 48 : index
        %get3A_528 = tpu.vector_load %arg17[%get3A_526, %get3A_527] {strides = array<i32>} : memref<80x128xf32, #tpu.memory_space<vmem>>, vector<1x16xf32>,
        %get3A_529 = vector.shape_cast %get3A_528 : vector<1x16xf32> to vector<16xf32>
        %get3A_530 = arith.index_cast %scan3A_483 : i32 to index
        %get3A_531 = arith.constant 48 : index
        %get3A_532 = tpu.vector_load %arg22[%get3A_530, %get3A_531] {strides = array<i32>} : memref<80x128xf32, #tpu.memory_space<vmem>>, vector<1x16xf32>,
        %get3A_533 = vector.shape_cast %get3A_532 : vector<1x16xf32> to vector<16xf32>
        %add3A_534 = arith.addf %get3A_529, %get3A_533 : vector<16xf32>
        %swap3A_535 = arith.index_cast %scan3A_483 : i32 to index
        %swap3A_536 = arith.constant 48 : index
        %swap3A_537 = tpu.vector_load %arg17[%swap3A_535, %swap3A_536] {strides = array<i32>} : memref<80x128xf32, #tpu.memory_space<vmem>>, vector<1x16xf32>,
        %swap3A_538 = vector.shape_cast %swap3A_537 : vector<1x16xf32> to vector<16xf32>
        %swap3A_539 = vector.shape_cast %add3A_534 : vector<16xf32> to vector<1x16xf32>
        tpu.vector_store %arg17[%swap3A_535, %swap3A_536], %swap3A_539 {strides = array<i32>} : memref<80x128xf32, #tpu.memory_space<vmem>>, vector<1x16xf32>,
        %get3A_540 = arith.index_cast %scan3A_483 : i32 to index
        %get3A_541 = arith.constant 64 : index
        %get3A_542 = tpu.vector_load %arg17[%get3A_540, %get3A_541] {strides = array<i32>} : memref<80x128xf32, #tpu.memory_space<vmem>>, vector<1x16xf32>,
        %get3A_543 = vector.shape_cast %get3A_542 : vector<1x16xf32> to vector<16xf32>
        %get3A_544 = arith.index_cast %scan3A_483 : i32 to index
        %get3A_545 = arith.constant 64 : index
        %get3A_546 = tpu.vector_load %arg22[%get3A_544, %get3A_545] {strides = array<i32>} : memref<80x128xf32, #tpu.memory_space<vmem>>, vector<1x16xf32>,
        %get3A_547 = vector.shape_cast %get3A_546 : vector<1x16xf32> to vector<16xf32>
        %add3A_548 = arith.addf %get3A_543, %get3A_547 : vector<16xf32>
        %swap3A_549 = arith.index_cast %scan3A_483 : i32 to index
        %swap3A_550 = arith.constant 64 : index
        %swap3A_551 = tpu.vector_load %arg17[%swap3A_549, %swap3A_550] {strides = array<i32>} : memref<80x128xf32, #tpu.memory_space<vmem>>, vector<1x16xf32>,
        %swap3A_552 = vector.shape_cast %swap3A_551 : vector<1x16xf32> to vector<16xf32>
        %swap3A_553 = vector.shape_cast %add3A_548 : vector<16xf32> to vector<1x16xf32>
        tpu.vector_store %arg17[%swap3A_549, %swap3A_550], %swap3A_553 {strides = array<i32>} : memref<80x128xf32, #tpu.memory_space<vmem>>, vector<1x16xf32>,
        %get3A_554 = arith.index_cast %scan3A_483 : i32 to index
        %get3A_555 = arith.constant 80 : index
        %get3A_556 = tpu.vector_load %arg17[%get3A_554, %get3A_555] {strides = array<i32>} : memref<80x128xf32, #tpu.memory_space<vmem>>, vector<1x16xf32>,
        %get3A_557 = vector.shape_cast %get3A_556 : vector<1x16xf32> to vector<16xf32>
        %get3A_558 = arith.index_cast %scan3A_483 : i32 to index
        %get3A_559 = arith.constant 80 : index
        %get3A_560 = tpu.vector_load %arg22[%get3A_558, %get3A_559] {strides = array<i32>} : memref<80x128xf32, #tpu.memory_space<vmem>>, vector<1x16xf32>,
        %get3A_561 = vector.shape_cast %get3A_560 : vector<1x16xf32> to vector<16xf32>
        %add3A_562 = arith.addf %get3A_557, %get3A_561 : vector<16xf32>
        %swap3A_563 = arith.index_cast %scan3A_483 : i32 to index
        %swap3A_564 = arith.constant 80 : index
        %swap3A_565 = tpu.vector_load %arg17[%swap3A_563, %swap3A_564] {strides = array<i32>} : memref<80x128xf32, #tpu.memory_space<vmem>>, vector<1x16xf32>,
        %swap3A_566 = vector.shape_cast %swap3A_565 : vector<1x16xf32> to vector<16xf32>
        %swap3A_567 = vector.shape_cast %add3A_562 : vector<16xf32> to vector<1x16xf32>
        tpu.vector_store %arg17[%swap3A_563, %swap3A_564], %swap3A_567 {strides = array<i32>} : memref<80x128xf32, #tpu.memory_space<vmem>>, vector<1x16xf32>,
        %get3A_568 = arith.index_cast %scan3A_483 : i32 to index
        %get3A_569 = arith.constant 96 : index
        %get3A_570 = tpu.vector_load %arg17[%get3A_568, %get3A_569] {strides = array<i32>} : memref<80x128xf32, #tpu.memory_space<vmem>>, vector<1x16xf32>,
        %get3A_571 = vector.shape_cast %get3A_570 : vector<1x16xf32> to vector<16xf32>
        %get3A_572 = arith.index_cast %scan3A_483 : i32 to index
        %get3A_573 = arith.constant 96 : index
        %get3A_574 = tpu.vector_load %arg22[%get3A_572, %get3A_573] {strides = array<i32>} : memref<80x128xf32, #tpu.memory_space<vmem>>, vector<1x16xf32>,
        %get3A_575 = vector.shape_cast %get3A_574 : vector<1x16xf32> to vector<16xf32>
        %add3A_576 = arith.addf %get3A_571, %get3A_575 : vector<16xf32>
        %swap3A_577 = arith.index_cast %scan3A_483 : i32 to index
        %swap3A_578 = arith.constant 96 : index
        %swap3A_579 = tpu.vector_load %arg17[%swap3A_577, %swap3A_578] {strides = array<i32>} : memref<80x128xf32, #tpu.memory_space<vmem>>, vector<1x16xf32>,
        %swap3A_580 = vector.shape_cast %swap3A_579 : vector<1x16xf32> to vector<16xf32>
        %swap3A_581 = vector.shape_cast %add3A_576 : vector<16xf32> to vector<1x16xf32>
        tpu.vector_store %arg17[%swap3A_577, %swap3A_578], %swap3A_581 {strides = array<i32>} : memref<80x128xf32, #tpu.memory_space<vmem>>, vector<1x16xf32>,
        %get3A_582 = arith.index_cast %scan3A_483 : i32 to index
        %get3A_583 = arith.constant 112 : index
        %get3A_584 = tpu.vector_load %arg17[%get3A_582, %get3A_583] {strides = array<i32>} : memref<80x128xf32, #tpu.memory_space<vmem>>, vector<1x16xf32>,
        %get3A_585 = vector.shape_cast %get3A_584 : vector<1x16xf32> to vector<16xf32>
        %get3A_586 = arith.index_cast %scan3A_483 : i32 to index
        %get3A_587 = arith.constant 112 : index
        %get3A_588 = tpu.vector_load %arg22[%get3A_586, %get3A_587] {strides = array<i32>} : memref<80x128xf32, #tpu.memory_space<vmem>>, vector<1x16xf32>,
        %get3A_589 = vector.shape_cast %get3A_588 : vector<1x16xf32> to vector<16xf32>
        %add3A_590 = arith.addf %get3A_585, %get3A_589 : vector<16xf32>
        %swap3A_591 = arith.index_cast %scan3A_483 : i32 to index
        %swap3A_592 = arith.constant 112 : index
        %swap3A_593 = tpu.vector_load %arg17[%swap3A_591, %swap3A_592] {strides = array<i32>} : memref<80x128xf32, #tpu.memory_space<vmem>>, vector<1x16xf32>,
        %swap3A_594 = vector.shape_cast %swap3A_593 : vector<1x16xf32> to vector<16xf32>
        %swap3A_595 = vector.shape_cast %add3A_590 : vector<16xf32> to vector<1x16xf32>
        tpu.vector_store %arg17[%swap3A_591, %swap3A_592], %swap3A_595 {strides = array<i32>} : memref<80x128xf32, #tpu.memory_space<vmem>>, vector<1x16xf32>,
      }
      %scan3A_192 = arith.constant 80 : i32
      %mul3A_193 = arith.constant 80 : i32
      %mul3A_194 = arith.muli %add3A_180, %mul3A_193 : i32
      %add3A_195 = arith.addi %mul3A_2, %mul3A_194 : i32
      %dma_start3A_196 = arith.constant 0 : i32
      %dma_start3A_197 = tpu.memref_slice %arg6[%add3A_195, %dma_start3A_196] : memref<320000x128xf32, #tpu.memory_space<hbm>> -> memref<80x128xf32, #tpu.memory_space<hbm>>
      %dma_start3A_198 = arith.constant 0 : i32
      %dma_start3A_199 = tpu.memref_slice %arg6[%add3A_195, %dma_start3A_198] : memref<320000x128xf32, #tpu.memory_space<hbm>> -> memref<80x128xf32, #tpu.memory_space<hbm>>
      tpu.enqueue_dma source(%arg17 : memref<80x128xf32, #tpu.memory_space<vmem>>) target(%dma_start3A_199 : memref<80x128xf32, #tpu.memory_space<hbm>>) target_semaphore(%arg47 : memref<!tpu.dma_semaphore, #tpu.memory_space<semaphore_mem>>)
      %add3A_200 = arith.constant 1 : i32
      %add3A_201 = arith.addi %mul3A_79, %add3A_200 : i32
      %dma_wait3A_202 = arith.constant 0 : i32
      %dma_wait3A_203 = arith.constant 0 : i32
      %dma_wait3A_204 = tpu.memref_slice %arg2[%dma_wait3A_202, %dma_wait3A_203] : memref<10000x128xf32, #tpu.memory_space<hbm>> -> memref<10000x128xf32, #tpu.memory_space<hbm>>
      tpu.wait_indirect_dma semaphore(%arg38 : memref<!tpu.dma_semaphore, #tpu.memory_space<semaphore_mem>>) src(%dma_wait3A_204 : memref<10000x128xf32, #tpu.memory_space<hbm>>) dst(%arg18 : memref<80x128xf32, #tpu.memory_space<vmem>>)
      %dma_wait3A_205 = arith.constant 0 : i32
      %dma_wait3A_206 = arith.constant 0 : i32
      %dma_wait3A_207 = tpu.memref_slice %arg3[%dma_wait3A_205, %dma_wait3A_206] : memref<10000x128xf32, #tpu.memory_space<hbm>> -> memref<10000x128xf32, #tpu.memory_space<hbm>>
      tpu.wait_indirect_dma semaphore(%arg43 : memref<!tpu.dma_semaphore, #tpu.memory_space<semaphore_mem>>) src(%dma_wait3A_207 : memref<10000x128xf32, #tpu.memory_space<hbm>>) dst(%arg23 : memref<80x128xf32, #tpu.memory_space<vmem>>)
      %scan3A_208 = arith.constant 0 : i32
      %scan3A_209 = arith.constant 0 : i32
      %scan3A_210 = arith.constant 80 : i32
      %scan3A_211 = arith.addi %scan3A_209, %scan3A_210 : i32
      %scan3A_212 = arith.constant 2 : i32
      scf.for %scan3A_371 = %scan3A_209 to %scan3A_211 step %scan3A_212  : i32 {
        %get3A = arith.index_cast %scan3A_371 : i32 to index
        %get3A_372 = arith.constant 0 : index
        %get3A_373 = tpu.vector_load %arg18[%get3A, %get3A_372] {strides = array<i32>} : memref<80x128xf32, #tpu.memory_space<vmem>>, vector<1x16xf32>,
        %get3A_374 = vector.shape_cast %get3A_373 : vector<1x16xf32> to vector<16xf32>
        %get3A_375 = arith.index_cast %scan3A_371 : i32 to index
        %get3A_376 = arith.constant 0 : index
        %get3A_377 = tpu.vector_load %arg23[%get3A_375, %get3A_376] {strides = array<i32>} : memref<80x128xf32, #tpu.memory_space<vmem>>, vector<1x16xf32>,
        %get3A_378 = vector.shape_cast %get3A_377 : vector<1x16xf32> to vector<16xf32>
        %add3A_379 = arith.addf %get3A_374, %get3A_378 : vector<16xf32>
        %swap3A = arith.index_cast %scan3A_371 : i32 to index
        %swap3A_380 = arith.constant 0 : index
        %swap3A_381 = tpu.vector_load %arg18[%swap3A, %swap3A_380] {strides = array<i32>} : memref<80x128xf32, #tpu.memory_space<vmem>>, vector<1x16xf32>,
        %swap3A_382 = vector.shape_cast %swap3A_381 : vector<1x16xf32> to vector<16xf32>
        %swap3A_383 = vector.shape_cast %add3A_379 : vector<16xf32> to vector<1x16xf32>
        tpu.vector_store %arg18[%swap3A, %swap3A_380], %swap3A_383 {strides = array<i32>} : memref<80x128xf32, #tpu.memory_space<vmem>>, vector<1x16xf32>,
        %get3A_384 = arith.index_cast %scan3A_371 : i32 to index
        %get3A_385 = arith.constant 16 : index
        %get3A_386 = tpu.vector_load %arg18[%get3A_384, %get3A_385] {strides = array<i32>} : memref<80x128xf32, #tpu.memory_space<vmem>>, vector<1x16xf32>,
        %get3A_387 = vector.shape_cast %get3A_386 : vector<1x16xf32> to vector<16xf32>
        %get3A_388 = arith.index_cast %scan3A_371 : i32 to index
        %get3A_389 = arith.constant 16 : index
        %get3A_390 = tpu.vector_load %arg23[%get3A_388, %get3A_389] {strides = array<i32>} : memref<80x128xf32, #tpu.memory_space<vmem>>, vector<1x16xf32>,
        %get3A_391 = vector.shape_cast %get3A_390 : vector<1x16xf32> to vector<16xf32>
        %add3A_392 = arith.addf %get3A_387, %get3A_391 : vector<16xf32>
        %swap3A_393 = arith.index_cast %scan3A_371 : i32 to index
        %swap3A_394 = arith.constant 16 : index
        %swap3A_395 = tpu.vector_load %arg18[%swap3A_393, %swap3A_394] {strides = array<i32>} : memref<80x128xf32, #tpu.memory_space<vmem>>, vector<1x16xf32>,
        %swap3A_396 = vector.shape_cast %swap3A_395 : vector<1x16xf32> to vector<16xf32>
        %swap3A_397 = vector.shape_cast %add3A_392 : vector<16xf32> to vector<1x16xf32>
        tpu.vector_store %arg18[%swap3A_393, %swap3A_394], %swap3A_397 {strides = array<i32>} : memref<80x128xf32, #tpu.memory_space<vmem>>, vector<1x16xf32>,
        %get3A_398 = arith.index_cast %scan3A_371 : i32 to index
        %get3A_399 = arith.constant 32 : index
        %get3A_400 = tpu.vector_load %arg18[%get3A_398, %get3A_399] {strides = array<i32>} : memref<80x128xf32, #tpu.memory_space<vmem>>, vector<1x16xf32>,
        %get3A_401 = vector.shape_cast %get3A_400 : vector<1x16xf32> to vector<16xf32>
        %get3A_402 = arith.index_cast %scan3A_371 : i32 to index
        %get3A_403 = arith.constant 32 : index
        %get3A_404 = tpu.vector_load %arg23[%get3A_402, %get3A_403] {strides = array<i32>} : memref<80x128xf32, #tpu.memory_space<vmem>>, vector<1x16xf32>,
        %get3A_405 = vector.shape_cast %get3A_404 : vector<1x16xf32> to vector<16xf32>
        %add3A_406 = arith.addf %get3A_401, %get3A_405 : vector<16xf32>
        %swap3A_407 = arith.index_cast %scan3A_371 : i32 to index
        %swap3A_408 = arith.constant 32 : index
        %swap3A_409 = tpu.vector_load %arg18[%swap3A_407, %swap3A_408] {strides = array<i32>} : memref<80x128xf32, #tpu.memory_space<vmem>>, vector<1x16xf32>,
        %swap3A_410 = vector.shape_cast %swap3A_409 : vector<1x16xf32> to vector<16xf32>
        %swap3A_411 = vector.shape_cast %add3A_406 : vector<16xf32> to vector<1x16xf32>
        tpu.vector_store %arg18[%swap3A_407, %swap3A_408], %swap3A_411 {strides = array<i32>} : memref<80x128xf32, #tpu.memory_space<vmem>>, vector<1x16xf32>,
        %get3A_412 = arith.index_cast %scan3A_371 : i32 to index
        %get3A_413 = arith.constant 48 : index
        %get3A_414 = tpu.vector_load %arg18[%get3A_412, %get3A_413] {strides = array<i32>} : memref<80x128xf32, #tpu.memory_space<vmem>>, vector<1x16xf32>,
        %get3A_415 = vector.shape_cast %get3A_414 : vector<1x16xf32> to vector<16xf32>
        %get3A_416 = arith.index_cast %scan3A_371 : i32 to index
        %get3A_417 = arith.constant 48 : index
        %get3A_418 = tpu.vector_load %arg23[%get3A_416, %get3A_417] {strides = array<i32>} : memref<80x128xf32, #tpu.memory_space<vmem>>, vector<1x16xf32>,
        %get3A_419 = vector.shape_cast %get3A_418 : vector<1x16xf32> to vector<16xf32>
        %add3A_420 = arith.addf %get3A_415, %get3A_419 : vector<16xf32>
        %swap3A_421 = arith.index_cast %scan3A_371 : i32 to index
        %swap3A_422 = arith.constant 48 : index
        %swap3A_423 = tpu.vector_load %arg18[%swap3A_421, %swap3A_422] {strides = array<i32>} : memref<80x128xf32, #tpu.memory_space<vmem>>, vector<1x16xf32>,
        %swap3A_424 = vector.shape_cast %swap3A_423 : vector<1x16xf32> to vector<16xf32>
        %swap3A_425 = vector.shape_cast %add3A_420 : vector<16xf32> to vector<1x16xf32>
        tpu.vector_store %arg18[%swap3A_421, %swap3A_422], %swap3A_425 {strides = array<i32>} : memref<80x128xf32, #tpu.memory_space<vmem>>, vector<1x16xf32>,
        %get3A_426 = arith.index_cast %scan3A_371 : i32 to index
        %get3A_427 = arith.constant 64 : index
        %get3A_428 = tpu.vector_load %arg18[%get3A_426, %get3A_427] {strides = array<i32>} : memref<80x128xf32, #tpu.memory_space<vmem>>, vector<1x16xf32>,
        %get3A_429 = vector.shape_cast %get3A_428 : vector<1x16xf32> to vector<16xf32>
        %get3A_430 = arith.index_cast %scan3A_371 : i32 to index
        %get3A_431 = arith.constant 64 : index
        %get3A_432 = tpu.vector_load %arg23[%get3A_430, %get3A_431] {strides = array<i32>} : memref<80x128xf32, #tpu.memory_space<vmem>>, vector<1x16xf32>,
        %get3A_433 = vector.shape_cast %get3A_432 : vector<1x16xf32> to vector<16xf32>
        %add3A_434 = arith.addf %get3A_429, %get3A_433 : vector<16xf32>
        %swap3A_435 = arith.index_cast %scan3A_371 : i32 to index
        %swap3A_436 = arith.constant 64 : index
        %swap3A_437 = tpu.vector_load %arg18[%swap3A_435, %swap3A_436] {strides = array<i32>} : memref<80x128xf32, #tpu.memory_space<vmem>>, vector<1x16xf32>,
        %swap3A_438 = vector.shape_cast %swap3A_437 : vector<1x16xf32> to vector<16xf32>
        %swap3A_439 = vector.shape_cast %add3A_434 : vector<16xf32> to vector<1x16xf32>
        tpu.vector_store %arg18[%swap3A_435, %swap3A_436], %swap3A_439 {strides = array<i32>} : memref<80x128xf32, #tpu.memory_space<vmem>>, vector<1x16xf32>,
        %get3A_440 = arith.index_cast %scan3A_371 : i32 to index
        %get3A_441 = arith.constant 80 : index
        %get3A_442 = tpu.vector_load %arg18[%get3A_440, %get3A_441] {strides = array<i32>} : memref<80x128xf32, #tpu.memory_space<vmem>>, vector<1x16xf32>,
        %get3A_443 = vector.shape_cast %get3A_442 : vector<1x16xf32> to vector<16xf32>
        %get3A_444 = arith.index_cast %scan3A_371 : i32 to index
        %get3A_445 = arith.constant 80 : index
        %get3A_446 = tpu.vector_load %arg23[%get3A_444, %get3A_445] {strides = array<i32>} : memref<80x128xf32, #tpu.memory_space<vmem>>, vector<1x16xf32>,
        %get3A_447 = vector.shape_cast %get3A_446 : vector<1x16xf32> to vector<16xf32>
        %add3A_448 = arith.addf %get3A_443, %get3A_447 : vector<16xf32>
        %swap3A_449 = arith.index_cast %scan3A_371 : i32 to index
        %swap3A_450 = arith.constant 80 : index
        %swap3A_451 = tpu.vector_load %arg18[%swap3A_449, %swap3A_450] {strides = array<i32>} : memref<80x128xf32, #tpu.memory_space<vmem>>, vector<1x16xf32>,
        %swap3A_452 = vector.shape_cast %swap3A_451 : vector<1x16xf32> to vector<16xf32>
        %swap3A_453 = vector.shape_cast %add3A_448 : vector<16xf32> to vector<1x16xf32>
        tpu.vector_store %arg18[%swap3A_449, %swap3A_450], %swap3A_453 {strides = array<i32>} : memref<80x128xf32, #tpu.memory_space<vmem>>, vector<1x16xf32>,
        %get3A_454 = arith.index_cast %scan3A_371 : i32 to index
        %get3A_455 = arith.constant 96 : index
        %get3A_456 = tpu.vector_load %arg18[%get3A_454, %get3A_455] {strides = array<i32>} : memref<80x128xf32, #tpu.memory_space<vmem>>, vector<1x16xf32>,
        %get3A_457 = vector.shape_cast %get3A_456 : vector<1x16xf32> to vector<16xf32>
        %get3A_458 = arith.index_cast %scan3A_371 : i32 to index
        %get3A_459 = arith.constant 96 : index
        %get3A_460 = tpu.vector_load %arg23[%get3A_458, %get3A_459] {strides = array<i32>} : memref<80x128xf32, #tpu.memory_space<vmem>>, vector<1x16xf32>,
        %get3A_461 = vector.shape_cast %get3A_460 : vector<1x16xf32> to vector<16xf32>
        %add3A_462 = arith.addf %get3A_457, %get3A_461 : vector<16xf32>
        %swap3A_463 = arith.index_cast %scan3A_371 : i32 to index
        %swap3A_464 = arith.constant 96 : index
        %swap3A_465 = tpu.vector_load %arg18[%swap3A_463, %swap3A_464] {strides = array<i32>} : memref<80x128xf32, #tpu.memory_space<vmem>>, vector<1x16xf32>,
        %swap3A_466 = vector.shape_cast %swap3A_465 : vector<1x16xf32> to vector<16xf32>
        %swap3A_467 = vector.shape_cast %add3A_462 : vector<16xf32> to vector<1x16xf32>
        tpu.vector_store %arg18[%swap3A_463, %swap3A_464], %swap3A_467 {strides = array<i32>} : memref<80x128xf32, #tpu.memory_space<vmem>>, vector<1x16xf32>,
        %get3A_468 = arith.index_cast %scan3A_371 : i32 to index
        %get3A_469 = arith.constant 112 : index
        %get3A_470 = tpu.vector_load %arg18[%get3A_468, %get3A_469] {strides = array<i32>} : memref<80x128xf32, #tpu.memory_space<vmem>>, vector<1x16xf32>,
        %get3A_471 = vector.shape_cast %get3A_470 : vector<1x16xf32> to vector<16xf32>
        %get3A_472 = arith.index_cast %scan3A_371 : i32 to index
        %get3A_473 = arith.constant 112 : index
        %get3A_474 = tpu.vector_load %arg23[%get3A_472, %get3A_473] {strides = array<i32>} : memref<80x128xf32, #tpu.memory_space<vmem>>, vector<1x16xf32>,
        %get3A_475 = vector.shape_cast %get3A_474 : vector<1x16xf32> to vector<16xf32>
        %add3A_476 = arith.addf %get3A_471, %get3A_475 : vector<16xf32>
        %swap3A_477 = arith.index_cast %scan3A_371 : i32 to index
        %swap3A_478 = arith.constant 112 : index
        %swap3A_479 = tpu.vector_load %arg18[%swap3A_477, %swap3A_478] {strides = array<i32>} : memref<80x128xf32, #tpu.memory_space<vmem>>, vector<1x16xf32>,
        %swap3A_480 = vector.shape_cast %swap3A_479 : vector<1x16xf32> to vector<16xf32>
        %swap3A_481 = vector.shape_cast %add3A_476 : vector<16xf32> to vector<1x16xf32>
        tpu.vector_store %arg18[%swap3A_477, %swap3A_478], %swap3A_481 {strides = array<i32>} : memref<80x128xf32, #tpu.memory_space<vmem>>, vector<1x16xf32>,
        %scan3A_482 = arith.constant 1 : i32
        %scan3A_483 = arith.addi %scan3A_371, %scan3A_482 : i32
        %get3A_484 = arith.index_cast %scan3A_483 : i32 to index
        %get3A_485 = arith.constant 0 : index
        %get3A_486 = tpu.vector_load %arg18[%get3A_484, %get3A_485] {strides = array<i32>} : memref<80x128xf32, #tpu.memory_space<vmem>>, vector<1x16xf32>,
        %get3A_487 = vector.shape_cast %get3A_486 : vector<1x16xf32> to vector<16xf32>
        %get3A_488 = arith.index_cast %scan3A_483 : i32 to index
        %get3A_489 = arith.constant 0 : index
        %get3A_490 = tpu.vector_load %arg23[%get3A_488, %get3A_489] {strides = array<i32>} : memref<80x128xf32, #tpu.memory_space<vmem>>, vector<1x16xf32>,
        %get3A_491 = vector.shape_cast %get3A_490 : vector<1x16xf32> to vector<16xf32>
        %add3A_492 = arith.addf %get3A_487, %get3A_491 : vector<16xf32>
        %swap3A_493 = arith.index_cast %scan3A_483 : i32 to index
        %swap3A_494 = arith.constant 0 : index
        %swap3A_495 = tpu.vector_load %arg18[%swap3A_493, %swap3A_494] {strides = array<i32>} : memref<80x128xf32, #tpu.memory_space<vmem>>, vector<1x16xf32>,
        %swap3A_496 = vector.shape_cast %swap3A_495 : vector<1x16xf32> to vector<16xf32>
        %swap3A_497 = vector.shape_cast %add3A_492 : vector<16xf32> to vector<1x16xf32>
        tpu.vector_store %arg18[%swap3A_493, %swap3A_494], %swap3A_497 {strides = array<i32>} : memref<80x128xf32, #tpu.memory_space<vmem>>, vector<1x16xf32>,
        %get3A_498 = arith.index_cast %scan3A_483 : i32 to index
        %get3A_499 = arith.constant 16 : index
        %get3A_500 = tpu.vector_load %arg18[%get3A_498, %get3A_499] {strides = array<i32>} : memref<80x128xf32, #tpu.memory_space<vmem>>, vector<1x16xf32>,
        %get3A_501 = vector.shape_cast %get3A_500 : vector<1x16xf32> to vector<16xf32>
        %get3A_502 = arith.index_cast %scan3A_483 : i32 to index
        %get3A_503 = arith.constant 16 : index
        %get3A_504 = tpu.vector_load %arg23[%get3A_502, %get3A_503] {strides = array<i32>} : memref<80x128xf32, #tpu.memory_space<vmem>>, vector<1x16xf32>,
        %get3A_505 = vector.shape_cast %get3A_504 : vector<1x16xf32> to vector<16xf32>
        %add3A_506 = arith.addf %get3A_501, %get3A_505 : vector<16xf32>
        %swap3A_507 = arith.index_cast %scan3A_483 : i32 to index
        %swap3A_508 = arith.constant 16 : index
        %swap3A_509 = tpu.vector_load %arg18[%swap3A_507, %swap3A_508] {strides = array<i32>} : memref<80x128xf32, #tpu.memory_space<vmem>>, vector<1x16xf32>,
        %swap3A_510 = vector.shape_cast %swap3A_509 : vector<1x16xf32> to vector<16xf32>
        %swap3A_511 = vector.shape_cast %add3A_506 : vector<16xf32> to vector<1x16xf32>
        tpu.vector_store %arg18[%swap3A_507, %swap3A_508], %swap3A_511 {strides = array<i32>} : memref<80x128xf32, #tpu.memory_space<vmem>>, vector<1x16xf32>,
        %get3A_512 = arith.index_cast %scan3A_483 : i32 to index
        %get3A_513 = arith.constant 32 : index
        %get3A_514 = tpu.vector_load %arg18[%get3A_512, %get3A_513] {strides = array<i32>} : memref<80x128xf32, #tpu.memory_space<vmem>>, vector<1x16xf32>,
        %get3A_515 = vector.shape_cast %get3A_514 : vector<1x16xf32> to vector<16xf32>
        %get3A_516 = arith.index_cast %scan3A_483 : i32 to index
        %get3A_517 = arith.constant 32 : index
        %get3A_518 = tpu.vector_load %arg23[%get3A_516, %get3A_517] {strides = array<i32>} : memref<80x128xf32, #tpu.memory_space<vmem>>, vector<1x16xf32>,
        %get3A_519 = vector.shape_cast %get3A_518 : vector<1x16xf32> to vector<16xf32>
        %add3A_520 = arith.addf %get3A_515, %get3A_519 : vector<16xf32>
        %swap3A_521 = arith.index_cast %scan3A_483 : i32 to index
        %swap3A_522 = arith.constant 32 : index
        %swap3A_523 = tpu.vector_load %arg18[%swap3A_521, %swap3A_522] {strides = array<i32>} : memref<80x128xf32, #tpu.memory_space<vmem>>, vector<1x16xf32>,
        %swap3A_524 = vector.shape_cast %swap3A_523 : vector<1x16xf32> to vector<16xf32>
        %swap3A_525 = vector.shape_cast %add3A_520 : vector<16xf32> to vector<1x16xf32>
        tpu.vector_store %arg18[%swap3A_521, %swap3A_522], %swap3A_525 {strides = array<i32>} : memref<80x128xf32, #tpu.memory_space<vmem>>, vector<1x16xf32>,
        %get3A_526 = arith.index_cast %scan3A_483 : i32 to index
        %get3A_527 = arith.constant 48 : index
        %get3A_528 = tpu.vector_load %arg18[%get3A_526, %get3A_527] {strides = array<i32>} : memref<80x128xf32, #tpu.memory_space<vmem>>, vector<1x16xf32>,
        %get3A_529 = vector.shape_cast %get3A_528 : vector<1x16xf32> to vector<16xf32>
        %get3A_530 = arith.index_cast %scan3A_483 : i32 to index
        %get3A_531 = arith.constant 48 : index
        %get3A_532 = tpu.vector_load %arg23[%get3A_530, %get3A_531] {strides = array<i32>} : memref<80x128xf32, #tpu.memory_space<vmem>>, vector<1x16xf32>,
        %get3A_533 = vector.shape_cast %get3A_532 : vector<1x16xf32> to vector<16xf32>
        %add3A_534 = arith.addf %get3A_529, %get3A_533 : vector<16xf32>
        %swap3A_535 = arith.index_cast %scan3A_483 : i32 to index
        %swap3A_536 = arith.constant 48 : index
        %swap3A_537 = tpu.vector_load %arg18[%swap3A_535, %swap3A_536] {strides = array<i32>} : memref<80x128xf32, #tpu.memory_space<vmem>>, vector<1x16xf32>,
        %swap3A_538 = vector.shape_cast %swap3A_537 : vector<1x16xf32> to vector<16xf32>
        %swap3A_539 = vector.shape_cast %add3A_534 : vector<16xf32> to vector<1x16xf32>
        tpu.vector_store %arg18[%swap3A_535, %swap3A_536], %swap3A_539 {strides = array<i32>} : memref<80x128xf32, #tpu.memory_space<vmem>>, vector<1x16xf32>,
        %get3A_540 = arith.index_cast %scan3A_483 : i32 to index
        %get3A_541 = arith.constant 64 : index
        %get3A_542 = tpu.vector_load %arg18[%get3A_540, %get3A_541] {strides = array<i32>} : memref<80x128xf32, #tpu.memory_space<vmem>>, vector<1x16xf32>,
        %get3A_543 = vector.shape_cast %get3A_542 : vector<1x16xf32> to vector<16xf32>
        %get3A_544 = arith.index_cast %scan3A_483 : i32 to index
        %get3A_545 = arith.constant 64 : index
        %get3A_546 = tpu.vector_load %arg23[%get3A_544, %get3A_545] {strides = array<i32>} : memref<80x128xf32, #tpu.memory_space<vmem>>, vector<1x16xf32>,
        %get3A_547 = vector.shape_cast %get3A_546 : vector<1x16xf32> to vector<16xf32>
        %add3A_548 = arith.addf %get3A_543, %get3A_547 : vector<16xf32>
        %swap3A_549 = arith.index_cast %scan3A_483 : i32 to index
        %swap3A_550 = arith.constant 64 : index
        %swap3A_551 = tpu.vector_load %arg18[%swap3A_549, %swap3A_550] {strides = array<i32>} : memref<80x128xf32, #tpu.memory_space<vmem>>, vector<1x16xf32>,
        %swap3A_552 = vector.shape_cast %swap3A_551 : vector<1x16xf32> to vector<16xf32>
        %swap3A_553 = vector.shape_cast %add3A_548 : vector<16xf32> to vector<1x16xf32>
        tpu.vector_store %arg18[%swap3A_549, %swap3A_550], %swap3A_553 {strides = array<i32>} : memref<80x128xf32, #tpu.memory_space<vmem>>, vector<1x16xf32>,
        %get3A_554 = arith.index_cast %scan3A_483 : i32 to index
        %get3A_555 = arith.constant 80 : index
        %get3A_556 = tpu.vector_load %arg18[%get3A_554, %get3A_555] {strides = array<i32>} : memref<80x128xf32, #tpu.memory_space<vmem>>, vector<1x16xf32>,
        %get3A_557 = vector.shape_cast %get3A_556 : vector<1x16xf32> to vector<16xf32>
        %get3A_558 = arith.index_cast %scan3A_483 : i32 to index
        %get3A_559 = arith.constant 80 : index
        %get3A_560 = tpu.vector_load %arg23[%get3A_558, %get3A_559] {strides = array<i32>} : memref<80x128xf32, #tpu.memory_space<vmem>>, vector<1x16xf32>,
        %get3A_561 = vector.shape_cast %get3A_560 : vector<1x16xf32> to vector<16xf32>
        %add3A_562 = arith.addf %get3A_557, %get3A_561 : vector<16xf32>
        %swap3A_563 = arith.index_cast %scan3A_483 : i32 to index
        %swap3A_564 = arith.constant 80 : index
        %swap3A_565 = tpu.vector_load %arg18[%swap3A_563, %swap3A_564] {strides = array<i32>} : memref<80x128xf32, #tpu.memory_space<vmem>>, vector<1x16xf32>,
        %swap3A_566 = vector.shape_cast %swap3A_565 : vector<1x16xf32> to vector<16xf32>
        %swap3A_567 = vector.shape_cast %add3A_562 : vector<16xf32> to vector<1x16xf32>
        tpu.vector_store %arg18[%swap3A_563, %swap3A_564], %swap3A_567 {strides = array<i32>} : memref<80x128xf32, #tpu.memory_space<vmem>>, vector<1x16xf32>,
        %get3A_568 = arith.index_cast %scan3A_483 : i32 to index
        %get3A_569 = arith.constant 96 : index
        %get3A_570 = tpu.vector_load %arg18[%get3A_568, %get3A_569] {strides = array<i32>} : memref<80x128xf32, #tpu.memory_space<vmem>>, vector<1x16xf32>,
        %get3A_571 = vector.shape_cast %get3A_570 : vector<1x16xf32> to vector<16xf32>
        %get3A_572 = arith.index_cast %scan3A_483 : i32 to index
        %get3A_573 = arith.constant 96 : index
        %get3A_574 = tpu.vector_load %arg23[%get3A_572, %get3A_573] {strides = array<i32>} : memref<80x128xf32, #tpu.memory_space<vmem>>, vector<1x16xf32>,
        %get3A_575 = vector.shape_cast %get3A_574 : vector<1x16xf32> to vector<16xf32>
        %add3A_576 = arith.addf %get3A_571, %get3A_575 : vector<16xf32>
        %swap3A_577 = arith.index_cast %scan3A_483 : i32 to index
        %swap3A_578 = arith.constant 96 : index
        %swap3A_579 = tpu.vector_load %arg18[%swap3A_577, %swap3A_578] {strides = array<i32>} : memref<80x128xf32, #tpu.memory_space<vmem>>, vector<1x16xf32>,
        %swap3A_580 = vector.shape_cast %swap3A_579 : vector<1x16xf32> to vector<16xf32>
        %swap3A_581 = vector.shape_cast %add3A_576 : vector<16xf32> to vector<1x16xf32>
        tpu.vector_store %arg18[%swap3A_577, %swap3A_578], %swap3A_581 {strides = array<i32>} : memref<80x128xf32, #tpu.memory_space<vmem>>, vector<1x16xf32>,
        %get3A_582 = arith.index_cast %scan3A_483 : i32 to index
        %get3A_583 = arith.constant 112 : index
        %get3A_584 = tpu.vector_load %arg18[%get3A_582, %get3A_583] {strides = array<i32>} : memref<80x128xf32, #tpu.memory_space<vmem>>, vector<1x16xf32>,
        %get3A_585 = vector.shape_cast %get3A_584 : vector<1x16xf32> to vector<16xf32>
        %get3A_586 = arith.index_cast %scan3A_483 : i32 to index
        %get3A_587 = arith.constant 112 : index
        %get3A_588 = tpu.vector_load %arg23[%get3A_586, %get3A_587] {strides = array<i32>} : memref<80x128xf32, #tpu.memory_space<vmem>>, vector<1x16xf32>,
        %get3A_589 = vector.shape_cast %get3A_588 : vector<1x16xf32> to vector<16xf32>
        %add3A_590 = arith.addf %get3A_585, %get3A_589 : vector<16xf32>
        %swap3A_591 = arith.index_cast %scan3A_483 : i32 to index
        %swap3A_592 = arith.constant 112 : index
        %swap3A_593 = tpu.vector_load %arg18[%swap3A_591, %swap3A_592] {strides = array<i32>} : memref<80x128xf32, #tpu.memory_space<vmem>>, vector<1x16xf32>,
        %swap3A_594 = vector.shape_cast %swap3A_593 : vector<1x16xf32> to vector<16xf32>
        %swap3A_595 = vector.shape_cast %add3A_590 : vector<16xf32> to vector<1x16xf32>
        tpu.vector_store %arg18[%swap3A_591, %swap3A_592], %swap3A_595 {strides = array<i32>} : memref<80x128xf32, #tpu.memory_space<vmem>>, vector<1x16xf32>,
      }
      %scan3A_213 = arith.constant 80 : i32
      %mul3A_214 = arith.constant 80 : i32
      %mul3A_215 = arith.muli %add3A_201, %mul3A_214 : i32
      %add3A_216 = arith.addi %mul3A_2, %mul3A_215 : i32
      %dma_start3A_217 = arith.constant 0 : i32
      %dma_start3A_218 = tpu.memref_slice %arg6[%add3A_216, %dma_start3A_217] : memref<320000x128xf32, #tpu.memory_space<hbm>> -> memref<80x128xf32, #tpu.memory_space<hbm>>
      %dma_start3A_219 = arith.constant 0 : i32
      %dma_start3A_220 = tpu.memref_slice %arg6[%add3A_216, %dma_start3A_219] : memref<320000x128xf32, #tpu.memory_space<hbm>> -> memref<80x128xf32, #tpu.memory_space<hbm>>
      tpu.enqueue_dma source(%arg18 : memref<80x128xf32, #tpu.memory_space<vmem>>) target(%dma_start3A_220 : memref<80x128xf32, #tpu.memory_space<hbm>>) target_semaphore(%arg48 : memref<!tpu.dma_semaphore, #tpu.memory_space<semaphore_mem>>)
      %add3A_221 = arith.constant 2 : i32
      %add3A_222 = arith.addi %mul3A_79, %add3A_221 : i32
      %dma_wait3A_223 = arith.constant 0 : i32
      %dma_wait3A_224 = arith.constant 0 : i32
      %dma_wait3A_225 = tpu.memref_slice %arg2[%dma_wait3A_223, %dma_wait3A_224] : memref<10000x128xf32, #tpu.memory_space<hbm>> -> memref<10000x128xf32, #tpu.memory_space<hbm>>
      tpu.wait_indirect_dma semaphore(%arg39 : memref<!tpu.dma_semaphore, #tpu.memory_space<semaphore_mem>>) src(%dma_wait3A_225 : memref<10000x128xf32, #tpu.memory_space<hbm>>) dst(%arg19 : memref<80x128xf32, #tpu.memory_space<vmem>>)
      %dma_wait3A_226 = arith.constant 0 : i32
      %dma_wait3A_227 = arith.constant 0 : i32
      %dma_wait3A_228 = tpu.memref_slice %arg3[%dma_wait3A_226, %dma_wait3A_227] : memref<10000x128xf32, #tpu.memory_space<hbm>> -> memref<10000x128xf32, #tpu.memory_space<hbm>>
      tpu.wait_indirect_dma semaphore(%arg44 : memref<!tpu.dma_semaphore, #tpu.memory_space<semaphore_mem>>) src(%dma_wait3A_228 : memref<10000x128xf32, #tpu.memory_space<hbm>>) dst(%arg24 : memref<80x128xf32, #tpu.memory_space<vmem>>)
      %scan3A_229 = arith.constant 0 : i32
      %scan3A_230 = arith.constant 0 : i32
      %scan3A_231 = arith.constant 80 : i32
      %scan3A_232 = arith.addi %scan3A_230, %scan3A_231 : i32
      %scan3A_233 = arith.constant 2 : i32
      scf.for %scan3A_371 = %scan3A_230 to %scan3A_232 step %scan3A_233  : i32 {
        %get3A = arith.index_cast %scan3A_371 : i32 to index
        %get3A_372 = arith.constant 0 : index
        %get3A_373 = tpu.vector_load %arg19[%get3A, %get3A_372] {strides = array<i32>} : memref<80x128xf32, #tpu.memory_space<vmem>>, vector<1x16xf32>,
        %get3A_374 = vector.shape_cast %get3A_373 : vector<1x16xf32> to vector<16xf32>
        %get3A_375 = arith.index_cast %scan3A_371 : i32 to index
        %get3A_376 = arith.constant 0 : index
        %get3A_377 = tpu.vector_load %arg24[%get3A_375, %get3A_376] {strides = array<i32>} : memref<80x128xf32, #tpu.memory_space<vmem>>, vector<1x16xf32>,
        %get3A_378 = vector.shape_cast %get3A_377 : vector<1x16xf32> to vector<16xf32>
        %add3A_379 = arith.addf %get3A_374, %get3A_378 : vector<16xf32>
        %swap3A = arith.index_cast %scan3A_371 : i32 to index
        %swap3A_380 = arith.constant 0 : index
        %swap3A_381 = tpu.vector_load %arg19[%swap3A, %swap3A_380] {strides = array<i32>} : memref<80x128xf32, #tpu.memory_space<vmem>>, vector<1x16xf32>,
        %swap3A_382 = vector.shape_cast %swap3A_381 : vector<1x16xf32> to vector<16xf32>
        %swap3A_383 = vector.shape_cast %add3A_379 : vector<16xf32> to vector<1x16xf32>
        tpu.vector_store %arg19[%swap3A, %swap3A_380], %swap3A_383 {strides = array<i32>} : memref<80x128xf32, #tpu.memory_space<vmem>>, vector<1x16xf32>,
        %get3A_384 = arith.index_cast %scan3A_371 : i32 to index
        %get3A_385 = arith.constant 16 : index
        %get3A_386 = tpu.vector_load %arg19[%get3A_384, %get3A_385] {strides = array<i32>} : memref<80x128xf32, #tpu.memory_space<vmem>>, vector<1x16xf32>,
        %get3A_387 = vector.shape_cast %get3A_386 : vector<1x16xf32> to vector<16xf32>
        %get3A_388 = arith.index_cast %scan3A_371 : i32 to index
        %get3A_389 = arith.constant 16 : index
        %get3A_390 = tpu.vector_load %arg24[%get3A_388, %get3A_389] {strides = array<i32>} : memref<80x128xf32, #tpu.memory_space<vmem>>, vector<1x16xf32>,
        %get3A_391 = vector.shape_cast %get3A_390 : vector<1x16xf32> to vector<16xf32>
        %add3A_392 = arith.addf %get3A_387, %get3A_391 : vector<16xf32>
        %swap3A_393 = arith.index_cast %scan3A_371 : i32 to index
        %swap3A_394 = arith.constant 16 : index
        %swap3A_395 = tpu.vector_load %arg19[%swap3A_393, %swap3A_394] {strides = array<i32>} : memref<80x128xf32, #tpu.memory_space<vmem>>, vector<1x16xf32>,
        %swap3A_396 = vector.shape_cast %swap3A_395 : vector<1x16xf32> to vector<16xf32>
        %swap3A_397 = vector.shape_cast %add3A_392 : vector<16xf32> to vector<1x16xf32>
        tpu.vector_store %arg19[%swap3A_393, %swap3A_394], %swap3A_397 {strides = array<i32>} : memref<80x128xf32, #tpu.memory_space<vmem>>, vector<1x16xf32>,
        %get3A_398 = arith.index_cast %scan3A_371 : i32 to index
        %get3A_399 = arith.constant 32 : index
        %get3A_400 = tpu.vector_load %arg19[%get3A_398, %get3A_399] {strides = array<i32>} : memref<80x128xf32, #tpu.memory_space<vmem>>, vector<1x16xf32>,
        %get3A_401 = vector.shape_cast %get3A_400 : vector<1x16xf32> to vector<16xf32>
        %get3A_402 = arith.index_cast %scan3A_371 : i32 to index
        %get3A_403 = arith.constant 32 : index
        %get3A_404 = tpu.vector_load %arg24[%get3A_402, %get3A_403] {strides = array<i32>} : memref<80x128xf32, #tpu.memory_space<vmem>>, vector<1x16xf32>,
        %get3A_405 = vector.shape_cast %get3A_404 : vector<1x16xf32> to vector<16xf32>
        %add3A_406 = arith.addf %get3A_401, %get3A_405 : vector<16xf32>
        %swap3A_407 = arith.index_cast %scan3A_371 : i32 to index
        %swap3A_408 = arith.constant 32 : index
        %swap3A_409 = tpu.vector_load %arg19[%swap3A_407, %swap3A_408] {strides = array<i32>} : memref<80x128xf32, #tpu.memory_space<vmem>>, vector<1x16xf32>,
        %swap3A_410 = vector.shape_cast %swap3A_409 : vector<1x16xf32> to vector<16xf32>
        %swap3A_411 = vector.shape_cast %add3A_406 : vector<16xf32> to vector<1x16xf32>
        tpu.vector_store %arg19[%swap3A_407, %swap3A_408], %swap3A_411 {strides = array<i32>} : memref<80x128xf32, #tpu.memory_space<vmem>>, vector<1x16xf32>,
        %get3A_412 = arith.index_cast %scan3A_371 : i32 to index
        %get3A_413 = arith.constant 48 : index
        %get3A_414 = tpu.vector_load %arg19[%get3A_412, %get3A_413] {strides = array<i32>} : memref<80x128xf32, #tpu.memory_space<vmem>>, vector<1x16xf32>,
        %get3A_415 = vector.shape_cast %get3A_414 : vector<1x16xf32> to vector<16xf32>
        %get3A_416 = arith.index_cast %scan3A_371 : i32 to index
        %get3A_417 = arith.constant 48 : index
        %get3A_418 = tpu.vector_load %arg24[%get3A_416, %get3A_417] {strides = array<i32>} : memref<80x128xf32, #tpu.memory_space<vmem>>, vector<1x16xf32>,
        %get3A_419 = vector.shape_cast %get3A_418 : vector<1x16xf32> to vector<16xf32>
        %add3A_420 = arith.addf %get3A_415, %get3A_419 : vector<16xf32>
        %swap3A_421 = arith.index_cast %scan3A_371 : i32 to index
        %swap3A_422 = arith.constant 48 : index
        %swap3A_423 = tpu.vector_load %arg19[%swap3A_421, %swap3A_422] {strides = array<i32>} : memref<80x128xf32, #tpu.memory_space<vmem>>, vector<1x16xf32>,
        %swap3A_424 = vector.shape_cast %swap3A_423 : vector<1x16xf32> to vector<16xf32>
        %swap3A_425 = vector.shape_cast %add3A_420 : vector<16xf32> to vector<1x16xf32>
        tpu.vector_store %arg19[%swap3A_421, %swap3A_422], %swap3A_425 {strides = array<i32>} : memref<80x128xf32, #tpu.memory_space<vmem>>, vector<1x16xf32>,
        %get3A_426 = arith.index_cast %scan3A_371 : i32 to index
        %get3A_427 = arith.constant 64 : index
        %get3A_428 = tpu.vector_load %arg19[%get3A_426, %get3A_427] {strides = array<i32>} : memref<80x128xf32, #tpu.memory_space<vmem>>, vector<1x16xf32>,
        %get3A_429 = vector.shape_cast %get3A_428 : vector<1x16xf32> to vector<16xf32>
        %get3A_430 = arith.index_cast %scan3A_371 : i32 to index
        %get3A_431 = arith.constant 64 : index
        %get3A_432 = tpu.vector_load %arg24[%get3A_430, %get3A_431] {strides = array<i32>} : memref<80x128xf32, #tpu.memory_space<vmem>>, vector<1x16xf32>,
        %get3A_433 = vector.shape_cast %get3A_432 : vector<1x16xf32> to vector<16xf32>
        %add3A_434 = arith.addf %get3A_429, %get3A_433 : vector<16xf32>
        %swap3A_435 = arith.index_cast %scan3A_371 : i32 to index
        %swap3A_436 = arith.constant 64 : index
        %swap3A_437 = tpu.vector_load %arg19[%swap3A_435, %swap3A_436] {strides = array<i32>} : memref<80x128xf32, #tpu.memory_space<vmem>>, vector<1x16xf32>,
        %swap3A_438 = vector.shape_cast %swap3A_437 : vector<1x16xf32> to vector<16xf32>
        %swap3A_439 = vector.shape_cast %add3A_434 : vector<16xf32> to vector<1x16xf32>
        tpu.vector_store %arg19[%swap3A_435, %swap3A_436], %swap3A_439 {strides = array<i32>} : memref<80x128xf32, #tpu.memory_space<vmem>>, vector<1x16xf32>,
        %get3A_440 = arith.index_cast %scan3A_371 : i32 to index
        %get3A_441 = arith.constant 80 : index
        %get3A_442 = tpu.vector_load %arg19[%get3A_440, %get3A_441] {strides = array<i32>} : memref<80x128xf32, #tpu.memory_space<vmem>>, vector<1x16xf32>,
        %get3A_443 = vector.shape_cast %get3A_442 : vector<1x16xf32> to vector<16xf32>
        %get3A_444 = arith.index_cast %scan3A_371 : i32 to index
        %get3A_445 = arith.constant 80 : index
        %get3A_446 = tpu.vector_load %arg24[%get3A_444, %get3A_445] {strides = array<i32>} : memref<80x128xf32, #tpu.memory_space<vmem>>, vector<1x16xf32>,
        %get3A_447 = vector.shape_cast %get3A_446 : vector<1x16xf32> to vector<16xf32>
        %add3A_448 = arith.addf %get3A_443, %get3A_447 : vector<16xf32>
        %swap3A_449 = arith.index_cast %scan3A_371 : i32 to index
        %swap3A_450 = arith.constant 80 : index
        %swap3A_451 = tpu.vector_load %arg19[%swap3A_449, %swap3A_450] {strides = array<i32>} : memref<80x128xf32, #tpu.memory_space<vmem>>, vector<1x16xf32>,
        %swap3A_452 = vector.shape_cast %swap3A_451 : vector<1x16xf32> to vector<16xf32>
        %swap3A_453 = vector.shape_cast %add3A_448 : vector<16xf32> to vector<1x16xf32>
        tpu.vector_store %arg19[%swap3A_449, %swap3A_450], %swap3A_453 {strides = array<i32>} : memref<80x128xf32, #tpu.memory_space<vmem>>, vector<1x16xf32>,
        %get3A_454 = arith.index_cast %scan3A_371 : i32 to index
        %get3A_455 = arith.constant 96 : index
        %get3A_456 = tpu.vector_load %arg19[%get3A_454, %get3A_455] {strides = array<i32>} : memref<80x128xf32, #tpu.memory_space<vmem>>, vector<1x16xf32>,
        %get3A_457 = vector.shape_cast %get3A_456 : vector<1x16xf32> to vector<16xf32>
        %get3A_458 = arith.index_cast %scan3A_371 : i32 to index
        %get3A_459 = arith.constant 96 : index
        %get3A_460 = tpu.vector_load %arg24[%get3A_458, %get3A_459] {strides = array<i32>} : memref<80x128xf32, #tpu.memory_space<vmem>>, vector<1x16xf32>,
        %get3A_461 = vector.shape_cast %get3A_460 : vector<1x16xf32> to vector<16xf32>
        %add3A_462 = arith.addf %get3A_457, %get3A_461 : vector<16xf32>
        %swap3A_463 = arith.index_cast %scan3A_371 : i32 to index
        %swap3A_464 = arith.constant 96 : index
        %swap3A_465 = tpu.vector_load %arg19[%swap3A_463, %swap3A_464] {strides = array<i32>} : memref<80x128xf32, #tpu.memory_space<vmem>>, vector<1x16xf32>,
        %swap3A_466 = vector.shape_cast %swap3A_465 : vector<1x16xf32> to vector<16xf32>
        %swap3A_467 = vector.shape_cast %add3A_462 : vector<16xf32> to vector<1x16xf32>
        tpu.vector_store %arg19[%swap3A_463, %swap3A_464], %swap3A_467 {strides = array<i32>} : memref<80x128xf32, #tpu.memory_space<vmem>>, vector<1x16xf32>,
        %get3A_468 = arith.index_cast %scan3A_371 : i32 to index
        %get3A_469 = arith.constant 112 : index
        %get3A_470 = tpu.vector_load %arg19[%get3A_468, %get3A_469] {strides = array<i32>} : memref<80x128xf32, #tpu.memory_space<vmem>>, vector<1x16xf32>,
        %get3A_471 = vector.shape_cast %get3A_470 : vector<1x16xf32> to vector<16xf32>
        %get3A_472 = arith.index_cast %scan3A_371 : i32 to index
        %get3A_473 = arith.constant 112 : index
        %get3A_474 = tpu.vector_load %arg24[%get3A_472, %get3A_473] {strides = array<i32>} : memref<80x128xf32, #tpu.memory_space<vmem>>, vector<1x16xf32>,
        %get3A_475 = vector.shape_cast %get3A_474 : vector<1x16xf32> to vector<16xf32>
        %add3A_476 = arith.addf %get3A_471, %get3A_475 : vector<16xf32>
        %swap3A_477 = arith.index_cast %scan3A_371 : i32 to index
        %swap3A_478 = arith.constant 112 : index
        %swap3A_479 = tpu.vector_load %arg19[%swap3A_477, %swap3A_478] {strides = array<i32>} : memref<80x128xf32, #tpu.memory_space<vmem>>, vector<1x16xf32>,
        %swap3A_480 = vector.shape_cast %swap3A_479 : vector<1x16xf32> to vector<16xf32>
        %swap3A_481 = vector.shape_cast %add3A_476 : vector<16xf32> to vector<1x16xf32>
        tpu.vector_store %arg19[%swap3A_477, %swap3A_478], %swap3A_481 {strides = array<i32>} : memref<80x128xf32, #tpu.memory_space<vmem>>, vector<1x16xf32>,
        %scan3A_482 = arith.constant 1 : i32
        %scan3A_483 = arith.addi %scan3A_371, %scan3A_482 : i32
        %get3A_484 = arith.index_cast %scan3A_483 : i32 to index
        %get3A_485 = arith.constant 0 : index
        %get3A_486 = tpu.vector_load %arg19[%get3A_484, %get3A_485] {strides = array<i32>} : memref<80x128xf32, #tpu.memory_space<vmem>>, vector<1x16xf32>,
        %get3A_487 = vector.shape_cast %get3A_486 : vector<1x16xf32> to vector<16xf32>
        %get3A_488 = arith.index_cast %scan3A_483 : i32 to index
        %get3A_489 = arith.constant 0 : index
        %get3A_490 = tpu.vector_load %arg24[%get3A_488, %get3A_489] {strides = array<i32>} : memref<80x128xf32, #tpu.memory_space<vmem>>, vector<1x16xf32>,
        %get3A_491 = vector.shape_cast %get3A_490 : vector<1x16xf32> to vector<16xf32>
        %add3A_492 = arith.addf %get3A_487, %get3A_491 : vector<16xf32>
        %swap3A_493 = arith.index_cast %scan3A_483 : i32 to index
        %swap3A_494 = arith.constant 0 : index
        %swap3A_495 = tpu.vector_load %arg19[%swap3A_493, %swap3A_494] {strides = array<i32>} : memref<80x128xf32, #tpu.memory_space<vmem>>, vector<1x16xf32>,
        %swap3A_496 = vector.shape_cast %swap3A_495 : vector<1x16xf32> to vector<16xf32>
        %swap3A_497 = vector.shape_cast %add3A_492 : vector<16xf32> to vector<1x16xf32>
        tpu.vector_store %arg19[%swap3A_493, %swap3A_494], %swap3A_497 {strides = array<i32>} : memref<80x128xf32, #tpu.memory_space<vmem>>, vector<1x16xf32>,
        %get3A_498 = arith.index_cast %scan3A_483 : i32 to index
        %get3A_499 = arith.constant 16 : index
        %get3A_500 = tpu.vector_load %arg19[%get3A_498, %get3A_499] {strides = array<i32>} : memref<80x128xf32, #tpu.memory_space<vmem>>, vector<1x16xf32>,
        %get3A_501 = vector.shape_cast %get3A_500 : vector<1x16xf32> to vector<16xf32>
        %get3A_502 = arith.index_cast %scan3A_483 : i32 to index
        %get3A_503 = arith.constant 16 : index
        %get3A_504 = tpu.vector_load %arg24[%get3A_502, %get3A_503] {strides = array<i32>} : memref<80x128xf32, #tpu.memory_space<vmem>>, vector<1x16xf32>,
        %get3A_505 = vector.shape_cast %get3A_504 : vector<1x16xf32> to vector<16xf32>
        %add3A_506 = arith.addf %get3A_501, %get3A_505 : vector<16xf32>
        %swap3A_507 = arith.index_cast %scan3A_483 : i32 to index
        %swap3A_508 = arith.constant 16 : index
        %swap3A_509 = tpu.vector_load %arg19[%swap3A_507, %swap3A_508] {strides = array<i32>} : memref<80x128xf32, #tpu.memory_space<vmem>>, vector<1x16xf32>,
        %swap3A_510 = vector.shape_cast %swap3A_509 : vector<1x16xf32> to vector<16xf32>
        %swap3A_511 = vector.shape_cast %add3A_506 : vector<16xf32> to vector<1x16xf32>
        tpu.vector_store %arg19[%swap3A_507, %swap3A_508], %swap3A_511 {strides = array<i32>} : memref<80x128xf32, #tpu.memory_space<vmem>>, vector<1x16xf32>,
        %get3A_512 = arith.index_cast %scan3A_483 : i32 to index
        %get3A_513 = arith.constant 32 : index
        %get3A_514 = tpu.vector_load %arg19[%get3A_512, %get3A_513] {strides = array<i32>} : memref<80x128xf32, #tpu.memory_space<vmem>>, vector<1x16xf32>,
        %get3A_515 = vector.shape_cast %get3A_514 : vector<1x16xf32> to vector<16xf32>
        %get3A_516 = arith.index_cast %scan3A_483 : i32 to index
        %get3A_517 = arith.constant 32 : index
        %get3A_518 = tpu.vector_load %arg24[%get3A_516, %get3A_517] {strides = array<i32>} : memref<80x128xf32, #tpu.memory_space<vmem>>, vector<1x16xf32>,
        %get3A_519 = vector.shape_cast %get3A_518 : vector<1x16xf32> to vector<16xf32>
        %add3A_520 = arith.addf %get3A_515, %get3A_519 : vector<16xf32>
        %swap3A_521 = arith.index_cast %scan3A_483 : i32 to index
        %swap3A_522 = arith.constant 32 : index
        %swap3A_523 = tpu.vector_load %arg19[%swap3A_521, %swap3A_522] {strides = array<i32>} : memref<80x128xf32, #tpu.memory_space<vmem>>, vector<1x16xf32>,
        %swap3A_524 = vector.shape_cast %swap3A_523 : vector<1x16xf32> to vector<16xf32>
        %swap3A_525 = vector.shape_cast %add3A_520 : vector<16xf32> to vector<1x16xf32>
        tpu.vector_store %arg19[%swap3A_521, %swap3A_522], %swap3A_525 {strides = array<i32>} : memref<80x128xf32, #tpu.memory_space<vmem>>, vector<1x16xf32>,
        %get3A_526 = arith.index_cast %scan3A_483 : i32 to index
        %get3A_527 = arith.constant 48 : index
        %get3A_528 = tpu.vector_load %arg19[%get3A_526, %get3A_527] {strides = array<i32>} : memref<80x128xf32, #tpu.memory_space<vmem>>, vector<1x16xf32>,
        %get3A_529 = vector.shape_cast %get3A_528 : vector<1x16xf32> to vector<16xf32>
        %get3A_530 = arith.index_cast %scan3A_483 : i32 to index
        %get3A_531 = arith.constant 48 : index
        %get3A_532 = tpu.vector_load %arg24[%get3A_530, %get3A_531] {strides = array<i32>} : memref<80x128xf32, #tpu.memory_space<vmem>>, vector<1x16xf32>,
        %get3A_533 = vector.shape_cast %get3A_532 : vector<1x16xf32> to vector<16xf32>
        %add3A_534 = arith.addf %get3A_529, %get3A_533 : vector<16xf32>
        %swap3A_535 = arith.index_cast %scan3A_483 : i32 to index
        %swap3A_536 = arith.constant 48 : index
        %swap3A_537 = tpu.vector_load %arg19[%swap3A_535, %swap3A_536] {strides = array<i32>} : memref<80x128xf32, #tpu.memory_space<vmem>>, vector<1x16xf32>,
        %swap3A_538 = vector.shape_cast %swap3A_537 : vector<1x16xf32> to vector<16xf32>
        %swap3A_539 = vector.shape_cast %add3A_534 : vector<16xf32> to vector<1x16xf32>
        tpu.vector_store %arg19[%swap3A_535, %swap3A_536], %swap3A_539 {strides = array<i32>} : memref<80x128xf32, #tpu.memory_space<vmem>>, vector<1x16xf32>,
        %get3A_540 = arith.index_cast %scan3A_483 : i32 to index
        %get3A_541 = arith.constant 64 : index
        %get3A_542 = tpu.vector_load %arg19[%get3A_540, %get3A_541] {strides = array<i32>} : memref<80x128xf32, #tpu.memory_space<vmem>>, vector<1x16xf32>,
        %get3A_543 = vector.shape_cast %get3A_542 : vector<1x16xf32> to vector<16xf32>
        %get3A_544 = arith.index_cast %scan3A_483 : i32 to index
        %get3A_545 = arith.constant 64 : index
        %get3A_546 = tpu.vector_load %arg24[%get3A_544, %get3A_545] {strides = array<i32>} : memref<80x128xf32, #tpu.memory_space<vmem>>, vector<1x16xf32>,
        %get3A_547 = vector.shape_cast %get3A_546 : vector<1x16xf32> to vector<16xf32>
        %add3A_548 = arith.addf %get3A_543, %get3A_547 : vector<16xf32>
        %swap3A_549 = arith.index_cast %scan3A_483 : i32 to index
        %swap3A_550 = arith.constant 64 : index
        %swap3A_551 = tpu.vector_load %arg19[%swap3A_549, %swap3A_550] {strides = array<i32>} : memref<80x128xf32, #tpu.memory_space<vmem>>, vector<1x16xf32>,
        %swap3A_552 = vector.shape_cast %swap3A_551 : vector<1x16xf32> to vector<16xf32>
        %swap3A_553 = vector.shape_cast %add3A_548 : vector<16xf32> to vector<1x16xf32>
        tpu.vector_store %arg19[%swap3A_549, %swap3A_550], %swap3A_553 {strides = array<i32>} : memref<80x128xf32, #tpu.memory_space<vmem>>, vector<1x16xf32>,
        %get3A_554 = arith.index_cast %scan3A_483 : i32 to index
        %get3A_555 = arith.constant 80 : index
        %get3A_556 = tpu.vector_load %arg19[%get3A_554, %get3A_555] {strides = array<i32>} : memref<80x128xf32, #tpu.memory_space<vmem>>, vector<1x16xf32>,
        %get3A_557 = vector.shape_cast %get3A_556 : vector<1x16xf32> to vector<16xf32>
        %get3A_558 = arith.index_cast %scan3A_483 : i32 to index
        %get3A_559 = arith.constant 80 : index
        %get3A_560 = tpu.vector_load %arg24[%get3A_558, %get3A_559] {strides = array<i32>} : memref<80x128xf32, #tpu.memory_space<vmem>>, vector<1x16xf32>,
        %get3A_561 = vector.shape_cast %get3A_560 : vector<1x16xf32> to vector<16xf32>
        %add3A_562 = arith.addf %get3A_557, %get3A_561 : vector<16xf32>
        %swap3A_563 = arith.index_cast %scan3A_483 : i32 to index
        %swap3A_564 = arith.constant 80 : index
        %swap3A_565 = tpu.vector_load %arg19[%swap3A_563, %swap3A_564] {strides = array<i32>} : memref<80x128xf32, #tpu.memory_space<vmem>>, vector<1x16xf32>,
        %swap3A_566 = vector.shape_cast %swap3A_565 : vector<1x16xf32> to vector<16xf32>
        %swap3A_567 = vector.shape_cast %add3A_562 : vector<16xf32> to vector<1x16xf32>
        tpu.vector_store %arg19[%swap3A_563, %swap3A_564], %swap3A_567 {strides = array<i32>} : memref<80x128xf32, #tpu.memory_space<vmem>>, vector<1x16xf32>,
        %get3A_568 = arith.index_cast %scan3A_483 : i32 to index
        %get3A_569 = arith.constant 96 : index
        %get3A_570 = tpu.vector_load %arg19[%get3A_568, %get3A_569] {strides = array<i32>} : memref<80x128xf32, #tpu.memory_space<vmem>>, vector<1x16xf32>,
        %get3A_571 = vector.shape_cast %get3A_570 : vector<1x16xf32> to vector<16xf32>
        %get3A_572 = arith.index_cast %scan3A_483 : i32 to index
        %get3A_573 = arith.constant 96 : index
        %get3A_574 = tpu.vector_load %arg24[%get3A_572, %get3A_573] {strides = array<i32>} : memref<80x128xf32, #tpu.memory_space<vmem>>, vector<1x16xf32>,
        %get3A_575 = vector.shape_cast %get3A_574 : vector<1x16xf32> to vector<16xf32>
        %add3A_576 = arith.addf %get3A_571, %get3A_575 : vector<16xf32>
        %swap3A_577 = arith.index_cast %scan3A_483 : i32 to index
        %swap3A_578 = arith.constant 96 : index
        %swap3A_579 = tpu.vector_load %arg19[%swap3A_577, %swap3A_578] {strides = array<i32>} : memref<80x128xf32, #tpu.memory_space<vmem>>, vector<1x16xf32>,
        %swap3A_580 = vector.shape_cast %swap3A_579 : vector<1x16xf32> to vector<16xf32>
        %swap3A_581 = vector.shape_cast %add3A_576 : vector<16xf32> to vector<1x16xf32>
        tpu.vector_store %arg19[%swap3A_577, %swap3A_578], %swap3A_581 {strides = array<i32>} : memref<80x128xf32, #tpu.memory_space<vmem>>, vector<1x16xf32>,
        %get3A_582 = arith.index_cast %scan3A_483 : i32 to index
        %get3A_583 = arith.constant 112 : index
        %get3A_584 = tpu.vector_load %arg19[%get3A_582, %get3A_583] {strides = array<i32>} : memref<80x128xf32, #tpu.memory_space<vmem>>, vector<1x16xf32>,
        %get3A_585 = vector.shape_cast %get3A_584 : vector<1x16xf32> to vector<16xf32>
        %get3A_586 = arith.index_cast %scan3A_483 : i32 to index
        %get3A_587 = arith.constant 112 : index
        %get3A_588 = tpu.vector_load %arg24[%get3A_586, %get3A_587] {strides = array<i32>} : memref<80x128xf32, #tpu.memory_space<vmem>>, vector<1x16xf32>,
        %get3A_589 = vector.shape_cast %get3A_588 : vector<1x16xf32> to vector<16xf32>
        %add3A_590 = arith.addf %get3A_585, %get3A_589 : vector<16xf32>
        %swap3A_591 = arith.index_cast %scan3A_483 : i32 to index
        %swap3A_592 = arith.constant 112 : index
        %swap3A_593 = tpu.vector_load %arg19[%swap3A_591, %swap3A_592] {strides = array<i32>} : memref<80x128xf32, #tpu.memory_space<vmem>>, vector<1x16xf32>,
        %swap3A_594 = vector.shape_cast %swap3A_593 : vector<1x16xf32> to vector<16xf32>
        %swap3A_595 = vector.shape_cast %add3A_590 : vector<16xf32> to vector<1x16xf32>
        tpu.vector_store %arg19[%swap3A_591, %swap3A_592], %swap3A_595 {strides = array<i32>} : memref<80x128xf32, #tpu.memory_space<vmem>>, vector<1x16xf32>,
      }
      %scan3A_234 = arith.constant 80 : i32
      %mul3A_235 = arith.constant 80 : i32
      %mul3A_236 = arith.muli %add3A_222, %mul3A_235 : i32
      %add3A_237 = arith.addi %mul3A_2, %mul3A_236 : i32
      %dma_start3A_238 = arith.constant 0 : i32
      %dma_start3A_239 = tpu.memref_slice %arg6[%add3A_237, %dma_start3A_238] : memref<320000x128xf32, #tpu.memory_space<hbm>> -> memref<80x128xf32, #tpu.memory_space<hbm>>
      %dma_start3A_240 = arith.constant 0 : i32
      %dma_start3A_241 = tpu.memref_slice %arg6[%add3A_237, %dma_start3A_240] : memref<320000x128xf32, #tpu.memory_space<hbm>> -> memref<80x128xf32, #tpu.memory_space<hbm>>
      tpu.enqueue_dma source(%arg19 : memref<80x128xf32, #tpu.memory_space<vmem>>) target(%dma_start3A_241 : memref<80x128xf32, #tpu.memory_space<hbm>>) target_semaphore(%arg49 : memref<!tpu.dma_semaphore, #tpu.memory_space<semaphore_mem>>)
      %add3A_242 = arith.constant 3 : i32
      %add3A_243 = arith.addi %mul3A_79, %add3A_242 : i32
      %dma_wait3A_244 = arith.constant 0 : i32
      %dma_wait3A_245 = arith.constant 0 : i32
      %dma_wait3A_246 = tpu.memref_slice %arg2[%dma_wait3A_244, %dma_wait3A_245] : memref<10000x128xf32, #tpu.memory_space<hbm>> -> memref<10000x128xf32, #tpu.memory_space<hbm>>
      tpu.wait_indirect_dma semaphore(%arg40 : memref<!tpu.dma_semaphore, #tpu.memory_space<semaphore_mem>>) src(%dma_wait3A_246 : memref<10000x128xf32, #tpu.memory_space<hbm>>) dst(%arg20 : memref<80x128xf32, #tpu.memory_space<vmem>>)
      %dma_wait3A_247 = arith.constant 0 : i32
      %dma_wait3A_248 = arith.constant 0 : i32
      %dma_wait3A_249 = tpu.memref_slice %arg3[%dma_wait3A_247, %dma_wait3A_248] : memref<10000x128xf32, #tpu.memory_space<hbm>> -> memref<10000x128xf32, #tpu.memory_space<hbm>>
      tpu.wait_indirect_dma semaphore(%arg45 : memref<!tpu.dma_semaphore, #tpu.memory_space<semaphore_mem>>) src(%dma_wait3A_249 : memref<10000x128xf32, #tpu.memory_space<hbm>>) dst(%arg25 : memref<80x128xf32, #tpu.memory_space<vmem>>)
      %scan3A_250 = arith.constant 0 : i32
      %scan3A_251 = arith.constant 0 : i32
      %scan3A_252 = arith.constant 80 : i32
      %scan3A_253 = arith.addi %scan3A_251, %scan3A_252 : i32
      %scan3A_254 = arith.constant 2 : i32
      scf.for %scan3A_371 = %scan3A_251 to %scan3A_253 step %scan3A_254  : i32 {
        %get3A = arith.index_cast %scan3A_371 : i32 to index
        %get3A_372 = arith.constant 0 : index
        %get3A_373 = tpu.vector_load %arg20[%get3A, %get3A_372] {strides = array<i32>} : memref<80x128xf32, #tpu.memory_space<vmem>>, vector<1x16xf32>,
        %get3A_374 = vector.shape_cast %get3A_373 : vector<1x16xf32> to vector<16xf32>
        %get3A_375 = arith.index_cast %scan3A_371 : i32 to index
        %get3A_376 = arith.constant 0 : index
        %get3A_377 = tpu.vector_load %arg25[%get3A_375, %get3A_376] {strides = array<i32>} : memref<80x128xf32, #tpu.memory_space<vmem>>, vector<1x16xf32>,
        %get3A_378 = vector.shape_cast %get3A_377 : vector<1x16xf32> to vector<16xf32>
        %add3A_379 = arith.addf %get3A_374, %get3A_378 : vector<16xf32>
        %swap3A = arith.index_cast %scan3A_371 : i32 to index
        %swap3A_380 = arith.constant 0 : index
        %swap3A_381 = tpu.vector_load %arg20[%swap3A, %swap3A_380] {strides = array<i32>} : memref<80x128xf32, #tpu.memory_space<vmem>>, vector<1x16xf32>,
        %swap3A_382 = vector.shape_cast %swap3A_381 : vector<1x16xf32> to vector<16xf32>
        %swap3A_383 = vector.shape_cast %add3A_379 : vector<16xf32> to vector<1x16xf32>
        tpu.vector_store %arg20[%swap3A, %swap3A_380], %swap3A_383 {strides = array<i32>} : memref<80x128xf32, #tpu.memory_space<vmem>>, vector<1x16xf32>,
        %get3A_384 = arith.index_cast %scan3A_371 : i32 to index
        %get3A_385 = arith.constant 16 : index
        %get3A_386 = tpu.vector_load %arg20[%get3A_384, %get3A_385] {strides = array<i32>} : memref<80x128xf32, #tpu.memory_space<vmem>>, vector<1x16xf32>,
        %get3A_387 = vector.shape_cast %get3A_386 : vector<1x16xf32> to vector<16xf32>
        %get3A_388 = arith.index_cast %scan3A_371 : i32 to index
        %get3A_389 = arith.constant 16 : index
        %get3A_390 = tpu.vector_load %arg25[%get3A_388, %get3A_389] {strides = array<i32>} : memref<80x128xf32, #tpu.memory_space<vmem>>, vector<1x16xf32>,
        %get3A_391 = vector.shape_cast %get3A_390 : vector<1x16xf32> to vector<16xf32>
        %add3A_392 = arith.addf %get3A_387, %get3A_391 : vector<16xf32>
        %swap3A_393 = arith.index_cast %scan3A_371 : i32 to index
        %swap3A_394 = arith.constant 16 : index
        %swap3A_395 = tpu.vector_load %arg20[%swap3A_393, %swap3A_394] {strides = array<i32>} : memref<80x128xf32, #tpu.memory_space<vmem>>, vector<1x16xf32>,
        %swap3A_396 = vector.shape_cast %swap3A_395 : vector<1x16xf32> to vector<16xf32>
        %swap3A_397 = vector.shape_cast %add3A_392 : vector<16xf32> to vector<1x16xf32>
        tpu.vector_store %arg20[%swap3A_393, %swap3A_394], %swap3A_397 {strides = array<i32>} : memref<80x128xf32, #tpu.memory_space<vmem>>, vector<1x16xf32>,
        %get3A_398 = arith.index_cast %scan3A_371 : i32 to index
        %get3A_399 = arith.constant 32 : index
        %get3A_400 = tpu.vector_load %arg20[%get3A_398, %get3A_399] {strides = array<i32>} : memref<80x128xf32, #tpu.memory_space<vmem>>, vector<1x16xf32>,
        %get3A_401 = vector.shape_cast %get3A_400 : vector<1x16xf32> to vector<16xf32>
        %get3A_402 = arith.index_cast %scan3A_371 : i32 to index
        %get3A_403 = arith.constant 32 : index
        %get3A_404 = tpu.vector_load %arg25[%get3A_402, %get3A_403] {strides = array<i32>} : memref<80x128xf32, #tpu.memory_space<vmem>>, vector<1x16xf32>,
        %get3A_405 = vector.shape_cast %get3A_404 : vector<1x16xf32> to vector<16xf32>
        %add3A_406 = arith.addf %get3A_401, %get3A_405 : vector<16xf32>
        %swap3A_407 = arith.index_cast %scan3A_371 : i32 to index
        %swap3A_408 = arith.constant 32 : index
        %swap3A_409 = tpu.vector_load %arg20[%swap3A_407, %swap3A_408] {strides = array<i32>} : memref<80x128xf32, #tpu.memory_space<vmem>>, vector<1x16xf32>,
        %swap3A_410 = vector.shape_cast %swap3A_409 : vector<1x16xf32> to vector<16xf32>
        %swap3A_411 = vector.shape_cast %add3A_406 : vector<16xf32> to vector<1x16xf32>
        tpu.vector_store %arg20[%swap3A_407, %swap3A_408], %swap3A_411 {strides = array<i32>} : memref<80x128xf32, #tpu.memory_space<vmem>>, vector<1x16xf32>,
        %get3A_412 = arith.index_cast %scan3A_371 : i32 to index
        %get3A_413 = arith.constant 48 : index
        %get3A_414 = tpu.vector_load %arg20[%get3A_412, %get3A_413] {strides = array<i32>} : memref<80x128xf32, #tpu.memory_space<vmem>>, vector<1x16xf32>,
        %get3A_415 = vector.shape_cast %get3A_414 : vector<1x16xf32> to vector<16xf32>
        %get3A_416 = arith.index_cast %scan3A_371 : i32 to index
        %get3A_417 = arith.constant 48 : index
        %get3A_418 = tpu.vector_load %arg25[%get3A_416, %get3A_417] {strides = array<i32>} : memref<80x128xf32, #tpu.memory_space<vmem>>, vector<1x16xf32>,
        %get3A_419 = vector.shape_cast %get3A_418 : vector<1x16xf32> to vector<16xf32>
        %add3A_420 = arith.addf %get3A_415, %get3A_419 : vector<16xf32>
        %swap3A_421 = arith.index_cast %scan3A_371 : i32 to index
        %swap3A_422 = arith.constant 48 : index
        %swap3A_423 = tpu.vector_load %arg20[%swap3A_421, %swap3A_422] {strides = array<i32>} : memref<80x128xf32, #tpu.memory_space<vmem>>, vector<1x16xf32>,
        %swap3A_424 = vector.shape_cast %swap3A_423 : vector<1x16xf32> to vector<16xf32>
        %swap3A_425 = vector.shape_cast %add3A_420 : vector<16xf32> to vector<1x16xf32>
        tpu.vector_store %arg20[%swap3A_421, %swap3A_422], %swap3A_425 {strides = array<i32>} : memref<80x128xf32, #tpu.memory_space<vmem>>, vector<1x16xf32>,
        %get3A_426 = arith.index_cast %scan3A_371 : i32 to index
        %get3A_427 = arith.constant 64 : index
        %get3A_428 = tpu.vector_load %arg20[%get3A_426, %get3A_427] {strides = array<i32>} : memref<80x128xf32, #tpu.memory_space<vmem>>, vector<1x16xf32>,
        %get3A_429 = vector.shape_cast %get3A_428 : vector<1x16xf32> to vector<16xf32>
        %get3A_430 = arith.index_cast %scan3A_371 : i32 to index
        %get3A_431 = arith.constant 64 : index
        %get3A_432 = tpu.vector_load %arg25[%get3A_430, %get3A_431] {strides = array<i32>} : memref<80x128xf32, #tpu.memory_space<vmem>>, vector<1x16xf32>,
        %get3A_433 = vector.shape_cast %get3A_432 : vector<1x16xf32> to vector<16xf32>
        %add3A_434 = arith.addf %get3A_429, %get3A_433 : vector<16xf32>
        %swap3A_435 = arith.index_cast %scan3A_371 : i32 to index
        %swap3A_436 = arith.constant 64 : index
        %swap3A_437 = tpu.vector_load %arg20[%swap3A_435, %swap3A_436] {strides = array<i32>} : memref<80x128xf32, #tpu.memory_space<vmem>>, vector<1x16xf32>,
        %swap3A_438 = vector.shape_cast %swap3A_437 : vector<1x16xf32> to vector<16xf32>
        %swap3A_439 = vector.shape_cast %add3A_434 : vector<16xf32> to vector<1x16xf32>
        tpu.vector_store %arg20[%swap3A_435, %swap3A_436], %swap3A_439 {strides = array<i32>} : memref<80x128xf32, #tpu.memory_space<vmem>>, vector<1x16xf32>,
        %get3A_440 = arith.index_cast %scan3A_371 : i32 to index
        %get3A_441 = arith.constant 80 : index
        %get3A_442 = tpu.vector_load %arg20[%get3A_440, %get3A_441] {strides = array<i32>} : memref<80x128xf32, #tpu.memory_space<vmem>>, vector<1x16xf32>,
        %get3A_443 = vector.shape_cast %get3A_442 : vector<1x16xf32> to vector<16xf32>
        %get3A_444 = arith.index_cast %scan3A_371 : i32 to index
        %get3A_445 = arith.constant 80 : index
        %get3A_446 = tpu.vector_load %arg25[%get3A_444, %get3A_445] {strides = array<i32>} : memref<80x128xf32, #tpu.memory_space<vmem>>, vector<1x16xf32>,
        %get3A_447 = vector.shape_cast %get3A_446 : vector<1x16xf32> to vector<16xf32>
        %add3A_448 = arith.addf %get3A_443, %get3A_447 : vector<16xf32>
        %swap3A_449 = arith.index_cast %scan3A_371 : i32 to index
        %swap3A_450 = arith.constant 80 : index
        %swap3A_451 = tpu.vector_load %arg20[%swap3A_449, %swap3A_450] {strides = array<i32>} : memref<80x128xf32, #tpu.memory_space<vmem>>, vector<1x16xf32>,
        %swap3A_452 = vector.shape_cast %swap3A_451 : vector<1x16xf32> to vector<16xf32>
        %swap3A_453 = vector.shape_cast %add3A_448 : vector<16xf32> to vector<1x16xf32>
        tpu.vector_store %arg20[%swap3A_449, %swap3A_450], %swap3A_453 {strides = array<i32>} : memref<80x128xf32, #tpu.memory_space<vmem>>, vector<1x16xf32>,
        %get3A_454 = arith.index_cast %scan3A_371 : i32 to index
        %get3A_455 = arith.constant 96 : index
        %get3A_456 = tpu.vector_load %arg20[%get3A_454, %get3A_455] {strides = array<i32>} : memref<80x128xf32, #tpu.memory_space<vmem>>, vector<1x16xf32>,
        %get3A_457 = vector.shape_cast %get3A_456 : vector<1x16xf32> to vector<16xf32>
        %get3A_458 = arith.index_cast %scan3A_371 : i32 to index
        %get3A_459 = arith.constant 96 : index
        %get3A_460 = tpu.vector_load %arg25[%get3A_458, %get3A_459] {strides = array<i32>} : memref<80x128xf32, #tpu.memory_space<vmem>>, vector<1x16xf32>,
        %get3A_461 = vector.shape_cast %get3A_460 : vector<1x16xf32> to vector<16xf32>
        %add3A_462 = arith.addf %get3A_457, %get3A_461 : vector<16xf32>
        %swap3A_463 = arith.index_cast %scan3A_371 : i32 to index
        %swap3A_464 = arith.constant 96 : index
        %swap3A_465 = tpu.vector_load %arg20[%swap3A_463, %swap3A_464] {strides = array<i32>} : memref<80x128xf32, #tpu.memory_space<vmem>>, vector<1x16xf32>,
        %swap3A_466 = vector.shape_cast %swap3A_465 : vector<1x16xf32> to vector<16xf32>
        %swap3A_467 = vector.shape_cast %add3A_462 : vector<16xf32> to vector<1x16xf32>
        tpu.vector_store %arg20[%swap3A_463, %swap3A_464], %swap3A_467 {strides = array<i32>} : memref<80x128xf32, #tpu.memory_space<vmem>>, vector<1x16xf32>,
        %get3A_468 = arith.index_cast %scan3A_371 : i32 to index
        %get3A_469 = arith.constant 112 : index
        %get3A_470 = tpu.vector_load %arg20[%get3A_468, %get3A_469] {strides = array<i32>} : memref<80x128xf32, #tpu.memory_space<vmem>>, vector<1x16xf32>,
        %get3A_471 = vector.shape_cast %get3A_470 : vector<1x16xf32> to vector<16xf32>
        %get3A_472 = arith.index_cast %scan3A_371 : i32 to index
        %get3A_473 = arith.constant 112 : index
        %get3A_474 = tpu.vector_load %arg25[%get3A_472, %get3A_473] {strides = array<i32>} : memref<80x128xf32, #tpu.memory_space<vmem>>, vector<1x16xf32>,
        %get3A_475 = vector.shape_cast %get3A_474 : vector<1x16xf32> to vector<16xf32>
        %add3A_476 = arith.addf %get3A_471, %get3A_475 : vector<16xf32>
        %swap3A_477 = arith.index_cast %scan3A_371 : i32 to index
        %swap3A_478 = arith.constant 112 : index
        %swap3A_479 = tpu.vector_load %arg20[%swap3A_477, %swap3A_478] {strides = array<i32>} : memref<80x128xf32, #tpu.memory_space<vmem>>, vector<1x16xf32>,
        %swap3A_480 = vector.shape_cast %swap3A_479 : vector<1x16xf32> to vector<16xf32>
        %swap3A_481 = vector.shape_cast %add3A_476 : vector<16xf32> to vector<1x16xf32>
        tpu.vector_store %arg20[%swap3A_477, %swap3A_478], %swap3A_481 {strides = array<i32>} : memref<80x128xf32, #tpu.memory_space<vmem>>, vector<1x16xf32>,
        %scan3A_482 = arith.constant 1 : i32
        %scan3A_483 = arith.addi %scan3A_371, %scan3A_482 : i32
        %get3A_484 = arith.index_cast %scan3A_483 : i32 to index
        %get3A_485 = arith.constant 0 : index
        %get3A_486 = tpu.vector_load %arg20[%get3A_484, %get3A_485] {strides = array<i32>} : memref<80x128xf32, #tpu.memory_space<vmem>>, vector<1x16xf32>,
        %get3A_487 = vector.shape_cast %get3A_486 : vector<1x16xf32> to vector<16xf32>
        %get3A_488 = arith.index_cast %scan3A_483 : i32 to index
        %get3A_489 = arith.constant 0 : index
        %get3A_490 = tpu.vector_load %arg25[%get3A_488, %get3A_489] {strides = array<i32>} : memref<80x128xf32, #tpu.memory_space<vmem>>, vector<1x16xf32>,
        %get3A_491 = vector.shape_cast %get3A_490 : vector<1x16xf32> to vector<16xf32>
        %add3A_492 = arith.addf %get3A_487, %get3A_491 : vector<16xf32>
        %swap3A_493 = arith.index_cast %scan3A_483 : i32 to index
        %swap3A_494 = arith.constant 0 : index
        %swap3A_495 = tpu.vector_load %arg20[%swap3A_493, %swap3A_494] {strides = array<i32>} : memref<80x128xf32, #tpu.memory_space<vmem>>, vector<1x16xf32>,
        %swap3A_496 = vector.shape_cast %swap3A_495 : vector<1x16xf32> to vector<16xf32>
        %swap3A_497 = vector.shape_cast %add3A_492 : vector<16xf32> to vector<1x16xf32>
        tpu.vector_store %arg20[%swap3A_493, %swap3A_494], %swap3A_497 {strides = array<i32>} : memref<80x128xf32, #tpu.memory_space<vmem>>, vector<1x16xf32>,
        %get3A_498 = arith.index_cast %scan3A_483 : i32 to index
        %get3A_499 = arith.constant 16 : index
        %get3A_500 = tpu.vector_load %arg20[%get3A_498, %get3A_499] {strides = array<i32>} : memref<80x128xf32, #tpu.memory_space<vmem>>, vector<1x16xf32>,
        %get3A_501 = vector.shape_cast %get3A_500 : vector<1x16xf32> to vector<16xf32>
        %get3A_502 = arith.index_cast %scan3A_483 : i32 to index
        %get3A_503 = arith.constant 16 : index
        %get3A_504 = tpu.vector_load %arg25[%get3A_502, %get3A_503] {strides = array<i32>} : memref<80x128xf32, #tpu.memory_space<vmem>>, vector<1x16xf32>,
        %get3A_505 = vector.shape_cast %get3A_504 : vector<1x16xf32> to vector<16xf32>
        %add3A_506 = arith.addf %get3A_501, %get3A_505 : vector<16xf32>
        %swap3A_507 = arith.index_cast %scan3A_483 : i32 to index
        %swap3A_508 = arith.constant 16 : index
        %swap3A_509 = tpu.vector_load %arg20[%swap3A_507, %swap3A_508] {strides = array<i32>} : memref<80x128xf32, #tpu.memory_space<vmem>>, vector<1x16xf32>,
        %swap3A_510 = vector.shape_cast %swap3A_509 : vector<1x16xf32> to vector<16xf32>
        %swap3A_511 = vector.shape_cast %add3A_506 : vector<16xf32> to vector<1x16xf32>
        tpu.vector_store %arg20[%swap3A_507, %swap3A_508], %swap3A_511 {strides = array<i32>} : memref<80x128xf32, #tpu.memory_space<vmem>>, vector<1x16xf32>,
        %get3A_512 = arith.index_cast %scan3A_483 : i32 to index
        %get3A_513 = arith.constant 32 : index
        %get3A_514 = tpu.vector_load %arg20[%get3A_512, %get3A_513] {strides = array<i32>} : memref<80x128xf32, #tpu.memory_space<vmem>>, vector<1x16xf32>,
        %get3A_515 = vector.shape_cast %get3A_514 : vector<1x16xf32> to vector<16xf32>
        %get3A_516 = arith.index_cast %scan3A_483 : i32 to index
        %get3A_517 = arith.constant 32 : index
        %get3A_518 = tpu.vector_load %arg25[%get3A_516, %get3A_517] {strides = array<i32>} : memref<80x128xf32, #tpu.memory_space<vmem>>, vector<1x16xf32>,
        %get3A_519 = vector.shape_cast %get3A_518 : vector<1x16xf32> to vector<16xf32>
        %add3A_520 = arith.addf %get3A_515, %get3A_519 : vector<16xf32>
        %swap3A_521 = arith.index_cast %scan3A_483 : i32 to index
        %swap3A_522 = arith.constant 32 : index
        %swap3A_523 = tpu.vector_load %arg20[%swap3A_521, %swap3A_522] {strides = array<i32>} : memref<80x128xf32, #tpu.memory_space<vmem>>, vector<1x16xf32>,
        %swap3A_524 = vector.shape_cast %swap3A_523 : vector<1x16xf32> to vector<16xf32>
        %swap3A_525 = vector.shape_cast %add3A_520 : vector<16xf32> to vector<1x16xf32>
        tpu.vector_store %arg20[%swap3A_521, %swap3A_522], %swap3A_525 {strides = array<i32>} : memref<80x128xf32, #tpu.memory_space<vmem>>, vector<1x16xf32>,
        %get3A_526 = arith.index_cast %scan3A_483 : i32 to index
        %get3A_527 = arith.constant 48 : index
        %get3A_528 = tpu.vector_load %arg20[%get3A_526, %get3A_527] {strides = array<i32>} : memref<80x128xf32, #tpu.memory_space<vmem>>, vector<1x16xf32>,
        %get3A_529 = vector.shape_cast %get3A_528 : vector<1x16xf32> to vector<16xf32>
        %get3A_530 = arith.index_cast %scan3A_483 : i32 to index
        %get3A_531 = arith.constant 48 : index
        %get3A_532 = tpu.vector_load %arg25[%get3A_530, %get3A_531] {strides = array<i32>} : memref<80x128xf32, #tpu.memory_space<vmem>>, vector<1x16xf32>,
        %get3A_533 = vector.shape_cast %get3A_532 : vector<1x16xf32> to vector<16xf32>
        %add3A_534 = arith.addf %get3A_529, %get3A_533 : vector<16xf32>
        %swap3A_535 = arith.index_cast %scan3A_483 : i32 to index
        %swap3A_536 = arith.constant 48 : index
        %swap3A_537 = tpu.vector_load %arg20[%swap3A_535, %swap3A_536] {strides = array<i32>} : memref<80x128xf32, #tpu.memory_space<vmem>>, vector<1x16xf32>,
        %swap3A_538 = vector.shape_cast %swap3A_537 : vector<1x16xf32> to vector<16xf32>
        %swap3A_539 = vector.shape_cast %add3A_534 : vector<16xf32> to vector<1x16xf32>
        tpu.vector_store %arg20[%swap3A_535, %swap3A_536], %swap3A_539 {strides = array<i32>} : memref<80x128xf32, #tpu.memory_space<vmem>>, vector<1x16xf32>,
        %get3A_540 = arith.index_cast %scan3A_483 : i32 to index
        %get3A_541 = arith.constant 64 : index
        %get3A_542 = tpu.vector_load %arg20[%get3A_540, %get3A_541] {strides = array<i32>} : memref<80x128xf32, #tpu.memory_space<vmem>>, vector<1x16xf32>,
        %get3A_543 = vector.shape_cast %get3A_542 : vector<1x16xf32> to vector<16xf32>
        %get3A_544 = arith.index_cast %scan3A_483 : i32 to index
        %get3A_545 = arith.constant 64 : index
        %get3A_546 = tpu.vector_load %arg25[%get3A_544, %get3A_545] {strides = array<i32>} : memref<80x128xf32, #tpu.memory_space<vmem>>, vector<1x16xf32>,
        %get3A_547 = vector.shape_cast %get3A_546 : vector<1x16xf32> to vector<16xf32>
        %add3A_548 = arith.addf %get3A_543, %get3A_547 : vector<16xf32>
        %swap3A_549 = arith.index_cast %scan3A_483 : i32 to index
        %swap3A_550 = arith.constant 64 : index
        %swap3A_551 = tpu.vector_load %arg20[%swap3A_549, %swap3A_550] {strides = array<i32>} : memref<80x128xf32, #tpu.memory_space<vmem>>, vector<1x16xf32>,
        %swap3A_552 = vector.shape_cast %swap3A_551 : vector<1x16xf32> to vector<16xf32>
        %swap3A_553 = vector.shape_cast %add3A_548 : vector<16xf32> to vector<1x16xf32>
        tpu.vector_store %arg20[%swap3A_549, %swap3A_550], %swap3A_553 {strides = array<i32>} : memref<80x128xf32, #tpu.memory_space<vmem>>, vector<1x16xf32>,
        %get3A_554 = arith.index_cast %scan3A_483 : i32 to index
        %get3A_555 = arith.constant 80 : index
        %get3A_556 = tpu.vector_load %arg20[%get3A_554, %get3A_555] {strides = array<i32>} : memref<80x128xf32, #tpu.memory_space<vmem>>, vector<1x16xf32>,
        %get3A_557 = vector.shape_cast %get3A_556 : vector<1x16xf32> to vector<16xf32>
        %get3A_558 = arith.index_cast %scan3A_483 : i32 to index
        %get3A_559 = arith.constant 80 : index
        %get3A_560 = tpu.vector_load %arg25[%get3A_558, %get3A_559] {strides = array<i32>} : memref<80x128xf32, #tpu.memory_space<vmem>>, vector<1x16xf32>,
        %get3A_561 = vector.shape_cast %get3A_560 : vector<1x16xf32> to vector<16xf32>
        %add3A_562 = arith.addf %get3A_557, %get3A_561 : vector<16xf32>
        %swap3A_563 = arith.index_cast %scan3A_483 : i32 to index
        %swap3A_564 = arith.constant 80 : index
        %swap3A_565 = tpu.vector_load %arg20[%swap3A_563, %swap3A_564] {strides = array<i32>} : memref<80x128xf32, #tpu.memory_space<vmem>>, vector<1x16xf32>,
        %swap3A_566 = vector.shape_cast %swap3A_565 : vector<1x16xf32> to vector<16xf32>
        %swap3A_567 = vector.shape_cast %add3A_562 : vector<16xf32> to vector<1x16xf32>
        tpu.vector_store %arg20[%swap3A_563, %swap3A_564], %swap3A_567 {strides = array<i32>} : memref<80x128xf32, #tpu.memory_space<vmem>>, vector<1x16xf32>,
        %get3A_568 = arith.index_cast %scan3A_483 : i32 to index
        %get3A_569 = arith.constant 96 : index
        %get3A_570 = tpu.vector_load %arg20[%get3A_568, %get3A_569] {strides = array<i32>} : memref<80x128xf32, #tpu.memory_space<vmem>>, vector<1x16xf32>,
        %get3A_571 = vector.shape_cast %get3A_570 : vector<1x16xf32> to vector<16xf32>
        %get3A_572 = arith.index_cast %scan3A_483 : i32 to index
        %get3A_573 = arith.constant 96 : index
        %get3A_574 = tpu.vector_load %arg25[%get3A_572, %get3A_573] {strides = array<i32>} : memref<80x128xf32, #tpu.memory_space<vmem>>, vector<1x16xf32>,
        %get3A_575 = vector.shape_cast %get3A_574 : vector<1x16xf32> to vector<16xf32>
        %add3A_576 = arith.addf %get3A_571, %get3A_575 : vector<16xf32>
        %swap3A_577 = arith.index_cast %scan3A_483 : i32 to index
        %swap3A_578 = arith.constant 96 : index
        %swap3A_579 = tpu.vector_load %arg20[%swap3A_577, %swap3A_578] {strides = array<i32>} : memref<80x128xf32, #tpu.memory_space<vmem>>, vector<1x16xf32>,
        %swap3A_580 = vector.shape_cast %swap3A_579 : vector<1x16xf32> to vector<16xf32>
        %swap3A_581 = vector.shape_cast %add3A_576 : vector<16xf32> to vector<1x16xf32>
        tpu.vector_store %arg20[%swap3A_577, %swap3A_578], %swap3A_581 {strides = array<i32>} : memref<80x128xf32, #tpu.memory_space<vmem>>, vector<1x16xf32>,
        %get3A_582 = arith.index_cast %scan3A_483 : i32 to index
        %get3A_583 = arith.constant 112 : index
        %get3A_584 = tpu.vector_load %arg20[%get3A_582, %get3A_583] {strides = array<i32>} : memref<80x128xf32, #tpu.memory_space<vmem>>, vector<1x16xf32>,
        %get3A_585 = vector.shape_cast %get3A_584 : vector<1x16xf32> to vector<16xf32>
        %get3A_586 = arith.index_cast %scan3A_483 : i32 to index
        %get3A_587 = arith.constant 112 : index
        %get3A_588 = tpu.vector_load %arg25[%get3A_586, %get3A_587] {strides = array<i32>} : memref<80x128xf32, #tpu.memory_space<vmem>>, vector<1x16xf32>,
        %get3A_589 = vector.shape_cast %get3A_588 : vector<1x16xf32> to vector<16xf32>
        %add3A_590 = arith.addf %get3A_585, %get3A_589 : vector<16xf32>
        %swap3A_591 = arith.index_cast %scan3A_483 : i32 to index
        %swap3A_592 = arith.constant 112 : index
        %swap3A_593 = tpu.vector_load %arg20[%swap3A_591, %swap3A_592] {strides = array<i32>} : memref<80x128xf32, #tpu.memory_space<vmem>>, vector<1x16xf32>,
        %swap3A_594 = vector.shape_cast %swap3A_593 : vector<1x16xf32> to vector<16xf32>
        %swap3A_595 = vector.shape_cast %add3A_590 : vector<16xf32> to vector<1x16xf32>
        tpu.vector_store %arg20[%swap3A_591, %swap3A_592], %swap3A_595 {strides = array<i32>} : memref<80x128xf32, #tpu.memory_space<vmem>>, vector<1x16xf32>,
      }
      %scan3A_255 = arith.constant 80 : i32
      %mul3A_256 = arith.constant 80 : i32
      %mul3A_257 = arith.muli %add3A_243, %mul3A_256 : i32
      %add3A_258 = arith.addi %mul3A_2, %mul3A_257 : i32
      %dma_start3A_259 = arith.constant 0 : i32
      %dma_start3A_260 = tpu.memref_slice %arg6[%add3A_258, %dma_start3A_259] : memref<320000x128xf32, #tpu.memory_space<hbm>> -> memref<80x128xf32, #tpu.memory_space<hbm>>
      %dma_start3A_261 = arith.constant 0 : i32
      %dma_start3A_262 = tpu.memref_slice %arg6[%add3A_258, %dma_start3A_261] : memref<320000x128xf32, #tpu.memory_space<hbm>> -> memref<80x128xf32, #tpu.memory_space<hbm>>
      tpu.enqueue_dma source(%arg20 : memref<80x128xf32, #tpu.memory_space<vmem>>) target(%dma_start3A_262 : memref<80x128xf32, #tpu.memory_space<hbm>>) target_semaphore(%arg50 : memref<!tpu.dma_semaphore, #tpu.memory_space<semaphore_mem>>)
      %add3A_263 = arith.constant 4 : i32
      %add3A_264 = arith.addi %mul3A_79, %add3A_263 : i32
      %dma_wait3A_265 = arith.constant 0 : i32
      %dma_wait3A_266 = arith.constant 0 : i32
      %dma_wait3A_267 = tpu.memref_slice %arg2[%dma_wait3A_265, %dma_wait3A_266] : memref<10000x128xf32, #tpu.memory_space<hbm>> -> memref<10000x128xf32, #tpu.memory_space<hbm>>
      tpu.wait_indirect_dma semaphore(%arg41 : memref<!tpu.dma_semaphore, #tpu.memory_space<semaphore_mem>>) src(%dma_wait3A_267 : memref<10000x128xf32, #tpu.memory_space<hbm>>) dst(%arg21 : memref<80x128xf32, #tpu.memory_space<vmem>>)
      %dma_wait3A_268 = arith.constant 0 : i32
      %dma_wait3A_269 = arith.constant 0 : i32
      %dma_wait3A_270 = tpu.memref_slice %arg3[%dma_wait3A_268, %dma_wait3A_269] : memref<10000x128xf32, #tpu.memory_space<hbm>> -> memref<10000x128xf32, #tpu.memory_space<hbm>>
      tpu.wait_indirect_dma semaphore(%arg46 : memref<!tpu.dma_semaphore, #tpu.memory_space<semaphore_mem>>) src(%dma_wait3A_270 : memref<10000x128xf32, #tpu.memory_space<hbm>>) dst(%arg26 : memref<80x128xf32, #tpu.memory_space<vmem>>)
      %scan3A_271 = arith.constant 0 : i32
      %scan3A_272 = arith.constant 0 : i32
      %scan3A_273 = arith.constant 80 : i32
      %scan3A_274 = arith.addi %scan3A_272, %scan3A_273 : i32
      %scan3A_275 = arith.constant 2 : i32
      scf.for %scan3A_371 = %scan3A_272 to %scan3A_274 step %scan3A_275  : i32 {
        %get3A = arith.index_cast %scan3A_371 : i32 to index
        %get3A_372 = arith.constant 0 : index
        %get3A_373 = tpu.vector_load %arg21[%get3A, %get3A_372] {strides = array<i32>} : memref<80x128xf32, #tpu.memory_space<vmem>>, vector<1x16xf32>,
        %get3A_374 = vector.shape_cast %get3A_373 : vector<1x16xf32> to vector<16xf32>
        %get3A_375 = arith.index_cast %scan3A_371 : i32 to index
        %get3A_376 = arith.constant 0 : index
        %get3A_377 = tpu.vector_load %arg26[%get3A_375, %get3A_376] {strides = array<i32>} : memref<80x128xf32, #tpu.memory_space<vmem>>, vector<1x16xf32>,
        %get3A_378 = vector.shape_cast %get3A_377 : vector<1x16xf32> to vector<16xf32>
        %add3A_379 = arith.addf %get3A_374, %get3A_378 : vector<16xf32>
        %swap3A = arith.index_cast %scan3A_371 : i32 to index
        %swap3A_380 = arith.constant 0 : index
        %swap3A_381 = tpu.vector_load %arg21[%swap3A, %swap3A_380] {strides = array<i32>} : memref<80x128xf32, #tpu.memory_space<vmem>>, vector<1x16xf32>,
        %swap3A_382 = vector.shape_cast %swap3A_381 : vector<1x16xf32> to vector<16xf32>
        %swap3A_383 = vector.shape_cast %add3A_379 : vector<16xf32> to vector<1x16xf32>
        tpu.vector_store %arg21[%swap3A, %swap3A_380], %swap3A_383 {strides = array<i32>} : memref<80x128xf32, #tpu.memory_space<vmem>>, vector<1x16xf32>,
        %get3A_384 = arith.index_cast %scan3A_371 : i32 to index
        %get3A_385 = arith.constant 16 : index
        %get3A_386 = tpu.vector_load %arg21[%get3A_384, %get3A_385] {strides = array<i32>} : memref<80x128xf32, #tpu.memory_space<vmem>>, vector<1x16xf32>,
        %get3A_387 = vector.shape_cast %get3A_386 : vector<1x16xf32> to vector<16xf32>
        %get3A_388 = arith.index_cast %scan3A_371 : i32 to index
        %get3A_389 = arith.constant 16 : index
        %get3A_390 = tpu.vector_load %arg26[%get3A_388, %get3A_389] {strides = array<i32>} : memref<80x128xf32, #tpu.memory_space<vmem>>, vector<1x16xf32>,
        %get3A_391 = vector.shape_cast %get3A_390 : vector<1x16xf32> to vector<16xf32>
        %add3A_392 = arith.addf %get3A_387, %get3A_391 : vector<16xf32>
        %swap3A_393 = arith.index_cast %scan3A_371 : i32 to index
        %swap3A_394 = arith.constant 16 : index
        %swap3A_395 = tpu.vector_load %arg21[%swap3A_393, %swap3A_394] {strides = array<i32>} : memref<80x128xf32, #tpu.memory_space<vmem>>, vector<1x16xf32>,
        %swap3A_396 = vector.shape_cast %swap3A_395 : vector<1x16xf32> to vector<16xf32>
        %swap3A_397 = vector.shape_cast %add3A_392 : vector<16xf32> to vector<1x16xf32>
        tpu.vector_store %arg21[%swap3A_393, %swap3A_394], %swap3A_397 {strides = array<i32>} : memref<80x128xf32, #tpu.memory_space<vmem>>, vector<1x16xf32>,
        %get3A_398 = arith.index_cast %scan3A_371 : i32 to index
        %get3A_399 = arith.constant 32 : index
        %get3A_400 = tpu.vector_load %arg21[%get3A_398, %get3A_399] {strides = array<i32>} : memref<80x128xf32, #tpu.memory_space<vmem>>, vector<1x16xf32>,
        %get3A_401 = vector.shape_cast %get3A_400 : vector<1x16xf32> to vector<16xf32>
        %get3A_402 = arith.index_cast %scan3A_371 : i32 to index
        %get3A_403 = arith.constant 32 : index
        %get3A_404 = tpu.vector_load %arg26[%get3A_402, %get3A_403] {strides = array<i32>} : memref<80x128xf32, #tpu.memory_space<vmem>>, vector<1x16xf32>,
        %get3A_405 = vector.shape_cast %get3A_404 : vector<1x16xf32> to vector<16xf32>
        %add3A_406 = arith.addf %get3A_401, %get3A_405 : vector<16xf32>
        %swap3A_407 = arith.index_cast %scan3A_371 : i32 to index
        %swap3A_408 = arith.constant 32 : index
        %swap3A_409 = tpu.vector_load %arg21[%swap3A_407, %swap3A_408] {strides = array<i32>} : memref<80x128xf32, #tpu.memory_space<vmem>>, vector<1x16xf32>,
        %swap3A_410 = vector.shape_cast %swap3A_409 : vector<1x16xf32> to vector<16xf32>
        %swap3A_411 = vector.shape_cast %add3A_406 : vector<16xf32> to vector<1x16xf32>
        tpu.vector_store %arg21[%swap3A_407, %swap3A_408], %swap3A_411 {strides = array<i32>} : memref<80x128xf32, #tpu.memory_space<vmem>>, vector<1x16xf32>,
        %get3A_412 = arith.index_cast %scan3A_371 : i32 to index
        %get3A_413 = arith.constant 48 : index
        %get3A_414 = tpu.vector_load %arg21[%get3A_412, %get3A_413] {strides = array<i32>} : memref<80x128xf32, #tpu.memory_space<vmem>>, vector<1x16xf32>,
        %get3A_415 = vector.shape_cast %get3A_414 : vector<1x16xf32> to vector<16xf32>
        %get3A_416 = arith.index_cast %scan3A_371 : i32 to index
        %get3A_417 = arith.constant 48 : index
        %get3A_418 = tpu.vector_load %arg26[%get3A_416, %get3A_417] {strides = array<i32>} : memref<80x128xf32, #tpu.memory_space<vmem>>, vector<1x16xf32>,
        %get3A_419 = vector.shape_cast %get3A_418 : vector<1x16xf32> to vector<16xf32>
        %add3A_420 = arith.addf %get3A_415, %get3A_419 : vector<16xf32>
        %swap3A_421 = arith.index_cast %scan3A_371 : i32 to index
        %swap3A_422 = arith.constant 48 : index
        %swap3A_423 = tpu.vector_load %arg21[%swap3A_421, %swap3A_422] {strides = array<i32>} : memref<80x128xf32, #tpu.memory_space<vmem>>, vector<1x16xf32>,
        %swap3A_424 = vector.shape_cast %swap3A_423 : vector<1x16xf32> to vector<16xf32>
        %swap3A_425 = vector.shape_cast %add3A_420 : vector<16xf32> to vector<1x16xf32>
        tpu.vector_store %arg21[%swap3A_421, %swap3A_422], %swap3A_425 {strides = array<i32>} : memref<80x128xf32, #tpu.memory_space<vmem>>, vector<1x16xf32>,
        %get3A_426 = arith.index_cast %scan3A_371 : i32 to index
        %get3A_427 = arith.constant 64 : index
        %get3A_428 = tpu.vector_load %arg21[%get3A_426, %get3A_427] {strides = array<i32>} : memref<80x128xf32, #tpu.memory_space<vmem>>, vector<1x16xf32>,
        %get3A_429 = vector.shape_cast %get3A_428 : vector<1x16xf32> to vector<16xf32>
        %get3A_430 = arith.index_cast %scan3A_371 : i32 to index
        %get3A_431 = arith.constant 64 : index
        %get3A_432 = tpu.vector_load %arg26[%get3A_430, %get3A_431] {strides = array<i32>} : memref<80x128xf32, #tpu.memory_space<vmem>>, vector<1x16xf32>,
        %get3A_433 = vector.shape_cast %get3A_432 : vector<1x16xf32> to vector<16xf32>
        %add3A_434 = arith.addf %get3A_429, %get3A_433 : vector<16xf32>
        %swap3A_435 = arith.index_cast %scan3A_371 : i32 to index
        %swap3A_436 = arith.constant 64 : index
        %swap3A_437 = tpu.vector_load %arg21[%swap3A_435, %swap3A_436] {strides = array<i32>} : memref<80x128xf32, #tpu.memory_space<vmem>>, vector<1x16xf32>,
        %swap3A_438 = vector.shape_cast %swap3A_437 : vector<1x16xf32> to vector<16xf32>
        %swap3A_439 = vector.shape_cast %add3A_434 : vector<16xf32> to vector<1x16xf32>
        tpu.vector_store %arg21[%swap3A_435, %swap3A_436], %swap3A_439 {strides = array<i32>} : memref<80x128xf32, #tpu.memory_space<vmem>>, vector<1x16xf32>,
        %get3A_440 = arith.index_cast %scan3A_371 : i32 to index
        %get3A_441 = arith.constant 80 : index
        %get3A_442 = tpu.vector_load %arg21[%get3A_440, %get3A_441] {strides = array<i32>} : memref<80x128xf32, #tpu.memory_space<vmem>>, vector<1x16xf32>,
        %get3A_443 = vector.shape_cast %get3A_442 : vector<1x16xf32> to vector<16xf32>
        %get3A_444 = arith.index_cast %scan3A_371 : i32 to index
        %get3A_445 = arith.constant 80 : index
        %get3A_446 = tpu.vector_load %arg26[%get3A_444, %get3A_445] {strides = array<i32>} : memref<80x128xf32, #tpu.memory_space<vmem>>, vector<1x16xf32>,
        %get3A_447 = vector.shape_cast %get3A_446 : vector<1x16xf32> to vector<16xf32>
        %add3A_448 = arith.addf %get3A_443, %get3A_447 : vector<16xf32>
        %swap3A_449 = arith.index_cast %scan3A_371 : i32 to index
        %swap3A_450 = arith.constant 80 : index
        %swap3A_451 = tpu.vector_load %arg21[%swap3A_449, %swap3A_450] {strides = array<i32>} : memref<80x128xf32, #tpu.memory_space<vmem>>, vector<1x16xf32>,
        %swap3A_452 = vector.shape_cast %swap3A_451 : vector<1x16xf32> to vector<16xf32>
        %swap3A_453 = vector.shape_cast %add3A_448 : vector<16xf32> to vector<1x16xf32>
        tpu.vector_store %arg21[%swap3A_449, %swap3A_450], %swap3A_453 {strides = array<i32>} : memref<80x128xf32, #tpu.memory_space<vmem>>, vector<1x16xf32>,
        %get3A_454 = arith.index_cast %scan3A_371 : i32 to index
        %get3A_455 = arith.constant 96 : index
        %get3A_456 = tpu.vector_load %arg21[%get3A_454, %get3A_455] {strides = array<i32>} : memref<80x128xf32, #tpu.memory_space<vmem>>, vector<1x16xf32>,
        %get3A_457 = vector.shape_cast %get3A_456 : vector<1x16xf32> to vector<16xf32>
        %get3A_458 = arith.index_cast %scan3A_371 : i32 to index
        %get3A_459 = arith.constant 96 : index
        %get3A_460 = tpu.vector_load %arg26[%get3A_458, %get3A_459] {strides = array<i32>} : memref<80x128xf32, #tpu.memory_space<vmem>>, vector<1x16xf32>,
        %get3A_461 = vector.shape_cast %get3A_460 : vector<1x16xf32> to vector<16xf32>
        %add3A_462 = arith.addf %get3A_457, %get3A_461 : vector<16xf32>
        %swap3A_463 = arith.index_cast %scan3A_371 : i32 to index
        %swap3A_464 = arith.constant 96 : index
        %swap3A_465 = tpu.vector_load %arg21[%swap3A_463, %swap3A_464] {strides = array<i32>} : memref<80x128xf32, #tpu.memory_space<vmem>>, vector<1x16xf32>,
        %swap3A_466 = vector.shape_cast %swap3A_465 : vector<1x16xf32> to vector<16xf32>
        %swap3A_467 = vector.shape_cast %add3A_462 : vector<16xf32> to vector<1x16xf32>
        tpu.vector_store %arg21[%swap3A_463, %swap3A_464], %swap3A_467 {strides = array<i32>} : memref<80x128xf32, #tpu.memory_space<vmem>>, vector<1x16xf32>,
        %get3A_468 = arith.index_cast %scan3A_371 : i32 to index
        %get3A_469 = arith.constant 112 : index
        %get3A_470 = tpu.vector_load %arg21[%get3A_468, %get3A_469] {strides = array<i32>} : memref<80x128xf32, #tpu.memory_space<vmem>>, vector<1x16xf32>,
        %get3A_471 = vector.shape_cast %get3A_470 : vector<1x16xf32> to vector<16xf32>
        %get3A_472 = arith.index_cast %scan3A_371 : i32 to index
        %get3A_473 = arith.constant 112 : index
        %get3A_474 = tpu.vector_load %arg26[%get3A_472, %get3A_473] {strides = array<i32>} : memref<80x128xf32, #tpu.memory_space<vmem>>, vector<1x16xf32>,
        %get3A_475 = vector.shape_cast %get3A_474 : vector<1x16xf32> to vector<16xf32>
        %add3A_476 = arith.addf %get3A_471, %get3A_475 : vector<16xf32>
        %swap3A_477 = arith.index_cast %scan3A_371 : i32 to index
        %swap3A_478 = arith.constant 112 : index
        %swap3A_479 = tpu.vector_load %arg21[%swap3A_477, %swap3A_478] {strides = array<i32>} : memref<80x128xf32, #tpu.memory_space<vmem>>, vector<1x16xf32>,
        %swap3A_480 = vector.shape_cast %swap3A_479 : vector<1x16xf32> to vector<16xf32>
        %swap3A_481 = vector.shape_cast %add3A_476 : vector<16xf32> to vector<1x16xf32>
        tpu.vector_store %arg21[%swap3A_477, %swap3A_478], %swap3A_481 {strides = array<i32>} : memref<80x128xf32, #tpu.memory_space<vmem>>, vector<1x16xf32>,
        %scan3A_482 = arith.constant 1 : i32
        %scan3A_483 = arith.addi %scan3A_371, %scan3A_482 : i32
        %get3A_484 = arith.index_cast %scan3A_483 : i32 to index
        %get3A_485 = arith.constant 0 : index
        %get3A_486 = tpu.vector_load %arg21[%get3A_484, %get3A_485] {strides = array<i32>} : memref<80x128xf32, #tpu.memory_space<vmem>>, vector<1x16xf32>,
        %get3A_487 = vector.shape_cast %get3A_486 : vector<1x16xf32> to vector<16xf32>
        %get3A_488 = arith.index_cast %scan3A_483 : i32 to index
        %get3A_489 = arith.constant 0 : index
        %get3A_490 = tpu.vector_load %arg26[%get3A_488, %get3A_489] {strides = array<i32>} : memref<80x128xf32, #tpu.memory_space<vmem>>, vector<1x16xf32>,
        %get3A_491 = vector.shape_cast %get3A_490 : vector<1x16xf32> to vector<16xf32>
        %add3A_492 = arith.addf %get3A_487, %get3A_491 : vector<16xf32>
        %swap3A_493 = arith.index_cast %scan3A_483 : i32 to index
        %swap3A_494 = arith.constant 0 : index
        %swap3A_495 = tpu.vector_load %arg21[%swap3A_493, %swap3A_494] {strides = array<i32>} : memref<80x128xf32, #tpu.memory_space<vmem>>, vector<1x16xf32>,
        %swap3A_496 = vector.shape_cast %swap3A_495 : vector<1x16xf32> to vector<16xf32>
        %swap3A_497 = vector.shape_cast %add3A_492 : vector<16xf32> to vector<1x16xf32>
        tpu.vector_store %arg21[%swap3A_493, %swap3A_494], %swap3A_497 {strides = array<i32>} : memref<80x128xf32, #tpu.memory_space<vmem>>, vector<1x16xf32>,
        %get3A_498 = arith.index_cast %scan3A_483 : i32 to index
        %get3A_499 = arith.constant 16 : index
        %get3A_500 = tpu.vector_load %arg21[%get3A_498, %get3A_499] {strides = array<i32>} : memref<80x128xf32, #tpu.memory_space<vmem>>, vector<1x16xf32>,
        %get3A_501 = vector.shape_cast %get3A_500 : vector<1x16xf32> to vector<16xf32>
        %get3A_502 = arith.index_cast %scan3A_483 : i32 to index
        %get3A_503 = arith.constant 16 : index
        %get3A_504 = tpu.vector_load %arg26[%get3A_502, %get3A_503] {strides = array<i32>} : memref<80x128xf32, #tpu.memory_space<vmem>>, vector<1x16xf32>,
        %get3A_505 = vector.shape_cast %get3A_504 : vector<1x16xf32> to vector<16xf32>
        %add3A_506 = arith.addf %get3A_501, %get3A_505 : vector<16xf32>
        %swap3A_507 = arith.index_cast %scan3A_483 : i32 to index
        %swap3A_508 = arith.constant 16 : index
        %swap3A_509 = tpu.vector_load %arg21[%swap3A_507, %swap3A_508] {strides = array<i32>} : memref<80x128xf32, #tpu.memory_space<vmem>>, vector<1x16xf32>,
        %swap3A_510 = vector.shape_cast %swap3A_509 : vector<1x16xf32> to vector<16xf32>
        %swap3A_511 = vector.shape_cast %add3A_506 : vector<16xf32> to vector<1x16xf32>
        tpu.vector_store %arg21[%swap3A_507, %swap3A_508], %swap3A_511 {strides = array<i32>} : memref<80x128xf32, #tpu.memory_space<vmem>>, vector<1x16xf32>,
        %get3A_512 = arith.index_cast %scan3A_483 : i32 to index
        %get3A_513 = arith.constant 32 : index
        %get3A_514 = tpu.vector_load %arg21[%get3A_512, %get3A_513] {strides = array<i32>} : memref<80x128xf32, #tpu.memory_space<vmem>>, vector<1x16xf32>,
        %get3A_515 = vector.shape_cast %get3A_514 : vector<1x16xf32> to vector<16xf32>
        %get3A_516 = arith.index_cast %scan3A_483 : i32 to index
        %get3A_517 = arith.constant 32 : index
        %get3A_518 = tpu.vector_load %arg26[%get3A_516, %get3A_517] {strides = array<i32>} : memref<80x128xf32, #tpu.memory_space<vmem>>, vector<1x16xf32>,
        %get3A_519 = vector.shape_cast %get3A_518 : vector<1x16xf32> to vector<16xf32>
        %add3A_520 = arith.addf %get3A_515, %get3A_519 : vector<16xf32>
        %swap3A_521 = arith.index_cast %scan3A_483 : i32 to index
        %swap3A_522 = arith.constant 32 : index
        %swap3A_523 = tpu.vector_load %arg21[%swap3A_521, %swap3A_522] {strides = array<i32>} : memref<80x128xf32, #tpu.memory_space<vmem>>, vector<1x16xf32>,
        %swap3A_524 = vector.shape_cast %swap3A_523 : vector<1x16xf32> to vector<16xf32>
        %swap3A_525 = vector.shape_cast %add3A_520 : vector<16xf32> to vector<1x16xf32>
        tpu.vector_store %arg21[%swap3A_521, %swap3A_522], %swap3A_525 {strides = array<i32>} : memref<80x128xf32, #tpu.memory_space<vmem>>, vector<1x16xf32>,
        %get3A_526 = arith.index_cast %scan3A_483 : i32 to index
        %get3A_527 = arith.constant 48 : index
        %get3A_528 = tpu.vector_load %arg21[%get3A_526, %get3A_527] {strides = array<i32>} : memref<80x128xf32, #tpu.memory_space<vmem>>, vector<1x16xf32>,
        %get3A_529 = vector.shape_cast %get3A_528 : vector<1x16xf32> to vector<16xf32>
        %get3A_530 = arith.index_cast %scan3A_483 : i32 to index
        %get3A_531 = arith.constant 48 : index
        %get3A_532 = tpu.vector_load %arg26[%get3A_530, %get3A_531] {strides = array<i32>} : memref<80x128xf32, #tpu.memory_space<vmem>>, vector<1x16xf32>,
        %get3A_533 = vector.shape_cast %get3A_532 : vector<1x16xf32> to vector<16xf32>
        %add3A_534 = arith.addf %get3A_529, %get3A_533 : vector<16xf32>
        %swap3A_535 = arith.index_cast %scan3A_483 : i32 to index
        %swap3A_536 = arith.constant 48 : index
        %swap3A_537 = tpu.vector_load %arg21[%swap3A_535, %swap3A_536] {strides = array<i32>} : memref<80x128xf32, #tpu.memory_space<vmem>>, vector<1x16xf32>,
        %swap3A_538 = vector.shape_cast %swap3A_537 : vector<1x16xf32> to vector<16xf32>
        %swap3A_539 = vector.shape_cast %add3A_534 : vector<16xf32> to vector<1x16xf32>
        tpu.vector_store %arg21[%swap3A_535, %swap3A_536], %swap3A_539 {strides = array<i32>} : memref<80x128xf32, #tpu.memory_space<vmem>>, vector<1x16xf32>,
        %get3A_540 = arith.index_cast %scan3A_483 : i32 to index
        %get3A_541 = arith.constant 64 : index
        %get3A_542 = tpu.vector_load %arg21[%get3A_540, %get3A_541] {strides = array<i32>} : memref<80x128xf32, #tpu.memory_space<vmem>>, vector<1x16xf32>,
        %get3A_543 = vector.shape_cast %get3A_542 : vector<1x16xf32> to vector<16xf32>
        %get3A_544 = arith.index_cast %scan3A_483 : i32 to index
        %get3A_545 = arith.constant 64 : index
        %get3A_546 = tpu.vector_load %arg26[%get3A_544, %get3A_545] {strides = array<i32>} : memref<80x128xf32, #tpu.memory_space<vmem>>, vector<1x16xf32>,
        %get3A_547 = vector.shape_cast %get3A_546 : vector<1x16xf32> to vector<16xf32>
        %add3A_548 = arith.addf %get3A_543, %get3A_547 : vector<16xf32>
        %swap3A_549 = arith.index_cast %scan3A_483 : i32 to index
        %swap3A_550 = arith.constant 64 : index
        %swap3A_551 = tpu.vector_load %arg21[%swap3A_549, %swap3A_550] {strides = array<i32>} : memref<80x128xf32, #tpu.memory_space<vmem>>, vector<1x16xf32>,
        %swap3A_552 = vector.shape_cast %swap3A_551 : vector<1x16xf32> to vector<16xf32>
        %swap3A_553 = vector.shape_cast %add3A_548 : vector<16xf32> to vector<1x16xf32>
        tpu.vector_store %arg21[%swap3A_549, %swap3A_550], %swap3A_553 {strides = array<i32>} : memref<80x128xf32, #tpu.memory_space<vmem>>, vector<1x16xf32>,
        %get3A_554 = arith.index_cast %scan3A_483 : i32 to index
        %get3A_555 = arith.constant 80 : index
        %get3A_556 = tpu.vector_load %arg21[%get3A_554, %get3A_555] {strides = array<i32>} : memref<80x128xf32, #tpu.memory_space<vmem>>, vector<1x16xf32>,
        %get3A_557 = vector.shape_cast %get3A_556 : vector<1x16xf32> to vector<16xf32>
        %get3A_558 = arith.index_cast %scan3A_483 : i32 to index
        %get3A_559 = arith.constant 80 : index
        %get3A_560 = tpu.vector_load %arg26[%get3A_558, %get3A_559] {strides = array<i32>} : memref<80x128xf32, #tpu.memory_space<vmem>>, vector<1x16xf32>,
        %get3A_561 = vector.shape_cast %get3A_560 : vector<1x16xf32> to vector<16xf32>
        %add3A_562 = arith.addf %get3A_557, %get3A_561 : vector<16xf32>
        %swap3A_563 = arith.index_cast %scan3A_483 : i32 to index
        %swap3A_564 = arith.constant 80 : index
        %swap3A_565 = tpu.vector_load %arg21[%swap3A_563, %swap3A_564] {strides = array<i32>} : memref<80x128xf32, #tpu.memory_space<vmem>>, vector<1x16xf32>,
        %swap3A_566 = vector.shape_cast %swap3A_565 : vector<1x16xf32> to vector<16xf32>
        %swap3A_567 = vector.shape_cast %add3A_562 : vector<16xf32> to vector<1x16xf32>
        tpu.vector_store %arg21[%swap3A_563, %swap3A_564], %swap3A_567 {strides = array<i32>} : memref<80x128xf32, #tpu.memory_space<vmem>>, vector<1x16xf32>,
        %get3A_568 = arith.index_cast %scan3A_483 : i32 to index
        %get3A_569 = arith.constant 96 : index
        %get3A_570 = tpu.vector_load %arg21[%get3A_568, %get3A_569] {strides = array<i32>} : memref<80x128xf32, #tpu.memory_space<vmem>>, vector<1x16xf32>,
        %get3A_571 = vector.shape_cast %get3A_570 : vector<1x16xf32> to vector<16xf32>
        %get3A_572 = arith.index_cast %scan3A_483 : i32 to index
        %get3A_573 = arith.constant 96 : index
        %get3A_574 = tpu.vector_load %arg26[%get3A_572, %get3A_573] {strides = array<i32>} : memref<80x128xf32, #tpu.memory_space<vmem>>, vector<1x16xf32>,
        %get3A_575 = vector.shape_cast %get3A_574 : vector<1x16xf32> to vector<16xf32>
        %add3A_576 = arith.addf %get3A_571, %get3A_575 : vector<16xf32>
        %swap3A_577 = arith.index_cast %scan3A_483 : i32 to index
        %swap3A_578 = arith.constant 96 : index
        %swap3A_579 = tpu.vector_load %arg21[%swap3A_577, %swap3A_578] {strides = array<i32>} : memref<80x128xf32, #tpu.memory_space<vmem>>, vector<1x16xf32>,
        %swap3A_580 = vector.shape_cast %swap3A_579 : vector<1x16xf32> to vector<16xf32>
        %swap3A_581 = vector.shape_cast %add3A_576 : vector<16xf32> to vector<1x16xf32>
        tpu.vector_store %arg21[%swap3A_577, %swap3A_578], %swap3A_581 {strides = array<i32>} : memref<80x128xf32, #tpu.memory_space<vmem>>, vector<1x16xf32>,
        %get3A_582 = arith.index_cast %scan3A_483 : i32 to index
        %get3A_583 = arith.constant 112 : index
        %get3A_584 = tpu.vector_load %arg21[%get3A_582, %get3A_583] {strides = array<i32>} : memref<80x128xf32, #tpu.memory_space<vmem>>, vector<1x16xf32>,
        %get3A_585 = vector.shape_cast %get3A_584 : vector<1x16xf32> to vector<16xf32>
        %get3A_586 = arith.index_cast %scan3A_483 : i32 to index
        %get3A_587 = arith.constant 112 : index
        %get3A_588 = tpu.vector_load %arg26[%get3A_586, %get3A_587] {strides = array<i32>} : memref<80x128xf32, #tpu.memory_space<vmem>>, vector<1x16xf32>,
        %get3A_589 = vector.shape_cast %get3A_588 : vector<1x16xf32> to vector<16xf32>
        %add3A_590 = arith.addf %get3A_585, %get3A_589 : vector<16xf32>
        %swap3A_591 = arith.index_cast %scan3A_483 : i32 to index
        %swap3A_592 = arith.constant 112 : index
        %swap3A_593 = tpu.vector_load %arg21[%swap3A_591, %swap3A_592] {strides = array<i32>} : memref<80x128xf32, #tpu.memory_space<vmem>>, vector<1x16xf32>,
        %swap3A_594 = vector.shape_cast %swap3A_593 : vector<1x16xf32> to vector<16xf32>
        %swap3A_595 = vector.shape_cast %add3A_590 : vector<16xf32> to vector<1x16xf32>
        tpu.vector_store %arg21[%swap3A_591, %swap3A_592], %swap3A_595 {strides = array<i32>} : memref<80x128xf32, #tpu.memory_space<vmem>>, vector<1x16xf32>,
      }
      %scan3A_276 = arith.constant 80 : i32
      %mul3A_277 = arith.constant 80 : i32
      %mul3A_278 = arith.muli %add3A_264, %mul3A_277 : i32
      %add3A_279 = arith.addi %mul3A_2, %mul3A_278 : i32
      %dma_start3A_280 = arith.constant 0 : i32
      %dma_start3A_281 = tpu.memref_slice %arg6[%add3A_279, %dma_start3A_280] : memref<320000x128xf32, #tpu.memory_space<hbm>> -> memref<80x128xf32, #tpu.memory_space<hbm>>
      %dma_start3A_282 = arith.constant 0 : i32
      %dma_start3A_283 = tpu.memref_slice %arg6[%add3A_279, %dma_start3A_282] : memref<320000x128xf32, #tpu.memory_space<hbm>> -> memref<80x128xf32, #tpu.memory_space<hbm>>
      tpu.enqueue_dma source(%arg21 : memref<80x128xf32, #tpu.memory_space<vmem>>) target(%dma_start3A_283 : memref<80x128xf32, #tpu.memory_space<hbm>>) target_semaphore(%arg51 : memref<!tpu.dma_semaphore, #tpu.memory_space<semaphore_mem>>)
      %add3A_284 = arith.constant 0 : i32
      %add3A_285 = arith.addi %mul3A_79, %add3A_284 : i32
      %mul3A_286 = arith.constant 80 : i32
      %mul3A_287 = arith.muli %add3A_285, %mul3A_286 : i32
      %add3A_288 = arith.addi %mul3A_2, %mul3A_287 : i32
      %dma_wait3A_289 = arith.constant 0 : i32
      %dma_wait3A_290 = tpu.memref_slice %arg6[%add3A_288, %dma_wait3A_289] : memref<320000x128xf32, #tpu.memory_space<hbm>> -> memref<80x128xf32, #tpu.memory_space<hbm>>
      %dma_wait3A_291 = arith.constant 0 : i32
      %dma_wait3A_292 = tpu.memref_slice %arg6[%add3A_288, %dma_wait3A_291] : memref<320000x128xf32, #tpu.memory_space<hbm>> -> memref<80x128xf32, #tpu.memory_space<hbm>>
      tpu.wait_dma2 semaphore(%arg47 : memref<!tpu.dma_semaphore, #tpu.memory_space<semaphore_mem>>) src(%arg17 : memref<80x128xf32, #tpu.memory_space<vmem>>) dst(%dma_wait3A_292 : memref<80x128xf32, #tpu.memory_space<hbm>>)
      %add3A_293 = arith.constant 5 : i32
      %add3A_294 = arith.addi %mul3A_79, %add3A_293 : i32
      %add3A_295 = arith.constant 0 : i32
      %add3A_296 = arith.addi %add3A_294, %add3A_295 : i32
      %lt3A = arith.constant 125 : i32
      %lt3A_297 = arith.cmpi slt, %add3A_296, %lt3A : i32
      %convert_element_type3A = arith.extui %lt3A_297 : i1 to i32
      %cond3A = arith.constant 0 : i32
      %cond3A_298 = arith.cmpi ne, %convert_element_type3A, %cond3A : i32
      scf.if %cond3A_298 {
        %dma_start3A_371 = arith.constant 0 : i32
        %dma_start3A_372 = tpu.memref_slice %arg5[%add3A, %add3A_296, %dma_start3A_371] : memref<32x125x80xi32, #tpu.memory_space<hbm>> -> memref<1x1x80xi32, #tpu.memory_space<hbm>>
        %dma_start3A_373 = tpu.memref_squeeze %dma_start3A_372 : memref<1x1x80xi32, #tpu.memory_space<hbm>> -> memref<80xi32, #tpu.memory_space<hbm>>
        %dma_start3A_374 = arith.constant 0 : i32
        %dma_start3A_375 = tpu.memref_slice %arg5[%add3A, %add3A_296, %dma_start3A_374] : memref<32x125x80xi32, #tpu.memory_space<hbm>> -> memref<1x1x80xi32, #tpu.memory_space<hbm>>
        %dma_start3A_376 = tpu.memref_squeeze %dma_start3A_375 : memref<1x1x80xi32, #tpu.memory_space<hbm>> -> memref<80xi32, #tpu.memory_space<hbm>>
        tpu.enqueue_dma source(%dma_start3A_376 : memref<80xi32, #tpu.memory_space<hbm>>) target(%arg7 : memref<80xi32, #tpu.memory_space<vmem>>) target_semaphore(%arg27 : memref<!tpu.dma_semaphore, #tpu.memory_space<semaphore_mem>>)
        %dma_start3A_377 = arith.constant 0 : i32
        %dma_start3A_378 = tpu.memref_slice %arg4[%add3A, %add3A_296, %dma_start3A_377] : memref<32x125x80xi32, #tpu.memory_space<hbm>> -> memref<1x1x80xi32, #tpu.memory_space<hbm>>
        %dma_start3A_379 = tpu.memref_squeeze %dma_start3A_378 : memref<1x1x80xi32, #tpu.memory_space<hbm>> -> memref<80xi32, #tpu.memory_space<hbm>>
        %dma_start3A_380 = arith.constant 0 : i32
        %dma_start3A_381 = tpu.memref_slice %arg4[%add3A, %add3A_296, %dma_start3A_380] : memref<32x125x80xi32, #tpu.memory_space<hbm>> -> memref<1x1x80xi32, #tpu.memory_space<hbm>>
        %dma_start3A_382 = tpu.memref_squeeze %dma_start3A_381 : memref<1x1x80xi32, #tpu.memory_space<hbm>> -> memref<80xi32, #tpu.memory_space<hbm>>
        tpu.enqueue_dma source(%dma_start3A_382 : memref<80xi32, #tpu.memory_space<hbm>>) target(%arg12 : memref<80xi32, #tpu.memory_space<vmem>>) target_semaphore(%arg32 : memref<!tpu.dma_semaphore, #tpu.memory_space<semaphore_mem>>)
      } else {
      }
      %add3A_299 = arith.constant 1 : i32
      %add3A_300 = arith.addi %mul3A_79, %add3A_299 : i32
      %mul3A_301 = arith.constant 80 : i32
      %mul3A_302 = arith.muli %add3A_300, %mul3A_301 : i32
      %add3A_303 = arith.addi %mul3A_2, %mul3A_302 : i32
      %dma_wait3A_304 = arith.constant 0 : i32
      %dma_wait3A_305 = tpu.memref_slice %arg6[%add3A_303, %dma_wait3A_304] : memref<320000x128xf32, #tpu.memory_space<hbm>> -> memref<80x128xf32, #tpu.memory_space<hbm>>
      %dma_wait3A_306 = arith.constant 0 : i32
      %dma_wait3A_307 = tpu.memref_slice %arg6[%add3A_303, %dma_wait3A_306] : memref<320000x128xf32, #tpu.memory_space<hbm>> -> memref<80x128xf32, #tpu.memory_space<hbm>>
      tpu.wait_dma2 semaphore(%arg48 : memref<!tpu.dma_semaphore, #tpu.memory_space<semaphore_mem>>) src(%arg18 : memref<80x128xf32, #tpu.memory_space<vmem>>) dst(%dma_wait3A_307 : memref<80x128xf32, #tpu.memory_space<hbm>>)
      %add3A_308 = arith.constant 5 : i32
      %add3A_309 = arith.addi %mul3A_79, %add3A_308 : i32
      %add3A_310 = arith.constant 1 : i32
      %add3A_311 = arith.addi %add3A_309, %add3A_310 : i32
      %lt3A_312 = arith.constant 125 : i32
      %lt3A_313 = arith.cmpi slt, %add3A_311, %lt3A_312 : i32
      %convert_element_type3A_314 = arith.extui %lt3A_313 : i1 to i32
      %cond3A_315 = arith.constant 0 : i32
      %cond3A_316 = arith.cmpi ne, %convert_element_type3A_314, %cond3A_315 : i32
      scf.if %cond3A_316 {
        %dma_start3A_371 = arith.constant 0 : i32
        %dma_start3A_372 = tpu.memref_slice %arg5[%add3A, %add3A_311, %dma_start3A_371] : memref<32x125x80xi32, #tpu.memory_space<hbm>> -> memref<1x1x80xi32, #tpu.memory_space<hbm>>
        %dma_start3A_373 = tpu.memref_squeeze %dma_start3A_372 : memref<1x1x80xi32, #tpu.memory_space<hbm>> -> memref<80xi32, #tpu.memory_space<hbm>>
        %dma_start3A_374 = arith.constant 0 : i32
        %dma_start3A_375 = tpu.memref_slice %arg5[%add3A, %add3A_311, %dma_start3A_374] : memref<32x125x80xi32, #tpu.memory_space<hbm>> -> memref<1x1x80xi32, #tpu.memory_space<hbm>>
        %dma_start3A_376 = tpu.memref_squeeze %dma_start3A_375 : memref<1x1x80xi32, #tpu.memory_space<hbm>> -> memref<80xi32, #tpu.memory_space<hbm>>
        tpu.enqueue_dma source(%dma_start3A_376 : memref<80xi32, #tpu.memory_space<hbm>>) target(%arg8 : memref<80xi32, #tpu.memory_space<vmem>>) target_semaphore(%arg28 : memref<!tpu.dma_semaphore, #tpu.memory_space<semaphore_mem>>)
        %dma_start3A_377 = arith.constant 0 : i32
        %dma_start3A_378 = tpu.memref_slice %arg4[%add3A, %add3A_311, %dma_start3A_377] : memref<32x125x80xi32, #tpu.memory_space<hbm>> -> memref<1x1x80xi32, #tpu.memory_space<hbm>>
        %dma_start3A_379 = tpu.memref_squeeze %dma_start3A_378 : memref<1x1x80xi32, #tpu.memory_space<hbm>> -> memref<80xi32, #tpu.memory_space<hbm>>
        %dma_start3A_380 = arith.constant 0 : i32
        %dma_start3A_381 = tpu.memref_slice %arg4[%add3A, %add3A_311, %dma_start3A_380] : memref<32x125x80xi32, #tpu.memory_space<hbm>> -> memref<1x1x80xi32, #tpu.memory_space<hbm>>
        %dma_start3A_382 = tpu.memref_squeeze %dma_start3A_381 : memref<1x1x80xi32, #tpu.memory_space<hbm>> -> memref<80xi32, #tpu.memory_space<hbm>>
        tpu.enqueue_dma source(%dma_start3A_382 : memref<80xi32, #tpu.memory_space<hbm>>) target(%arg13 : memref<80xi32, #tpu.memory_space<vmem>>) target_semaphore(%arg33 : memref<!tpu.dma_semaphore, #tpu.memory_space<semaphore_mem>>)
      } else {
      }
      %add3A_317 = arith.constant 2 : i32
      %add3A_318 = arith.addi %mul3A_79, %add3A_317 : i32
      %mul3A_319 = arith.constant 80 : i32
      %mul3A_320 = arith.muli %add3A_318, %mul3A_319 : i32
      %add3A_321 = arith.addi %mul3A_2, %mul3A_320 : i32
      %dma_wait3A_322 = arith.constant 0 : i32
      %dma_wait3A_323 = tpu.memref_slice %arg6[%add3A_321, %dma_wait3A_322] : memref<320000x128xf32, #tpu.memory_space<hbm>> -> memref<80x128xf32, #tpu.memory_space<hbm>>
      %dma_wait3A_324 = arith.constant 0 : i32
      %dma_wait3A_325 = tpu.memref_slice %arg6[%add3A_321, %dma_wait3A_324] : memref<320000x128xf32, #tpu.memory_space<hbm>> -> memref<80x128xf32, #tpu.memory_space<hbm>>
      tpu.wait_dma2 semaphore(%arg49 : memref<!tpu.dma_semaphore, #tpu.memory_space<semaphore_mem>>) src(%arg19 : memref<80x128xf32, #tpu.memory_space<vmem>>) dst(%dma_wait3A_325 : memref<80x128xf32, #tpu.memory_space<hbm>>)
      %add3A_326 = arith.constant 5 : i32
      %add3A_327 = arith.addi %mul3A_79, %add3A_326 : i32
      %add3A_328 = arith.constant 2 : i32
      %add3A_329 = arith.addi %add3A_327, %add3A_328 : i32
      %lt3A_330 = arith.constant 125 : i32
      %lt3A_331 = arith.cmpi slt, %add3A_329, %lt3A_330 : i32
      %convert_element_type3A_332 = arith.extui %lt3A_331 : i1 to i32
      %cond3A_333 = arith.constant 0 : i32
      %cond3A_334 = arith.cmpi ne, %convert_element_type3A_332, %cond3A_333 : i32
      scf.if %cond3A_334 {
        %dma_start3A_371 = arith.constant 0 : i32
        %dma_start3A_372 = tpu.memref_slice %arg5[%add3A, %add3A_329, %dma_start3A_371] : memref<32x125x80xi32, #tpu.memory_space<hbm>> -> memref<1x1x80xi32, #tpu.memory_space<hbm>>
        %dma_start3A_373 = tpu.memref_squeeze %dma_start3A_372 : memref<1x1x80xi32, #tpu.memory_space<hbm>> -> memref<80xi32, #tpu.memory_space<hbm>>
        %dma_start3A_374 = arith.constant 0 : i32
        %dma_start3A_375 = tpu.memref_slice %arg5[%add3A, %add3A_329, %dma_start3A_374] : memref<32x125x80xi32, #tpu.memory_space<hbm>> -> memref<1x1x80xi32, #tpu.memory_space<hbm>>
        %dma_start3A_376 = tpu.memref_squeeze %dma_start3A_375 : memref<1x1x80xi32, #tpu.memory_space<hbm>> -> memref<80xi32, #tpu.memory_space<hbm>>
        tpu.enqueue_dma source(%dma_start3A_376 : memref<80xi32, #tpu.memory_space<hbm>>) target(%arg9 : memref<80xi32, #tpu.memory_space<vmem>>) target_semaphore(%arg29 : memref<!tpu.dma_semaphore, #tpu.memory_space<semaphore_mem>>)
        %dma_start3A_377 = arith.constant 0 : i32
        %dma_start3A_378 = tpu.memref_slice %arg4[%add3A, %add3A_329, %dma_start3A_377] : memref<32x125x80xi32, #tpu.memory_space<hbm>> -> memref<1x1x80xi32, #tpu.memory_space<hbm>>
        %dma_start3A_379 = tpu.memref_squeeze %dma_start3A_378 : memref<1x1x80xi32, #tpu.memory_space<hbm>> -> memref<80xi32, #tpu.memory_space<hbm>>
        %dma_start3A_380 = arith.constant 0 : i32
        %dma_start3A_381 = tpu.memref_slice %arg4[%add3A, %add3A_329, %dma_start3A_380] : memref<32x125x80xi32, #tpu.memory_space<hbm>> -> memref<1x1x80xi32, #tpu.memory_space<hbm>>
        %dma_start3A_382 = tpu.memref_squeeze %dma_start3A_381 : memref<1x1x80xi32, #tpu.memory_space<hbm>> -> memref<80xi32, #tpu.memory_space<hbm>>
        tpu.enqueue_dma source(%dma_start3A_382 : memref<80xi32, #tpu.memory_space<hbm>>) target(%arg14 : memref<80xi32, #tpu.memory_space<vmem>>) target_semaphore(%arg34 : memref<!tpu.dma_semaphore, #tpu.memory_space<semaphore_mem>>)
      } else {
      }
      %add3A_335 = arith.constant 3 : i32
      %add3A_336 = arith.addi %mul3A_79, %add3A_335 : i32
      %mul3A_337 = arith.constant 80 : i32
      %mul3A_338 = arith.muli %add3A_336, %mul3A_337 : i32
      %add3A_339 = arith.addi %mul3A_2, %mul3A_338 : i32
      %dma_wait3A_340 = arith.constant 0 : i32
      %dma_wait3A_341 = tpu.memref_slice %arg6[%add3A_339, %dma_wait3A_340] : memref<320000x128xf32, #tpu.memory_space<hbm>> -> memref<80x128xf32, #tpu.memory_space<hbm>>
      %dma_wait3A_342 = arith.constant 0 : i32
      %dma_wait3A_343 = tpu.memref_slice %arg6[%add3A_339, %dma_wait3A_342] : memref<320000x128xf32, #tpu.memory_space<hbm>> -> memref<80x128xf32, #tpu.memory_space<hbm>>
      tpu.wait_dma2 semaphore(%arg50 : memref<!tpu.dma_semaphore, #tpu.memory_space<semaphore_mem>>) src(%arg20 : memref<80x128xf32, #tpu.memory_space<vmem>>) dst(%dma_wait3A_343 : memref<80x128xf32, #tpu.memory_space<hbm>>)
      %add3A_344 = arith.constant 5 : i32
      %add3A_345 = arith.addi %mul3A_79, %add3A_344 : i32
      %add3A_346 = arith.constant 3 : i32
      %add3A_347 = arith.addi %add3A_345, %add3A_346 : i32
      %lt3A_348 = arith.constant 125 : i32
      %lt3A_349 = arith.cmpi slt, %add3A_347, %lt3A_348 : i32
      %convert_element_type3A_350 = arith.extui %lt3A_349 : i1 to i32
      %cond3A_351 = arith.constant 0 : i32
      %cond3A_352 = arith.cmpi ne, %convert_element_type3A_350, %cond3A_351 : i32
      scf.if %cond3A_352 {
        %dma_start3A_371 = arith.constant 0 : i32
        %dma_start3A_372 = tpu.memref_slice %arg5[%add3A, %add3A_347, %dma_start3A_371] : memref<32x125x80xi32, #tpu.memory_space<hbm>> -> memref<1x1x80xi32, #tpu.memory_space<hbm>>
        %dma_start3A_373 = tpu.memref_squeeze %dma_start3A_372 : memref<1x1x80xi32, #tpu.memory_space<hbm>> -> memref<80xi32, #tpu.memory_space<hbm>>
        %dma_start3A_374 = arith.constant 0 : i32
        %dma_start3A_375 = tpu.memref_slice %arg5[%add3A, %add3A_347, %dma_start3A_374] : memref<32x125x80xi32, #tpu.memory_space<hbm>> -> memref<1x1x80xi32, #tpu.memory_space<hbm>>
        %dma_start3A_376 = tpu.memref_squeeze %dma_start3A_375 : memref<1x1x80xi32, #tpu.memory_space<hbm>> -> memref<80xi32, #tpu.memory_space<hbm>>
        tpu.enqueue_dma source(%dma_start3A_376 : memref<80xi32, #tpu.memory_space<hbm>>) target(%arg10 : memref<80xi32, #tpu.memory_space<vmem>>) target_semaphore(%arg30 : memref<!tpu.dma_semaphore, #tpu.memory_space<semaphore_mem>>)
        %dma_start3A_377 = arith.constant 0 : i32
        %dma_start3A_378 = tpu.memref_slice %arg4[%add3A, %add3A_347, %dma_start3A_377] : memref<32x125x80xi32, #tpu.memory_space<hbm>> -> memref<1x1x80xi32, #tpu.memory_space<hbm>>
        %dma_start3A_379 = tpu.memref_squeeze %dma_start3A_378 : memref<1x1x80xi32, #tpu.memory_space<hbm>> -> memref<80xi32, #tpu.memory_space<hbm>>
        %dma_start3A_380 = arith.constant 0 : i32
        %dma_start3A_381 = tpu.memref_slice %arg4[%add3A, %add3A_347, %dma_start3A_380] : memref<32x125x80xi32, #tpu.memory_space<hbm>> -> memref<1x1x80xi32, #tpu.memory_space<hbm>>
        %dma_start3A_382 = tpu.memref_squeeze %dma_start3A_381 : memref<1x1x80xi32, #tpu.memory_space<hbm>> -> memref<80xi32, #tpu.memory_space<hbm>>
        tpu.enqueue_dma source(%dma_start3A_382 : memref<80xi32, #tpu.memory_space<hbm>>) target(%arg15 : memref<80xi32, #tpu.memory_space<vmem>>) target_semaphore(%arg35 : memref<!tpu.dma_semaphore, #tpu.memory_space<semaphore_mem>>)
      } else {
      }
      %add3A_353 = arith.constant 4 : i32
      %add3A_354 = arith.addi %mul3A_79, %add3A_353 : i32
      %mul3A_355 = arith.constant 80 : i32
      %mul3A_356 = arith.muli %add3A_354, %mul3A_355 : i32
      %add3A_357 = arith.addi %mul3A_2, %mul3A_356 : i32
      %dma_wait3A_358 = arith.constant 0 : i32
      %dma_wait3A_359 = tpu.memref_slice %arg6[%add3A_357, %dma_wait3A_358] : memref<320000x128xf32, #tpu.memory_space<hbm>> -> memref<80x128xf32, #tpu.memory_space<hbm>>
      %dma_wait3A_360 = arith.constant 0 : i32
      %dma_wait3A_361 = tpu.memref_slice %arg6[%add3A_357, %dma_wait3A_360] : memref<320000x128xf32, #tpu.memory_space<hbm>> -> memref<80x128xf32, #tpu.memory_space<hbm>>
      tpu.wait_dma2 semaphore(%arg51 : memref<!tpu.dma_semaphore, #tpu.memory_space<semaphore_mem>>) src(%arg21 : memref<80x128xf32, #tpu.memory_space<vmem>>) dst(%dma_wait3A_361 : memref<80x128xf32, #tpu.memory_space<hbm>>)
      %add3A_362 = arith.constant 5 : i32
      %add3A_363 = arith.addi %mul3A_79, %add3A_362 : i32
      %add3A_364 = arith.constant 4 : i32
      %add3A_365 = arith.addi %add3A_363, %add3A_364 : i32
      %lt3A_366 = arith.constant 125 : i32
      %lt3A_367 = arith.cmpi slt, %add3A_365, %lt3A_366 : i32
      %convert_element_type3A_368 = arith.extui %lt3A_367 : i1 to i32
      %cond3A_369 = arith.constant 0 : i32
      %cond3A_370 = arith.cmpi ne, %convert_element_type3A_368, %cond3A_369 : i32
      scf.if %cond3A_370 {
        %dma_start3A_371 = arith.constant 0 : i32
        %dma_start3A_372 = tpu.memref_slice %arg5[%add3A, %add3A_365, %dma_start3A_371] : memref<32x125x80xi32, #tpu.memory_space<hbm>> -> memref<1x1x80xi32, #tpu.memory_space<hbm>>
        %dma_start3A_373 = tpu.memref_squeeze %dma_start3A_372 : memref<1x1x80xi32, #tpu.memory_space<hbm>> -> memref<80xi32, #tpu.memory_space<hbm>>
        %dma_start3A_374 = arith.constant 0 : i32
        %dma_start3A_375 = tpu.memref_slice %arg5[%add3A, %add3A_365, %dma_start3A_374] : memref<32x125x80xi32, #tpu.memory_space<hbm>> -> memref<1x1x80xi32, #tpu.memory_space<hbm>>
        %dma_start3A_376 = tpu.memref_squeeze %dma_start3A_375 : memref<1x1x80xi32, #tpu.memory_space<hbm>> -> memref<80xi32, #tpu.memory_space<hbm>>
        tpu.enqueue_dma source(%dma_start3A_376 : memref<80xi32, #tpu.memory_space<hbm>>) target(%arg11 : memref<80xi32, #tpu.memory_space<vmem>>) target_semaphore(%arg31 : memref<!tpu.dma_semaphore, #tpu.memory_space<semaphore_mem>>)
        %dma_start3A_377 = arith.constant 0 : i32
        %dma_start3A_378 = tpu.memref_slice %arg4[%add3A, %add3A_365, %dma_start3A_377] : memref<32x125x80xi32, #tpu.memory_space<hbm>> -> memref<1x1x80xi32, #tpu.memory_space<hbm>>
        %dma_start3A_379 = tpu.memref_squeeze %dma_start3A_378 : memref<1x1x80xi32, #tpu.memory_space<hbm>> -> memref<80xi32, #tpu.memory_space<hbm>>
        %dma_start3A_380 = arith.constant 0 : i32
        %dma_start3A_381 = tpu.memref_slice %arg4[%add3A, %add3A_365, %dma_start3A_380] : memref<32x125x80xi32, #tpu.memory_space<hbm>> -> memref<1x1x80xi32, #tpu.memory_space<hbm>>
        %dma_start3A_382 = tpu.memref_squeeze %dma_start3A_381 : memref<1x1x80xi32, #tpu.memory_space<hbm>> -> memref<80xi32, #tpu.memory_space<hbm>>
        tpu.enqueue_dma source(%dma_start3A_382 : memref<80xi32, #tpu.memory_space<hbm>>) target(%arg16 : memref<80xi32, #tpu.memory_space<vmem>>) target_semaphore(%arg36 : memref<!tpu.dma_semaphore, #tpu.memory_space<semaphore_mem>>)
      } else {
      }
    }
    %scan3A_76 = arith.constant 25 : i32
    return
  }
}

#map = affine_map<(d0, d1) -> (0, 0)>
#map1 = affine_map<(d0, d1) -> (0, 0, 0)>
module attributes {stable_mosaic.version = 14 : i64} {
  func.func @k(%arg0: i32, %arg1: i32, %arg2: memref<320000x128xf32, #tpu.memory_space<hbm>>, %arg3: memref<32x250x40xi32, #tpu.memory_space<hbm>>, %arg4: memref<10000x128xf32, #tpu.memory_space<hbm>>, %arg5: memref<2x10000x128xf32, #tpu.memory_space<hbm>>, %arg6: memref<40xi32, #tpu.memory_space<vmem>>, %arg7: memref<40xi32, #tpu.memory_space<vmem>>, %arg8: memref<40xi32, #tpu.memory_space<vmem>>, %arg9: memref<40xi32, #tpu.memory_space<vmem>>, %arg10: memref<40xi32, #tpu.memory_space<vmem>>, %arg11: memref<40x128xf32, #tpu.memory_space<vmem>>, %arg12: memref<40x128xf32, #tpu.memory_space<vmem>>, %arg13: memref<40x128xf32, #tpu.memory_space<vmem>>, %arg14: memref<40x128xf32, #tpu.memory_space<vmem>>, %arg15: memref<40x128xf32, #tpu.memory_space<vmem>>, %arg16: memref<10000x128xf32, #tpu.memory_space<vmem_shared>>, %arg17: memref<!tpu.dma_semaphore, #tpu.memory_space<semaphore_mem>>, %arg18: memref<!tpu.dma_semaphore, #tpu.memory_space<semaphore_mem>>, %arg19: memref<!tpu.dma_semaphore, #tpu.memory_space<semaphore_mem>>, %arg20: memref<!tpu.dma_semaphore, #tpu.memory_space<semaphore_mem>>, %arg21: memref<!tpu.dma_semaphore, #tpu.memory_space<semaphore_mem>>, %arg22: memref<!tpu.dma_semaphore, #tpu.memory_space<semaphore_mem>>, %arg23: memref<!tpu.dma_semaphore, #tpu.memory_space<semaphore_mem>>, %arg24: memref<!tpu.dma_semaphore, #tpu.memory_space<semaphore_mem>>, %arg25: memref<!tpu.dma_semaphore, #tpu.memory_space<semaphore_mem>>, %arg26: memref<!tpu.dma_semaphore, #tpu.memory_space<semaphore_mem>>, %arg27: memref<!tpu.dma_semaphore, #tpu.memory_space<semaphore_mem>>, %arg28: memref<!tpu.dma_semaphore, #tpu.memory_space<semaphore_mem>>, %arg29: memref<!tpu.dma_semaphore, #tpu.memory_space<semaphore_mem>>, %arg30: memref<!tpu.dma_semaphore, #tpu.memory_space<semaphore_mem>>, %arg31: memref<!tpu.dma_semaphore, #tpu.memory_space<semaphore_mem>>) attributes {dimension_semantics = [#tpu.dimension_semantics<core_parallel>, #tpu.dimension_semantics<subcore_parallel>], iteration_bounds = array<i64: 2, 16>, scalar_prefetch = 0 : i64, scratch_operands = 26 : i64, tpu.core_type = #tpu.core_type<sc_vector_subcore>, window_params = [{transform_indices = #map}, {transform_indices = #map1}, {transform_indices = #map}, {transform_indices = #map1}]} {
    %mul3A = arith.constant 16 : i32
    %mul3A_0 = arith.muli %arg0, %mul3A : i32
    %add3A = arith.addi %mul3A_0, %arg1 : i32
    %mul3A_1 = arith.constant 10000 : i32
    %mul3A_2 = arith.muli %add3A, %mul3A_1 : i32
    %mul3A_3 = arith.constant 624 : i32
    %mul3A_4 = arith.muli %arg1, %mul3A_3 : i32
    "tpu.region"() ({
      %run_scoped3A = tpu.sem_alloc : memref<!tpu.dma_semaphore, #tpu.memory_space<semaphore_mem>>
      %dma_start3A_82 = arith.constant 0 : i32
      %dma_start3A_83 = tpu.memref_slice %arg16[%mul3A_4, %dma_start3A_82] : memref<10000x128xf32, #tpu.memory_space<vmem_shared>> -> memref<624x128xf32, #tpu.memory_space<vmem_shared>>
      %dma_start3A_84 = arith.constant 0 : i32
      %dma_start3A_85 = tpu.memref_slice %arg4[%mul3A_4, %dma_start3A_84] : memref<10000x128xf32, #tpu.memory_space<hbm>> -> memref<624x128xf32, #tpu.memory_space<hbm>>
      tpu.enqueue_dma source(%dma_start3A_85 : memref<624x128xf32, #tpu.memory_space<hbm>>) target(%dma_start3A_83 : memref<624x128xf32, #tpu.memory_space<vmem_shared>>) target_semaphore(%run_scoped3A : memref<!tpu.dma_semaphore, #tpu.memory_space<semaphore_mem>>)
      %dma_wait3A = arith.constant 0 : i32
      %dma_wait3A_86 = tpu.memref_slice %arg16[%mul3A_4, %dma_wait3A] : memref<10000x128xf32, #tpu.memory_space<vmem_shared>> -> memref<624x128xf32, #tpu.memory_space<vmem_shared>>
      %dma_wait3A_87 = arith.constant 0 : i32
      %dma_wait3A_88 = tpu.memref_slice %arg4[%mul3A_4, %dma_wait3A_87] : memref<10000x128xf32, #tpu.memory_space<hbm>> -> memref<624x128xf32, #tpu.memory_space<hbm>>
      tpu.wait_dma2 semaphore(%run_scoped3A : memref<!tpu.dma_semaphore, #tpu.memory_space<semaphore_mem>>) src(%dma_wait3A_88 : memref<624x128xf32, #tpu.memory_space<hbm>>) dst(%dma_wait3A_86 : memref<624x128xf32, #tpu.memory_space<vmem_shared>>)
      tpu.yield
    }) : () -> ()
    %eq3A = arith.constant 15 : i32
    %eq3A_5 = arith.cmpi eq, %arg1, %eq3A : i32
    %convert_element_type3A = arith.extui %eq3A_5 : i1 to i32
    %cond3A = arith.constant 0 : i32
    %cond3A_6 = arith.cmpi ne, %convert_element_type3A, %cond3A : i32
    scf.if %cond3A_6 {
      "tpu.region"() ({
        %run_scoped3A = tpu.sem_alloc : memref<!tpu.dma_semaphore, #tpu.memory_space<semaphore_mem>>
        %dma_start3A_82 = arith.constant 9984 : i32
        %dma_start3A_83 = arith.constant 0 : i32
        %dma_start3A_84 = tpu.memref_slice %arg16[%dma_start3A_82, %dma_start3A_83] : memref<10000x128xf32, #tpu.memory_space<vmem_shared>> -> memref<16x128xf32, #tpu.memory_space<vmem_shared>>
        %dma_start3A_85 = arith.constant 9984 : i32
        %dma_start3A_86 = arith.constant 0 : i32
        %dma_start3A_87 = tpu.memref_slice %arg4[%dma_start3A_85, %dma_start3A_86] : memref<10000x128xf32, #tpu.memory_space<hbm>> -> memref<16x128xf32, #tpu.memory_space<hbm>>
        tpu.enqueue_dma source(%dma_start3A_87 : memref<16x128xf32, #tpu.memory_space<hbm>>) target(%dma_start3A_84 : memref<16x128xf32, #tpu.memory_space<vmem_shared>>) target_semaphore(%run_scoped3A : memref<!tpu.dma_semaphore, #tpu.memory_space<semaphore_mem>>)
        %dma_wait3A = arith.constant 9984 : i32
        %dma_wait3A_88 = arith.constant 0 : i32
        %dma_wait3A_89 = tpu.memref_slice %arg16[%dma_wait3A, %dma_wait3A_88] : memref<10000x128xf32, #tpu.memory_space<vmem_shared>> -> memref<16x128xf32, #tpu.memory_space<vmem_shared>>
        %dma_wait3A_90 = arith.constant 9984 : i32
        %dma_wait3A_91 = arith.constant 0 : i32
        %dma_wait3A_92 = tpu.memref_slice %arg4[%dma_wait3A_90, %dma_wait3A_91] : memref<10000x128xf32, #tpu.memory_space<hbm>> -> memref<16x128xf32, #tpu.memory_space<hbm>>
        tpu.wait_dma2 semaphore(%run_scoped3A : memref<!tpu.dma_semaphore, #tpu.memory_space<semaphore_mem>>) src(%dma_wait3A_92 : memref<16x128xf32, #tpu.memory_space<hbm>>) dst(%dma_wait3A_89 : memref<16x128xf32, #tpu.memory_space<vmem_shared>>)
        tpu.yield
      }) : () -> ()
    } else {
    }
    %barrier3A = arith.constant 0 : index
    tpu.barrier barrier_id(%barrier3A)
    %dma_start3A = arith.constant 0 : i32
    %dma_start3A_7 = arith.constant 0 : i32
    %dma_start3A_8 = tpu.memref_slice %arg3[%add3A, %dma_start3A, %dma_start3A_7] : memref<32x250x40xi32, #tpu.memory_space<hbm>> -> memref<1x1x40xi32, #tpu.memory_space<hbm>>
    %dma_start3A_9 = tpu.memref_squeeze %dma_start3A_8 : memref<1x1x40xi32, #tpu.memory_space<hbm>> -> memref<40xi32, #tpu.memory_space<hbm>>
    %dma_start3A_10 = arith.constant 0 : i32
    %dma_start3A_11 = tpu.memref_slice %arg3[%add3A, %dma_start3A, %dma_start3A_10] : memref<32x250x40xi32, #tpu.memory_space<hbm>> -> memref<1x1x40xi32, #tpu.memory_space<hbm>>
    %dma_start3A_12 = tpu.memref_squeeze %dma_start3A_11 : memref<1x1x40xi32, #tpu.memory_space<hbm>> -> memref<40xi32, #tpu.memory_space<hbm>>
    tpu.enqueue_dma source(%dma_start3A_12 : memref<40xi32, #tpu.memory_space<hbm>>) target(%arg6 : memref<40xi32, #tpu.memory_space<vmem>>) target_semaphore(%arg17 : memref<!tpu.dma_semaphore, #tpu.memory_space<semaphore_mem>>)
    %add3A_13 = arith.constant 0 : i32
    %add3A_14 = arith.addi %mul3A_2, %add3A_13 : i32
    %dma_start3A_15 = arith.constant 0 : i32
    %dma_start3A_16 = tpu.memref_slice %arg2[%add3A_14, %dma_start3A_15] : memref<320000x128xf32, #tpu.memory_space<hbm>> -> memref<40x128xf32, #tpu.memory_space<hbm>>
    %dma_start3A_17 = arith.constant 0 : i32
    %dma_start3A_18 = tpu.memref_slice %arg2[%add3A_14, %dma_start3A_17] : memref<320000x128xf32, #tpu.memory_space<hbm>> -> memref<40x128xf32, #tpu.memory_space<hbm>>
    tpu.enqueue_dma source(%dma_start3A_18 : memref<40x128xf32, #tpu.memory_space<hbm>>) target(%arg11 : memref<40x128xf32, #tpu.memory_space<vmem>>) target_semaphore(%arg22 : memref<!tpu.dma_semaphore, #tpu.memory_space<semaphore_mem>>)
    %dma_start3A_19 = arith.constant 1 : i32
    %dma_start3A_20 = arith.constant 0 : i32
    %dma_start3A_21 = tpu.memref_slice %arg3[%add3A, %dma_start3A_19, %dma_start3A_20] : memref<32x250x40xi32, #tpu.memory_space<hbm>> -> memref<1x1x40xi32, #tpu.memory_space<hbm>>
    %dma_start3A_22 = tpu.memref_squeeze %dma_start3A_21 : memref<1x1x40xi32, #tpu.memory_space<hbm>> -> memref<40xi32, #tpu.memory_space<hbm>>
    %dma_start3A_23 = arith.constant 0 : i32
    %dma_start3A_24 = tpu.memref_slice %arg3[%add3A, %dma_start3A_19, %dma_start3A_23] : memref<32x250x40xi32, #tpu.memory_space<hbm>> -> memref<1x1x40xi32, #tpu.memory_space<hbm>>
    %dma_start3A_25 = tpu.memref_squeeze %dma_start3A_24 : memref<1x1x40xi32, #tpu.memory_space<hbm>> -> memref<40xi32, #tpu.memory_space<hbm>>
    tpu.enqueue_dma source(%dma_start3A_25 : memref<40xi32, #tpu.memory_space<hbm>>) target(%arg7 : memref<40xi32, #tpu.memory_space<vmem>>) target_semaphore(%arg18 : memref<!tpu.dma_semaphore, #tpu.memory_space<semaphore_mem>>)
    %add3A_26 = arith.constant 40 : i32
    %add3A_27 = arith.addi %mul3A_2, %add3A_26 : i32
    %dma_start3A_28 = arith.constant 0 : i32
    %dma_start3A_29 = tpu.memref_slice %arg2[%add3A_27, %dma_start3A_28] : memref<320000x128xf32, #tpu.memory_space<hbm>> -> memref<40x128xf32, #tpu.memory_space<hbm>>
    %dma_start3A_30 = arith.constant 0 : i32
    %dma_start3A_31 = tpu.memref_slice %arg2[%add3A_27, %dma_start3A_30] : memref<320000x128xf32, #tpu.memory_space<hbm>> -> memref<40x128xf32, #tpu.memory_space<hbm>>
    tpu.enqueue_dma source(%dma_start3A_31 : memref<40x128xf32, #tpu.memory_space<hbm>>) target(%arg12 : memref<40x128xf32, #tpu.memory_space<vmem>>) target_semaphore(%arg23 : memref<!tpu.dma_semaphore, #tpu.memory_space<semaphore_mem>>)
    %dma_start3A_32 = arith.constant 2 : i32
    %dma_start3A_33 = arith.constant 0 : i32
    %dma_start3A_34 = tpu.memref_slice %arg3[%add3A, %dma_start3A_32, %dma_start3A_33] : memref<32x250x40xi32, #tpu.memory_space<hbm>> -> memref<1x1x40xi32, #tpu.memory_space<hbm>>
    %dma_start3A_35 = tpu.memref_squeeze %dma_start3A_34 : memref<1x1x40xi32, #tpu.memory_space<hbm>> -> memref<40xi32, #tpu.memory_space<hbm>>
    %dma_start3A_36 = arith.constant 0 : i32
    %dma_start3A_37 = tpu.memref_slice %arg3[%add3A, %dma_start3A_32, %dma_start3A_36] : memref<32x250x40xi32, #tpu.memory_space<hbm>> -> memref<1x1x40xi32, #tpu.memory_space<hbm>>
    %dma_start3A_38 = tpu.memref_squeeze %dma_start3A_37 : memref<1x1x40xi32, #tpu.memory_space<hbm>> -> memref<40xi32, #tpu.memory_space<hbm>>
    tpu.enqueue_dma source(%dma_start3A_38 : memref<40xi32, #tpu.memory_space<hbm>>) target(%arg8 : memref<40xi32, #tpu.memory_space<vmem>>) target_semaphore(%arg19 : memref<!tpu.dma_semaphore, #tpu.memory_space<semaphore_mem>>)
    %add3A_39 = arith.constant 80 : i32
    %add3A_40 = arith.addi %mul3A_2, %add3A_39 : i32
    %dma_start3A_41 = arith.constant 0 : i32
    %dma_start3A_42 = tpu.memref_slice %arg2[%add3A_40, %dma_start3A_41] : memref<320000x128xf32, #tpu.memory_space<hbm>> -> memref<40x128xf32, #tpu.memory_space<hbm>>
    %dma_start3A_43 = arith.constant 0 : i32
    %dma_start3A_44 = tpu.memref_slice %arg2[%add3A_40, %dma_start3A_43] : memref<320000x128xf32, #tpu.memory_space<hbm>> -> memref<40x128xf32, #tpu.memory_space<hbm>>
    tpu.enqueue_dma source(%dma_start3A_44 : memref<40x128xf32, #tpu.memory_space<hbm>>) target(%arg13 : memref<40x128xf32, #tpu.memory_space<vmem>>) target_semaphore(%arg24 : memref<!tpu.dma_semaphore, #tpu.memory_space<semaphore_mem>>)
    %dma_start3A_45 = arith.constant 3 : i32
    %dma_start3A_46 = arith.constant 0 : i32
    %dma_start3A_47 = tpu.memref_slice %arg3[%add3A, %dma_start3A_45, %dma_start3A_46] : memref<32x250x40xi32, #tpu.memory_space<hbm>> -> memref<1x1x40xi32, #tpu.memory_space<hbm>>
    %dma_start3A_48 = tpu.memref_squeeze %dma_start3A_47 : memref<1x1x40xi32, #tpu.memory_space<hbm>> -> memref<40xi32, #tpu.memory_space<hbm>>
    %dma_start3A_49 = arith.constant 0 : i32
    %dma_start3A_50 = tpu.memref_slice %arg3[%add3A, %dma_start3A_45, %dma_start3A_49] : memref<32x250x40xi32, #tpu.memory_space<hbm>> -> memref<1x1x40xi32, #tpu.memory_space<hbm>>
    %dma_start3A_51 = tpu.memref_squeeze %dma_start3A_50 : memref<1x1x40xi32, #tpu.memory_space<hbm>> -> memref<40xi32, #tpu.memory_space<hbm>>
    tpu.enqueue_dma source(%dma_start3A_51 : memref<40xi32, #tpu.memory_space<hbm>>) target(%arg9 : memref<40xi32, #tpu.memory_space<vmem>>) target_semaphore(%arg20 : memref<!tpu.dma_semaphore, #tpu.memory_space<semaphore_mem>>)
    %add3A_52 = arith.constant 120 : i32
    %add3A_53 = arith.addi %mul3A_2, %add3A_52 : i32
    %dma_start3A_54 = arith.constant 0 : i32
    %dma_start3A_55 = tpu.memref_slice %arg2[%add3A_53, %dma_start3A_54] : memref<320000x128xf32, #tpu.memory_space<hbm>> -> memref<40x128xf32, #tpu.memory_space<hbm>>
    %dma_start3A_56 = arith.constant 0 : i32
    %dma_start3A_57 = tpu.memref_slice %arg2[%add3A_53, %dma_start3A_56] : memref<320000x128xf32, #tpu.memory_space<hbm>> -> memref<40x128xf32, #tpu.memory_space<hbm>>
    tpu.enqueue_dma source(%dma_start3A_57 : memref<40x128xf32, #tpu.memory_space<hbm>>) target(%arg14 : memref<40x128xf32, #tpu.memory_space<vmem>>) target_semaphore(%arg25 : memref<!tpu.dma_semaphore, #tpu.memory_space<semaphore_mem>>)
    %dma_start3A_58 = arith.constant 4 : i32
    %dma_start3A_59 = arith.constant 0 : i32
    %dma_start3A_60 = tpu.memref_slice %arg3[%add3A, %dma_start3A_58, %dma_start3A_59] : memref<32x250x40xi32, #tpu.memory_space<hbm>> -> memref<1x1x40xi32, #tpu.memory_space<hbm>>
    %dma_start3A_61 = tpu.memref_squeeze %dma_start3A_60 : memref<1x1x40xi32, #tpu.memory_space<hbm>> -> memref<40xi32, #tpu.memory_space<hbm>>
    %dma_start3A_62 = arith.constant 0 : i32
    %dma_start3A_63 = tpu.memref_slice %arg3[%add3A, %dma_start3A_58, %dma_start3A_62] : memref<32x250x40xi32, #tpu.memory_space<hbm>> -> memref<1x1x40xi32, #tpu.memory_space<hbm>>
    %dma_start3A_64 = tpu.memref_squeeze %dma_start3A_63 : memref<1x1x40xi32, #tpu.memory_space<hbm>> -> memref<40xi32, #tpu.memory_space<hbm>>
    tpu.enqueue_dma source(%dma_start3A_64 : memref<40xi32, #tpu.memory_space<hbm>>) target(%arg10 : memref<40xi32, #tpu.memory_space<vmem>>) target_semaphore(%arg21 : memref<!tpu.dma_semaphore, #tpu.memory_space<semaphore_mem>>)
    %add3A_65 = arith.constant 160 : i32
    %add3A_66 = arith.addi %mul3A_2, %add3A_65 : i32
    %dma_start3A_67 = arith.constant 0 : i32
    %dma_start3A_68 = tpu.memref_slice %arg2[%add3A_66, %dma_start3A_67] : memref<320000x128xf32, #tpu.memory_space<hbm>> -> memref<40x128xf32, #tpu.memory_space<hbm>>
    %dma_start3A_69 = arith.constant 0 : i32
    %dma_start3A_70 = tpu.memref_slice %arg2[%add3A_66, %dma_start3A_69] : memref<320000x128xf32, #tpu.memory_space<hbm>> -> memref<40x128xf32, #tpu.memory_space<hbm>>
    tpu.enqueue_dma source(%dma_start3A_70 : memref<40x128xf32, #tpu.memory_space<hbm>>) target(%arg15 : memref<40x128xf32, #tpu.memory_space<vmem>>) target_semaphore(%arg26 : memref<!tpu.dma_semaphore, #tpu.memory_space<semaphore_mem>>)
    %scan3A = arith.constant 0 : i32
    %scan3A_71 = arith.constant 0 : i32
    %scan3A_72 = arith.constant 50 : i32
    %scan3A_73 = arith.addi %scan3A_71, %scan3A_72 : i32
    %scan3A_74 = arith.constant 1 : i32
    scf.for %scan3A_82 = %scan3A_71 to %scan3A_73 step %scan3A_74  : i32 {
      %mul3A_83 = arith.constant 5 : i32
      %mul3A_84 = arith.muli %scan3A_82, %mul3A_83 : i32
      %add3A_85 = arith.constant 0 : i32
      %add3A_86 = arith.addi %mul3A_84, %add3A_85 : i32
      %dma_wait3A = arith.constant 0 : i32
      %dma_wait3A_87 = tpu.memref_slice %arg3[%add3A, %add3A_86, %dma_wait3A] : memref<32x250x40xi32, #tpu.memory_space<hbm>> -> memref<1x1x40xi32, #tpu.memory_space<hbm>>
      %dma_wait3A_88 = tpu.memref_squeeze %dma_wait3A_87 : memref<1x1x40xi32, #tpu.memory_space<hbm>> -> memref<40xi32, #tpu.memory_space<hbm>>
      %dma_wait3A_89 = arith.constant 0 : i32
      %dma_wait3A_90 = tpu.memref_slice %arg3[%add3A, %add3A_86, %dma_wait3A_89] : memref<32x250x40xi32, #tpu.memory_space<hbm>> -> memref<1x1x40xi32, #tpu.memory_space<hbm>>
      %dma_wait3A_91 = tpu.memref_squeeze %dma_wait3A_90 : memref<1x1x40xi32, #tpu.memory_space<hbm>> -> memref<40xi32, #tpu.memory_space<hbm>>
      tpu.wait_dma2 semaphore(%arg17 : memref<!tpu.dma_semaphore, #tpu.memory_space<semaphore_mem>>) src(%dma_wait3A_91 : memref<40xi32, #tpu.memory_space<hbm>>) dst(%arg6 : memref<40xi32, #tpu.memory_space<vmem>>)
      %mul3A_92 = arith.constant 40 : i32
      %mul3A_93 = arith.muli %add3A_86, %mul3A_92 : i32
      %add3A_94 = arith.addi %mul3A_2, %mul3A_93 : i32
      %dma_wait3A_95 = arith.constant 0 : i32
      %dma_wait3A_96 = tpu.memref_slice %arg2[%add3A_94, %dma_wait3A_95] : memref<320000x128xf32, #tpu.memory_space<hbm>> -> memref<40x128xf32, #tpu.memory_space<hbm>>
      %dma_wait3A_97 = arith.constant 0 : i32
      %dma_wait3A_98 = tpu.memref_slice %arg2[%add3A_94, %dma_wait3A_97] : memref<320000x128xf32, #tpu.memory_space<hbm>> -> memref<40x128xf32, #tpu.memory_space<hbm>>
      tpu.wait_dma2 semaphore(%arg22 : memref<!tpu.dma_semaphore, #tpu.memory_space<semaphore_mem>>) src(%dma_wait3A_98 : memref<40x128xf32, #tpu.memory_space<hbm>>) dst(%arg11 : memref<40x128xf32, #tpu.memory_space<vmem>>)
      %dma_start3A_99 = arith.constant 0 : i32
      %dma_start3A_100 = arith.constant 0 : i32
      %dma_start3A_101 = tpu.memref_slice %arg16[%dma_start3A_99, %dma_start3A_100] : memref<10000x128xf32, #tpu.memory_space<vmem_shared>> -> memref<10000x128xf32, #tpu.memory_space<vmem_shared>>
      tpu.enqueue_indirect_dma source(%arg11 : memref<40x128xf32, #tpu.memory_space<vmem>>) target(%dma_start3A_101 : memref<10000x128xf32, #tpu.memory_space<vmem_shared>>) offsets(%arg6 : memref<40xi32, #tpu.memory_space<vmem>>) semaphore(%arg27 : memref<!tpu.dma_semaphore, #tpu.memory_space<semaphore_mem>>) {add = true}
      %add3A_102 = arith.constant 1 : i32
      %add3A_103 = arith.addi %mul3A_84, %add3A_102 : i32
      %dma_wait3A_104 = arith.constant 0 : i32
      %dma_wait3A_105 = tpu.memref_slice %arg3[%add3A, %add3A_103, %dma_wait3A_104] : memref<32x250x40xi32, #tpu.memory_space<hbm>> -> memref<1x1x40xi32, #tpu.memory_space<hbm>>
      %dma_wait3A_106 = tpu.memref_squeeze %dma_wait3A_105 : memref<1x1x40xi32, #tpu.memory_space<hbm>> -> memref<40xi32, #tpu.memory_space<hbm>>
      %dma_wait3A_107 = arith.constant 0 : i32
      %dma_wait3A_108 = tpu.memref_slice %arg3[%add3A, %add3A_103, %dma_wait3A_107] : memref<32x250x40xi32, #tpu.memory_space<hbm>> -> memref<1x1x40xi32, #tpu.memory_space<hbm>>
      %dma_wait3A_109 = tpu.memref_squeeze %dma_wait3A_108 : memref<1x1x40xi32, #tpu.memory_space<hbm>> -> memref<40xi32, #tpu.memory_space<hbm>>
      tpu.wait_dma2 semaphore(%arg18 : memref<!tpu.dma_semaphore, #tpu.memory_space<semaphore_mem>>) src(%dma_wait3A_109 : memref<40xi32, #tpu.memory_space<hbm>>) dst(%arg7 : memref<40xi32, #tpu.memory_space<vmem>>)
      %mul3A_110 = arith.constant 40 : i32
      %mul3A_111 = arith.muli %add3A_103, %mul3A_110 : i32
      %add3A_112 = arith.addi %mul3A_2, %mul3A_111 : i32
      %dma_wait3A_113 = arith.constant 0 : i32
      %dma_wait3A_114 = tpu.memref_slice %arg2[%add3A_112, %dma_wait3A_113] : memref<320000x128xf32, #tpu.memory_space<hbm>> -> memref<40x128xf32, #tpu.memory_space<hbm>>
      %dma_wait3A_115 = arith.constant 0 : i32
      %dma_wait3A_116 = tpu.memref_slice %arg2[%add3A_112, %dma_wait3A_115] : memref<320000x128xf32, #tpu.memory_space<hbm>> -> memref<40x128xf32, #tpu.memory_space<hbm>>
      tpu.wait_dma2 semaphore(%arg23 : memref<!tpu.dma_semaphore, #tpu.memory_space<semaphore_mem>>) src(%dma_wait3A_116 : memref<40x128xf32, #tpu.memory_space<hbm>>) dst(%arg12 : memref<40x128xf32, #tpu.memory_space<vmem>>)
      %dma_start3A_117 = arith.constant 0 : i32
      %dma_start3A_118 = arith.constant 0 : i32
      %dma_start3A_119 = tpu.memref_slice %arg16[%dma_start3A_117, %dma_start3A_118] : memref<10000x128xf32, #tpu.memory_space<vmem_shared>> -> memref<10000x128xf32, #tpu.memory_space<vmem_shared>>
      tpu.enqueue_indirect_dma source(%arg12 : memref<40x128xf32, #tpu.memory_space<vmem>>) target(%dma_start3A_119 : memref<10000x128xf32, #tpu.memory_space<vmem_shared>>) offsets(%arg7 : memref<40xi32, #tpu.memory_space<vmem>>) semaphore(%arg28 : memref<!tpu.dma_semaphore, #tpu.memory_space<semaphore_mem>>) {add = true}
      %add3A_120 = arith.constant 2 : i32
      %add3A_121 = arith.addi %mul3A_84, %add3A_120 : i32
      %dma_wait3A_122 = arith.constant 0 : i32
      %dma_wait3A_123 = tpu.memref_slice %arg3[%add3A, %add3A_121, %dma_wait3A_122] : memref<32x250x40xi32, #tpu.memory_space<hbm>> -> memref<1x1x40xi32, #tpu.memory_space<hbm>>
      %dma_wait3A_124 = tpu.memref_squeeze %dma_wait3A_123 : memref<1x1x40xi32, #tpu.memory_space<hbm>> -> memref<40xi32, #tpu.memory_space<hbm>>
      %dma_wait3A_125 = arith.constant 0 : i32
      %dma_wait3A_126 = tpu.memref_slice %arg3[%add3A, %add3A_121, %dma_wait3A_125] : memref<32x250x40xi32, #tpu.memory_space<hbm>> -> memref<1x1x40xi32, #tpu.memory_space<hbm>>
      %dma_wait3A_127 = tpu.memref_squeeze %dma_wait3A_126 : memref<1x1x40xi32, #tpu.memory_space<hbm>> -> memref<40xi32, #tpu.memory_space<hbm>>
      tpu.wait_dma2 semaphore(%arg19 : memref<!tpu.dma_semaphore, #tpu.memory_space<semaphore_mem>>) src(%dma_wait3A_127 : memref<40xi32, #tpu.memory_space<hbm>>) dst(%arg8 : memref<40xi32, #tpu.memory_space<vmem>>)
      %mul3A_128 = arith.constant 40 : i32
      %mul3A_129 = arith.muli %add3A_121, %mul3A_128 : i32
      %add3A_130 = arith.addi %mul3A_2, %mul3A_129 : i32
      %dma_wait3A_131 = arith.constant 0 : i32
      %dma_wait3A_132 = tpu.memref_slice %arg2[%add3A_130, %dma_wait3A_131] : memref<320000x128xf32, #tpu.memory_space<hbm>> -> memref<40x128xf32, #tpu.memory_space<hbm>>
      %dma_wait3A_133 = arith.constant 0 : i32
      %dma_wait3A_134 = tpu.memref_slice %arg2[%add3A_130, %dma_wait3A_133] : memref<320000x128xf32, #tpu.memory_space<hbm>> -> memref<40x128xf32, #tpu.memory_space<hbm>>
      tpu.wait_dma2 semaphore(%arg24 : memref<!tpu.dma_semaphore, #tpu.memory_space<semaphore_mem>>) src(%dma_wait3A_134 : memref<40x128xf32, #tpu.memory_space<hbm>>) dst(%arg13 : memref<40x128xf32, #tpu.memory_space<vmem>>)
      %dma_start3A_135 = arith.constant 0 : i32
      %dma_start3A_136 = arith.constant 0 : i32
      %dma_start3A_137 = tpu.memref_slice %arg16[%dma_start3A_135, %dma_start3A_136] : memref<10000x128xf32, #tpu.memory_space<vmem_shared>> -> memref<10000x128xf32, #tpu.memory_space<vmem_shared>>
      tpu.enqueue_indirect_dma source(%arg13 : memref<40x128xf32, #tpu.memory_space<vmem>>) target(%dma_start3A_137 : memref<10000x128xf32, #tpu.memory_space<vmem_shared>>) offsets(%arg8 : memref<40xi32, #tpu.memory_space<vmem>>) semaphore(%arg29 : memref<!tpu.dma_semaphore, #tpu.memory_space<semaphore_mem>>) {add = true}
      %add3A_138 = arith.constant 3 : i32
      %add3A_139 = arith.addi %mul3A_84, %add3A_138 : i32
      %dma_wait3A_140 = arith.constant 0 : i32
      %dma_wait3A_141 = tpu.memref_slice %arg3[%add3A, %add3A_139, %dma_wait3A_140] : memref<32x250x40xi32, #tpu.memory_space<hbm>> -> memref<1x1x40xi32, #tpu.memory_space<hbm>>
      %dma_wait3A_142 = tpu.memref_squeeze %dma_wait3A_141 : memref<1x1x40xi32, #tpu.memory_space<hbm>> -> memref<40xi32, #tpu.memory_space<hbm>>
      %dma_wait3A_143 = arith.constant 0 : i32
      %dma_wait3A_144 = tpu.memref_slice %arg3[%add3A, %add3A_139, %dma_wait3A_143] : memref<32x250x40xi32, #tpu.memory_space<hbm>> -> memref<1x1x40xi32, #tpu.memory_space<hbm>>
      %dma_wait3A_145 = tpu.memref_squeeze %dma_wait3A_144 : memref<1x1x40xi32, #tpu.memory_space<hbm>> -> memref<40xi32, #tpu.memory_space<hbm>>
      tpu.wait_dma2 semaphore(%arg20 : memref<!tpu.dma_semaphore, #tpu.memory_space<semaphore_mem>>) src(%dma_wait3A_145 : memref<40xi32, #tpu.memory_space<hbm>>) dst(%arg9 : memref<40xi32, #tpu.memory_space<vmem>>)
      %mul3A_146 = arith.constant 40 : i32
      %mul3A_147 = arith.muli %add3A_139, %mul3A_146 : i32
      %add3A_148 = arith.addi %mul3A_2, %mul3A_147 : i32
      %dma_wait3A_149 = arith.constant 0 : i32
      %dma_wait3A_150 = tpu.memref_slice %arg2[%add3A_148, %dma_wait3A_149] : memref<320000x128xf32, #tpu.memory_space<hbm>> -> memref<40x128xf32, #tpu.memory_space<hbm>>
      %dma_wait3A_151 = arith.constant 0 : i32
      %dma_wait3A_152 = tpu.memref_slice %arg2[%add3A_148, %dma_wait3A_151] : memref<320000x128xf32, #tpu.memory_space<hbm>> -> memref<40x128xf32, #tpu.memory_space<hbm>>
      tpu.wait_dma2 semaphore(%arg25 : memref<!tpu.dma_semaphore, #tpu.memory_space<semaphore_mem>>) src(%dma_wait3A_152 : memref<40x128xf32, #tpu.memory_space<hbm>>) dst(%arg14 : memref<40x128xf32, #tpu.memory_space<vmem>>)
      %dma_start3A_153 = arith.constant 0 : i32
      %dma_start3A_154 = arith.constant 0 : i32
      %dma_start3A_155 = tpu.memref_slice %arg16[%dma_start3A_153, %dma_start3A_154] : memref<10000x128xf32, #tpu.memory_space<vmem_shared>> -> memref<10000x128xf32, #tpu.memory_space<vmem_shared>>
      tpu.enqueue_indirect_dma source(%arg14 : memref<40x128xf32, #tpu.memory_space<vmem>>) target(%dma_start3A_155 : memref<10000x128xf32, #tpu.memory_space<vmem_shared>>) offsets(%arg9 : memref<40xi32, #tpu.memory_space<vmem>>) semaphore(%arg30 : memref<!tpu.dma_semaphore, #tpu.memory_space<semaphore_mem>>) {add = true}
      %add3A_156 = arith.constant 4 : i32
      %add3A_157 = arith.addi %mul3A_84, %add3A_156 : i32
      %dma_wait3A_158 = arith.constant 0 : i32
      %dma_wait3A_159 = tpu.memref_slice %arg3[%add3A, %add3A_157, %dma_wait3A_158] : memref<32x250x40xi32, #tpu.memory_space<hbm>> -> memref<1x1x40xi32, #tpu.memory_space<hbm>>
      %dma_wait3A_160 = tpu.memref_squeeze %dma_wait3A_159 : memref<1x1x40xi32, #tpu.memory_space<hbm>> -> memref<40xi32, #tpu.memory_space<hbm>>
      %dma_wait3A_161 = arith.constant 0 : i32
      %dma_wait3A_162 = tpu.memref_slice %arg3[%add3A, %add3A_157, %dma_wait3A_161] : memref<32x250x40xi32, #tpu.memory_space<hbm>> -> memref<1x1x40xi32, #tpu.memory_space<hbm>>
      %dma_wait3A_163 = tpu.memref_squeeze %dma_wait3A_162 : memref<1x1x40xi32, #tpu.memory_space<hbm>> -> memref<40xi32, #tpu.memory_space<hbm>>
      tpu.wait_dma2 semaphore(%arg21 : memref<!tpu.dma_semaphore, #tpu.memory_space<semaphore_mem>>) src(%dma_wait3A_163 : memref<40xi32, #tpu.memory_space<hbm>>) dst(%arg10 : memref<40xi32, #tpu.memory_space<vmem>>)
      %mul3A_164 = arith.constant 40 : i32
      %mul3A_165 = arith.muli %add3A_157, %mul3A_164 : i32
      %add3A_166 = arith.addi %mul3A_2, %mul3A_165 : i32
      %dma_wait3A_167 = arith.constant 0 : i32
      %dma_wait3A_168 = tpu.memref_slice %arg2[%add3A_166, %dma_wait3A_167] : memref<320000x128xf32, #tpu.memory_space<hbm>> -> memref<40x128xf32, #tpu.memory_space<hbm>>
      %dma_wait3A_169 = arith.constant 0 : i32
      %dma_wait3A_170 = tpu.memref_slice %arg2[%add3A_166, %dma_wait3A_169] : memref<320000x128xf32, #tpu.memory_space<hbm>> -> memref<40x128xf32, #tpu.memory_space<hbm>>
      tpu.wait_dma2 semaphore(%arg26 : memref<!tpu.dma_semaphore, #tpu.memory_space<semaphore_mem>>) src(%dma_wait3A_170 : memref<40x128xf32, #tpu.memory_space<hbm>>) dst(%arg15 : memref<40x128xf32, #tpu.memory_space<vmem>>)
      %dma_start3A_171 = arith.constant 0 : i32
      %dma_start3A_172 = arith.constant 0 : i32
      %dma_start3A_173 = tpu.memref_slice %arg16[%dma_start3A_171, %dma_start3A_172] : memref<10000x128xf32, #tpu.memory_space<vmem_shared>> -> memref<10000x128xf32, #tpu.memory_space<vmem_shared>>
      tpu.enqueue_indirect_dma source(%arg15 : memref<40x128xf32, #tpu.memory_space<vmem>>) target(%dma_start3A_173 : memref<10000x128xf32, #tpu.memory_space<vmem_shared>>) offsets(%arg10 : memref<40xi32, #tpu.memory_space<vmem>>) semaphore(%arg31 : memref<!tpu.dma_semaphore, #tpu.memory_space<semaphore_mem>>) {add = true}
      %dma_wait3A_174 = arith.constant 0 : i32
      %dma_wait3A_175 = arith.constant 0 : i32
      %dma_wait3A_176 = tpu.memref_slice %arg16[%dma_wait3A_174, %dma_wait3A_175] : memref<10000x128xf32, #tpu.memory_space<vmem_shared>> -> memref<10000x128xf32, #tpu.memory_space<vmem_shared>>
      tpu.wait_indirect_dma semaphore(%arg27 : memref<!tpu.dma_semaphore, #tpu.memory_space<semaphore_mem>>) src(%arg11 : memref<40x128xf32, #tpu.memory_space<vmem>>) dst(%dma_wait3A_176 : memref<10000x128xf32, #tpu.memory_space<vmem_shared>>)
      %add3A_177 = arith.constant 5 : i32
      %add3A_178 = arith.addi %mul3A_84, %add3A_177 : i32
      %add3A_179 = arith.constant 0 : i32
      %add3A_180 = arith.addi %add3A_178, %add3A_179 : i32
      %lt3A = arith.constant 250 : i32
      %lt3A_181 = arith.cmpi slt, %add3A_180, %lt3A : i32
      %convert_element_type3A_182 = arith.extui %lt3A_181 : i1 to i32
      %cond3A_183 = arith.constant 0 : i32
      %cond3A_184 = arith.cmpi ne, %convert_element_type3A_182, %cond3A_183 : i32
      scf.if %cond3A_184 {
        %dma_start3A_233 = arith.constant 0 : i32
        %dma_start3A_234 = tpu.memref_slice %arg3[%add3A, %add3A_180, %dma_start3A_233] : memref<32x250x40xi32, #tpu.memory_space<hbm>> -> memref<1x1x40xi32, #tpu.memory_space<hbm>>
        %dma_start3A_235 = tpu.memref_squeeze %dma_start3A_234 : memref<1x1x40xi32, #tpu.memory_space<hbm>> -> memref<40xi32, #tpu.memory_space<hbm>>
        %dma_start3A_236 = arith.constant 0 : i32
        %dma_start3A_237 = tpu.memref_slice %arg3[%add3A, %add3A_180, %dma_start3A_236] : memref<32x250x40xi32, #tpu.memory_space<hbm>> -> memref<1x1x40xi32, #tpu.memory_space<hbm>>
        %dma_start3A_238 = tpu.memref_squeeze %dma_start3A_237 : memref<1x1x40xi32, #tpu.memory_space<hbm>> -> memref<40xi32, #tpu.memory_space<hbm>>
        tpu.enqueue_dma source(%dma_start3A_238 : memref<40xi32, #tpu.memory_space<hbm>>) target(%arg6 : memref<40xi32, #tpu.memory_space<vmem>>) target_semaphore(%arg17 : memref<!tpu.dma_semaphore, #tpu.memory_space<semaphore_mem>>)
        %mul3A_239 = arith.constant 40 : i32
        %mul3A_240 = arith.muli %add3A_180, %mul3A_239 : i32
        %add3A_241 = arith.addi %mul3A_2, %mul3A_240 : i32
        %dma_start3A_242 = arith.constant 0 : i32
        %dma_start3A_243 = tpu.memref_slice %arg2[%add3A_241, %dma_start3A_242] : memref<320000x128xf32, #tpu.memory_space<hbm>> -> memref<40x128xf32, #tpu.memory_space<hbm>>
        %dma_start3A_244 = arith.constant 0 : i32
        %dma_start3A_245 = tpu.memref_slice %arg2[%add3A_241, %dma_start3A_244] : memref<320000x128xf32, #tpu.memory_space<hbm>> -> memref<40x128xf32, #tpu.memory_space<hbm>>
        tpu.enqueue_dma source(%dma_start3A_245 : memref<40x128xf32, #tpu.memory_space<hbm>>) target(%arg11 : memref<40x128xf32, #tpu.memory_space<vmem>>) target_semaphore(%arg22 : memref<!tpu.dma_semaphore, #tpu.memory_space<semaphore_mem>>)
      } else {
      }
      %dma_wait3A_185 = arith.constant 0 : i32
      %dma_wait3A_186 = arith.constant 0 : i32
      %dma_wait3A_187 = tpu.memref_slice %arg16[%dma_wait3A_185, %dma_wait3A_186] : memref<10000x128xf32, #tpu.memory_space<vmem_shared>> -> memref<10000x128xf32, #tpu.memory_space<vmem_shared>>
      tpu.wait_indirect_dma semaphore(%arg28 : memref<!tpu.dma_semaphore, #tpu.memory_space<semaphore_mem>>) src(%arg12 : memref<40x128xf32, #tpu.memory_space<vmem>>) dst(%dma_wait3A_187 : memref<10000x128xf32, #tpu.memory_space<vmem_shared>>)
      %add3A_188 = arith.constant 5 : i32
      %add3A_189 = arith.addi %mul3A_84, %add3A_188 : i32
      %add3A_190 = arith.constant 1 : i32
      %add3A_191 = arith.addi %add3A_189, %add3A_190 : i32
      %lt3A_192 = arith.constant 250 : i32
      %lt3A_193 = arith.cmpi slt, %add3A_191, %lt3A_192 : i32
      %convert_element_type3A_194 = arith.extui %lt3A_193 : i1 to i32
      %cond3A_195 = arith.constant 0 : i32
      %cond3A_196 = arith.cmpi ne, %convert_element_type3A_194, %cond3A_195 : i32
      scf.if %cond3A_196 {
        %dma_start3A_233 = arith.constant 0 : i32
        %dma_start3A_234 = tpu.memref_slice %arg3[%add3A, %add3A_191, %dma_start3A_233] : memref<32x250x40xi32, #tpu.memory_space<hbm>> -> memref<1x1x40xi32, #tpu.memory_space<hbm>>
        %dma_start3A_235 = tpu.memref_squeeze %dma_start3A_234 : memref<1x1x40xi32, #tpu.memory_space<hbm>> -> memref<40xi32, #tpu.memory_space<hbm>>
        %dma_start3A_236 = arith.constant 0 : i32
        %dma_start3A_237 = tpu.memref_slice %arg3[%add3A, %add3A_191, %dma_start3A_236] : memref<32x250x40xi32, #tpu.memory_space<hbm>> -> memref<1x1x40xi32, #tpu.memory_space<hbm>>
        %dma_start3A_238 = tpu.memref_squeeze %dma_start3A_237 : memref<1x1x40xi32, #tpu.memory_space<hbm>> -> memref<40xi32, #tpu.memory_space<hbm>>
        tpu.enqueue_dma source(%dma_start3A_238 : memref<40xi32, #tpu.memory_space<hbm>>) target(%arg7 : memref<40xi32, #tpu.memory_space<vmem>>) target_semaphore(%arg18 : memref<!tpu.dma_semaphore, #tpu.memory_space<semaphore_mem>>)
        %mul3A_239 = arith.constant 40 : i32
        %mul3A_240 = arith.muli %add3A_191, %mul3A_239 : i32
        %add3A_241 = arith.addi %mul3A_2, %mul3A_240 : i32
        %dma_start3A_242 = arith.constant 0 : i32
        %dma_start3A_243 = tpu.memref_slice %arg2[%add3A_241, %dma_start3A_242] : memref<320000x128xf32, #tpu.memory_space<hbm>> -> memref<40x128xf32, #tpu.memory_space<hbm>>
        %dma_start3A_244 = arith.constant 0 : i32
        %dma_start3A_245 = tpu.memref_slice %arg2[%add3A_241, %dma_start3A_244] : memref<320000x128xf32, #tpu.memory_space<hbm>> -> memref<40x128xf32, #tpu.memory_space<hbm>>
        tpu.enqueue_dma source(%dma_start3A_245 : memref<40x128xf32, #tpu.memory_space<hbm>>) target(%arg12 : memref<40x128xf32, #tpu.memory_space<vmem>>) target_semaphore(%arg23 : memref<!tpu.dma_semaphore, #tpu.memory_space<semaphore_mem>>)
      } else {
      }
      %dma_wait3A_197 = arith.constant 0 : i32
      %dma_wait3A_198 = arith.constant 0 : i32
      %dma_wait3A_199 = tpu.memref_slice %arg16[%dma_wait3A_197, %dma_wait3A_198] : memref<10000x128xf32, #tpu.memory_space<vmem_shared>> -> memref<10000x128xf32, #tpu.memory_space<vmem_shared>>
      tpu.wait_indirect_dma semaphore(%arg29 : memref<!tpu.dma_semaphore, #tpu.memory_space<semaphore_mem>>) src(%arg13 : memref<40x128xf32, #tpu.memory_space<vmem>>) dst(%dma_wait3A_199 : memref<10000x128xf32, #tpu.memory_space<vmem_shared>>)
      %add3A_200 = arith.constant 5 : i32
      %add3A_201 = arith.addi %mul3A_84, %add3A_200 : i32
      %add3A_202 = arith.constant 2 : i32
      %add3A_203 = arith.addi %add3A_201, %add3A_202 : i32
      %lt3A_204 = arith.constant 250 : i32
      %lt3A_205 = arith.cmpi slt, %add3A_203, %lt3A_204 : i32
      %convert_element_type3A_206 = arith.extui %lt3A_205 : i1 to i32
      %cond3A_207 = arith.constant 0 : i32
      %cond3A_208 = arith.cmpi ne, %convert_element_type3A_206, %cond3A_207 : i32
      scf.if %cond3A_208 {
        %dma_start3A_233 = arith.constant 0 : i32
        %dma_start3A_234 = tpu.memref_slice %arg3[%add3A, %add3A_203, %dma_start3A_233] : memref<32x250x40xi32, #tpu.memory_space<hbm>> -> memref<1x1x40xi32, #tpu.memory_space<hbm>>
        %dma_start3A_235 = tpu.memref_squeeze %dma_start3A_234 : memref<1x1x40xi32, #tpu.memory_space<hbm>> -> memref<40xi32, #tpu.memory_space<hbm>>
        %dma_start3A_236 = arith.constant 0 : i32
        %dma_start3A_237 = tpu.memref_slice %arg3[%add3A, %add3A_203, %dma_start3A_236] : memref<32x250x40xi32, #tpu.memory_space<hbm>> -> memref<1x1x40xi32, #tpu.memory_space<hbm>>
        %dma_start3A_238 = tpu.memref_squeeze %dma_start3A_237 : memref<1x1x40xi32, #tpu.memory_space<hbm>> -> memref<40xi32, #tpu.memory_space<hbm>>
        tpu.enqueue_dma source(%dma_start3A_238 : memref<40xi32, #tpu.memory_space<hbm>>) target(%arg8 : memref<40xi32, #tpu.memory_space<vmem>>) target_semaphore(%arg19 : memref<!tpu.dma_semaphore, #tpu.memory_space<semaphore_mem>>)
        %mul3A_239 = arith.constant 40 : i32
        %mul3A_240 = arith.muli %add3A_203, %mul3A_239 : i32
        %add3A_241 = arith.addi %mul3A_2, %mul3A_240 : i32
        %dma_start3A_242 = arith.constant 0 : i32
        %dma_start3A_243 = tpu.memref_slice %arg2[%add3A_241, %dma_start3A_242] : memref<320000x128xf32, #tpu.memory_space<hbm>> -> memref<40x128xf32, #tpu.memory_space<hbm>>
        %dma_start3A_244 = arith.constant 0 : i32
        %dma_start3A_245 = tpu.memref_slice %arg2[%add3A_241, %dma_start3A_244] : memref<320000x128xf32, #tpu.memory_space<hbm>> -> memref<40x128xf32, #tpu.memory_space<hbm>>
        tpu.enqueue_dma source(%dma_start3A_245 : memref<40x128xf32, #tpu.memory_space<hbm>>) target(%arg13 : memref<40x128xf32, #tpu.memory_space<vmem>>) target_semaphore(%arg24 : memref<!tpu.dma_semaphore, #tpu.memory_space<semaphore_mem>>)
      } else {
      }
      %dma_wait3A_209 = arith.constant 0 : i32
      %dma_wait3A_210 = arith.constant 0 : i32
      %dma_wait3A_211 = tpu.memref_slice %arg16[%dma_wait3A_209, %dma_wait3A_210] : memref<10000x128xf32, #tpu.memory_space<vmem_shared>> -> memref<10000x128xf32, #tpu.memory_space<vmem_shared>>
      tpu.wait_indirect_dma semaphore(%arg30 : memref<!tpu.dma_semaphore, #tpu.memory_space<semaphore_mem>>) src(%arg14 : memref<40x128xf32, #tpu.memory_space<vmem>>) dst(%dma_wait3A_211 : memref<10000x128xf32, #tpu.memory_space<vmem_shared>>)
      %add3A_212 = arith.constant 5 : i32
      %add3A_213 = arith.addi %mul3A_84, %add3A_212 : i32
      %add3A_214 = arith.constant 3 : i32
      %add3A_215 = arith.addi %add3A_213, %add3A_214 : i32
      %lt3A_216 = arith.constant 250 : i32
      %lt3A_217 = arith.cmpi slt, %add3A_215, %lt3A_216 : i32
      %convert_element_type3A_218 = arith.extui %lt3A_217 : i1 to i32
      %cond3A_219 = arith.constant 0 : i32
      %cond3A_220 = arith.cmpi ne, %convert_element_type3A_218, %cond3A_219 : i32
      scf.if %cond3A_220 {
        %dma_start3A_233 = arith.constant 0 : i32
        %dma_start3A_234 = tpu.memref_slice %arg3[%add3A, %add3A_215, %dma_start3A_233] : memref<32x250x40xi32, #tpu.memory_space<hbm>> -> memref<1x1x40xi32, #tpu.memory_space<hbm>>
        %dma_start3A_235 = tpu.memref_squeeze %dma_start3A_234 : memref<1x1x40xi32, #tpu.memory_space<hbm>> -> memref<40xi32, #tpu.memory_space<hbm>>
        %dma_start3A_236 = arith.constant 0 : i32
        %dma_start3A_237 = tpu.memref_slice %arg3[%add3A, %add3A_215, %dma_start3A_236] : memref<32x250x40xi32, #tpu.memory_space<hbm>> -> memref<1x1x40xi32, #tpu.memory_space<hbm>>
        %dma_start3A_238 = tpu.memref_squeeze %dma_start3A_237 : memref<1x1x40xi32, #tpu.memory_space<hbm>> -> memref<40xi32, #tpu.memory_space<hbm>>
        tpu.enqueue_dma source(%dma_start3A_238 : memref<40xi32, #tpu.memory_space<hbm>>) target(%arg9 : memref<40xi32, #tpu.memory_space<vmem>>) target_semaphore(%arg20 : memref<!tpu.dma_semaphore, #tpu.memory_space<semaphore_mem>>)
        %mul3A_239 = arith.constant 40 : i32
        %mul3A_240 = arith.muli %add3A_215, %mul3A_239 : i32
        %add3A_241 = arith.addi %mul3A_2, %mul3A_240 : i32
        %dma_start3A_242 = arith.constant 0 : i32
        %dma_start3A_243 = tpu.memref_slice %arg2[%add3A_241, %dma_start3A_242] : memref<320000x128xf32, #tpu.memory_space<hbm>> -> memref<40x128xf32, #tpu.memory_space<hbm>>
        %dma_start3A_244 = arith.constant 0 : i32
        %dma_start3A_245 = tpu.memref_slice %arg2[%add3A_241, %dma_start3A_244] : memref<320000x128xf32, #tpu.memory_space<hbm>> -> memref<40x128xf32, #tpu.memory_space<hbm>>
        tpu.enqueue_dma source(%dma_start3A_245 : memref<40x128xf32, #tpu.memory_space<hbm>>) target(%arg14 : memref<40x128xf32, #tpu.memory_space<vmem>>) target_semaphore(%arg25 : memref<!tpu.dma_semaphore, #tpu.memory_space<semaphore_mem>>)
      } else {
      }
      %dma_wait3A_221 = arith.constant 0 : i32
      %dma_wait3A_222 = arith.constant 0 : i32
      %dma_wait3A_223 = tpu.memref_slice %arg16[%dma_wait3A_221, %dma_wait3A_222] : memref<10000x128xf32, #tpu.memory_space<vmem_shared>> -> memref<10000x128xf32, #tpu.memory_space<vmem_shared>>
      tpu.wait_indirect_dma semaphore(%arg31 : memref<!tpu.dma_semaphore, #tpu.memory_space<semaphore_mem>>) src(%arg15 : memref<40x128xf32, #tpu.memory_space<vmem>>) dst(%dma_wait3A_223 : memref<10000x128xf32, #tpu.memory_space<vmem_shared>>)
      %add3A_224 = arith.constant 5 : i32
      %add3A_225 = arith.addi %mul3A_84, %add3A_224 : i32
      %add3A_226 = arith.constant 4 : i32
      %add3A_227 = arith.addi %add3A_225, %add3A_226 : i32
      %lt3A_228 = arith.constant 250 : i32
      %lt3A_229 = arith.cmpi slt, %add3A_227, %lt3A_228 : i32
      %convert_element_type3A_230 = arith.extui %lt3A_229 : i1 to i32
      %cond3A_231 = arith.constant 0 : i32
      %cond3A_232 = arith.cmpi ne, %convert_element_type3A_230, %cond3A_231 : i32
      scf.if %cond3A_232 {
        %dma_start3A_233 = arith.constant 0 : i32
        %dma_start3A_234 = tpu.memref_slice %arg3[%add3A, %add3A_227, %dma_start3A_233] : memref<32x250x40xi32, #tpu.memory_space<hbm>> -> memref<1x1x40xi32, #tpu.memory_space<hbm>>
        %dma_start3A_235 = tpu.memref_squeeze %dma_start3A_234 : memref<1x1x40xi32, #tpu.memory_space<hbm>> -> memref<40xi32, #tpu.memory_space<hbm>>
        %dma_start3A_236 = arith.constant 0 : i32
        %dma_start3A_237 = tpu.memref_slice %arg3[%add3A, %add3A_227, %dma_start3A_236] : memref<32x250x40xi32, #tpu.memory_space<hbm>> -> memref<1x1x40xi32, #tpu.memory_space<hbm>>
        %dma_start3A_238 = tpu.memref_squeeze %dma_start3A_237 : memref<1x1x40xi32, #tpu.memory_space<hbm>> -> memref<40xi32, #tpu.memory_space<hbm>>
        tpu.enqueue_dma source(%dma_start3A_238 : memref<40xi32, #tpu.memory_space<hbm>>) target(%arg10 : memref<40xi32, #tpu.memory_space<vmem>>) target_semaphore(%arg21 : memref<!tpu.dma_semaphore, #tpu.memory_space<semaphore_mem>>)
        %mul3A_239 = arith.constant 40 : i32
        %mul3A_240 = arith.muli %add3A_227, %mul3A_239 : i32
        %add3A_241 = arith.addi %mul3A_2, %mul3A_240 : i32
        %dma_start3A_242 = arith.constant 0 : i32
        %dma_start3A_243 = tpu.memref_slice %arg2[%add3A_241, %dma_start3A_242] : memref<320000x128xf32, #tpu.memory_space<hbm>> -> memref<40x128xf32, #tpu.memory_space<hbm>>
        %dma_start3A_244 = arith.constant 0 : i32
        %dma_start3A_245 = tpu.memref_slice %arg2[%add3A_241, %dma_start3A_244] : memref<320000x128xf32, #tpu.memory_space<hbm>> -> memref<40x128xf32, #tpu.memory_space<hbm>>
        tpu.enqueue_dma source(%dma_start3A_245 : memref<40x128xf32, #tpu.memory_space<hbm>>) target(%arg15 : memref<40x128xf32, #tpu.memory_space<vmem>>) target_semaphore(%arg26 : memref<!tpu.dma_semaphore, #tpu.memory_space<semaphore_mem>>)
      } else {
      }
    }
    %scan3A_75 = arith.constant 50 : i32
    %barrier3A_76 = arith.constant 0 : index
    tpu.barrier barrier_id(%barrier3A_76)
    "tpu.region"() ({
      %run_scoped3A = tpu.sem_alloc : memref<!tpu.dma_semaphore, #tpu.memory_space<semaphore_mem>>
      %dma_start3A_82 = arith.constant 0 : i32
      %dma_start3A_83 = tpu.memref_slice %arg5[%arg0, %mul3A_4, %dma_start3A_82] : memref<2x10000x128xf32, #tpu.memory_space<hbm>> -> memref<1x624x128xf32, #tpu.memory_space<hbm>>
      %dma_start3A_84 = tpu.memref_squeeze %dma_start3A_83 : memref<1x624x128xf32, #tpu.memory_space<hbm>> -> memref<624x128xf32, #tpu.memory_space<hbm>>
      %dma_start3A_85 = arith.constant 0 : i32
      %dma_start3A_86 = tpu.memref_slice %arg16[%mul3A_4, %dma_start3A_85] : memref<10000x128xf32, #tpu.memory_space<vmem_shared>> -> memref<624x128xf32, #tpu.memory_space<vmem_shared>>
      tpu.enqueue_dma source(%dma_start3A_86 : memref<624x128xf32, #tpu.memory_space<vmem_shared>>) target(%dma_start3A_84 : memref<624x128xf32, #tpu.memory_space<hbm>>) target_semaphore(%run_scoped3A : memref<!tpu.dma_semaphore, #tpu.memory_space<semaphore_mem>>)
      %dma_wait3A = arith.constant 0 : i32
      %dma_wait3A_87 = tpu.memref_slice %arg5[%arg0, %mul3A_4, %dma_wait3A] : memref<2x10000x128xf32, #tpu.memory_space<hbm>> -> memref<1x624x128xf32, #tpu.memory_space<hbm>>
      %dma_wait3A_88 = tpu.memref_squeeze %dma_wait3A_87 : memref<1x624x128xf32, #tpu.memory_space<hbm>> -> memref<624x128xf32, #tpu.memory_space<hbm>>
      %dma_wait3A_89 = arith.constant 0 : i32
      %dma_wait3A_90 = tpu.memref_slice %arg16[%mul3A_4, %dma_wait3A_89] : memref<10000x128xf32, #tpu.memory_space<vmem_shared>> -> memref<624x128xf32, #tpu.memory_space<vmem_shared>>
      tpu.wait_dma2 semaphore(%run_scoped3A : memref<!tpu.dma_semaphore, #tpu.memory_space<semaphore_mem>>) src(%dma_wait3A_90 : memref<624x128xf32, #tpu.memory_space<vmem_shared>>) dst(%dma_wait3A_88 : memref<624x128xf32, #tpu.memory_space<hbm>>)
      tpu.yield
    }) : () -> ()
    %eq3A_77 = arith.constant 15 : i32
    %eq3A_78 = arith.cmpi eq, %arg1, %eq3A_77 : i32
    %convert_element_type3A_79 = arith.extui %eq3A_78 : i1 to i32
    %cond3A_80 = arith.constant 0 : i32
    %cond3A_81 = arith.cmpi ne, %convert_element_type3A_79, %cond3A_80 : i32
    scf.if %cond3A_81 {
      "tpu.region"() ({
        %run_scoped3A = tpu.sem_alloc : memref<!tpu.dma_semaphore, #tpu.memory_space<semaphore_mem>>
        %dma_start3A_82 = arith.constant 9984 : i32
        %dma_start3A_83 = arith.constant 0 : i32
        %dma_start3A_84 = tpu.memref_slice %arg5[%arg0, %dma_start3A_82, %dma_start3A_83] : memref<2x10000x128xf32, #tpu.memory_space<hbm>> -> memref<1x16x128xf32, #tpu.memory_space<hbm>>
        %dma_start3A_85 = tpu.memref_squeeze %dma_start3A_84 : memref<1x16x128xf32, #tpu.memory_space<hbm>> -> memref<16x128xf32, #tpu.memory_space<hbm>>
        %dma_start3A_86 = arith.constant 9984 : i32
        %dma_start3A_87 = arith.constant 0 : i32
        %dma_start3A_88 = tpu.memref_slice %arg16[%dma_start3A_86, %dma_start3A_87] : memref<10000x128xf32, #tpu.memory_space<vmem_shared>> -> memref<16x128xf32, #tpu.memory_space<vmem_shared>>
        tpu.enqueue_dma source(%dma_start3A_88 : memref<16x128xf32, #tpu.memory_space<vmem_shared>>) target(%dma_start3A_85 : memref<16x128xf32, #tpu.memory_space<hbm>>) target_semaphore(%run_scoped3A : memref<!tpu.dma_semaphore, #tpu.memory_space<semaphore_mem>>)
        %dma_wait3A = arith.constant 9984 : i32
        %dma_wait3A_89 = arith.constant 0 : i32
        %dma_wait3A_90 = tpu.memref_slice %arg5[%arg0, %dma_wait3A, %dma_wait3A_89] : memref<2x10000x128xf32, #tpu.memory_space<hbm>> -> memref<1x16x128xf32, #tpu.memory_space<hbm>>
        %dma_wait3A_91 = tpu.memref_squeeze %dma_wait3A_90 : memref<1x16x128xf32, #tpu.memory_space<hbm>> -> memref<16x128xf32, #tpu.memory_space<hbm>>
        %dma_wait3A_92 = arith.constant 9984 : i32
        %dma_wait3A_93 = arith.constant 0 : i32
        %dma_wait3A_94 = tpu.memref_slice %arg16[%dma_wait3A_92, %dma_wait3A_93] : memref<10000x128xf32, #tpu.memory_space<vmem_shared>> -> memref<16x128xf32, #tpu.memory_space<vmem_shared>>
        tpu.wait_dma2 semaphore(%run_scoped3A : memref<!tpu.dma_semaphore, #tpu.memory_space<semaphore_mem>>) src(%dma_wait3A_94 : memref<16x128xf32, #tpu.memory_space<vmem_shared>>) dst(%dma_wait3A_91 : memref<16x128xf32, #tpu.memory_space<hbm>>)
        tpu.yield
      }) : () -> ()
    } else {
    }
    return
  }
}

module attributes {stable_mosaic.version = 14 : i64} {
  func.func @body(%arg0: memref<10000x128xf32, #tpu.memory_space<vmem>>, %arg1: memref<128x128xf32, #tpu.memory_space<vmem>>, %arg2: memref<128x128xf32, #tpu.memory_space<vmem>>, %arg3: memref<10000x128xf32, #tpu.memory_space<vmem>>, %arg4: memref<10000x128xf32, #tpu.memory_space<vmem>>) attributes {dimension_semantics = [], scalar_prefetch = 0 : i64, scratch_operands = 0 : i64, tpu.core_type = #tpu.core_type<tc>} {
    %get3A = arith.constant 0 : index
    %get3A_0 = arith.constant 0 : index
    %get3A_1 = vector.load %arg0[%get3A, %get3A_0] : memref<10000x128xf32, #tpu.memory_space<vmem>>, vector<10000x128xf32>
    %get3A_2 = arith.constant 0 : index
    %get3A_3 = arith.constant 0 : index
    %get3A_4 = vector.load %arg1[%get3A_2, %get3A_3] : memref<128x128xf32, #tpu.memory_space<vmem>>, vector<128x128xf32>
    %dot_general3A = arith.constant dense<0.000000e+00> : vector<10000x128xf32>
    %dot_general3A_5 = tpu.matmul %get3A_1, %get3A_4, %dot_general3A {dimension_numbers = #tpu.dot_dimension_numbers<[1], [0], [0], [1], [0, 0, 1, 1], [], []>, transpose_lhs_hint = false} : vector<10000x128xf32>, vector<128x128xf32>, vector<10000x128xf32> -> vector<10000x128xf32>
    %swap3A = arith.constant 0 : index
    %swap3A_6 = arith.constant 0 : index
    %swap3A_7 = vector.load %arg3[%swap3A, %swap3A_6] : memref<10000x128xf32, #tpu.memory_space<vmem>>, vector<10000x128xf32>
    tpu.vector_store %arg3[%swap3A, %swap3A_6], %dot_general3A_5 {strides = array<i32>} : memref<10000x128xf32, #tpu.memory_space<vmem>>, vector<10000x128xf32>,
    %get3A_8 = arith.constant 0 : index
    %get3A_9 = arith.constant 0 : index
    %get3A_10 = vector.load %arg2[%get3A_8, %get3A_9] : memref<128x128xf32, #tpu.memory_space<vmem>>, vector<128x128xf32>
    %dot_general3A_11 = arith.constant dense<0.000000e+00> : vector<10000x128xf32>
    %dot_general3A_12 = tpu.matmul %get3A_1, %get3A_10, %dot_general3A_11 {dimension_numbers = #tpu.dot_dimension_numbers<[1], [0], [0], [1], [0, 0, 1, 1], [], []>, transpose_lhs_hint = false} : vector<10000x128xf32>, vector<128x128xf32>, vector<10000x128xf32> -> vector<10000x128xf32>
    %swap3A_13 = arith.constant 0 : index
    %swap3A_14 = arith.constant 0 : index
    %swap3A_15 = vector.load %arg4[%swap3A_13, %swap3A_14] : memref<10000x128xf32, #tpu.memory_space<vmem>>, vector<10000x128xf32>
    tpu.vector_store %arg4[%swap3A_13, %swap3A_14], %dot_general3A_12 {strides = array<i32>} : memref<10000x128xf32, #tpu.memory_space<vmem>>, vector<10000x128xf32>,
    return
  }
}

module attributes {stable_mosaic.version = 14 : i64} {
  func.func @body(%arg0: i32, %arg1: memref<4000x128xf32, #tpu.memory_space<vmem>>, %arg2: memref<4000x128xf32, #tpu.memory_space<vmem>>, %arg3: memref<128x128xf32, #tpu.memory_space<vmem>>, %arg4: memref<1x128xf32, #tpu.memory_space<vmem>>, %arg5: memref<128x128xf32, #tpu.memory_space<vmem>>, %arg6: memref<1x128xf32, #tpu.memory_space<vmem>>, %arg7: memref<4000x128xf32, #tpu.memory_space<vmem>>) attributes {dimension_semantics = [#tpu.dimension_semantics<arbitrary>], iteration_bounds = array<i64: 80>, scalar_prefetch = 0 : i64, scratch_operands = 0 : i64, tpu.core_type = #tpu.core_type<tc>, window_params = [{transform_indices = @transform_0, window_bounds = array<i64: 4000, 128>}, {transform_indices = @transform_1, window_bounds = array<i64: 4000, 128>}, {pipeline_mode = #tpu.pipeline_mode<synchronous>, transform_indices = @transform_2, window_bounds = array<i64: 128, 128>}, {pipeline_mode = #tpu.pipeline_mode<synchronous>, transform_indices = @transform_3, window_bounds = array<i64: 1, 128>}, {pipeline_mode = #tpu.pipeline_mode<synchronous>, transform_indices = @transform_4, window_bounds = array<i64: 128, 128>}, {pipeline_mode = #tpu.pipeline_mode<synchronous>, transform_indices = @transform_5, window_bounds = array<i64: 1, 128>}, {transform_indices = @transform_6, window_bounds = array<i64: 4000, 128>}]} {
    %get3A = arith.constant 0 : index
    %get3A_0 = arith.constant 0 : index
    %get3A_1 = vector.load %arg1[%get3A, %get3A_0] : memref<4000x128xf32, #tpu.memory_space<vmem>>, vector<4000x128xf32>
    %get3A_2 = arith.constant 0 : index
    %get3A_3 = arith.constant 0 : index
    %get3A_4 = vector.load %arg3[%get3A_2, %get3A_3] : memref<128x128xf32, #tpu.memory_space<vmem>>, vector<128x128xf32>
    %dot_general3A = arith.constant dense<0.000000e+00> : vector<4000x128xf32>
    %dot_general3A_5 = tpu.matmul %get3A_1, %get3A_4, %dot_general3A {dimension_numbers = #tpu.dot_dimension_numbers<[1], [0], [0], [1], [0, 0, 1, 1], [], []>, transpose_lhs_hint = false} : vector<4000x128xf32>, vector<128x128xf32>, vector<4000x128xf32> -> vector<4000x128xf32>
    %get3A_6 = arith.constant 0 : index
    %get3A_7 = arith.constant 0 : index
    %get3A_8 = vector.load %arg2[%get3A_6, %get3A_7] : memref<4000x128xf32, #tpu.memory_space<vmem>>, vector<4000x128xf32>
    %add3A = arith.addf %dot_general3A_5, %get3A_8 : vector<4000x128xf32>
    %get3A_9 = arith.constant 0 : index
    %get3A_10 = arith.constant 0 : index
    %get3A_11 = vector.load %arg4[%get3A_9, %get3A_10] : memref<1x128xf32, #tpu.memory_space<vmem>>, vector<1x128xf32>
    %add3A_12 = vector.broadcast %get3A_11 : vector<1x128xf32> to vector<4000x128xf32>
    %add3A_13 = arith.addf %add3A, %add3A_12 : vector<4000x128xf32>
    %max3A = arith.constant 0.000000e+00 : f32
    %max3A_14 = vector.broadcast %max3A : f32 to vector<4000x128xf32>
    %max3A_15 = arith.maximumf %add3A_13, %max3A_14 : vector<4000x128xf32>
    %get3A_16 = arith.constant 0 : index
    %get3A_17 = arith.constant 0 : index
    %get3A_18 = vector.load %arg5[%get3A_16, %get3A_17] : memref<128x128xf32, #tpu.memory_space<vmem>>, vector<128x128xf32>
    %dot_general3A_19 = arith.constant dense<0.000000e+00> : vector<4000x128xf32>
    %dot_general3A_20 = tpu.matmul %max3A_15, %get3A_18, %dot_general3A_19 {dimension_numbers = #tpu.dot_dimension_numbers<[1], [0], [0], [1], [0, 0, 1, 1], [], []>, transpose_lhs_hint = false} : vector<4000x128xf32>, vector<128x128xf32>, vector<4000x128xf32> -> vector<4000x128xf32>
    %get3A_21 = arith.constant 0 : index
    %get3A_22 = arith.constant 0 : index
    %get3A_23 = vector.load %arg6[%get3A_21, %get3A_22] : memref<1x128xf32, #tpu.memory_space<vmem>>, vector<1x128xf32>
    %add3A_24 = vector.broadcast %get3A_23 : vector<1x128xf32> to vector<4000x128xf32>
    %add3A_25 = arith.addf %dot_general3A_20, %add3A_24 : vector<4000x128xf32>
    %swap3A = arith.constant 0 : index
    %swap3A_26 = arith.constant 0 : index
    %swap3A_27 = vector.load %arg7[%swap3A, %swap3A_26] : memref<4000x128xf32, #tpu.memory_space<vmem>>, vector<4000x128xf32>
    tpu.vector_store %arg7[%swap3A, %swap3A_26], %add3A_25 {strides = array<i32>} : memref<4000x128xf32, #tpu.memory_space<vmem>>, vector<4000x128xf32>,
    return
  }
  func.func @transform_0(%arg0: i32) -> (i32, i32) {
    %c0_i32 = arith.constant 0 : i32
    %c0_i32_0 = arith.constant 0 : i32
    return %arg0, %c0_i32 : i32, i32
  }
  func.func @transform_1(%arg0: i32) -> (i32, i32) {
    %c0_i32 = arith.constant 0 : i32
    %c0_i32_0 = arith.constant 0 : i32
    return %arg0, %c0_i32 : i32, i32
  }
  func.func @transform_2(%arg0: i32) -> (i32, i32) {
    %c0_i32 = arith.constant 0 : i32
    %c0_i32_0 = arith.constant 0 : i32
    %c0_i32_1 = arith.constant 0 : i32
    return %c0_i32, %c0_i32_0 : i32, i32
  }
  func.func @transform_3(%arg0: i32) -> (i32, i32) {
    %c0_i32 = arith.constant 0 : i32
    %c0_i32_0 = arith.constant 0 : i32
    %c0_i32_1 = arith.constant 0 : i32
    return %c0_i32, %c0_i32_0 : i32, i32
  }
  func.func @transform_4(%arg0: i32) -> (i32, i32) {
    %c0_i32 = arith.constant 0 : i32
    %c0_i32_0 = arith.constant 0 : i32
    %c0_i32_1 = arith.constant 0 : i32
    return %c0_i32, %c0_i32_0 : i32, i32
  }
  func.func @transform_5(%arg0: i32) -> (i32, i32) {
    %c0_i32 = arith.constant 0 : i32
    %c0_i32_0 = arith.constant 0 : i32
    %c0_i32_1 = arith.constant 0 : i32
    return %c0_i32, %c0_i32_0 : i32, i32
  }
  func.func @transform_6(%arg0: i32) -> (i32, i32) {
    %c0_i32 = arith.constant 0 : i32
    %c0_i32_0 = arith.constant 0 : i32
    return %arg0, %c0_i32 : i32, i32
  }
}

module attributes {stable_mosaic.version = 14 : i64} {
  func.func @body(%arg0: memref<10000x128xf32, #tpu.memory_space<vmem>>, %arg1: memref<10000x128xf32, #tpu.memory_space<vmem>>, %arg2: memref<10000x128xf32, #tpu.memory_space<vmem>>, %arg3: memref<128x128xf32, #tpu.memory_space<vmem>>, %arg4: memref<128x128xf32, #tpu.memory_space<vmem>>, %arg5: memref<1x128xf32, #tpu.memory_space<vmem>>, %arg6: memref<128x128xf32, #tpu.memory_space<vmem>>, %arg7: memref<1x128xf32, #tpu.memory_space<vmem>>, %arg8: memref<10000x128xf32, #tpu.memory_space<vmem>>) attributes {dimension_semantics = [], scalar_prefetch = 0 : i64, scratch_operands = 0 : i64, tpu.core_type = #tpu.core_type<tc>} {
    %get3A = arith.constant 0 : index
    %get3A_0 = arith.constant 0 : index
    %get3A_1 = vector.load %arg0[%get3A, %get3A_0] : memref<10000x128xf32, #tpu.memory_space<vmem>>, vector<10000x128xf32>
    %get3A_2 = arith.constant 0 : index
    %get3A_3 = arith.constant 0 : index
    %get3A_4 = vector.load %arg1[%get3A_2, %get3A_3] : memref<10000x128xf32, #tpu.memory_space<vmem>>, vector<10000x128xf32>
    %get3A_5 = arith.constant 0 : index
    %get3A_6 = arith.constant 0 : index
    %get3A_7 = vector.load %arg2[%get3A_5, %get3A_6] : memref<10000x128xf32, #tpu.memory_space<vmem>>, vector<10000x128xf32>
    %add3A = arith.addf %get3A_4, %get3A_7 : vector<10000x128xf32>
    %get3A_8 = arith.constant 0 : index
    %get3A_9 = arith.constant 0 : index
    %get3A_10 = vector.load %arg3[%get3A_8, %get3A_9] : memref<128x128xf32, #tpu.memory_space<vmem>>, vector<128x128xf32>
    %dot_general3A = arith.constant dense<0.000000e+00> : vector<10000x128xf32>
    %dot_general3A_11 = tpu.matmul %get3A_1, %get3A_10, %dot_general3A {dimension_numbers = #tpu.dot_dimension_numbers<[1], [0], [0], [1], [0, 0, 1, 1], [], []>, transpose_lhs_hint = false} : vector<10000x128xf32>, vector<128x128xf32>, vector<10000x128xf32> -> vector<10000x128xf32>
    %get3A_12 = arith.constant 0 : index
    %get3A_13 = arith.constant 0 : index
    %get3A_14 = vector.load %arg4[%get3A_12, %get3A_13] : memref<128x128xf32, #tpu.memory_space<vmem>>, vector<128x128xf32>
    %dot_general3A_15 = arith.constant dense<0.000000e+00> : vector<10000x128xf32>
    %dot_general3A_16 = tpu.matmul %add3A, %get3A_14, %dot_general3A_15 {dimension_numbers = #tpu.dot_dimension_numbers<[1], [0], [0], [1], [0, 0, 1, 1], [], []>, transpose_lhs_hint = false} : vector<10000x128xf32>, vector<128x128xf32>, vector<10000x128xf32> -> vector<10000x128xf32>
    %add3A_17 = arith.addf %dot_general3A_11, %dot_general3A_16 : vector<10000x128xf32>
    %get3A_18 = arith.constant 0 : index
    %get3A_19 = arith.constant 0 : index
    %get3A_20 = vector.load %arg5[%get3A_18, %get3A_19] : memref<1x128xf32, #tpu.memory_space<vmem>>, vector<1x128xf32>
    %add3A_21 = vector.broadcast %get3A_20 : vector<1x128xf32> to vector<10000x128xf32>
    %add3A_22 = arith.addf %add3A_17, %add3A_21 : vector<10000x128xf32>
    %max3A = arith.constant 0.000000e+00 : f32
    %max3A_23 = vector.broadcast %max3A : f32 to vector<10000x128xf32>
    %max3A_24 = arith.maximumf %add3A_22, %max3A_23 : vector<10000x128xf32>
    %get3A_25 = arith.constant 0 : index
    %get3A_26 = arith.constant 0 : index
    %get3A_27 = vector.load %arg6[%get3A_25, %get3A_26] : memref<128x128xf32, #tpu.memory_space<vmem>>, vector<128x128xf32>
    %dot_general3A_28 = arith.constant dense<0.000000e+00> : vector<10000x128xf32>
    %dot_general3A_29 = tpu.matmul %max3A_24, %get3A_27, %dot_general3A_28 {dimension_numbers = #tpu.dot_dimension_numbers<[1], [0], [0], [1], [0, 0, 1, 1], [], []>, transpose_lhs_hint = false} : vector<10000x128xf32>, vector<128x128xf32>, vector<10000x128xf32> -> vector<10000x128xf32>
    %add3A_30 = arith.addf %get3A_1, %dot_general3A_29 : vector<10000x128xf32>
    %get3A_31 = arith.constant 0 : index
    %get3A_32 = arith.constant 0 : index
    %get3A_33 = vector.load %arg7[%get3A_31, %get3A_32] : memref<1x128xf32, #tpu.memory_space<vmem>>, vector<1x128xf32>
    %add3A_34 = vector.broadcast %get3A_33 : vector<1x128xf32> to vector<10000x128xf32>
    %add3A_35 = arith.addf %add3A_30, %add3A_34 : vector<10000x128xf32>
    %swap3A = arith.constant 0 : index
    %swap3A_36 = arith.constant 0 : index
    %swap3A_37 = vector.load %arg8[%swap3A, %swap3A_36] : memref<10000x128xf32, #tpu.memory_space<vmem>>, vector<10000x128xf32>
    tpu.vector_store %arg8[%swap3A, %swap3A_36], %add3A_35 {strides = array<i32>} : memref<10000x128xf32, #tpu.memory_space<vmem>>, vector<10000x128xf32>,
    return
  }
}

</mosaic_0001>

<sc_bundles>
// kernel: kernel.10.cloned.1.call-start
scs
__scs_entry_jumppad:
0x0: {  	(pc) =	sbr.rel $0x88, $3  }
0x1: {  	(tag) =	ssettag $0x0;
	lr =	simm.s32 $0x1  }
0x2: {  	[smem:$0x3F95] =	sst lr;
	_ =	strace $0xD0000000  }
0x3: {  	_ = 	snop  }
0x4: {  	_ = 	snop  }
0x5: {  	_ = 	snop  }
0x6: {  	_ = 	snop  }
0x7: {  	_ = 	snop  }
__scs_overlays_trampoline_lowered:
0x8: {  	[smem:$0x3FA4] =	sst s0  }
0x9: {  	[smem:$0x3FA5] =	sst s1  }
0xa: {  	[smem:$0x3FA6] =	sst s2  }
0xb: {  	[smem:$0x3FA7] =	sst s3  }
0xc: {  	[smem:$0x3FA8] =	sst s4  }
0xd: {  	[smem:$0x3FA9] =	sst s5  }
0xe: {  	[smem:$0x3FAA] =	sst s6  }
0xf: {  	[smem:$0x3FAB] =	sst s7  }
0x10: {  	[smem:$0x3FAC] =	sst s8  }
0x11: {  	[smem:$0x3FAD] =	sst s9;
	s0 =	simm.s32 @!p0 $0x0  }
0x12: {  	s1 =	sld [smem:$0x3F93];
	s0 =	simm.s32 @p0 $0x1  }
0x13: {  	[smem:$0x3FAE] =	sst s0;
	s0 =	simm.s32 @!p1 $0x0  }
0x14: {  	s2 =	sld [smem:$0x3F92];
	s0 =	simm.s32 @p1 $0x1  }
0x15: {  	[smem:$0x3FAF] =	sst s0;
	s0 =	simm.s32 @!p2 $0x0  }
0x16: {  	s3 =	sld [smem:$0x3FDB];
	s0 =	simm.s32 @p2 $0x1  }
0x17: {  	s4 =	simm.s32 $0x1BF5;
	[smem:$0x3FB1] =	sst s0  }
0x18: {  	s0 =	sld [smem:$0x3F94];
	_ =	swait.ge [sflag:s4], $0x0  }
0x19: {  	s7 =	sld [smem:$0x3F95]  }
0x1a: {  	s8 =	sadd.s32 $0xFFFFE003, lr  }
0x1b: {  	s9 =	sadd.s32 $0xFFFFFEF7, lr;
	s5 =	simm.s32 $0xFFFFFFFF;
	p2 =	slt.u32 s8, $0xFFFFF086  }
0x1c: {  	p1 =	slt.u32 s9, $0xF7A;
	s5 =	simm.s32 @!p2 $0x0  }
0x1d: {  	s5 =	simm.s32 @p1 $0x1;
	p0 =	seq.s32 s7, s2  }
0x1e: {  	s7 =	smul.u32 @!p0 $0xF7A, s2;
	p2 =	seq.s32 @!p0 s5, $0x0  }
0x1f: {  	s9 =	smul.u32 $0xF7A, s1;
	s8 =	simm.s32 @!p0 $0x1BF5;
	p2 =	por !p2, p0  }
0x20: {  	[sflag:s8] =	ssyncset.s32 @!p0 $0xFFFFF086;
	s6 =	sadd.s32 @!p0 s3, s7;
	s7 =	simm.s32 @!p0 $0x108  }
0x21: {  	s3 =	sadd.s32 s3, s9;
	s6 =	sadd.s32 @!p0 $0x88, s6;
	s7 =	simm.s32 @p2 $0x1082  }
0x22: {  	[simem:s7], [sflag:s8] =	dma.local @!p0 [hbm:s6], $0xF7A  }
0x23: {  	s9 =	sor.u32 $0xD0000000, s2;
	s6 =	simm.s32 $0x108;
	_ =	swait.ge @!p0 [sflag:s8], $0x0  }
0x24: {  	s3 =	sadd.s32 $0x88, s3;
	s6 =	simm.s32 @!p1 $0x1082;
	[sflag:s4] =	ssyncset.s32 $0xFFFFF086  }
0x25: {  	[simem:s6], [sflag:s4] =	dma.local [hbm:s3], $0xF7A  }
0x26: {  	[smem:$0x3F95] =	sst s1;
	(tag) =	ssettag s2;
	_ =	strace s9  }
0x27: {  	s1 =	sld [smem:$0x3FA5]  }
0x28: {  	s2 =	sld [smem:$0x3FA6]  }
0x29: {  	s4 =	sld [smem:$0x3FA8]  }
0x2a: {  	p0 =	seq.s32 s5, $0x0;
	s5 =	sld [smem:$0x3FA9]  }
0x2b: {  	s6 =	sld [smem:$0x3FAA]  }
0x2c: {  	s7 =	sld [smem:$0x3FAB]  }
0x2d: {  	s3 =	simm.s32 $0x108;
	s8 =	sld [smem:$0x3FAC]  }
0x2e: {  	s3 =	simm.s32 @!p0 $0x1082;
	s9 =	sld [smem:$0x3FAD]  }
0x2f: {  	lr =	sadd.s32 s0, s3;
	s0 =	sld [smem:$0x3FA4]  }
0x30: {  	s3 =	sld [smem:$0x3FA7]  }
0x31: {  	[smem:$0x3FB0] =	sst s10  }
0x32: {  	s10 =	sld [smem:$0x3FAE];
	_ =	sdelay $0x3  }
0x33: {  	p0 =	seq.s32 s10, $0x1;
	s10 =	sld [smem:$0x3FB0];
	_ =	sdelay $0x3  }
0x34: {  	[smem:$0x3FB0] =	sst s10  }
0x35: {  	s10 =	sld [smem:$0x3FAF];
	_ =	sdelay $0x3  }
0x36: {  	p1 =	seq.s32 s10, $0x1;
	s10 =	sld [smem:$0x3FB0];
	_ =	sdelay $0x3  }
0x37: {  	[smem:$0x3FB0] =	sst s10  }
0x38: {  	s10 =	sld [smem:$0x3FB1]  }
0x39: {  	_ = 	snop;
	(pc) =	sbr.ind lr, $3  }
0x3a: {  	_ = 	snop  }
0x3b: {  	_ = 	snop  }
0x3c: {  	p2 =	seq.s32 s10, $0x1;
	s10 =	sld [smem:$0x3FB0]  }
0x3d: {  	_ =	shalt  }
0x3e: {  	_ =	shalt  }
0x3f: {  	_ =	shalt  }
0x40: {  	_ =	shalt  }
0x41: {  	_ =	shalt  }
0x42: {  	_ =	shalt  }
0x43: {  	_ =	shalt  }
0x44: {  	_ =	shalt  }
0x45: {  	_ =	shalt  }
0x46: {  	_ =	shalt  }
0x47: {  	_ =	shalt  }
0x48: {  	_ =	shalt  }
0x49: {  	_ =	shalt  }
0x4a: {  	_ =	shalt  }
0x4b: {  	_ =	shalt  }
0x4c: {  	_ =	shalt  }
0x4d: {  	_ =	shalt  }
0x4e: {  	_ =	shalt  }
0x4f: {  	_ =	shalt  }
0x50: {  	_ =	shalt  }
0x51: {  	_ =	shalt  }
0x52: {  	_ =	shalt  }
0x53: {  	_ =	shalt  }
0x54: {  	_ =	shalt  }
0x55: {  	_ =	shalt  }
0x56: {  	_ =	shalt  }
0x57: {  	_ =	shalt  }
0x58: {  	_ =	shalt  }
0x59: {  	_ =	shalt  }
0x5a: {  	_ =	shalt  }
0x5b: {  	_ =	shalt  }
0x5c: {  	_ =	shalt  }
0x5d: {  	_ =	shalt  }
0x5e: {  	_ =	shalt  }
0x5f: {  	_ =	shalt  }
0x60: {  	_ =	shalt  }
0x61: {  	_ =	shalt  }
0x62: {  	_ =	shalt  }
0x63: {  	_ =	shalt  }
0x64: {  	_ =	shalt  }
0x65: {  	_ =	shalt  }
0x66: {  	_ =	shalt  }
0x67: {  	_ =	shalt  }
0x68: {  	_ =	shalt  }
0x69: {  	_ =	shalt  }
0x6a: {  	_ =	shalt  }
0x6b: {  	_ =	shalt  }
0x6c: {  	_ =	shalt  }
0x6d: {  	_ =	shalt  }
0x6e: {  	_ =	shalt  }
0x6f: {  	_ =	shalt  }
0x70: {  	_ =	shalt  }
0x71: {  	_ =	shalt  }
0x72: {  	_ =	shalt  }
0x73: {  	_ =	shalt  }
0x74: {  	_ =	shalt  }
0x75: {  	_ =	shalt  }
0x76: {  	_ =	shalt  }
0x77: {  	_ =	shalt  }
0x78: {  	_ =	shalt  }
0x79: {  	_ =	shalt  }
0x7a: {  	_ =	shalt  }
0x7b: {  	_ =	shalt  }
0x7c: {  	_ =	shalt  }
0x7d: {  	_ =	shalt  }
0x7e: {  	_ =	shalt  }
0x7f: {  	_ =	shalt  }
0x80: {  	_ =	shalt  }
0x81: {  	_ =	shalt  }
0x82: {  	_ =	shalt  }
0x83: {  	_ =	shalt  }
0x84: {  	_ =	shalt  }
0x85: {  	_ =	shalt  }
0x86: {  	_ =	shalt  }
0x87: {  	_ =	shalt  }
.Lfunc_end0:
.L_simem_size_0:
called_computation.1_lowered:
.L_overlay_start_0:
0x88: {  	s2 =	sld [smem:$0x3FD9]  }
0x89: {  	s3 =	sld [smem:$0x3FFE];
	_ =	sdelay $0x1  }
0x8a: {  	s1 =	srdreg.scid  }
0x8b: {  	s0 =	sand.u32 $0x1, s1  }
0x8c: {  	s14 =	sshll.u32 s0, $0xA;
	s2 =	sadd.s32 s3, s2  }
0x8d: {  	s2 =	sadd.s32 s2, s14  }
0x8e: {  	[smem:$0x3FBC] =	sst s2  }
0x8f: {  	_ = 	snop  }
0x90: {  	s2 =	sld [smem:$0x3FD0];
	_ =	sdelay $0x2  }
0x91: {  	s15 =	simm.s32 $0xA;
	s4 =	simm.s32 $0x10  }
0x92: {  	[smem:s4], [sflag:s15] =	dma.local [hbm:s2], $0x1  }
0x93: {  	_ =	swait.eq [sflag:s15], $0x1  }
0x94: {  	[sflag:s15] =	ssyncset.done $0x0  }
0x95: {  	s16 =	sld [smem:$0x10];
	[sflag:s15] =	ssyncadd.s32 $0xFFFFFFFF  }
0x96: {  	s17 =	sld [smem:$0x11];
	(tm) =	ssettm $0x1  }
0x97: {  	s18 =	sld [smem:$0x3FFB];
	_ =	sdelay $0x3  }
0x98: {  	_ =	strace s18  }
0x99: {  	s4 =	sld [smem:$0x3FFC];
	_ =	sdelay $0x3  }
0x9a: {  	_ =	strace s4  }
0x9b: {  	s4 =	sld [smem:$0x3FFD];
	_ =	sdelay $0x3  }
0x9c: {  	_ =	strace s4  }
0x9d: {  	_ =	strace $0x8FFFFFFF  }
0x9e: {  	s19 =	sld [smem:$0x3FDB];
	_ =	sdelay $0x1  }
0x9f: {  	s5 =	simm.s32 $_scs_section_size  }
0xa0: {  	s6 =	simm.s32 $_size__tile_overlayer_lowered;
	s7 =	simm.s32 $_tile_overlayer_lowered  }
0xa1: {  	s22 =	simm.s32 $0x1BFF;
	s21 =	sshll.u32 s7, $0x1;
	s4 =	sadd.s32 s5, s19  }
0xa2: {  	s8 =	simm.s32 $0x0;
	s20 =	sshll.u32 s6, $0x1;
	s6 =	sadd.s32 s21, s4  }
0xa3: {  	[timem:s8], [sflag:s22] =	dma.local [hbm:s6], s20  }
0xa4: {  	_ =	swait.ge [sflag:s22], s20  }
0xa5: {  	s5 =	ssub.s32 $0x0, s20;
	[sflag:s22] =	ssyncset.done $0x0  }
0xa6: {  	[sflag:s22] =	ssyncadd.s32 s5;
	_ =	sdelay $0x1  }
0xa7: {  	s23 =	simm.s32 $0x1B8B  }
0xa8: {  	_ =	swait.ge [sflag:s23], $0x1  }
0xa9: {  	[sflag:s23] =	ssyncset.done $0x0  }
0xaa: {  	s25 =	simm.s32 $0x1B8E;
	s24 =	sld [smem:$0x3FFE];
	[sflag:s23] =	ssyncadd.s32 $0xFFFFFFFF  }
0xab: {  	s26 =	simm.s32 $execute0_lowered;
	[smem:$0x3FD2] =	sst s25  }
0xac: {  	s6 =	sshll.u32 s26, $0x1;
	_ =	strace $0x80000049;
	[dreg:$0x1] =	wrdreg $0xFFFFFFFF  }
0xad: {  	s28 =	simm.s32 $_size_execute0_lowered;
	s4 =	sadd.s32 s4, s6;
	[dreg:$0x0] =	wrdreg $0x0  }
0xae: {  	s6 =	sshll.u32 s28, $0x1;
	[dreg:$0x2] =	wrdreg s4  }
0xaf: {  	[dreg:$0x3] =	wrdreg s6  }
0xb0: {  	[dreg:$0x4] =	wrdreg $0xC0  }
0xb1: {  	_ =	task [dreg:s8], $0x5FFFF  }
0xb2: {  	[dreg:$0x1] =	wrdreg $0xFFFFFFFF  }
0xb3: {  	[dreg:$0x0] =	wrdreg $0x60  }
0xb4: {  	[dreg:$0x2] =	wrdreg s17  }
0xb5: {  	[dreg:$0x3] =	wrdreg s24  }
0xb6: {  	[dreg:$0x4] =	wrdreg s16  }
0xb7: {  	[dreg:$0x5] =	wrdreg $0x66800  }
0xb8: {  	[dreg:$0x6] =	wrdreg $0x9  }
0xb9: {  	_ =	task.clear_ibuf [dreg:s8], $0x7FFFF;
	_ =	strace $0x90000049  }
0xba: {  	s29 =	simm.s32 $0x9;
	_ =	strace $0x8000004B  }
0xbb: {  	_ =	swait.ge [sflag:s29], $0x1  }
0xbc: {  	[sflag:s29] =	ssyncadd.s32 $0xFFFFFFFF  }
0xbd: {  	_ =	strace $0x9000004B  }
0xbe: {  	_ =	sfence  }
0xbf: {  	s30 =	sld [smem:$0x0];
	_ =	sdelay $0x2  }
0xc0: {  	s31 =	sshll.u32 s1, $0xD;
	s1 =	sshrl.u32 s1, $0x2  }
0xc1: {  	s3 =	sand.u32 $0x4000, s31;
	s1 =	sadd.s32 s1, s30  }
0xc2: {  	s0 =	sor.u32 s3, s0;
	s1 =	sshll.u32 s1, $0x11  }
0xc3: {  	s0 =	sor.u32 s1, s0  }
0xc4: {  	s0 =	sadd.s32 $0x8F2B, s0  }
0xc5: {  	[sflag:s0] =	ssyncadd.remote.s32 $0x1  }
0xc6: {  	_ =	sfence.sel $0xFFFF  }
0xc7: {  	[dreg:$0x0] =	wrdreg $0xFFFFFFFF;
	(pc) =	sbr.abs _section_cstart, $3  }
0xc8: {  	[dreg:$0x1] =	wrdreg $0xFFFFFFFF  }
0xc9: {  	_ =	task.clear_ibuf [dreg:s8], $0x2FFFF;
	_ =	strace $0x9FFFFFFF  }
0xca: {  	(tm) =	ssettm $0x7FFFFFFF  }
0xcb: {  	_ =	shalt  }
tec
execute0_lowered:
.L_overlay_start_1:
0x0: {  	(tag) =	ssettag $0x1  }
0x1: {  	s0 =	rddreg [dreg:$0x0]  }
0x2: {  	s2 =	rddreg [dreg:$0x1]  }
0x3: {  	s5 =	rddreg [dreg:$0x2]  }
0x4: {  	s1 =	rddreg [dreg:$0x3];
	s3 =	simm.s32 $0x0;
	s4 =	srdreg.scid  }
0x5: {  	s13 =	stileid.u32;
	s28 =	simm.s32 $0x10;
	s29 =	simm.s32 $0x280  }
0x6: {  	s30 =	simm.s32 $0x80;
	s31 =	simm.s32 $0x100;
	[smem:$0x7FF] =	sst s3  }
0x7: {  	s6 =	sand.u32 $0x1, s4;
	s8 =	smul.u32 $0x4E000, s13;
	s4 =	sadd.s32 $0x505800, s2  }
0x8: {  	s11 =	smul.u32 $0x13800, s13;
	s2 =	sadd.s32 $0x3000, s2;
	s22 =	sshll.u32 s13, $0x6  }
0x9: {  	s23 =	sadd.s32 $0x138000, s1;
	p0 =	sne.s32 s13, $0xF;
	_ =	strace $0x8000004A  }
0xa: {  	s7 =	ssub.s32 $0x2, s6;
	s20 =	sshll.u32 s6, $0x4;
	s15 =	smul.u32 $0x138800, s6  }
0xb: {  	s25 =	sor.u32 $0x1C10, s22;
	[dreg:$0x8] =	wrdreg s23;
	s6 =	smul.u32 $0x271000, s6  }
0xc: {  	s22 =	smul.u32 $0x27100, s13;
	s9 =	sshrl.u32 s7, $0x1;
	s8 =	sshrl.u32 s8, $0x2  }
0xd: {  	s10 =	sshrl.u32 s11, $0x3;
	[dreg:$0x7] =	wrdreg s25;
	s8 =	sadd.s32 s8, s1  }
0xe: {  	s7 =	ssub.s32 s7, s9;
	s21 =	sadd.s32 s5, s10;
	[dreg:$0x5] =	wrdreg s8  }
0xf: {  	s9 =	sor.u32 s13, s20;
	s5 =	sadd.s32 $0x27000, s5;
	[dreg:$0x6] =	wrdreg s21  }
0x10: {  	s13 =	simm.s32 $0x2;
	s24 =	smul.u32 $0x138800, s9;
	[dreg:$0x9] =	wrdreg s5  }
0x11: {  	s26 =	sshll.u32 s9, $0xC;
	s12 =	smul.u32 $0x27100, s9;
	s10 =	sshll.u32 s9, $0xF  }
0x12: {  	s21 =	sadd.s32 s11, s15;
	s8 =	sshrl.u32 s15, $0x3;
	s14 =	sadd.s32 s4, s26  }
0x13: {  	s15 =	simm.s32 $0x3;
	s26 =	smax.u32 s7, $0x1;
	[dreg:$0xa] =	wrdreg s14  }
0x14: {  	s11 =	simm.s32 $0xE;
	s12 =	sadd.s32 s0, s12;
	[dreg:$0x16] =	wrdreg s26  }
0x15: {  	s9 =	sshrl.u32 s24, $0x3;
	s16 =	sadd.s32 $0x10, s14;
	[dreg:$0xb] =	wrdreg s12  }
0x16: {  	s18 =	sadd.s32 $0x20, s14;
	s20 =	sadd.s32 $0x30, s14;
	[dreg:$0xc] =	wrdreg s16  }
0x17: {  	s24 =	sadd.s32 $0x40, s14;
	s26 =	simm.s32 $0x1680;
	[dreg:$0xe] =	wrdreg s18  }
0x18: {  	s14 =	simm.s32 $0x7;
	s5 =	sadd.s32 s0, s9;
	[dreg:$0x10] =	wrdreg s20  }
0x19: {  	s9 =	sshrl.u32 s21, $0x3;
	s0 =	sadd.s32 s6, s0;
	[dreg:$0x13] =	wrdreg s24  }
0x1a: {  	s6 =	simm.s32 $0x200;
	s12 =	simm.s32 $0x28;
	s16 =	simm.s32 $0x8  }
0x1b: {  	s18 =	simm.s32 $0x9;
	s20 =	simm.s32 $0xA;
	s21 =	simm.s32 $0xB  }
0x1c: {  	s24 =	simm.s32 $0xF;
	s17 =	sadd.s32 $0x280, s5;
	s19 =	sadd.s32 $0x500, s5  }
0x1d: {  	s9 =	sadd.s32 s2, s9;
	s2 =	sadd.s32 s2, s8;
	[dreg:$0xd] =	wrdreg s17  }
0x1e: {  	s23 =	sadd.s32 $0x780, s5;
	s5 =	sadd.s32 $0xA00, s5;
	[dreg:$0xf] =	wrdreg s19  }
0x1f: {  	s0 =	sadd.s32 s22, s0;
	s8 =	simm.s32 $0x5280;
	[dreg:$0x11] =	wrdreg s9  }
.Ltmp0:
0x20: {  	s22 =	simm.s32 $0xC;
	[dreg:$0x12] =	wrdreg s23;
	(pc) =	sbr.rel .LBB2_1-.Ltmp0, $4  }
0x21: {  	[dreg:$0x14] =	wrdreg s5;
	s2 =	sadd.s32 $0x27000, s2;
	s0 =	sadd.s32 $0x1680, s0  }
0x22: {  	s5 =	simm.s32 $0x3E80;
	s17 =	simm.s32 $0x4;
	s19 =	simm.s32 $0x5  }
0x23: {  	s23 =	simm.s32 $0xD;
	s9 =	simm.s32 $0x0;
	[dreg:$0x15] =	wrdreg s2  }
0x24: {  	[dreg:$0x17] =	wrdreg s0;
	s0 =	simm.s32 $0x2A80;
	s2 =	simm.s32 $0x180  }
.LBB2_4:
0x25: {  	_ =	swait.ge [sflag:s22], $0x1400  }
0x26: {  	[sflag:s22] =	ssyncset.done $0x0  }
0x27: {  	[sflag:s22] =	ssyncadd.s32 $0xFFFFEC00  }
0x28: {  	_ =	swait.ge [sflag:s23], $0x1400  }
0x29: {  	[sflag:s23] =	ssyncset.done $0x0  }
0x2a: {  	[sflag:s23] =	ssyncadd.s32 $0xFFFFEC00  }
0x2b: {  	_ =	swait.ge [sflag:s11], $0x1400  }
0x2c: {  	[sflag:s11] =	ssyncset.done $0x0  }
0x2d: {  	[sflag:s11] =	ssyncadd.s32 $0xFFFFEC00  }
0x2e: {  	_ =	swait.ge [sflag:s24], $0x1400  }
0x2f: {  	[sflag:s24] =	ssyncset.done $0x0  }
0x30: {  	[sflag:s24] =	ssyncadd.s32 $0xFFFFEC00  }
0x31: {  	[bflag:$0x0] =	sbarrier.arrive $0xFFFF  }
0x32: {  	s25 =	rddreg [dreg:$0x7]  }
0x33: {  	s7 =	rddreg [dreg:$0x11]  }
0x34: {  	s0 =	rddreg [dreg:$0x19]  }
0x35: {  	[hbm:s7], [sflag:s25] =	dma.local [spmem:s0], $0x2700  }
0x36: {  	_ =	swait.ge [sflag:s28], $0x2700  }
0x37: {  	[sflag:s28] =	ssyncset.done $0x0;
	s7 =	rddreg [dreg:$0x15]  }
0x38: {  	s0 =	rddreg [dreg:$0x1a];
	[sflag:s28] =	ssyncadd.s32 $0xFFFFD900  }
0x39: {  	[hbm:s7], [sflag:s25] =	dma.local @!p0 [spmem:s0], $0x100  }
0x3a: {  	s7 =	simm.s32 @!p0 $0x10  }
0x3b: {  	_ =	swait.ge @!p0 [sflag:s7], $0x100  }
0x3c: {  	s9 =	rddreg [dreg:$0x18]  }
0x3d: {  	s26 =	rddreg [dreg:$0x16];
	s9 =	sadd.s32 $0x1, s9  }
0x3e: {  	p1 =	sne.s32 s9, s26  }
.Ltmp1:
0x3f: {  	_ = 	snop;
	(pc) =	sbr.rel @!p1 .LBB2_5-.Ltmp1, $4  }
0x40: {  	_ = 	snop  }
0x41: {  	s31 =	simm.s32 $0x100;
	s2 =	simm.s32 $0x180;
	s5 =	simm.s32 $0x3E80  }
0x42: {  	s6 =	simm.s32 $0x200;
	s8 =	simm.s32 $0x5280;
	[sflag:s7] =	ssyncset.done @!p0 $0x0  }
0x43: {  	s0 =	simm.s32 $0x2A80;
	[sflag:s7] =	ssyncadd.s32 @!p0 $0xFFFFFF00;
	s26 =	simm.s32 $0x1680  }
.LBB2_1:
0x44: {  	[dreg:$0x18] =	wrdreg s9  }
0x45: {  	s7 =	rddreg [dreg:$0x5]  }
0x46: {  	s9 =	sshrl.u32 s7, $0x3;
	s7 =	rddreg [dreg:$0x6]  }
0x47: {  	[dreg:$0x19] =	wrdreg s9  }
0x48: {  	[spmem:s9], [sflag:s25] =	dma.local [hbm:s7], $0x2700  }
0x49: {  	_ =	swait.ge [sflag:s28], $0x2700  }
0x4a: {  	s7 =	rddreg [dreg:$0x8]  }
0x4b: {  	[sflag:s28] =	ssyncset.done $0x0;
	s9 =	sshrl.u32 @!p0 s7, $0x3;
	s7 =	rddreg [dreg:$0x9]  }
0x4c: {  	[sflag:s28] =	ssyncadd.s32 $0xFFFFD900;
	[dreg:$0x1a] =	wrdreg s9  }
0x4d: {  	[spmem:s9], [sflag:s25] =	dma.local @!p0 [hbm:s7], $0x100  }
0x4e: {  	s7 =	simm.s32 @!p0 $0x10  }
0x4f: {  	_ =	swait.ge @!p0 [sflag:s7], $0x100  }
0x50: {  	[sflag:s7] =	ssyncset.done @!p0 $0x0  }
0x51: {  	[sflag:s7] =	ssyncadd.s32 @!p0 $0xFFFFFF00  }
0x52: {  	[bflag:$0x0] =	sbarrier.arrive $0xFFFF  }
0x53: {  	s9 =	rddreg [dreg:$0xa]  }
0x54: {  	[tilespmem:s3], [sflag:$0x1] =	stream.linear.gather [hbm4b:s9+s3], $0x80, $0x38;
	[tilespmem:$0x19F00] =	vst v63  }
0x55: {  	s25 =	rddreg [dreg:$0xb]  }
0x56: {  	[tilespmem:s29], [sflag:$0x6] =	stream.linear.gather [hbm4b:s25+s3], $0x1400, $0x38;
	[tilespmem:$0x19F00] =	vst v63  }
0x57: {  	s9 =	rddreg [dreg:$0xc]  }
0x58: {  	[tilespmem:s30], [sflag:$0x2] =	stream.linear.gather [hbm4b:s9+s3], $0x80, $0x38;
	[tilespmem:$0x19F00] =	vst v63  }
0x59: {  	s25 =	rddreg [dreg:$0xd]  }
0x5a: {  	[tilespmem:s26], [sflag:$0x7] =	stream.linear.gather [hbm4b:s25+s3], $0x1400, $0x38;
	[tilespmem:$0x19F00] =	vst v63  }
0x5b: {  	s9 =	rddreg [dreg:$0xe]  }
0x5c: {  	[tilespmem:s31], [sflag:$0x3] =	stream.linear.gather [hbm4b:s9+s3], $0x80, $0x38;
	[tilespmem:$0x19F00] =	vst v63  }
0x5d: {  	s25 =	rddreg [dreg:$0xf]  }
0x5e: {  	[tilespmem:s0], [sflag:$0x8] =	stream.linear.gather [hbm4b:s25+s3], $0x1400, $0x38;
	[tilespmem:$0x19F00] =	vst v63  }
0x5f: {  	s9 =	rddreg [dreg:$0x10]  }
0x60: {  	[tilespmem:s2], [sflag:$0x4] =	stream.linear.gather [hbm4b:s9+s3], $0x80, $0x38;
	[tilespmem:$0x19F00] =	vst v63  }
0x61: {  	s25 =	rddreg [dreg:$0x12]  }
0x62: {  	[tilespmem:s5], [sflag:$0x9] =	stream.linear.gather [hbm4b:s25+s3], $0x1400, $0x38;
	[tilespmem:$0x19F00] =	vst v63  }
0x63: {  	s9 =	rddreg [dreg:$0x13]  }
0x64: {  	[tilespmem:s6], [sflag:$0x5] =	stream.linear.gather [hbm4b:s9+s3], $0x80, $0x38;
	[tilespmem:$0x19F00] =	vst v63  }
0x65: {  	s25 =	rddreg [dreg:$0x14]  }
0x66: {  	[tilespmem:s8], [sflag:$0xA] =	stream.linear.gather [hbm4b:s25+s3], $0x1400, $0x38;
	[tilespmem:$0x19F00] =	vst v63  }
0x67: {  	s7 =	rddreg [dreg:$0x17];
	s25 =	simm.s32 $0x0  }
.LBB2_2:
0x68: {  	s9 =	simm.s32 $0x1  }
0x69: {  	_ =	swait.ge [sflag:s9], $0x80  }
0x6a: {  	[sflag:s9] =	ssyncset.done $0x0  }
0x6b: {  	[sflag:s9] =	ssyncadd.s32 $0xFFFFFF80;
	s9 =	simm.s32 $0x6  }
0x6c: {  	_ =	swait.ge [sflag:s9], $0x1400  }
0x6d: {  	[sflag:s9] =	ssyncset.done $0x0  }
0x6e: {  	[sflag:s9] =	ssyncadd.s32 $0xFFFFEC00  }
0x6f: {  	[spmem:s1] =	stream.indirect.scatter.add.f32 [tilespmem:s29], [sflag:$0xB], $0x80, s3, s12, $0xb8;
	[tilespmem:$0x19F00] =	vst v63  }
0x70: {  	_ =	swait.ge [sflag:s13], $0x80  }
0x71: {  	[sflag:s13] =	ssyncset.done $0x0  }
0x72: {  	[sflag:s13] =	ssyncadd.s32 $0xFFFFFF80  }
0x73: {  	_ =	swait.ge [sflag:s14], $0x1400  }
0x74: {  	[sflag:s14] =	ssyncset.done $0x0  }
0x75: {  	[sflag:s14] =	ssyncadd.s32 $0xFFFFEC00  }
0x76: {  	[spmem:s1] =	stream.indirect.scatter.add.f32 [tilespmem:s26], [sflag:$0xC], $0x80, s30, s12, $0xb8;
	[tilespmem:$0x19F00] =	vst v63  }
0x77: {  	_ =	swait.ge [sflag:s15], $0x80  }
0x78: {  	[sflag:s15] =	ssyncset.done $0x0  }
0x79: {  	[sflag:s15] =	ssyncadd.s32 $0xFFFFFF80  }
0x7a: {  	_ =	swait.ge [sflag:s16], $0x1400  }
0x7b: {  	[sflag:s16] =	ssyncset.done $0x0  }
0x7c: {  	[sflag:s16] =	ssyncadd.s32 $0xFFFFEC00  }
0x7d: {  	[spmem:s1] =	stream.indirect.scatter.add.f32 [tilespmem:s0], [sflag:$0xD], $0x80, s31, s12, $0xb8;
	[tilespmem:$0x19F00] =	vst v63  }
0x7e: {  	_ =	swait.ge [sflag:s17], $0x80  }
0x7f: {  	[sflag:s17] =	ssyncset.done $0x0  }
0x80: {  	[sflag:s17] =	ssyncadd.s32 $0xFFFFFF80  }
0x81: {  	_ =	swait.ge [sflag:s18], $0x1400  }
0x82: {  	[sflag:s18] =	ssyncset.done $0x0  }
0x83: {  	[sflag:s18] =	ssyncadd.s32 $0xFFFFEC00  }
0x84: {  	[spmem:s1] =	stream.indirect.scatter.add.f32 [tilespmem:s5], [sflag:$0xE], $0x80, s2, s12, $0xb8;
	[tilespmem:$0x19F00] =	vst v63  }
0x85: {  	_ =	swait.ge [sflag:s19], $0x80  }
0x86: {  	[sflag:s19] =	ssyncset.done $0x0  }
0x87: {  	[sflag:s19] =	ssyncadd.s32 $0xFFFFFF80  }
0x88: {  	_ =	swait.ge [sflag:s20], $0x1400  }
0x89: {  	p1 =	seq.s32 s25, $0x7A80;
	[sflag:s20] =	ssyncset.done $0x0  }
.Ltmp2:
0x8a: {  	s9 =	simm.s32 $0x5280;
	[sflag:s20] =	ssyncadd.s32 $0xFFFFEC00;
	(pc) =	sbr.rel @p1 .LBB2_4-.Ltmp2, $4  }
0x8b: {  	[spmem:s1] =	stream.indirect.scatter.add.f32 [tilespmem:s8], [sflag:$0xF], $0x80, s6, s12, $0xb8;
	[tilespmem:$0x19F00] =	vst v63  }
0x8c: {  	s0 =	simm.s32 $0x100;
	s31 =	simm.s32 $0x1680;
	_ =	swait.ge [sflag:s21], $0x1400  }
0x8d: {  	s5 =	simm.s32 $0x180;
	s2 =	simm.s32 $0x2A80;
	[sflag:s21] =	ssyncset.done $0x0  }
0x8e: {  	s8 =	simm.s32 $0x200;
	s6 =	simm.s32 $0x3E80;
	[sflag:s21] =	ssyncadd.s32 $0xFFFFEC00  }
0x8f: {  	s26 =	sadd.s32 $0x280, s25  }
0x90: {  	s28 =	sand.u32 $0x1FC00, s26  }
0x91: {  	s29 =	sand.u32 $0x380, s26;
	s28 =	sadd.s32 s10, s28  }
0x92: {  	s28 =	sor.u32 s29, s28  }
0x93: {  	s28 =	sshrl.u32 s28, $0x3  }
0x94: {  	s28 =	sadd.s32 s4, s28  }
0x95: {  	[tilespmem:s3], [sflag:$0x1] =	stream.linear.gather [hbm4b:s28+s3], $0x80, $0x38;
	[tilespmem:$0x19F00] =	vst v63  }
0x96: {  	s30 =	simm.s32 $0x280;
	s28 =	sadd.s32 $0xFFFFF600, s7  }
0x97: {  	[tilespmem:s30], [sflag:$0x6] =	stream.linear.gather [hbm4b:s28+s3], $0x1400, $0x38;
	[tilespmem:$0x19F00] =	vst v63  }
0x98: {  	s28 =	sadd.s32 $0x300, s25  }
0x99: {  	s29 =	sand.u32 $0x1FC00, s28  }
0x9a: {  	s28 =	sand.u32 $0x380, s28;
	s29 =	sadd.s32 s10, s29  }
0x9b: {  	_ =	swait.ge [sflag:s22], $0x1400;
	s28 =	sor.u32 s28, s29  }
0x9c: {  	[sflag:s22] =	ssyncset.done $0x0;
	s28 =	sshrl.u32 s28, $0x3  }
0x9d: {  	s30 =	simm.s32 $0x80;
	[sflag:s22] =	ssyncadd.s32 $0xFFFFEC00;
	s28 =	sadd.s32 s4, s28  }
0x9e: {  	[tilespmem:s30], [sflag:$0x2] =	stream.linear.gather [hbm4b:s28+s3], $0x80, $0x38;
	[tilespmem:$0x19F00] =	vst v63  }
0x9f: {  	s28 =	sadd.s32 $0xFFFFF880, s7  }
0xa0: {  	[tilespmem:s31], [sflag:$0x7] =	stream.linear.gather [hbm4b:s28+s3], $0x1400, $0x38;
	[tilespmem:$0x19F00] =	vst v63  }
0xa1: {  	s28 =	sadd.s32 $0x380, s25  }
0xa2: {  	s29 =	sand.u32 $0x1FC00, s28  }
0xa3: {  	s28 =	sand.u32 $0x380, s28;
	s29 =	sadd.s32 s10, s29  }
0xa4: {  	_ =	swait.ge [sflag:s23], $0x1400;
	s28 =	sor.u32 s28, s29  }
0xa5: {  	[sflag:s23] =	ssyncset.done $0x0;
	s28 =	sshrl.u32 s28, $0x3  }
0xa6: {  	[sflag:s23] =	ssyncadd.s32 $0xFFFFEC00;
	s28 =	sadd.s32 s4, s28  }
0xa7: {  	[tilespmem:s0], [sflag:$0x3] =	stream.linear.gather [hbm4b:s28+s3], $0x80, $0x38;
	[tilespmem:$0x19F00] =	vst v63  }
0xa8: {  	s28 =	sadd.s32 $0xFFFFFB00, s7  }
0xa9: {  	[tilespmem:s2], [sflag:$0x8] =	stream.linear.gather [hbm4b:s28+s3], $0x1400, $0x38;
	[tilespmem:$0x19F00] =	vst v63  }
0xaa: {  	s28 =	sadd.s32 $0x400, s25  }
0xab: {  	s28 =	sand.u32 $0x1FC00, s28  }
0xac: {  	s29 =	sand.u32 $0x380, s25;
	s28 =	sadd.s32 s10, s28  }
0xad: {  	_ =	swait.ge [sflag:s11], $0x1400;
	s28 =	sor.u32 s29, s28  }
0xae: {  	[sflag:s11] =	ssyncset.done $0x0;
	s28 =	sshrl.u32 s28, $0x3  }
0xaf: {  	[sflag:s11] =	ssyncadd.s32 $0xFFFFEC00;
	s28 =	sadd.s32 s4, s28  }
0xb0: {  	[tilespmem:s5], [sflag:$0x4] =	stream.linear.gather [hbm4b:s28+s3], $0x80, $0x38;
	[tilespmem:$0x19F00] =	vst v63  }
0xb1: {  	s28 =	sadd.s32 $0xFFFFFD80, s7  }
0xb2: {  	[tilespmem:s6], [sflag:$0x9] =	stream.linear.gather [hbm4b:s28+s3], $0x1400, $0x38;
	[tilespmem:$0x19F00] =	vst v63  }
0xb3: {  	s6 =	sadd.s32 $0x480, s25  }
0xb4: {  	s31 =	simm.s32 $0x100;
	s0 =	simm.s32 $0x2A80;
	s28 =	sand.u32 $0x1FC00, s6  }
0xb5: {  	s2 =	simm.s32 $0x180;
	s25 =	sand.u32 $0x380, s6;
	s28 =	sadd.s32 s10, s28  }
0xb6: {  	s29 =	simm.s32 $0x280;
	_ =	swait.ge [sflag:s24], $0x1400;
	s25 =	sor.u32 s25, s28  }
0xb7: {  	s5 =	simm.s32 $0x3E80;
	[sflag:s24] =	ssyncset.done $0x0;
	s25 =	sshrl.u32 s25, $0x3  }
.Ltmp3:
0xb8: {  	[sflag:s24] =	ssyncadd.s32 $0xFFFFEC00;
	s25 =	sadd.s32 s4, s25;
	(pc) =	sbr.rel .LBB2_2-.Ltmp3, $4  }
0xb9: {  	[tilespmem:s8], [sflag:$0x5] =	stream.linear.gather [hbm4b:s25+s3], $0x80, $0x38;
	[tilespmem:$0x19F00] =	vst v63  }
0xba: {  	s6 =	simm.s32 $0x200;
	s28 =	simm.s32 $0x10;
	s25 =	smov.u32 s26  }
0xbb: {  	[tilespmem:s9], [sflag:$0xA] =	stream.linear.gather [hbm4b:s7+s3], $0x1400, $0x38;
	[tilespmem:$0x19F00] =	vst v63  }
0xbc: {  	s26 =	simm.s32 $0x1680;
	s8 =	simm.s32 $0x5280;
	s7 =	sadd.s32 $0xC80, s7  }
.LBB2_5:
0xbd: {  	_ =	sfence.sel $0x180000  }
0xbe: {  	[bflag:$0x0] =	sbarrier.arrive $0xFFFF  }
0xbf: {  	_ =	strace $0x9000004A  }
0xc0: {  	s0 =	stileid.u32;
	[bflag:$0x2] =	sbarrier.arrive $0xFFFF  }
0xc1: {  	p0 =	sne.s32 s0, $0x0;
	s0 =	rddreg [dreg:$0x4]  }
0xc2: {  	s0 =	sadd.s32 @!p0 $0x100000, s0  }
0xc3: {  	[sflag:s0] =	ssyncadd.tile.s32 @!p0 $0x1;
	_ =	shalt  }
.Lfunc_end2:
_tile_overlayer_lowered:
.L_overlay_start_2:
0xc4: {  	(tag) =	ssettag $0x2  }
0xc5: {  	s0 =	rddreg [dreg:$0x0];
	s2 =	stileid.u32  }
0xc6: {  	s1 =	rddreg [dreg:$0x1];
	p0 =	sne.s32 s2, $0x0  }
0xc7: {  	s3 =	rddreg [dreg:$0x2];
	[bflag:$0x3] =	sbarrier.arrive $0xFFFF;
	s2 =	simm.s32 @!p0 $0x1C10  }
0xc8: {  	[timem:s3], [sflag:s2] =	dma.local @!p0 [hbm:s0], s1  }
0xc9: {  	s0 =	simm.s32 @!p0 $0x10  }
0xca: {  	_ =	swait.ge @!p0 [sflag:s0], s1  }
0xcb: {  	s1 =	ssub.s32 @!p0 $0x0, s1;
	[sflag:s0] =	ssyncset.done @!p0 $0x0  }
0xcc: {  	[sflag:s0] =	ssyncadd.s32 @!p0 s1  }
0xcd: {  	[bflag:$0x3] =	sbarrier.arrive $0xFFFF  }
0xce: {  	_ =	shalt  }

// kernel: kernel.7.cloned.1.call-start
scs
__scs_entry_jumppad:
0x0: {  	(pc) =	sbr.rel $0x88, $3  }
0x1: {  	(tag) =	ssettag $0x0;
	lr =	simm.s32 $0x1  }
0x2: {  	[smem:$0x3F95] =	sst lr;
	_ =	strace $0xD0000000  }
0x3: {  	_ = 	snop  }
0x4: {  	_ = 	snop  }
0x5: {  	_ = 	snop  }
0x6: {  	_ = 	snop  }
0x7: {  	_ = 	snop  }
__scs_overlays_trampoline_lowered:
0x8: {  	[smem:$0x3FA4] =	sst s0  }
0x9: {  	[smem:$0x3FA5] =	sst s1  }
0xa: {  	[smem:$0x3FA6] =	sst s2  }
0xb: {  	[smem:$0x3FA7] =	sst s3  }
0xc: {  	[smem:$0x3FA8] =	sst s4  }
0xd: {  	[smem:$0x3FA9] =	sst s5  }
0xe: {  	[smem:$0x3FAA] =	sst s6  }
0xf: {  	[smem:$0x3FAB] =	sst s7  }
0x10: {  	[smem:$0x3FAC] =	sst s8  }
0x11: {  	[smem:$0x3FAD] =	sst s9;
	s0 =	simm.s32 @!p0 $0x0  }
0x12: {  	s1 =	sld [smem:$0x3F93];
	s0 =	simm.s32 @p0 $0x1  }
0x13: {  	[smem:$0x3FAE] =	sst s0;
	s0 =	simm.s32 @!p1 $0x0  }
0x14: {  	s2 =	sld [smem:$0x3F92];
	s0 =	simm.s32 @p1 $0x1  }
0x15: {  	[smem:$0x3FAF] =	sst s0;
	s0 =	simm.s32 @!p2 $0x0  }
0x16: {  	s3 =	sld [smem:$0x3FDB];
	s0 =	simm.s32 @p2 $0x1  }
0x17: {  	s4 =	simm.s32 $0x1BF5;
	[smem:$0x3FB1] =	sst s0  }
0x18: {  	s0 =	sld [smem:$0x3F94];
	_ =	swait.ge [sflag:s4], $0x0  }
0x19: {  	s7 =	sld [smem:$0x3F95]  }
0x1a: {  	s8 =	sadd.s32 $0xFFFFE003, lr  }
0x1b: {  	s9 =	sadd.s32 $0xFFFFFEF7, lr;
	s5 =	simm.s32 $0xFFFFFFFF;
	p2 =	slt.u32 s8, $0xFFFFF086  }
0x1c: {  	p1 =	slt.u32 s9, $0xF7A;
	s5 =	simm.s32 @!p2 $0x0  }
0x1d: {  	s5 =	simm.s32 @p1 $0x1;
	p0 =	seq.s32 s7, s2  }
0x1e: {  	s7 =	smul.u32 @!p0 $0xF7A, s2;
	p2 =	seq.s32 @!p0 s5, $0x0  }
0x1f: {  	s9 =	smul.u32 $0xF7A, s1;
	s8 =	simm.s32 @!p0 $0x1BF5;
	p2 =	por !p2, p0  }
0x20: {  	[sflag:s8] =	ssyncset.s32 @!p0 $0xFFFFF086;
	s6 =	sadd.s32 @!p0 s3, s7;
	s7 =	simm.s32 @!p0 $0x108  }
0x21: {  	s3 =	sadd.s32 s3, s9;
	s6 =	sadd.s32 @!p0 $0x88, s6;
	s7 =	simm.s32 @p2 $0x1082  }
0x22: {  	[simem:s7], [sflag:s8] =	dma.local @!p0 [hbm:s6], $0xF7A  }
0x23: {  	s9 =	sor.u32 $0xD0000000, s2;
	s6 =	simm.s32 $0x108;
	_ =	swait.ge @!p0 [sflag:s8], $0x0  }
0x24: {  	s3 =	sadd.s32 $0x88, s3;
	s6 =	simm.s32 @!p1 $0x1082;
	[sflag:s4] =	ssyncset.s32 $0xFFFFF086  }
0x25: {  	[simem:s6], [sflag:s4] =	dma.local [hbm:s3], $0xF7A  }
0x26: {  	[smem:$0x3F95] =	sst s1;
	(tag) =	ssettag s2;
	_ =	strace s9  }
0x27: {  	s1 =	sld [smem:$0x3FA5]  }
0x28: {  	s2 =	sld [smem:$0x3FA6]  }
0x29: {  	s4 =	sld [smem:$0x3FA8]  }
0x2a: {  	p0 =	seq.s32 s5, $0x0;
	s5 =	sld [smem:$0x3FA9]  }
0x2b: {  	s6 =	sld [smem:$0x3FAA]  }
0x2c: {  	s7 =	sld [smem:$0x3FAB]  }
0x2d: {  	s3 =	simm.s32 $0x108;
	s8 =	sld [smem:$0x3FAC]  }
0x2e: {  	s3 =	simm.s32 @!p0 $0x1082;
	s9 =	sld [smem:$0x3FAD]  }
0x2f: {  	lr =	sadd.s32 s0, s3;
	s0 =	sld [smem:$0x3FA4]  }
0x30: {  	s3 =	sld [smem:$0x3FA7]  }
0x31: {  	[smem:$0x3FB0] =	sst s10  }
0x32: {  	s10 =	sld [smem:$0x3FAE];
	_ =	sdelay $0x3  }
0x33: {  	p0 =	seq.s32 s10, $0x1;
	s10 =	sld [smem:$0x3FB0];
	_ =	sdelay $0x3  }
0x34: {  	[smem:$0x3FB0] =	sst s10  }
0x35: {  	s10 =	sld [smem:$0x3FAF];
	_ =	sdelay $0x3  }
0x36: {  	p1 =	seq.s32 s10, $0x1;
	s10 =	sld [smem:$0x3FB0];
	_ =	sdelay $0x3  }
0x37: {  	[smem:$0x3FB0] =	sst s10  }
0x38: {  	s10 =	sld [smem:$0x3FB1]  }
0x39: {  	_ = 	snop;
	(pc) =	sbr.ind lr, $3  }
0x3a: {  	_ = 	snop  }
0x3b: {  	_ = 	snop  }
0x3c: {  	p2 =	seq.s32 s10, $0x1;
	s10 =	sld [smem:$0x3FB0]  }
0x3d: {  	_ =	shalt  }
0x3e: {  	_ =	shalt  }
0x3f: {  	_ =	shalt  }
0x40: {  	_ =	shalt  }
0x41: {  	_ =	shalt  }
0x42: {  	_ =	shalt  }
0x43: {  	_ =	shalt  }
0x44: {  	_ =	shalt  }
0x45: {  	_ =	shalt  }
0x46: {  	_ =	shalt  }
0x47: {  	_ =	shalt  }
0x48: {  	_ =	shalt  }
0x49: {  	_ =	shalt  }
0x4a: {  	_ =	shalt  }
0x4b: {  	_ =	shalt  }
0x4c: {  	_ =	shalt  }
0x4d: {  	_ =	shalt  }
0x4e: {  	_ =	shalt  }
0x4f: {  	_ =	shalt  }
0x50: {  	_ =	shalt  }
0x51: {  	_ =	shalt  }
0x52: {  	_ =	shalt  }
0x53: {  	_ =	shalt  }
0x54: {  	_ =	shalt  }
0x55: {  	_ =	shalt  }
0x56: {  	_ =	shalt  }
0x57: {  	_ =	shalt  }
0x58: {  	_ =	shalt  }
0x59: {  	_ =	shalt  }
0x5a: {  	_ =	shalt  }
0x5b: {  	_ =	shalt  }
0x5c: {  	_ =	shalt  }
0x5d: {  	_ =	shalt  }
0x5e: {  	_ =	shalt  }
0x5f: {  	_ =	shalt  }
0x60: {  	_ =	shalt  }
0x61: {  	_ =	shalt  }
0x62: {  	_ =	shalt  }
0x63: {  	_ =	shalt  }
0x64: {  	_ =	shalt  }
0x65: {  	_ =	shalt  }
0x66: {  	_ =	shalt  }
0x67: {  	_ =	shalt  }
0x68: {  	_ =	shalt  }
0x69: {  	_ =	shalt  }
0x6a: {  	_ =	shalt  }
0x6b: {  	_ =	shalt  }
0x6c: {  	_ =	shalt  }
0x6d: {  	_ =	shalt  }
0x6e: {  	_ =	shalt  }
0x6f: {  	_ =	shalt  }
0x70: {  	_ =	shalt  }
0x71: {  	_ =	shalt  }
0x72: {  	_ =	shalt  }
0x73: {  	_ =	shalt  }
0x74: {  	_ =	shalt  }
0x75: {  	_ =	shalt  }
0x76: {  	_ =	shalt  }
0x77: {  	_ =	shalt  }
0x78: {  	_ =	shalt  }
0x79: {  	_ =	shalt  }
0x7a: {  	_ =	shalt  }
0x7b: {  	_ =	shalt  }
0x7c: {  	_ =	shalt  }
0x7d: {  	_ =	shalt  }
0x7e: {  	_ =	shalt  }
0x7f: {  	_ =	shalt  }
0x80: {  	_ =	shalt  }
0x81: {  	_ =	shalt  }
0x82: {  	_ =	shalt  }
0x83: {  	_ =	shalt  }
0x84: {  	_ =	shalt  }
0x85: {  	_ =	shalt  }
0x86: {  	_ =	shalt  }
0x87: {  	_ =	shalt  }
.Lfunc_end0:
.L_simem_size_0:
called_computation_lowered:
.L_overlay_start_0:
0x88: {  	s2 =	sld [smem:$0x3FD9]  }
0x89: {  	s3 =	sld [smem:$0x3FFE];
	_ =	sdelay $0x1  }
0x8a: {  	s1 =	srdreg.scid  }
0x8b: {  	s0 =	sand.u32 $0x1, s1  }
0x8c: {  	s14 =	sshll.u32 s0, $0xA;
	s2 =	sadd.s32 s3, s2  }
0x8d: {  	s2 =	sadd.s32 s2, s14  }
0x8e: {  	[smem:$0x3FBC] =	sst s2  }
0x8f: {  	_ = 	snop  }
0x90: {  	s2 =	sld [smem:$0x3FD0];
	_ =	sdelay $0x2  }
0x91: {  	s15 =	simm.s32 $0xA;
	s4 =	simm.s32 $0x10  }
0x92: {  	[smem:s4], [sflag:s15] =	dma.local [hbm:s2], $0x1  }
0x93: {  	_ =	swait.eq [sflag:s15], $0x1  }
0x94: {  	[sflag:s15] =	ssyncset.done $0x0  }
0x95: {  	s16 =	sld [smem:$0x10];
	[sflag:s15] =	ssyncadd.s32 $0xFFFFFFFF  }
0x96: {  	s17 =	sld [smem:$0x11];
	(tm) =	ssettm $0x1  }
0x97: {  	s18 =	sld [smem:$0x3FFB];
	_ =	sdelay $0x3  }
0x98: {  	_ =	strace s18  }
0x99: {  	s4 =	sld [smem:$0x3FFC];
	_ =	sdelay $0x3  }
0x9a: {  	_ =	strace s4  }
0x9b: {  	s4 =	sld [smem:$0x3FFD];
	_ =	sdelay $0x3  }
0x9c: {  	_ =	strace s4  }
0x9d: {  	_ =	strace $0x8FFFFFFF  }
0x9e: {  	s19 =	sld [smem:$0x3FDB];
	_ =	sdelay $0x1  }
0x9f: {  	s5 =	simm.s32 $_scs_section_size  }
0xa0: {  	s6 =	simm.s32 $_size__tile_overlayer_lowered;
	s7 =	simm.s32 $_tile_overlayer_lowered  }
0xa1: {  	s22 =	simm.s32 $0x1BFF;
	s21 =	sshll.u32 s7, $0x1;
	s4 =	sadd.s32 s5, s19  }
0xa2: {  	s8 =	simm.s32 $0x0;
	s20 =	sshll.u32 s6, $0x1;
	s6 =	sadd.s32 s21, s4  }
0xa3: {  	[timem:s8], [sflag:s22] =	dma.local [hbm:s6], s20  }
0xa4: {  	_ =	swait.ge [sflag:s22], s20  }
0xa5: {  	s5 =	ssub.s32 $0x0, s20;
	[sflag:s22] =	ssyncset.done $0x0  }
0xa6: {  	[sflag:s22] =	ssyncadd.s32 s5;
	_ =	sdelay $0x1  }
0xa7: {  	s23 =	simm.s32 $0x1B8B  }
0xa8: {  	_ =	swait.ge [sflag:s23], $0x1  }
0xa9: {  	[sflag:s23] =	ssyncset.done $0x0  }
0xaa: {  	s25 =	simm.s32 $0x1B8E;
	s24 =	sld [smem:$0x3FFE];
	[sflag:s23] =	ssyncadd.s32 $0xFFFFFFFF  }
0xab: {  	s26 =	simm.s32 $execute0_lowered;
	[smem:$0x3FD2] =	sst s25  }
0xac: {  	s6 =	sshll.u32 s26, $0x1;
	_ =	strace $0x80000046;
	[dreg:$0x1] =	wrdreg $0xFFFFFFFF  }
0xad: {  	s28 =	simm.s32 $_size_execute0_lowered;
	s4 =	sadd.s32 s4, s6;
	[dreg:$0x0] =	wrdreg $0x0  }
0xae: {  	s6 =	sshll.u32 s28, $0x1;
	[dreg:$0x2] =	wrdreg s4  }
0xaf: {  	[dreg:$0x3] =	wrdreg s6  }
0xb0: {  	[dreg:$0x4] =	wrdreg $0xC0  }
0xb1: {  	_ =	task [dreg:s8], $0x5FFFF  }
0xb2: {  	[dreg:$0x1] =	wrdreg $0xFFFFFFFF  }
0xb3: {  	[dreg:$0x0] =	wrdreg $0x60  }
0xb4: {  	[dreg:$0x2] =	wrdreg s16  }
0xb5: {  	[dreg:$0x3] =	wrdreg s17  }
0xb6: {  	[dreg:$0x4] =	wrdreg s24  }
0xb7: {  	[dreg:$0x5] =	wrdreg $0x9  }
0xb8: {  	_ =	task.clear_ibuf [dreg:s8], $0x6FFFF;
	_ =	strace $0x90000046  }
0xb9: {  	s29 =	simm.s32 $0x9;
	_ =	strace $0x80000048  }
0xba: {  	_ =	swait.ge [sflag:s29], $0x1  }
0xbb: {  	[sflag:s29] =	ssyncadd.s32 $0xFFFFFFFF  }
0xbc: {  	_ =	strace $0x90000048  }
0xbd: {  	_ =	sfence  }
0xbe: {  	s30 =	sld [smem:$0x0];
	_ =	sdelay $0x2  }
0xbf: {  	s31 =	sshll.u32 s1, $0xD;
	s1 =	sshrl.u32 s1, $0x2  }
0xc0: {  	s3 =	sand.u32 $0x4000, s31;
	s1 =	sadd.s32 s1, s30  }
0xc1: {  	s0 =	sor.u32 s3, s0;
	s1 =	sshll.u32 s1, $0x11  }
0xc2: {  	s0 =	sor.u32 s1, s0  }
0xc3: {  	s0 =	sadd.s32 $0x8F2B, s0  }
0xc4: {  	[sflag:s0] =	ssyncadd.remote.s32 $0x1  }
0xc5: {  	_ =	sfence.sel $0xFFFF  }
0xc6: {  	[dreg:$0x0] =	wrdreg $0xFFFFFFFF;
	(pc) =	sbr.abs _section_cstart, $3  }
0xc7: {  	[dreg:$0x1] =	wrdreg $0xFFFFFFFF  }
0xc8: {  	_ =	task.clear_ibuf [dreg:s8], $0x2FFFF;
	_ =	strace $0x9FFFFFFF  }
0xc9: {  	(tm) =	ssettm $0x7FFFFFFF  }
tec
execute0_lowered:
.L_overlay_start_1:
0x0: {  	(tag) =	ssettag $0x1  }
0x1: {  	s1 =	rddreg [dreg:$0x0]  }
0x2: {  	s2 =	rddreg [dreg:$0x1]  }
0x3: {  	s0 =	rddreg [dreg:$0x2];
	s3 =	simm.s32 $0x0;
	s4 =	srdreg.scid  }
0x4: {  	s7 =	stileid.u32;
	s13 =	simm.s32 $0x50;
	s31 =	simm.s32 $0xD  }
0x5: {  	s12 =	simm.s32 $0x19;
	s4 =	sand.u32 $0x1, s4;
	s9 =	sshll.u32 s7, $0x1  }
0x6: {  	[smem:$0x7FF] =	sst s3;
	s8 =	ssub.s32 $0x2, s4;
	s4 =	sor.u32 s4, s9  }
0x7: {  	s5 =	sadd.s32 $0x3800, s0;
	s6 =	sadd.s32 $0x13800, s0;
	s15 =	sshll.u32 s4, $0xB  }
0x8: {  	s7 =	sadd.s32 $0x23800, s0;
	_ =	strace $0x80000047;
	s16 =	sadd.s32 s6, s15  }
0x9: {  	s11 =	smul.u32 $0x2710, s4;
	s10 =	sadd.s32 s5, s15;
	[dreg:$0x5] =	wrdreg s16  }
0xa: {  	s14 =	sshrl.u32 s8, $0x1;
	s17 =	sor.u32 $0x10, s15;
	[dreg:$0x6] =	wrdreg s10  }
0xb: {  	s9 =	sshll.u32 s4, $0xE;
	s18 =	sadd.s32 s6, s17;
	[dreg:$0x4] =	wrdreg s11  }
0xc: {  	s19 =	sor.u32 $0x20, s15;
	s4 =	sadd.s32 s5, s17;
	[dreg:$0x7] =	wrdreg s18  }
0xd: {  	s0 =	ssub.s32 s8, s14;
	s20 =	sadd.s32 s6, s19;
	[dreg:$0x8] =	wrdreg s4  }
0xe: {  	s21 =	sor.u32 $0x30, s15;
	s10 =	sadd.s32 s5, s19;
	[dreg:$0x9] =	wrdreg s20  }
0xf: {  	s8 =	sor.u32 $0x40, s15;
	s22 =	sadd.s32 s6, s21;
	[dreg:$0xa] =	wrdreg s10  }
0x10: {  	s28 =	simm.s32 $0x0;
	s23 =	sadd.s32 s6, s8;
	[dreg:$0xb] =	wrdreg s22  }
0x11: {  	s15 =	simm.s32 $0x300;
	s24 =	sadd.s32 s5, s8;
	[dreg:$0xd] =	wrdreg s23  }
0x12: {  	s14 =	simm.s32 $0xF;
	s25 =	sadd.s32 $0x50, s11;
	[dreg:$0xe] =	wrdreg s24  }
0x13: {  	s26 =	sadd.s32 $0xA0, s11;
	s29 =	sadd.s32 $0xF0, s11;
	[dreg:$0xf] =	wrdreg s25  }
0x14: {  	s30 =	sadd.s32 $0x140, s11;
	s0 =	smax.u32 s0, $0x1;
	[dreg:$0x10] =	wrdreg s26  }
0x15: {  	s17 =	simm.s32 $0x100;
	s16 =	simm.s32 $0x180;
	[dreg:$0x11] =	wrdreg s29  }
0x16: {  	s19 =	simm.s32 $0x15;
	s11 =	simm.s32 $0x18;
	[dreg:$0x12] =	wrdreg s30  }
.Ltmp0:
0x17: {  	s4 =	sadd.s32 s5, s21;
	[dreg:$0x13] =	wrdreg s0;
	(pc) =	sbr.rel .LBB2_1-.Ltmp0, $4  }
0x18: {  	s20 =	simm.s32 $0x280;
	s24 =	simm.s32 $0x80;
	s22 =	simm.s32 $0x380  }
0x19: {  	s23 =	simm.s32 $0x400;
	s26 =	simm.s32 $0x200;
	s0 =	simm.s32 $0x12  }
0x1a: {  	s10 =	simm.s32 $0x13;
	s18 =	simm.s32 $0x14;
	s21 =	simm.s32 $0x16  }
0x1b: {  	s25 =	simm.s32 $0x17;
	[dreg:$0xc] =	wrdreg s4;
	s4 =	simm.s32 $0xE  }
.LBB2_14:
0x1c: {  	_ =	swait.ge [sflag:s21], $0x2800  }
0x1d: {  	[sflag:s21] =	ssyncset.done $0x0  }
0x1e: {  	[sflag:s21] =	ssyncadd.s32 $0xFFFFD800  }
0x1f: {  	_ =	swait.ge [sflag:s25], $0x2800  }
0x20: {  	[sflag:s25] =	ssyncset.done $0x0  }
0x21: {  	[sflag:s25] =	ssyncadd.s32 $0xFFFFD800  }
0x22: {  	_ =	swait.ge [sflag:s11], $0x2800  }
0x23: {  	[sflag:s11] =	ssyncset.done $0x0  }
0x24: {  	[sflag:s11] =	ssyncadd.s32 $0xFFFFD800  }
0x25: {  	_ =	swait.ge [sflag:s12], $0x2800  }
0x26: {  	s28 =	rddreg [dreg:$0x14]  }
0x27: {  	s8 =	rddreg [dreg:$0x13];
	s28 =	sadd.s32 $0x1, s28  }
0x28: {  	p0 =	sne.s32 s28, s8  }
.Ltmp1:
0x29: {  	_ = 	snop;
	(pc) =	sbr.rel @!p0 .LBB2_15-.Ltmp1, $4  }
0x2a: {  	_ = 	snop  }
0x2b: {  	s20 =	simm.s32 $0x280  }
0x2c: {  	s24 =	simm.s32 $0x80;
	s15 =	simm.s32 $0x300;
	[sflag:s12] =	ssyncset.done $0x0  }
0x2d: {  	s17 =	simm.s32 $0x100;
	s16 =	simm.s32 $0x180;
	[sflag:s12] =	ssyncadd.s32 $0xFFFFD800  }
.LBB2_1:
0x2e: {  	[dreg:$0x14] =	wrdreg s28  }
0x2f: {  	s8 =	rddreg [dreg:$0x5]  }
0x30: {  	s29 =	rddreg [dreg:$0x6]  }
0x31: {  	[tilespmem:s3], [sflag:$0x1] =	stream.linear.gather [hbm4b:s8+s3], $0x80, $0x38;
	[tilespmem:$0x19500] =	vst v63  }
0x32: {  	s30 =	rddreg [dreg:$0x7]  }
0x33: {  	[tilespmem:s20], [sflag:$0x6] =	stream.linear.gather [hbm4b:s29+s3], $0x80, $0x38;
	[tilespmem:$0x19500] =	vst v63  }
0x34: {  	s29 =	rddreg [dreg:$0x8]  }
0x35: {  	[tilespmem:s24], [sflag:$0x2] =	stream.linear.gather [hbm4b:s30+s3], $0x80, $0x38;
	[tilespmem:$0x19500] =	vst v63  }
0x36: {  	s30 =	rddreg [dreg:$0x9]  }
0x37: {  	[tilespmem:s15], [sflag:$0x7] =	stream.linear.gather [hbm4b:s29+s3], $0x80, $0x38;
	[tilespmem:$0x19500] =	vst v63  }
0x38: {  	s29 =	rddreg [dreg:$0xa]  }
0x39: {  	[tilespmem:s17], [sflag:$0x3] =	stream.linear.gather [hbm4b:s30+s3], $0x80, $0x38;
	[tilespmem:$0x19500] =	vst v63  }
0x3a: {  	s30 =	rddreg [dreg:$0xb]  }
0x3b: {  	[tilespmem:s22], [sflag:$0x8] =	stream.linear.gather [hbm4b:s29+s3], $0x80, $0x38;
	[tilespmem:$0x19500] =	vst v63  }
0x3c: {  	s29 =	rddreg [dreg:$0xe]  }
0x3d: {  	[tilespmem:s16], [sflag:$0x4] =	stream.linear.gather [hbm4b:s30+s3], $0x80, $0x38;
	[tilespmem:$0x19500] =	vst v63  }
0x3e: {  	s28 =	simm.s32 $0x200;
	s16 =	rddreg [dreg:$0xc]  }
0x3f: {  	[tilespmem:s23], [sflag:$0x9] =	stream.linear.gather [hbm4b:s16+s3], $0x80, $0x38;
	[tilespmem:$0x19500] =	vst v63  }
0x40: {  	s8 =	simm.s32 $0x480;
	s30 =	simm.s32 $0x480;
	s23 =	rddreg [dreg:$0xd]  }
0x41: {  	[tilespmem:s26], [sflag:$0x5] =	stream.linear.gather [hbm4b:s23+s3], $0x80, $0x38;
	[tilespmem:$0x19500] =	vst v63  }
0x42: {  	s16 =	simm.s32 $0x0;
	s26 =	simm.s32 $0x400;
	s23 =	simm.s32 $0x180  }
0x43: {  	[tilespmem:s30], [sflag:$0xA] =	stream.linear.gather [hbm4b:s29+s3], $0x80, $0x38;
	[tilespmem:$0x19500] =	vst v63  }
.LBB2_2:
0x44: {  	s29 =	simm.s32 $0x1  }
0x45: {  	_ =	swait.ge [sflag:s29], $0x80  }
0x46: {  	[sflag:s29] =	ssyncset.done $0x0  }
0x47: {  	[sflag:s29] =	ssyncadd.s32 $0xFFFFFF80;
	s29 =	simm.s32 $0x6  }
0x48: {  	_ =	swait.ge [sflag:s29], $0x80  }
0x49: {  	[sflag:s29] =	ssyncset.done $0x0  }
0x4a: {  	[sflag:s29] =	ssyncadd.s32 $0xFFFFFF80;
	s29 =	simm.s32 $0x500  }
0x4b: {  	[tilespmem:s29], [sflag:$0xB] =	stream.indirect.gather [hbm4b:s1+s13], $0x80, s3, s13, $0xb8;
	[tilespmem:$0x19500] =	vst v63  }
0x4c: {  	s30 =	simm.s32 $0xCD00  }
0x4d: {  	[tilespmem:s30], [sflag:$0x10] =	stream.indirect.gather [hbm4b:s2+s13], $0x80, s20, s13, $0xb8;
	[tilespmem:$0x19500] =	vst v63  }
0x4e: {  	s20 =	simm.s32 $0x2  }
0x4f: {  	_ =	swait.ge [sflag:s20], $0x80  }
0x50: {  	[sflag:s20] =	ssyncset.done $0x0  }
0x51: {  	[sflag:s20] =	ssyncadd.s32 $0xFFFFFF80;
	s20 =	simm.s32 $0x7  }
0x52: {  	_ =	swait.ge [sflag:s20], $0x80  }
0x53: {  	[sflag:s20] =	ssyncset.done $0x0  }
0x54: {  	s30 =	simm.s32 $0x2D00;
	[sflag:s20] =	ssyncadd.s32 $0xFFFFFF80  }
0x55: {  	[tilespmem:s30], [sflag:$0xC] =	stream.indirect.gather [hbm4b:s1+s13], $0x80, s24, s13, $0xb8;
	[tilespmem:$0x19500] =	vst v63  }
0x56: {  	s24 =	simm.s32 $0xF500  }
0x57: {  	[tilespmem:s24], [sflag:$0x11] =	stream.indirect.gather [hbm4b:s2+s13], $0x80, s15, s13, $0xb8;
	[tilespmem:$0x19500] =	vst v63  }
0x58: {  	s24 =	simm.s32 $0x3  }
0x59: {  	_ =	swait.ge [sflag:s24], $0x80  }
0x5a: {  	[sflag:s24] =	ssyncset.done $0x0  }
0x5b: {  	s20 =	simm.s32 $0x8;
	[sflag:s24] =	ssyncadd.s32 $0xFFFFFF80  }
0x5c: {  	_ =	swait.ge [sflag:s20], $0x80  }
0x5d: {  	[sflag:s20] =	ssyncset.done $0x0  }
0x5e: {  	s24 =	simm.s32 $0x5500;
	[sflag:s20] =	ssyncadd.s32 $0xFFFFFF80  }
0x5f: {  	[tilespmem:s24], [sflag:$0xD] =	stream.indirect.gather [hbm4b:s1+s13], $0x80, s17, s13, $0xb8;
	[tilespmem:$0x19500] =	vst v63  }
0x60: {  	s20 =	simm.s32 $0x11D00;
	s24 =	simm.s32 $0x4  }
0x61: {  	[tilespmem:s20], [sflag:$0x12] =	stream.indirect.gather [hbm4b:s2+s13], $0x80, s22, s13, $0xb8;
	[tilespmem:$0x19500] =	vst v63  }
0x62: {  	_ =	swait.ge [sflag:s24], $0x80  }
0x63: {  	[sflag:s24] =	ssyncset.done $0x0  }
0x64: {  	s17 =	simm.s32 $0x9;
	[sflag:s24] =	ssyncadd.s32 $0xFFFFFF80  }
0x65: {  	_ =	swait.ge [sflag:s17], $0x80  }
0x66: {  	[sflag:s17] =	ssyncset.done $0x0  }
0x67: {  	s20 =	simm.s32 $0x7D00;
	[sflag:s17] =	ssyncadd.s32 $0xFFFFFF80  }
0x68: {  	[tilespmem:s20], [sflag:$0xE] =	stream.indirect.gather [hbm4b:s1+s13], $0x80, s23, s13, $0xb8;
	[tilespmem:$0x19500] =	vst v63  }
0x69: {  	s24 =	simm.s32 $0x14500  }
0x6a: {  	[tilespmem:s24], [sflag:$0x13] =	stream.indirect.gather [hbm4b:s2+s13], $0x80, s26, s13, $0xb8;
	[tilespmem:$0x19500] =	vst v63  }
0x6b: {  	s26 =	simm.s32 $0x5  }
0x6c: {  	_ =	swait.ge [sflag:s26], $0x80  }
0x6d: {  	[sflag:s26] =	ssyncset.done $0x0  }
0x6e: {  	s17 =	simm.s32 $0xA;
	[sflag:s26] =	ssyncadd.s32 $0xFFFFFF80  }
0x6f: {  	_ =	swait.ge [sflag:s17], $0x80  }
0x70: {  	[sflag:s17] =	ssyncset.done $0x0  }
0x71: {  	s20 =	simm.s32 $0xA500;
	[sflag:s17] =	ssyncadd.s32 $0xFFFFFF80  }
0x72: {  	[tilespmem:s20], [sflag:$0xF] =	stream.indirect.gather [hbm4b:s1+s13], $0x80, s28, s13, $0xb8;
	[tilespmem:$0x19500] =	vst v63  }
0x73: {  	s23 =	simm.s32 $0x16D00;
	s24 =	simm.s32 $0xB  }
0x74: {  	[tilespmem:s23], [sflag:$0x14] =	stream.indirect.gather [hbm4b:s2+s13], $0x80, s8, s13, $0xb8;
	[tilespmem:$0x19500] =	vst v63  }
0x75: {  	_ =	swait.ge [sflag:s24], $0x2800  }
0x76: {  	[sflag:s24] =	ssyncset.done $0x0  }
0x77: {  	s26 =	simm.s32 $0x10;
	[sflag:s24] =	ssyncadd.s32 $0xFFFFD800  }
0x78: {  	_ =	swait.ge [sflag:s26], $0x2800  }
0x79: {  	[sflag:s26] =	ssyncset.done $0x0  }
0x7a: {  	s24 =	simm.s32 $0x580;
	[sflag:s26] =	ssyncadd.s32 $0xFFFFD800  }
0x7b: {  	s17 =	simm.s32 $0xCD80;
	v0 =	vld [tilespmem:s24+$0xFFFFFF80]  }
0x7c: {  	v1 =	vld [tilespmem:s17+$0xFFFFFF80];
	_ =	sdelay $0x4  }
0x7d: {  	v0 =	vadd.f32 v1, v0;
	_ =	sdelay $0x1  }
0x7e: {  	[tilespmem:s24+$0xFFFFFF80] =	vst v0;
	v0 =	vld [tilespmem:s24+$0xFFFFFF90]  }
0x7f: {  	v1 =	vld [tilespmem:s17+$0xFFFFFF90];
	_ =	sdelay $0x4  }
0x80: {  	v0 =	vadd.f32 v1, v0;
	_ =	sdelay $0x1  }
0x81: {  	[tilespmem:s24+$0xFFFFFF90] =	vst v0;
	v0 =	vld [tilespmem:s24+$0xFFFFFFA0]  }
0x82: {  	v1 =	vld [tilespmem:s17+$0xFFFFFFA0];
	_ =	sdelay $0x4  }
0x83: {  	v0 =	vadd.f32 v1, v0;
	_ =	sdelay $0x1  }
0x84: {  	[tilespmem:s24+$0xFFFFFFA0] =	vst v0;
	v0 =	vld [tilespmem:s24+$0xFFFFFFB0]  }
0x85: {  	v1 =	vld [tilespmem:s17+$0xFFFFFFB0];
	_ =	sdelay $0x4  }
0x86: {  	v0 =	vadd.f32 v1, v0;
	_ =	sdelay $0x1  }
0x87: {  	[tilespmem:s24+$0xFFFFFFB0] =	vst v0;
	v0 =	vld [tilespmem:s24+$0xFFFFFFC0]  }
0x88: {  	v1 =	vld [tilespmem:s17+$0xFFFFFFC0];
	_ =	sdelay $0x4  }
0x89: {  	v0 =	vadd.f32 v1, v0;
	_ =	sdelay $0x1  }
0x8a: {  	[tilespmem:s24+$0xFFFFFFC0] =	vst v0;
	v0 =	vld [tilespmem:s24+$0xFFFFFFD0]  }
0x8b: {  	v1 =	vld [tilespmem:s17+$0xFFFFFFD0];
	_ =	sdelay $0x4  }
0x8c: {  	v0 =	vadd.f32 v1, v0;
	_ =	sdelay $0x1  }
0x8d: {  	[tilespmem:s24+$0xFFFFFFD0] =	vst v0;
	v0 =	vld [tilespmem:s24+$0xFFFFFFE0]  }
0x8e: {  	v1 =	vld [tilespmem:s17+$0xFFFFFFE0];
	_ =	sdelay $0x4  }
0x8f: {  	v0 =	vadd.f32 v1, v0;
	_ =	sdelay $0x1  }
0x90: {  	[tilespmem:s24+$0xFFFFFFE0] =	vst v0;
	v0 =	vld [tilespmem:s24+$0xFFFFFFF0]  }
0x91: {  	v1 =	vld [tilespmem:s17+$0xFFFFFFF0];
	_ =	sdelay $0x4  }
0x92: {  	v0 =	vadd.f32 v1, v0;
	_ =	sdelay $0x1  }
0x93: {  	[tilespmem:s24+$0xFFFFFFF0] =	vst v0;
	v0 =	vld [tilespmem:s24+$0x0]  }
0x94: {  	v1 =	vld [tilespmem:s17+$0x0];
	_ =	sdelay $0x4  }
0x95: {  	v0 =	vadd.f32 v1, v0;
	_ =	sdelay $0x1  }
0x96: {  	[tilespmem:s24+$0x0] =	vst v0;
	v0 =	vld [tilespmem:s24+$0x10]  }
0x97: {  	v1 =	vld [tilespmem:s17+$0x10];
	_ =	sdelay $0x4  }
0x98: {  	v0 =	vadd.f32 v1, v0;
	_ =	sdelay $0x1  }
0x99: {  	[tilespmem:s24+$0x10] =	vst v0;
	v0 =	vld [tilespmem:s24+$0x20]  }
0x9a: {  	v1 =	vld [tilespmem:s17+$0x20];
	_ =	sdelay $0x4  }
0x9b: {  	v0 =	vadd.f32 v1, v0;
	_ =	sdelay $0x1  }
0x9c: {  	[tilespmem:s24+$0x20] =	vst v0;
	v0 =	vld [tilespmem:s24+$0x30]  }
0x9d: {  	v1 =	vld [tilespmem:s17+$0x30];
	_ =	sdelay $0x4  }
0x9e: {  	v0 =	vadd.f32 v1, v0;
	_ =	sdelay $0x1  }
0x9f: {  	[tilespmem:s24+$0x30] =	vst v0;
	v0 =	vld [tilespmem:s24+$0x40]  }
0xa0: {  	v1 =	vld [tilespmem:s17+$0x40];
	_ =	sdelay $0x4  }
0xa1: {  	v0 =	vadd.f32 v1, v0;
	_ =	sdelay $0x1  }
0xa2: {  	[tilespmem:s24+$0x40] =	vst v0;
	v0 =	vld [tilespmem:s24+$0x50]  }
0xa3: {  	v1 =	vld [tilespmem:s17+$0x50];
	_ =	sdelay $0x4  }
0xa4: {  	v0 =	vadd.f32 v1, v0;
	_ =	sdelay $0x1  }
0xa5: {  	[tilespmem:s24+$0x50] =	vst v0;
	v0 =	vld [tilespmem:s24+$0x60]  }
0xa6: {  	v1 =	vld [tilespmem:s17+$0x60];
	_ =	sdelay $0x4  }
0xa7: {  	v0 =	vadd.f32 v1, v0;
	_ =	sdelay $0x1  }
0xa8: {  	[tilespmem:s24+$0x60] =	vst v0;
	v0 =	vld [tilespmem:s24+$0x70]  }
0xa9: {  	v1 =	vld [tilespmem:s17+$0x70];
	_ =	sdelay $0x4  }
0xaa: {  	s15 =	simm.s32 $0x0;
	s28 =	simm.s32 $0xA500;
	v0 =	vadd.f32 v1, v0  }
0xab: {  	s8 =	simm.s32 $0x680;
	s23 =	simm.s32 $0x400;
	s26 =	simm.s32 $0x200  }
.LBB2_3:
0xac: {  	v1 =	vld [tilespmem:s8+$0xFFFFFF80];
	[tilespmem:s24+$0x70] =	vst v0;
	s17 =	sadd.s32 $0x100, s17;
	s24 =	smov.u32 s8  }
0xad: {  	s15 =	sadd.s32 $0x2, s15;
	v0 =	vld [tilespmem:s17+$0xFFFFFF80]  }
0xae: {  	p0 =	slt.u32 s15, $0x4E;
	_ =	sdelay $0x3  }
0xaf: {  	v0 =	vadd.f32 v0, v1;
	_ =	sdelay $0x1  }
0xb0: {  	[tilespmem:s8+$0xFFFFFF80] =	vst v0;
	v0 =	vld [tilespmem:s8+$0xFFFFFF90]  }
0xb1: {  	v1 =	vld [tilespmem:s17+$0xFFFFFF90];
	_ =	sdelay $0x4  }
0xb2: {  	v0 =	vadd.f32 v1, v0;
	_ =	sdelay $0x1  }
0xb3: {  	[tilespmem:s8+$0xFFFFFF90] =	vst v0;
	v0 =	vld [tilespmem:s8+$0xFFFFFFA0]  }
0xb4: {  	v1 =	vld [tilespmem:s17+$0xFFFFFFA0];
	_ =	sdelay $0x4  }
0xb5: {  	v0 =	vadd.f32 v1, v0;
	_ =	sdelay $0x1  }
0xb6: {  	[tilespmem:s8+$0xFFFFFFA0] =	vst v0;
	v0 =	vld [tilespmem:s8+$0xFFFFFFB0]  }
0xb7: {  	v1 =	vld [tilespmem:s17+$0xFFFFFFB0];
	_ =	sdelay $0x4  }
0xb8: {  	v0 =	vadd.f32 v1, v0;
	_ =	sdelay $0x1  }
0xb9: {  	[tilespmem:s8+$0xFFFFFFB0] =	vst v0;
	v0 =	vld [tilespmem:s8+$0xFFFFFFC0]  }
0xba: {  	v1 =	vld [tilespmem:s17+$0xFFFFFFC0];
	_ =	sdelay $0x4  }
0xbb: {  	v0 =	vadd.f32 v1, v0;
	_ =	sdelay $0x1  }
0xbc: {  	[tilespmem:s8+$0xFFFFFFC0] =	vst v0;
	v0 =	vld [tilespmem:s8+$0xFFFFFFD0]  }
0xbd: {  	v1 =	vld [tilespmem:s17+$0xFFFFFFD0];
	_ =	sdelay $0x4  }
0xbe: {  	v0 =	vadd.f32 v1, v0;
	_ =	sdelay $0x1  }
0xbf: {  	[tilespmem:s8+$0xFFFFFFD0] =	vst v0;
	v0 =	vld [tilespmem:s8+$0xFFFFFFE0]  }
0xc0: {  	v1 =	vld [tilespmem:s17+$0xFFFFFFE0];
	_ =	sdelay $0x4  }
0xc1: {  	v0 =	vadd.f32 v1, v0;
	_ =	sdelay $0x1  }
0xc2: {  	[tilespmem:s8+$0xFFFFFFE0] =	vst v0;
	v0 =	vld [tilespmem:s8+$0xFFFFFFF0]  }
0xc3: {  	v1 =	vld [tilespmem:s17+$0xFFFFFFF0];
	_ =	sdelay $0x4  }
0xc4: {  	v0 =	vadd.f32 v1, v0;
	_ =	sdelay $0x1  }
0xc5: {  	[tilespmem:s8+$0xFFFFFFF0] =	vst v0;
	v0 =	vld [tilespmem:s8+$0x0]  }
0xc6: {  	v1 =	vld [tilespmem:s17+$0x0];
	_ =	sdelay $0x4  }
0xc7: {  	v0 =	vadd.f32 v1, v0;
	_ =	sdelay $0x1  }
0xc8: {  	[tilespmem:s8+$0x0] =	vst v0;
	v0 =	vld [tilespmem:s8+$0x10]  }
0xc9: {  	v1 =	vld [tilespmem:s17+$0x10];
	_ =	sdelay $0x4  }
0xca: {  	v0 =	vadd.f32 v1, v0;
	_ =	sdelay $0x1  }
0xcb: {  	[tilespmem:s8+$0x10] =	vst v0;
	v0 =	vld [tilespmem:s8+$0x20]  }
0xcc: {  	v1 =	vld [tilespmem:s17+$0x20];
	_ =	sdelay $0x4  }
0xcd: {  	v0 =	vadd.f32 v1, v0;
	_ =	sdelay $0x1  }
0xce: {  	[tilespmem:s8+$0x20] =	vst v0;
	v0 =	vld [tilespmem:s8+$0x30]  }
0xcf: {  	v1 =	vld [tilespmem:s17+$0x30];
	_ =	sdelay $0x4  }
0xd0: {  	v0 =	vadd.f32 v1, v0;
	_ =	sdelay $0x1  }
0xd1: {  	[tilespmem:s8+$0x30] =	vst v0;
	v0 =	vld [tilespmem:s8+$0x40]  }
0xd2: {  	v1 =	vld [tilespmem:s17+$0x40];
	_ =	sdelay $0x4  }
0xd3: {  	v0 =	vadd.f32 v1, v0;
	_ =	sdelay $0x1  }
0xd4: {  	[tilespmem:s8+$0x40] =	vst v0;
	v0 =	vld [tilespmem:s8+$0x50]  }
0xd5: {  	v1 =	vld [tilespmem:s17+$0x50];
	_ =	sdelay $0x4  }
0xd6: {  	v0 =	vadd.f32 v1, v0;
	_ =	sdelay $0x1  }
0xd7: {  	[tilespmem:s8+$0x50] =	vst v0;
	v0 =	vld [tilespmem:s8+$0x60]  }
0xd8: {  	v1 =	vld [tilespmem:s17+$0x60];
	_ =	sdelay $0x4  }
0xd9: {  	v0 =	vadd.f32 v1, v0;
	_ =	sdelay $0x1  }
0xda: {  	[tilespmem:s8+$0x60] =	vst v0;
	v0 =	vld [tilespmem:s8+$0x70]  }
0xdb: {  	v1 =	vld [tilespmem:s17+$0x70];
	_ =	sdelay $0x1  }
.Ltmp2:
0xdc: {  	(pc) =	sbr.rel @p0 .LBB2_3-.Ltmp2, $3  }
0xdd: {  	_ =	sdelay $0x1  }
0xde: {  	v0 =	vadd.f32 v1, v0  }
0xdf: {  	s8 =	sadd.s32 $0x100, s8  }
0xe0: {  	s17 =	smul.u32 $0x190, s16  }
0xe1: {  	s8 =	rddreg [dreg:$0x4]  }
0xe2: {  	s8 =	sadd.s32 s8, s17  }
0xe3: {  	s8 =	sshll.u32 s8, $0x4  }
0xe4: {  	[tilespmem:s24+$0x70] =	vst v0;
	s24 =	simm.s32 $0xC;
	s8 =	sadd.s32 s7, s8  }
0xe5: {  	[hbm4b:s8+s3] =	stream.linear.scatter [tilespmem:s29], [sflag:$0x15], $0x2800, $0x38;
	[tilespmem:$0x19500] =	vst v63  }
0xe6: {  	_ =	swait.ge [sflag:s24], $0x2800  }
0xe7: {  	[sflag:s24] =	ssyncset.done $0x0  }
0xe8: {  	s29 =	simm.s32 $0x11;
	[sflag:s24] =	ssyncadd.s32 $0xFFFFD800  }
0xe9: {  	_ =	swait.ge [sflag:s29], $0x2800  }
0xea: {  	[sflag:s29] =	ssyncset.done $0x0  }
0xeb: {  	s24 =	simm.s32 $0x2D80;
	[sflag:s29] =	ssyncadd.s32 $0xFFFFD800  }
0xec: {  	s15 =	simm.s32 $0xF580;
	v0 =	vld [tilespmem:s24+$0xFFFFFF80]  }
0xed: {  	v1 =	vld [tilespmem:s15+$0xFFFFFF80];
	_ =	sdelay $0x4  }
0xee: {  	v0 =	vadd.f32 v1, v0;
	_ =	sdelay $0x1  }
0xef: {  	[tilespmem:s24+$0xFFFFFF80] =	vst v0;
	v0 =	vld [tilespmem:s24+$0xFFFFFF90]  }
0xf0: {  	v1 =	vld [tilespmem:s15+$0xFFFFFF90];
	_ =	sdelay $0x4  }
0xf1: {  	v0 =	vadd.f32 v1, v0;
	_ =	sdelay $0x1  }
0xf2: {  	[tilespmem:s24+$0xFFFFFF90] =	vst v0;
	v0 =	vld [tilespmem:s24+$0xFFFFFFA0]  }
0xf3: {  	v1 =	vld [tilespmem:s15+$0xFFFFFFA0];
	_ =	sdelay $0x4  }
0xf4: {  	v0 =	vadd.f32 v1, v0;
	_ =	sdelay $0x1  }
0xf5: {  	[tilespmem:s24+$0xFFFFFFA0] =	vst v0;
	v0 =	vld [tilespmem:s24+$0xFFFFFFB0]  }
0xf6: {  	v1 =	vld [tilespmem:s15+$0xFFFFFFB0];
	_ =	sdelay $0x4  }
0xf7: {  	v0 =	vadd.f32 v1, v0;
	_ =	sdelay $0x1  }
0xf8: {  	[tilespmem:s24+$0xFFFFFFB0] =	vst v0;
	v0 =	vld [tilespmem:s24+$0xFFFFFFC0]  }
0xf9: {  	v1 =	vld [tilespmem:s15+$0xFFFFFFC0];
	_ =	sdelay $0x4  }
0xfa: {  	v0 =	vadd.f32 v1, v0;
	_ =	sdelay $0x1  }
0xfb: {  	[tilespmem:s24+$0xFFFFFFC0] =	vst v0;
	v0 =	vld [tilespmem:s24+$0xFFFFFFD0]  }
0xfc: {  	v1 =	vld [tilespmem:s15+$0xFFFFFFD0];
	_ =	sdelay $0x4  }
0xfd: {  	v0 =	vadd.f32 v1, v0;
	_ =	sdelay $0x1  }
0xfe: {  	[tilespmem:s24+$0xFFFFFFD0] =	vst v0;
	v0 =	vld [tilespmem:s24+$0xFFFFFFE0]  }
0xff: {  	v1 =	vld [tilespmem:s15+$0xFFFFFFE0];
	_ =	sdelay $0x4  }
0x100: {  	v0 =	vadd.f32 v1, v0;
	_ =	sdelay $0x1  }
0x101: {  	[tilespmem:s24+$0xFFFFFFE0] =	vst v0;
	v0 =	vld [tilespmem:s24+$0xFFFFFFF0]  }
0x102: {  	v1 =	vld [tilespmem:s15+$0xFFFFFFF0];
	_ =	sdelay $0x4  }
0x103: {  	v0 =	vadd.f32 v1, v0;
	_ =	sdelay $0x1  }
0x104: {  	[tilespmem:s24+$0xFFFFFFF0] =	vst v0;
	v0 =	vld [tilespmem:s24+$0x0]  }
0x105: {  	v1 =	vld [tilespmem:s15+$0x0];
	_ =	sdelay $0x4  }
0x106: {  	v0 =	vadd.f32 v1, v0;
	_ =	sdelay $0x1  }
0x107: {  	[tilespmem:s24+$0x0] =	vst v0;
	v0 =	vld [tilespmem:s24+$0x10]  }
0x108: {  	v1 =	vld [tilespmem:s15+$0x10];
	_ =	sdelay $0x4  }
0x109: {  	v0 =	vadd.f32 v1, v0;
	_ =	sdelay $0x1  }
0x10a: {  	[tilespmem:s24+$0x10] =	vst v0;
	v0 =	vld [tilespmem:s24+$0x20]  }
0x10b: {  	v1 =	vld [tilespmem:s15+$0x20];
	_ =	sdelay $0x4  }
0x10c: {  	v0 =	vadd.f32 v1, v0;
	_ =	sdelay $0x1  }
0x10d: {  	[tilespmem:s24+$0x20] =	vst v0;
	v0 =	vld [tilespmem:s24+$0x30]  }
0x10e: {  	v1 =	vld [tilespmem:s15+$0x30];
	_ =	sdelay $0x4  }
0x10f: {  	v0 =	vadd.f32 v1, v0;
	_ =	sdelay $0x1  }
0x110: {  	[tilespmem:s24+$0x30] =	vst v0;
	v0 =	vld [tilespmem:s24+$0x40]  }
0x111: {  	v1 =	vld [tilespmem:s15+$0x40];
	_ =	sdelay $0x4  }
0x112: {  	v0 =	vadd.f32 v1, v0;
	_ =	sdelay $0x1  }
0x113: {  	[tilespmem:s24+$0x40] =	vst v0;
	v0 =	vld [tilespmem:s24+$0x50]  }
0x114: {  	v1 =	vld [tilespmem:s15+$0x50];
	_ =	sdelay $0x4  }
0x115: {  	v0 =	vadd.f32 v1, v0;
	_ =	sdelay $0x1  }
0x116: {  	[tilespmem:s24+$0x50] =	vst v0;
	v0 =	vld [tilespmem:s24+$0x60]  }
0x117: {  	v1 =	vld [tilespmem:s15+$0x60];
	_ =	sdelay $0x4  }
0x118: {  	v0 =	vadd.f32 v1, v0;
	_ =	sdelay $0x1  }
0x119: {  	[tilespmem:s24+$0x60] =	vst v0;
	v0 =	vld [tilespmem:s24+$0x70]  }
0x11a: {  	v1 =	vld [tilespmem:s15+$0x70];
	_ =	sdelay $0x4  }
0x11b: {  	v0 =	vadd.f32 v1, v0  }
0x11c: {  	s20 =	simm.s32 $0x2E80;
	s8 =	simm.s32 $0x0  }
.LBB2_5:
0x11d: {  	v1 =	vld [tilespmem:s20+$0xFFFFFF80];
	[tilespmem:s24+$0x70] =	vst v0;
	s15 =	sadd.s32 $0x100, s15;
	s24 =	smov.u32 s20  }
0x11e: {  	s8 =	sadd.s32 $0x2, s8;
	v0 =	vld [tilespmem:s15+$0xFFFFFF80]  }
0x11f: {  	p0 =	slt.u32 s8, $0x4E;
	_ =	sdelay $0x3  }
0x120: {  	v0 =	vadd.f32 v0, v1;
	_ =	sdelay $0x1  }
0x121: {  	[tilespmem:s20+$0xFFFFFF80] =	vst v0;
	v0 =	vld [tilespmem:s20+$0xFFFFFF90]  }
0x122: {  	v1 =	vld [tilespmem:s15+$0xFFFFFF90];
	_ =	sdelay $0x4  }
0x123: {  	v0 =	vadd.f32 v1, v0;
	_ =	sdelay $0x1  }
0x124: {  	[tilespmem:s20+$0xFFFFFF90] =	vst v0;
	v0 =	vld [tilespmem:s20+$0xFFFFFFA0]  }
0x125: {  	v1 =	vld [tilespmem:s15+$0xFFFFFFA0];
	_ =	sdelay $0x4  }
0x126: {  	v0 =	vadd.f32 v1, v0;
	_ =	sdelay $0x1  }
0x127: {  	[tilespmem:s20+$0xFFFFFFA0] =	vst v0;
	v0 =	vld [tilespmem:s20+$0xFFFFFFB0]  }
0x128: {  	v1 =	vld [tilespmem:s15+$0xFFFFFFB0];
	_ =	sdelay $0x4  }
0x129: {  	v0 =	vadd.f32 v1, v0;
	_ =	sdelay $0x1  }
0x12a: {  	[tilespmem:s20+$0xFFFFFFB0] =	vst v0;
	v0 =	vld [tilespmem:s20+$0xFFFFFFC0]  }
0x12b: {  	v1 =	vld [tilespmem:s15+$0xFFFFFFC0];
	_ =	sdelay $0x4  }
0x12c: {  	v0 =	vadd.f32 v1, v0;
	_ =	sdelay $0x1  }
0x12d: {  	[tilespmem:s20+$0xFFFFFFC0] =	vst v0;
	v0 =	vld [tilespmem:s20+$0xFFFFFFD0]  }
0x12e: {  	v1 =	vld [tilespmem:s15+$0xFFFFFFD0];
	_ =	sdelay $0x4  }
0x12f: {  	v0 =	vadd.f32 v1, v0;
	_ =	sdelay $0x1  }
0x130: {  	[tilespmem:s20+$0xFFFFFFD0] =	vst v0;
	v0 =	vld [tilespmem:s20+$0xFFFFFFE0]  }
0x131: {  	v1 =	vld [tilespmem:s15+$0xFFFFFFE0];
	_ =	sdelay $0x4  }
0x132: {  	v0 =	vadd.f32 v1, v0;
	_ =	sdelay $0x1  }
0x133: {  	[tilespmem:s20+$0xFFFFFFE0] =	vst v0;
	v0 =	vld [tilespmem:s20+$0xFFFFFFF0]  }
0x134: {  	v1 =	vld [tilespmem:s15+$0xFFFFFFF0];
	_ =	sdelay $0x4  }
0x135: {  	v0 =	vadd.f32 v1, v0;
	_ =	sdelay $0x1  }
0x136: {  	[tilespmem:s20+$0xFFFFFFF0] =	vst v0;
	v0 =	vld [tilespmem:s20+$0x0]  }
0x137: {  	v1 =	vld [tilespmem:s15+$0x0];
	_ =	sdelay $0x4  }
0x138: {  	v0 =	vadd.f32 v1, v0;
	_ =	sdelay $0x1  }
0x139: {  	[tilespmem:s20+$0x0] =	vst v0;
	v0 =	vld [tilespmem:s20+$0x10]  }
0x13a: {  	v1 =	vld [tilespmem:s15+$0x10];
	_ =	sdelay $0x4  }
0x13b: {  	v0 =	vadd.f32 v1, v0;
	_ =	sdelay $0x1  }
0x13c: {  	[tilespmem:s20+$0x10] =	vst v0;
	v0 =	vld [tilespmem:s20+$0x20]  }
0x13d: {  	v1 =	vld [tilespmem:s15+$0x20];
	_ =	sdelay $0x4  }
0x13e: {  	v0 =	vadd.f32 v1, v0;
	_ =	sdelay $0x1  }
0x13f: {  	[tilespmem:s20+$0x20] =	vst v0;
	v0 =	vld [tilespmem:s20+$0x30]  }
0x140: {  	v1 =	vld [tilespmem:s15+$0x30];
	_ =	sdelay $0x4  }
0x141: {  	v0 =	vadd.f32 v1, v0;
	_ =	sdelay $0x1  }
0x142: {  	[tilespmem:s20+$0x30] =	vst v0;
	v0 =	vld [tilespmem:s20+$0x40]  }
0x143: {  	v1 =	vld [tilespmem:s15+$0x40];
	_ =	sdelay $0x4  }
0x144: {  	v0 =	vadd.f32 v1, v0;
	_ =	sdelay $0x1  }
0x145: {  	[tilespmem:s20+$0x40] =	vst v0;
	v0 =	vld [tilespmem:s20+$0x50]  }
0x146: {  	v1 =	vld [tilespmem:s15+$0x50];
	_ =	sdelay $0x4  }
0x147: {  	v0 =	vadd.f32 v1, v0;
	_ =	sdelay $0x1  }
0x148: {  	[tilespmem:s20+$0x50] =	vst v0;
	v0 =	vld [tilespmem:s20+$0x60]  }
0x149: {  	v1 =	vld [tilespmem:s15+$0x60];
	_ =	sdelay $0x4  }
0x14a: {  	v0 =	vadd.f32 v1, v0;
	_ =	sdelay $0x1  }
0x14b: {  	[tilespmem:s20+$0x60] =	vst v0;
	v0 =	vld [tilespmem:s20+$0x70]  }
0x14c: {  	v1 =	vld [tilespmem:s15+$0x70];
	_ =	sdelay $0x1  }
.Ltmp3:
0x14d: {  	(pc) =	sbr.rel @p0 .LBB2_5-.Ltmp3, $3  }
0x14e: {  	_ =	sdelay $0x1  }
0x14f: {  	v0 =	vadd.f32 v1, v0  }
0x150: {  	s20 =	sadd.s32 $0x100, s20  }
0x151: {  	s8 =	rddreg [dreg:$0xf]  }
0x152: {  	s8 =	sadd.s32 s17, s8  }
0x153: {  	s8 =	sshll.u32 s8, $0x4  }
0x154: {  	[tilespmem:s24+$0x70] =	vst v0;
	s8 =	sadd.s32 s7, s8  }
0x155: {  	[hbm4b:s8+s3] =	stream.linear.scatter [tilespmem:s30], [sflag:$0x16], $0x2800, $0x38;
	[tilespmem:$0x19500] =	vst v63  }
0x156: {  	_ =	swait.ge [sflag:s31], $0x2800  }
0x157: {  	[sflag:s31] =	ssyncset.done $0x0  }
0x158: {  	[sflag:s31] =	ssyncadd.s32 $0xFFFFD800  }
0x159: {  	_ =	swait.ge [sflag:s0], $0x2800  }
0x15a: {  	[sflag:s0] =	ssyncset.done $0x0  }
0x15b: {  	s24 =	simm.s32 $0x5580;
	[sflag:s0] =	ssyncadd.s32 $0xFFFFD800  }
0x15c: {  	s15 =	simm.s32 $0x11D80;
	v0 =	vld [tilespmem:s24+$0xFFFFFF80]  }
0x15d: {  	v1 =	vld [tilespmem:s15+$0xFFFFFF80];
	_ =	sdelay $0x4  }
0x15e: {  	v0 =	vadd.f32 v1, v0;
	_ =	sdelay $0x1  }
0x15f: {  	[tilespmem:s24+$0xFFFFFF80] =	vst v0;
	v0 =	vld [tilespmem:s24+$0xFFFFFF90]  }
0x160: {  	v1 =	vld [tilespmem:s15+$0xFFFFFF90];
	_ =	sdelay $0x4  }
0x161: {  	v0 =	vadd.f32 v1, v0;
	_ =	sdelay $0x1  }
0x162: {  	[tilespmem:s24+$0xFFFFFF90] =	vst v0;
	v0 =	vld [tilespmem:s24+$0xFFFFFFA0]  }
0x163: {  	v1 =	vld [tilespmem:s15+$0xFFFFFFA0];
	_ =	sdelay $0x4  }
0x164: {  	v0 =	vadd.f32 v1, v0;
	_ =	sdelay $0x1  }
0x165: {  	[tilespmem:s24+$0xFFFFFFA0] =	vst v0;
	v0 =	vld [tilespmem:s24+$0xFFFFFFB0]  }
0x166: {  	v1 =	vld [tilespmem:s15+$0xFFFFFFB0];
	_ =	sdelay $0x4  }
0x167: {  	v0 =	vadd.f32 v1, v0;
	_ =	sdelay $0x1  }
0x168: {  	[tilespmem:s24+$0xFFFFFFB0] =	vst v0;
	v0 =	vld [tilespmem:s24+$0xFFFFFFC0]  }
0x169: {  	v1 =	vld [tilespmem:s15+$0xFFFFFFC0];
	_ =	sdelay $0x4  }
0x16a: {  	v0 =	vadd.f32 v1, v0;
	_ =	sdelay $0x1  }
0x16b: {  	[tilespmem:s24+$0xFFFFFFC0] =	vst v0;
	v0 =	vld [tilespmem:s24+$0xFFFFFFD0]  }
0x16c: {  	v1 =	vld [tilespmem:s15+$0xFFFFFFD0];
	_ =	sdelay $0x4  }
0x16d: {  	v0 =	vadd.f32 v1, v0;
	_ =	sdelay $0x1  }
0x16e: {  	[tilespmem:s24+$0xFFFFFFD0] =	vst v0;
	v0 =	vld [tilespmem:s24+$0xFFFFFFE0]  }
0x16f: {  	v1 =	vld [tilespmem:s15+$0xFFFFFFE0];
	_ =	sdelay $0x4  }
0x170: {  	v0 =	vadd.f32 v1, v0;
	_ =	sdelay $0x1  }
0x171: {  	[tilespmem:s24+$0xFFFFFFE0] =	vst v0;
	v0 =	vld [tilespmem:s24+$0xFFFFFFF0]  }
0x172: {  	v1 =	vld [tilespmem:s15+$0xFFFFFFF0];
	_ =	sdelay $0x4  }
0x173: {  	v0 =	vadd.f32 v1, v0;
	_ =	sdelay $0x1  }
0x174: {  	[tilespmem:s24+$0xFFFFFFF0] =	vst v0;
	v0 =	vld [tilespmem:s24+$0x0]  }
0x175: {  	v1 =	vld [tilespmem:s15+$0x0];
	_ =	sdelay $0x4  }
0x176: {  	v0 =	vadd.f32 v1, v0;
	_ =	sdelay $0x1  }
0x177: {  	[tilespmem:s24+$0x0] =	vst v0;
	v0 =	vld [tilespmem:s24+$0x10]  }
0x178: {  	v1 =	vld [tilespmem:s15+$0x10];
	_ =	sdelay $0x4  }
0x179: {  	v0 =	vadd.f32 v1, v0;
	_ =	sdelay $0x1  }
0x17a: {  	[tilespmem:s24+$0x10] =	vst v0;
	v0 =	vld [tilespmem:s24+$0x20]  }
0x17b: {  	v1 =	vld [tilespmem:s15+$0x20];
	_ =	sdelay $0x4  }
0x17c: {  	v0 =	vadd.f32 v1, v0;
	_ =	sdelay $0x1  }
0x17d: {  	[tilespmem:s24+$0x20] =	vst v0;
	v0 =	vld [tilespmem:s24+$0x30]  }
0x17e: {  	v1 =	vld [tilespmem:s15+$0x30];
	_ =	sdelay $0x4  }
0x17f: {  	v0 =	vadd.f32 v1, v0;
	_ =	sdelay $0x1  }
0x180: {  	[tilespmem:s24+$0x30] =	vst v0;
	v0 =	vld [tilespmem:s24+$0x40]  }
0x181: {  	v1 =	vld [tilespmem:s15+$0x40];
	_ =	sdelay $0x4  }
0x182: {  	v0 =	vadd.f32 v1, v0;
	_ =	sdelay $0x1  }
0x183: {  	[tilespmem:s24+$0x40] =	vst v0;
	v0 =	vld [tilespmem:s24+$0x50]  }
0x184: {  	v1 =	vld [tilespmem:s15+$0x50];
	_ =	sdelay $0x4  }
0x185: {  	v0 =	vadd.f32 v1, v0;
	_ =	sdelay $0x1  }
0x186: {  	[tilespmem:s24+$0x50] =	vst v0;
	v0 =	vld [tilespmem:s24+$0x60]  }
0x187: {  	v1 =	vld [tilespmem:s15+$0x60];
	_ =	sdelay $0x4  }
0x188: {  	v0 =	vadd.f32 v1, v0;
	_ =	sdelay $0x1  }
0x189: {  	[tilespmem:s24+$0x60] =	vst v0;
	v0 =	vld [tilespmem:s24+$0x70]  }
0x18a: {  	v1 =	vld [tilespmem:s15+$0x70];
	_ =	sdelay $0x4  }
0x18b: {  	v0 =	vadd.f32 v1, v0  }
0x18c: {  	s20 =	simm.s32 $0x5680;
	s8 =	simm.s32 $0x0  }
.LBB2_7:
0x18d: {  	v1 =	vld [tilespmem:s20+$0xFFFFFF80];
	[tilespmem:s24+$0x70] =	vst v0;
	s15 =	sadd.s32 $0x100, s15;
	s24 =	smov.u32 s20  }
0x18e: {  	s8 =	sadd.s32 $0x2, s8;
	v0 =	vld [tilespmem:s15+$0xFFFFFF80]  }
0x18f: {  	p0 =	slt.u32 s8, $0x4E;
	_ =	sdelay $0x3  }
0x190: {  	v0 =	vadd.f32 v0, v1;
	_ =	sdelay $0x1  }
0x191: {  	[tilespmem:s20+$0xFFFFFF80] =	vst v0;
	v0 =	vld [tilespmem:s20+$0xFFFFFF90]  }
0x192: {  	v1 =	vld [tilespmem:s15+$0xFFFFFF90];
	_ =	sdelay $0x4  }
0x193: {  	v0 =	vadd.f32 v1, v0;
	_ =	sdelay $0x1  }
0x194: {  	[tilespmem:s20+$0xFFFFFF90] =	vst v0;
	v0 =	vld [tilespmem:s20+$0xFFFFFFA0]  }
0x195: {  	v1 =	vld [tilespmem:s15+$0xFFFFFFA0];
	_ =	sdelay $0x4  }
0x196: {  	v0 =	vadd.f32 v1, v0;
	_ =	sdelay $0x1  }
0x197: {  	[tilespmem:s20+$0xFFFFFFA0] =	vst v0;
	v0 =	vld [tilespmem:s20+$0xFFFFFFB0]  }
0x198: {  	v1 =	vld [tilespmem:s15+$0xFFFFFFB0];
	_ =	sdelay $0x4  }
0x199: {  	v0 =	vadd.f32 v1, v0;
	_ =	sdelay $0x1  }
0x19a: {  	[tilespmem:s20+$0xFFFFFFB0] =	vst v0;
	v0 =	vld [tilespmem:s20+$0xFFFFFFC0]  }
0x19b: {  	v1 =	vld [tilespmem:s15+$0xFFFFFFC0];
	_ =	sdelay $0x4  }
0x19c: {  	v0 =	vadd.f32 v1, v0;
	_ =	sdelay $0x1  }
0x19d: {  	[tilespmem:s20+$0xFFFFFFC0] =	vst v0;
	v0 =	vld [tilespmem:s20+$0xFFFFFFD0]  }
0x19e: {  	v1 =	vld [tilespmem:s15+$0xFFFFFFD0];
	_ =	sdelay $0x4  }
0x19f: {  	v0 =	vadd.f32 v1, v0;
	_ =	sdelay $0x1  }
0x1a0: {  	[tilespmem:s20+$0xFFFFFFD0] =	vst v0;
	v0 =	vld [tilespmem:s20+$0xFFFFFFE0]  }
0x1a1: {  	v1 =	vld [tilespmem:s15+$0xFFFFFFE0];
	_ =	sdelay $0x4  }
0x1a2: {  	v0 =	vadd.f32 v1, v0;
	_ =	sdelay $0x1  }
0x1a3: {  	[tilespmem:s20+$0xFFFFFFE0] =	vst v0;
	v0 =	vld [tilespmem:s20+$0xFFFFFFF0]  }
0x1a4: {  	v1 =	vld [tilespmem:s15+$0xFFFFFFF0];
	_ =	sdelay $0x4  }
0x1a5: {  	v0 =	vadd.f32 v1, v0;
	_ =	sdelay $0x1  }
0x1a6: {  	[tilespmem:s20+$0xFFFFFFF0] =	vst v0;
	v0 =	vld [tilespmem:s20+$0x0]  }
0x1a7: {  	v1 =	vld [tilespmem:s15+$0x0];
	_ =	sdelay $0x4  }
0x1a8: {  	v0 =	vadd.f32 v1, v0;
	_ =	sdelay $0x1  }
0x1a9: {  	[tilespmem:s20+$0x0] =	vst v0;
	v0 =	vld [tilespmem:s20+$0x10]  }
0x1aa: {  	v1 =	vld [tilespmem:s15+$0x10];
	_ =	sdelay $0x4  }
0x1ab: {  	v0 =	vadd.f32 v1, v0;
	_ =	sdelay $0x1  }
0x1ac: {  	[tilespmem:s20+$0x10] =	vst v0;
	v0 =	vld [tilespmem:s20+$0x20]  }
0x1ad: {  	v1 =	vld [tilespmem:s15+$0x20];
	_ =	sdelay $0x4  }
0x1ae: {  	v0 =	vadd.f32 v1, v0;
	_ =	sdelay $0x1  }
0x1af: {  	[tilespmem:s20+$0x20] =	vst v0;
	v0 =	vld [tilespmem:s20+$0x30]  }
0x1b0: {  	v1 =	vld [tilespmem:s15+$0x30];
	_ =	sdelay $0x4  }
0x1b1: {  	v0 =	vadd.f32 v1, v0;
	_ =	sdelay $0x1  }
0x1b2: {  	[tilespmem:s20+$0x30] =	vst v0;
	v0 =	vld [tilespmem:s20+$0x40]  }
0x1b3: {  	v1 =	vld [tilespmem:s15+$0x40];
	_ =	sdelay $0x4  }
0x1b4: {  	v0 =	vadd.f32 v1, v0;
	_ =	sdelay $0x1  }
0x1b5: {  	[tilespmem:s20+$0x40] =	vst v0;
	v0 =	vld [tilespmem:s20+$0x50]  }
0x1b6: {  	v1 =	vld [tilespmem:s15+$0x50];
	_ =	sdelay $0x4  }
0x1b7: {  	v0 =	vadd.f32 v1, v0;
	_ =	sdelay $0x1  }
0x1b8: {  	[tilespmem:s20+$0x50] =	vst v0;
	v0 =	vld [tilespmem:s20+$0x60]  }
0x1b9: {  	v1 =	vld [tilespmem:s15+$0x60];
	_ =	sdelay $0x4  }
0x1ba: {  	v0 =	vadd.f32 v1, v0;
	_ =	sdelay $0x1  }
0x1bb: {  	[tilespmem:s20+$0x60] =	vst v0;
	v0 =	vld [tilespmem:s20+$0x70]  }
0x1bc: {  	v1 =	vld [tilespmem:s15+$0x70];
	_ =	sdelay $0x1  }
.Ltmp4:
0x1bd: {  	(pc) =	sbr.rel @p0 .LBB2_7-.Ltmp4, $3  }
0x1be: {  	_ =	sdelay $0x1  }
0x1bf: {  	v0 =	vadd.f32 v1, v0  }
0x1c0: {  	s20 =	sadd.s32 $0x100, s20  }
0x1c1: {  	s8 =	rddreg [dreg:$0x10]  }
0x1c2: {  	s8 =	sadd.s32 s17, s8  }
0x1c3: {  	s8 =	sshll.u32 s8, $0x4  }
0x1c4: {  	[tilespmem:s24+$0x70] =	vst v0;
	s15 =	simm.s32 $0x5500;
	s8 =	sadd.s32 s7, s8  }
0x1c5: {  	[hbm4b:s8+s3] =	stream.linear.scatter [tilespmem:s15], [sflag:$0x17], $0x2800, $0x38;
	[tilespmem:$0x19500] =	vst v63  }
0x1c6: {  	_ =	swait.ge [sflag:s4], $0x2800  }
0x1c7: {  	[sflag:s4] =	ssyncset.done $0x0  }
0x1c8: {  	[sflag:s4] =	ssyncadd.s32 $0xFFFFD800  }
0x1c9: {  	_ =	swait.ge [sflag:s10], $0x2800  }
0x1ca: {  	[sflag:s10] =	ssyncset.done $0x0  }
0x1cb: {  	s24 =	simm.s32 $0x7D80;
	[sflag:s10] =	ssyncadd.s32 $0xFFFFD800  }
0x1cc: {  	s15 =	simm.s32 $0x14580;
	v0 =	vld [tilespmem:s24+$0xFFFFFF80]  }
0x1cd: {  	v1 =	vld [tilespmem:s15+$0xFFFFFF80];
	_ =	sdelay $0x4  }
0x1ce: {  	v0 =	vadd.f32 v1, v0;
	_ =	sdelay $0x1  }
0x1cf: {  	[tilespmem:s24+$0xFFFFFF80] =	vst v0;
	v0 =	vld [tilespmem:s24+$0xFFFFFF90]  }
0x1d0: {  	v1 =	vld [tilespmem:s15+$0xFFFFFF90];
	_ =	sdelay $0x4  }
0x1d1: {  	v0 =	vadd.f32 v1, v0;
	_ =	sdelay $0x1  }
0x1d2: {  	[tilespmem:s24+$0xFFFFFF90] =	vst v0;
	v0 =	vld [tilespmem:s24+$0xFFFFFFA0]  }
0x1d3: {  	v1 =	vld [tilespmem:s15+$0xFFFFFFA0];
	_ =	sdelay $0x4  }
0x1d4: {  	v0 =	vadd.f32 v1, v0;
	_ =	sdelay $0x1  }
0x1d5: {  	[tilespmem:s24+$0xFFFFFFA0] =	vst v0;
	v0 =	vld [tilespmem:s24+$0xFFFFFFB0]  }
0x1d6: {  	v1 =	vld [tilespmem:s15+$0xFFFFFFB0];
	_ =	sdelay $0x4  }
0x1d7: {  	v0 =	vadd.f32 v1, v0;
	_ =	sdelay $0x1  }
0x1d8: {  	[tilespmem:s24+$0xFFFFFFB0] =	vst v0;
	v0 =	vld [tilespmem:s24+$0xFFFFFFC0]  }
0x1d9: {  	v1 =	vld [tilespmem:s15+$0xFFFFFFC0];
	_ =	sdelay $0x4  }
0x1da: {  	v0 =	vadd.f32 v1, v0;
	_ =	sdelay $0x1  }
0x1db: {  	[tilespmem:s24+$0xFFFFFFC0] =	vst v0;
	v0 =	vld [tilespmem:s24+$0xFFFFFFD0]  }
0x1dc: {  	v1 =	vld [tilespmem:s15+$0xFFFFFFD0];
	_ =	sdelay $0x4  }
0x1dd: {  	v0 =	vadd.f32 v1, v0;
	_ =	sdelay $0x1  }
0x1de: {  	[tilespmem:s24+$0xFFFFFFD0] =	vst v0;
	v0 =	vld [tilespmem:s24+$0xFFFFFFE0]  }
0x1df: {  	v1 =	vld [tilespmem:s15+$0xFFFFFFE0];
	_ =	sdelay $0x4  }
0x1e0: {  	v0 =	vadd.f32 v1, v0;
	_ =	sdelay $0x1  }
0x1e1: {  	[tilespmem:s24+$0xFFFFFFE0] =	vst v0;
	v0 =	vld [tilespmem:s24+$0xFFFFFFF0]  }
0x1e2: {  	v1 =	vld [tilespmem:s15+$0xFFFFFFF0];
	_ =	sdelay $0x4  }
0x1e3: {  	v0 =	vadd.f32 v1, v0;
	_ =	sdelay $0x1  }
0x1e4: {  	[tilespmem:s24+$0xFFFFFFF0] =	vst v0;
	v0 =	vld [tilespmem:s24+$0x0]  }
0x1e5: {  	v1 =	vld [tilespmem:s15+$0x0];
	_ =	sdelay $0x4  }
0x1e6: {  	v0 =	vadd.f32 v1, v0;
	_ =	sdelay $0x1  }
0x1e7: {  	[tilespmem:s24+$0x0] =	vst v0;
	v0 =	vld [tilespmem:s24+$0x10]  }
0x1e8: {  	v1 =	vld [tilespmem:s15+$0x10];
	_ =	sdelay $0x4  }
0x1e9: {  	v0 =	vadd.f32 v1, v0;
	_ =	sdelay $0x1  }
0x1ea: {  	[tilespmem:s24+$0x10] =	vst v0;
	v0 =	vld [tilespmem:s24+$0x20]  }
0x1eb: {  	v1 =	vld [tilespmem:s15+$0x20];
	_ =	sdelay $0x4  }
0x1ec: {  	v0 =	vadd.f32 v1, v0;
	_ =	sdelay $0x1  }
0x1ed: {  	[tilespmem:s24+$0x20] =	vst v0;
	v0 =	vld [tilespmem:s24+$0x30]  }
0x1ee: {  	v1 =	vld [tilespmem:s15+$0x30];
	_ =	sdelay $0x4  }
0x1ef: {  	v0 =	vadd.f32 v1, v0;
	_ =	sdelay $0x1  }
0x1f0: {  	[tilespmem:s24+$0x30] =	vst v0;
	v0 =	vld [tilespmem:s24+$0x40]  }
0x1f1: {  	v1 =	vld [tilespmem:s15+$0x40];
	_ =	sdelay $0x4  }
0x1f2: {  	v0 =	vadd.f32 v1, v0;
	_ =	sdelay $0x1  }
0x1f3: {  	[tilespmem:s24+$0x40] =	vst v0;
	v0 =	vld [tilespmem:s24+$0x50]  }
0x1f4: {  	v1 =	vld [tilespmem:s15+$0x50];
	_ =	sdelay $0x4  }
0x1f5: {  	v0 =	vadd.f32 v1, v0;
	_ =	sdelay $0x1  }
0x1f6: {  	[tilespmem:s24+$0x50] =	vst v0;
	v0 =	vld [tilespmem:s24+$0x60]  }
0x1f7: {  	v1 =	vld [tilespmem:s15+$0x60];
	_ =	sdelay $0x4  }
0x1f8: {  	v0 =	vadd.f32 v1, v0;
	_ =	sdelay $0x1  }
0x1f9: {  	[tilespmem:s24+$0x60] =	vst v0;
	v0 =	vld [tilespmem:s24+$0x70]  }
0x1fa: {  	v1 =	vld [tilespmem:s15+$0x70];
	_ =	sdelay $0x4  }
0x1fb: {  	v0 =	vadd.f32 v1, v0  }
0x1fc: {  	s20 =	simm.s32 $0x7E80;
	s8 =	simm.s32 $0x0  }
.LBB2_9:
0x1fd: {  	v1 =	vld [tilespmem:s20+$0xFFFFFF80];
	[tilespmem:s24+$0x70] =	vst v0;
	s15 =	sadd.s32 $0x100, s15;
	s24 =	smov.u32 s20  }
0x1fe: {  	s8 =	sadd.s32 $0x2, s8;
	v0 =	vld [tilespmem:s15+$0xFFFFFF80]  }
0x1ff: {  	p0 =	slt.u32 s8, $0x4E;
	_ =	sdelay $0x3  }
0x200: {  	v0 =	vadd.f32 v0, v1;
	_ =	sdelay $0x1  }
0x201: {  	[tilespmem:s20+$0xFFFFFF80] =	vst v0;
	v0 =	vld [tilespmem:s20+$0xFFFFFF90]  }
0x202: {  	v1 =	vld [tilespmem:s15+$0xFFFFFF90];
	_ =	sdelay $0x4  }
0x203: {  	v0 =	vadd.f32 v1, v0;
	_ =	sdelay $0x1  }
0x204: {  	[tilespmem:s20+$0xFFFFFF90] =	vst v0;
	v0 =	vld [tilespmem:s20+$0xFFFFFFA0]  }
0x205: {  	v1 =	vld [tilespmem:s15+$0xFFFFFFA0];
	_ =	sdelay $0x4  }
0x206: {  	v0 =	vadd.f32 v1, v0;
	_ =	sdelay $0x1  }
0x207: {  	[tilespmem:s20+$0xFFFFFFA0] =	vst v0;
	v0 =	vld [tilespmem:s20+$0xFFFFFFB0]  }
0x208: {  	v1 =	vld [tilespmem:s15+$0xFFFFFFB0];
	_ =	sdelay $0x4  }
0x209: {  	v0 =	vadd.f32 v1, v0;
	_ =	sdelay $0x1  }
0x20a: {  	[tilespmem:s20+$0xFFFFFFB0] =	vst v0;
	v0 =	vld [tilespmem:s20+$0xFFFFFFC0]  }
0x20b: {  	v1 =	vld [tilespmem:s15+$0xFFFFFFC0];
	_ =	sdelay $0x4  }
0x20c: {  	v0 =	vadd.f32 v1, v0;
	_ =	sdelay $0x1  }
0x20d: {  	[tilespmem:s20+$0xFFFFFFC0] =	vst v0;
	v0 =	vld [tilespmem:s20+$0xFFFFFFD0]  }
0x20e: {  	v1 =	vld [tilespmem:s15+$0xFFFFFFD0];
	_ =	sdelay $0x4  }
0x20f: {  	v0 =	vadd.f32 v1, v0;
	_ =	sdelay $0x1  }
0x210: {  	[tilespmem:s20+$0xFFFFFFD0] =	vst v0;
	v0 =	vld [tilespmem:s20+$0xFFFFFFE0]  }
0x211: {  	v1 =	vld [tilespmem:s15+$0xFFFFFFE0];
	_ =	sdelay $0x4  }
0x212: {  	v0 =	vadd.f32 v1, v0;
	_ =	sdelay $0x1  }
0x213: {  	[tilespmem:s20+$0xFFFFFFE0] =	vst v0;
	v0 =	vld [tilespmem:s20+$0xFFFFFFF0]  }
0x214: {  	v1 =	vld [tilespmem:s15+$0xFFFFFFF0];
	_ =	sdelay $0x4  }
0x215: {  	v0 =	vadd.f32 v1, v0;
	_ =	sdelay $0x1  }
0x216: {  	[tilespmem:s20+$0xFFFFFFF0] =	vst v0;
	v0 =	vld [tilespmem:s20+$0x0]  }
0x217: {  	v1 =	vld [tilespmem:s15+$0x0];
	_ =	sdelay $0x4  }
0x218: {  	v0 =	vadd.f32 v1, v0;
	_ =	sdelay $0x1  }
0x219: {  	[tilespmem:s20+$0x0] =	vst v0;
	v0 =	vld [tilespmem:s20+$0x10]  }
0x21a: {  	v1 =	vld [tilespmem:s15+$0x10];
	_ =	sdelay $0x4  }
0x21b: {  	v0 =	vadd.f32 v1, v0;
	_ =	sdelay $0x1  }
0x21c: {  	[tilespmem:s20+$0x10] =	vst v0;
	v0 =	vld [tilespmem:s20+$0x20]  }
0x21d: {  	v1 =	vld [tilespmem:s15+$0x20];
	_ =	sdelay $0x4  }
0x21e: {  	v0 =	vadd.f32 v1, v0;
	_ =	sdelay $0x1  }
0x21f: {  	[tilespmem:s20+$0x20] =	vst v0;
	v0 =	vld [tilespmem:s20+$0x30]  }
0x220: {  	v1 =	vld [tilespmem:s15+$0x30];
	_ =	sdelay $0x4  }
0x221: {  	v0 =	vadd.f32 v1, v0;
	_ =	sdelay $0x1  }
0x222: {  	[tilespmem:s20+$0x30] =	vst v0;
	v0 =	vld [tilespmem:s20+$0x40]  }
0x223: {  	v1 =	vld [tilespmem:s15+$0x40];
	_ =	sdelay $0x4  }
0x224: {  	v0 =	vadd.f32 v1, v0;
	_ =	sdelay $0x1  }
0x225: {  	[tilespmem:s20+$0x40] =	vst v0;
	v0 =	vld [tilespmem:s20+$0x50]  }
0x226: {  	v1 =	vld [tilespmem:s15+$0x50];
	_ =	sdelay $0x4  }
0x227: {  	v0 =	vadd.f32 v1, v0;
	_ =	sdelay $0x1  }
0x228: {  	[tilespmem:s20+$0x50] =	vst v0;
	v0 =	vld [tilespmem:s20+$0x60]  }
0x229: {  	v1 =	vld [tilespmem:s15+$0x60];
	_ =	sdelay $0x4  }
0x22a: {  	v0 =	vadd.f32 v1, v0;
	_ =	sdelay $0x1  }
0x22b: {  	[tilespmem:s20+$0x60] =	vst v0;
	v0 =	vld [tilespmem:s20+$0x70]  }
0x22c: {  	v1 =	vld [tilespmem:s15+$0x70];
	_ =	sdelay $0x1  }
.Ltmp5:
0x22d: {  	(pc) =	sbr.rel @p0 .LBB2_9-.Ltmp5, $3  }
0x22e: {  	_ =	sdelay $0x1  }
0x22f: {  	v0 =	vadd.f32 v1, v0  }
0x230: {  	s20 =	sadd.s32 $0x100, s20  }
0x231: {  	s8 =	rddreg [dreg:$0x11]  }
0x232: {  	s8 =	sadd.s32 s17, s8  }
0x233: {  	s8 =	sshll.u32 s8, $0x4  }
0x234: {  	[tilespmem:s24+$0x70] =	vst v0;
	s15 =	simm.s32 $0x7D00;
	s8 =	sadd.s32 s7, s8  }
0x235: {  	[hbm4b:s8+s3] =	stream.linear.scatter [tilespmem:s15], [sflag:$0x18], $0x2800, $0x38;
	[tilespmem:$0x19500] =	vst v63  }
0x236: {  	_ =	swait.ge [sflag:s14], $0x2800  }
0x237: {  	[sflag:s14] =	ssyncset.done $0x0  }
0x238: {  	[sflag:s14] =	ssyncadd.s32 $0xFFFFD800  }
0x239: {  	_ =	swait.ge [sflag:s18], $0x2800  }
0x23a: {  	[sflag:s18] =	ssyncset.done $0x0  }
0x23b: {  	s24 =	simm.s32 $0xA580;
	[sflag:s18] =	ssyncadd.s32 $0xFFFFD800  }
0x23c: {  	s15 =	simm.s32 $0x16D80;
	v0 =	vld [tilespmem:s24+$0xFFFFFF80]  }
0x23d: {  	v1 =	vld [tilespmem:s15+$0xFFFFFF80];
	_ =	sdelay $0x4  }
0x23e: {  	v0 =	vadd.f32 v1, v0;
	_ =	sdelay $0x1  }
0x23f: {  	[tilespmem:s24+$0xFFFFFF80] =	vst v0;
	v0 =	vld [tilespmem:s24+$0xFFFFFF90]  }
0x240: {  	v1 =	vld [tilespmem:s15+$0xFFFFFF90];
	_ =	sdelay $0x4  }
0x241: {  	v0 =	vadd.f32 v1, v0;
	_ =	sdelay $0x1  }
0x242: {  	[tilespmem:s24+$0xFFFFFF90] =	vst v0;
	v0 =	vld [tilespmem:s24+$0xFFFFFFA0]  }
0x243: {  	v1 =	vld [tilespmem:s15+$0xFFFFFFA0];
	_ =	sdelay $0x4  }
0x244: {  	v0 =	vadd.f32 v1, v0;
	_ =	sdelay $0x1  }
0x245: {  	[tilespmem:s24+$0xFFFFFFA0] =	vst v0;
	v0 =	vld [tilespmem:s24+$0xFFFFFFB0]  }
0x246: {  	v1 =	vld [tilespmem:s15+$0xFFFFFFB0];
	_ =	sdelay $0x4  }
0x247: {  	v0 =	vadd.f32 v1, v0;
	_ =	sdelay $0x1  }
0x248: {  	[tilespmem:s24+$0xFFFFFFB0] =	vst v0;
	v0 =	vld [tilespmem:s24+$0xFFFFFFC0]  }
0x249: {  	v1 =	vld [tilespmem:s15+$0xFFFFFFC0];
	_ =	sdelay $0x4  }
0x24a: {  	v0 =	vadd.f32 v1, v0;
	_ =	sdelay $0x1  }
0x24b: {  	[tilespmem:s24+$0xFFFFFFC0] =	vst v0;
	v0 =	vld [tilespmem:s24+$0xFFFFFFD0]  }
0x24c: {  	v1 =	vld [tilespmem:s15+$0xFFFFFFD0];
	_ =	sdelay $0x4  }
0x24d: {  	v0 =	vadd.f32 v1, v0;
	_ =	sdelay $0x1  }
0x24e: {  	[tilespmem:s24+$0xFFFFFFD0] =	vst v0;
	v0 =	vld [tilespmem:s24+$0xFFFFFFE0]  }
0x24f: {  	v1 =	vld [tilespmem:s15+$0xFFFFFFE0];
	_ =	sdelay $0x4  }
0x250: {  	v0 =	vadd.f32 v1, v0;
	_ =	sdelay $0x1  }
0x251: {  	[tilespmem:s24+$0xFFFFFFE0] =	vst v0;
	v0 =	vld [tilespmem:s24+$0xFFFFFFF0]  }
0x252: {  	v1 =	vld [tilespmem:s15+$0xFFFFFFF0];
	_ =	sdelay $0x4  }
0x253: {  	v0 =	vadd.f32 v1, v0;
	_ =	sdelay $0x1  }
0x254: {  	[tilespmem:s24+$0xFFFFFFF0] =	vst v0;
	v0 =	vld [tilespmem:s24+$0x0]  }
0x255: {  	v1 =	vld [tilespmem:s15+$0x0];
	_ =	sdelay $0x4  }
0x256: {  	v0 =	vadd.f32 v1, v0;
	_ =	sdelay $0x1  }
0x257: {  	[tilespmem:s24+$0x0] =	vst v0;
	v0 =	vld [tilespmem:s24+$0x10]  }
0x258: {  	v1 =	vld [tilespmem:s15+$0x10];
	_ =	sdelay $0x4  }
0x259: {  	v0 =	vadd.f32 v1, v0;
	_ =	sdelay $0x1  }
0x25a: {  	[tilespmem:s24+$0x10] =	vst v0;
	v0 =	vld [tilespmem:s24+$0x20]  }
0x25b: {  	v1 =	vld [tilespmem:s15+$0x20];
	_ =	sdelay $0x4  }
0x25c: {  	v0 =	vadd.f32 v1, v0;
	_ =	sdelay $0x1  }
0x25d: {  	[tilespmem:s24+$0x20] =	vst v0;
	v0 =	vld [tilespmem:s24+$0x30]  }
0x25e: {  	v1 =	vld [tilespmem:s15+$0x30];
	_ =	sdelay $0x4  }
0x25f: {  	v0 =	vadd.f32 v1, v0;
	_ =	sdelay $0x1  }
0x260: {  	[tilespmem:s24+$0x30] =	vst v0;
	v0 =	vld [tilespmem:s24+$0x40]  }
0x261: {  	v1 =	vld [tilespmem:s15+$0x40];
	_ =	sdelay $0x4  }
0x262: {  	v0 =	vadd.f32 v1, v0;
	_ =	sdelay $0x1  }
0x263: {  	[tilespmem:s24+$0x40] =	vst v0;
	v0 =	vld [tilespmem:s24+$0x50]  }
0x264: {  	v1 =	vld [tilespmem:s15+$0x50];
	_ =	sdelay $0x4  }
0x265: {  	v0 =	vadd.f32 v1, v0;
	_ =	sdelay $0x1  }
0x266: {  	[tilespmem:s24+$0x50] =	vst v0;
	v0 =	vld [tilespmem:s24+$0x60]  }
0x267: {  	v1 =	vld [tilespmem:s15+$0x60];
	_ =	sdelay $0x4  }
0x268: {  	v0 =	vadd.f32 v1, v0;
	_ =	sdelay $0x1  }
0x269: {  	[tilespmem:s24+$0x60] =	vst v0;
	v0 =	vld [tilespmem:s24+$0x70]  }
0x26a: {  	v1 =	vld [tilespmem:s15+$0x70];
	_ =	sdelay $0x4  }
0x26b: {  	v0 =	vadd.f32 v1, v0  }
0x26c: {  	s20 =	simm.s32 $0xA680;
	s8 =	simm.s32 $0x0  }
.LBB2_11:
0x26d: {  	v1 =	vld [tilespmem:s20+$0xFFFFFF80];
	[tilespmem:s24+$0x70] =	vst v0;
	s15 =	sadd.s32 $0x100, s15;
	s24 =	smov.u32 s20  }
0x26e: {  	s8 =	sadd.s32 $0x2, s8;
	v0 =	vld [tilespmem:s15+$0xFFFFFF80]  }
0x26f: {  	p0 =	slt.u32 s8, $0x4E;
	_ =	sdelay $0x3  }
0x270: {  	v0 =	vadd.f32 v0, v1;
	_ =	sdelay $0x1  }
0x271: {  	[tilespmem:s20+$0xFFFFFF80] =	vst v0;
	v0 =	vld [tilespmem:s20+$0xFFFFFF90]  }
0x272: {  	v1 =	vld [tilespmem:s15+$0xFFFFFF90];
	_ =	sdelay $0x4  }
0x273: {  	v0 =	vadd.f32 v1, v0;
	_ =	sdelay $0x1  }
0x274: {  	[tilespmem:s20+$0xFFFFFF90] =	vst v0;
	v0 =	vld [tilespmem:s20+$0xFFFFFFA0]  }
0x275: {  	v1 =	vld [tilespmem:s15+$0xFFFFFFA0];
	_ =	sdelay $0x4  }
0x276: {  	v0 =	vadd.f32 v1, v0;
	_ =	sdelay $0x1  }
0x277: {  	[tilespmem:s20+$0xFFFFFFA0] =	vst v0;
	v0 =	vld [tilespmem:s20+$0xFFFFFFB0]  }
0x278: {  	v1 =	vld [tilespmem:s15+$0xFFFFFFB0];
	_ =	sdelay $0x4  }
0x279: {  	v0 =	vadd.f32 v1, v0;
	_ =	sdelay $0x1  }
0x27a: {  	[tilespmem:s20+$0xFFFFFFB0] =	vst v0;
	v0 =	vld [tilespmem:s20+$0xFFFFFFC0]  }
0x27b: {  	v1 =	vld [tilespmem:s15+$0xFFFFFFC0];
	_ =	sdelay $0x4  }
0x27c: {  	v0 =	vadd.f32 v1, v0;
	_ =	sdelay $0x1  }
0x27d: {  	[tilespmem:s20+$0xFFFFFFC0] =	vst v0;
	v0 =	vld [tilespmem:s20+$0xFFFFFFD0]  }
0x27e: {  	v1 =	vld [tilespmem:s15+$0xFFFFFFD0];
	_ =	sdelay $0x4  }
0x27f: {  	v0 =	vadd.f32 v1, v0;
	_ =	sdelay $0x1  }
0x280: {  	[tilespmem:s20+$0xFFFFFFD0] =	vst v0;
	v0 =	vld [tilespmem:s20+$0xFFFFFFE0]  }
0x281: {  	v1 =	vld [tilespmem:s15+$0xFFFFFFE0];
	_ =	sdelay $0x4  }
0x282: {  	v0 =	vadd.f32 v1, v0;
	_ =	sdelay $0x1  }
0x283: {  	[tilespmem:s20+$0xFFFFFFE0] =	vst v0;
	v0 =	vld [tilespmem:s20+$0xFFFFFFF0]  }
0x284: {  	v1 =	vld [tilespmem:s15+$0xFFFFFFF0];
	_ =	sdelay $0x4  }
0x285: {  	v0 =	vadd.f32 v1, v0;
	_ =	sdelay $0x1  }
0x286: {  	[tilespmem:s20+$0xFFFFFFF0] =	vst v0;
	v0 =	vld [tilespmem:s20+$0x0]  }
0x287: {  	v1 =	vld [tilespmem:s15+$0x0];
	_ =	sdelay $0x4  }
0x288: {  	v0 =	vadd.f32 v1, v0;
	_ =	sdelay $0x1  }
0x289: {  	[tilespmem:s20+$0x0] =	vst v0;
	v0 =	vld [tilespmem:s20+$0x10]  }
0x28a: {  	v1 =	vld [tilespmem:s15+$0x10];
	_ =	sdelay $0x4  }
0x28b: {  	v0 =	vadd.f32 v1, v0;
	_ =	sdelay $0x1  }
0x28c: {  	[tilespmem:s20+$0x10] =	vst v0;
	v0 =	vld [tilespmem:s20+$0x20]  }
0x28d: {  	v1 =	vld [tilespmem:s15+$0x20];
	_ =	sdelay $0x4  }
0x28e: {  	v0 =	vadd.f32 v1, v0;
	_ =	sdelay $0x1  }
0x28f: {  	[tilespmem:s20+$0x20] =	vst v0;
	v0 =	vld [tilespmem:s20+$0x30]  }
0x290: {  	v1 =	vld [tilespmem:s15+$0x30];
	_ =	sdelay $0x4  }
0x291: {  	v0 =	vadd.f32 v1, v0;
	_ =	sdelay $0x1  }
0x292: {  	[tilespmem:s20+$0x30] =	vst v0;
	v0 =	vld [tilespmem:s20+$0x40]  }
0x293: {  	v1 =	vld [tilespmem:s15+$0x40];
	_ =	sdelay $0x4  }
0x294: {  	v0 =	vadd.f32 v1, v0;
	_ =	sdelay $0x1  }
0x295: {  	[tilespmem:s20+$0x40] =	vst v0;
	v0 =	vld [tilespmem:s20+$0x50]  }
0x296: {  	v1 =	vld [tilespmem:s15+$0x50];
	_ =	sdelay $0x4  }
0x297: {  	v0 =	vadd.f32 v1, v0;
	_ =	sdelay $0x1  }
0x298: {  	[tilespmem:s20+$0x50] =	vst v0;
	v0 =	vld [tilespmem:s20+$0x60]  }
0x299: {  	v1 =	vld [tilespmem:s15+$0x60];
	_ =	sdelay $0x4  }
0x29a: {  	v0 =	vadd.f32 v1, v0;
	_ =	sdelay $0x1  }
0x29b: {  	[tilespmem:s20+$0x60] =	vst v0;
	v0 =	vld [tilespmem:s20+$0x70]  }
0x29c: {  	v1 =	vld [tilespmem:s15+$0x70];
	_ =	sdelay $0x1  }
.Ltmp6:
0x29d: {  	(pc) =	sbr.rel @p0 .LBB2_11-.Ltmp6, $3  }
0x29e: {  	_ =	sdelay $0x1  }
0x29f: {  	v0 =	vadd.f32 v1, v0  }
0x2a0: {  	s20 =	sadd.s32 $0x100, s20  }
0x2a1: {  	s8 =	rddreg [dreg:$0x12]  }
0x2a2: {  	s8 =	sadd.s32 s17, s8  }
0x2a3: {  	p0 =	seq.s32 s16, $0x18;
	s8 =	sshll.u32 s8, $0x4  }
.Ltmp7:
0x2a4: {  	[tilespmem:s24+$0x70] =	vst v0;
	s8 =	sadd.s32 s7, s8;
	(pc) =	sbr.rel @p0 .LBB2_14-.Ltmp7, $4  }
0x2a5: {  	[hbm4b:s8+s3] =	stream.linear.scatter [tilespmem:s28], [sflag:$0x19], $0x2800, $0x38;
	[tilespmem:$0x19500] =	vst v63  }
0x2a6: {  	_ =	swait.ge [sflag:s19], $0x2800  }
0x2a7: {  	[sflag:s19] =	ssyncset.done $0x0  }
0x2a8: {  	[sflag:s19] =	ssyncadd.s32 $0xFFFFD800  }
0x2a9: {  	s8 =	smul.u32 $0x280, s16;
	_ =	sdelay $0x1  }
0x2aa: {  	s15 =	sadd.s32 $0x280, s8  }
0x2ab: {  	s17 =	sand.u32 $0xFC00, s15  }
0x2ac: {  	s15 =	sand.u32 $0x380, s15;
	s17 =	sadd.s32 s9, s17  }
0x2ad: {  	s15 =	sor.u32 s15, s17  }
0x2ae: {  	s15 =	sshrl.u32 s15, $0x3  }
0x2af: {  	s23 =	sadd.s32 $0x300, s8;
	s22 =	sadd.s32 s6, s15  }
0x2b0: {  	[tilespmem:s3], [sflag:$0x1] =	stream.linear.gather [hbm4b:s22+s3], $0x80, $0x38;
	[tilespmem:$0x19500] =	vst v63  }
0x2b1: {  	s20 =	simm.s32 $0x280;
	s24 =	sand.u32 $0xFC00, s23;
	s15 =	sadd.s32 s5, s15  }
0x2b2: {  	[tilespmem:s20], [sflag:$0x6] =	stream.linear.gather [hbm4b:s15+s3], $0x80, $0x38;
	[tilespmem:$0x19500] =	vst v63  }
0x2b3: {  	s17 =	sadd.s32 s9, s24;
	s15 =	sand.u32 $0x380, s23  }
0x2b4: {  	_ =	swait.ge [sflag:s21], $0x2800;
	s15 =	sor.u32 s15, s17  }
0x2b5: {  	s30 =	sadd.s32 $0x380, s8;
	[sflag:s21] =	ssyncset.done $0x0;
	s15 =	sshrl.u32 s15, $0x3  }
0x2b6: {  	s24 =	simm.s32 $0x80;
	[sflag:s21] =	ssyncadd.s32 $0xFFFFD800;
	s26 =	sadd.s32 s6, s15  }
0x2b7: {  	[tilespmem:s24], [sflag:$0x2] =	stream.linear.gather [hbm4b:s26+s3], $0x80, $0x38;
	[tilespmem:$0x19500] =	vst v63  }
0x2b8: {  	s29 =	simm.s32 $0x300;
	s22 =	sand.u32 $0xFC00, s30;
	s15 =	sadd.s32 s5, s15  }
0x2b9: {  	[tilespmem:s29], [sflag:$0x7] =	stream.linear.gather [hbm4b:s15+s3], $0x80, $0x38;
	[tilespmem:$0x19500] =	vst v63  }
0x2ba: {  	s17 =	sadd.s32 s9, s22;
	s15 =	sand.u32 $0x380, s30  }
0x2bb: {  	_ =	swait.ge [sflag:s25], $0x2800;
	s15 =	sor.u32 s15, s17  }
0x2bc: {  	[sflag:s25] =	ssyncset.done $0x0;
	s15 =	sshrl.u32 s15, $0x3  }
0x2bd: {  	s22 =	simm.s32 $0x100;
	[sflag:s25] =	ssyncadd.s32 $0xFFFFD800;
	s23 =	sadd.s32 s6, s15  }
0x2be: {  	[tilespmem:s22], [sflag:$0x3] =	stream.linear.gather [hbm4b:s23+s3], $0x80, $0x38;
	[tilespmem:$0x19500] =	vst v63  }
0x2bf: {  	s26 =	sadd.s32 $0x400, s8;
	s15 =	sadd.s32 s5, s15;
	s22 =	simm.s32 $0x380  }
0x2c0: {  	[tilespmem:s22], [sflag:$0x8] =	stream.linear.gather [hbm4b:s15+s3], $0x80, $0x38;
	[tilespmem:$0x19500] =	vst v63  }
0x2c1: {  	s15 =	sand.u32 $0xFC00, s26  }
0x2c2: {  	s29 =	sand.u32 $0x380, s8;
	s15 =	sadd.s32 s9, s15  }
0x2c3: {  	_ =	swait.ge [sflag:s11], $0x2800;
	s15 =	sor.u32 s29, s15  }
0x2c4: {  	s8 =	sadd.s32 $0x480, s8;
	[sflag:s11] =	ssyncset.done $0x0;
	s15 =	sshrl.u32 s15, $0x3  }
0x2c5: {  	s23 =	simm.s32 $0x180;
	[sflag:s11] =	ssyncadd.s32 $0xFFFFD800;
	s30 =	sadd.s32 s6, s15  }
0x2c6: {  	[tilespmem:s23], [sflag:$0x4] =	stream.linear.gather [hbm4b:s30+s3], $0x80, $0x38;
	[tilespmem:$0x19500] =	vst v63  }
0x2c7: {  	s26 =	simm.s32 $0x400;
	s29 =	sand.u32 $0xFC00, s8;
	s15 =	sadd.s32 s5, s15  }
0x2c8: {  	[tilespmem:s26], [sflag:$0x9] =	stream.linear.gather [hbm4b:s15+s3], $0x80, $0x38;
	[tilespmem:$0x19500] =	vst v63  }
0x2c9: {  	s8 =	sand.u32 $0x380, s8;
	s15 =	sadd.s32 s9, s29  }
0x2ca: {  	_ =	swait.ge [sflag:s12], $0x2800;
	s8 =	sor.u32 s8, s15  }
0x2cb: {  	s28 =	simm.s32 $0x200;
	[sflag:s12] =	ssyncset.done $0x0;
	s8 =	sshrl.u32 s8, $0x3  }
.Ltmp8:
0x2cc: {  	[sflag:s12] =	ssyncadd.s32 $0xFFFFD800;
	s30 =	sadd.s32 s6, s8;
	(pc) =	sbr.rel .LBB2_2-.Ltmp8, $4  }
0x2cd: {  	[tilespmem:s28], [sflag:$0x5] =	stream.linear.gather [hbm4b:s30+s3], $0x80, $0x38;
	[tilespmem:$0x19500] =	vst v63  }
0x2ce: {  	s16 =	sadd.s32 $0x1, s16;
	s29 =	simm.s32 $0x480;
	s8 =	sadd.s32 s5, s8  }
0x2cf: {  	[tilespmem:s29], [sflag:$0xA] =	stream.linear.gather [hbm4b:s8+s3], $0x80, $0x38;
	[tilespmem:$0x19500] =	vst v63  }
0x2d0: {  	s17 =	simm.s32 $0x100;
	s15 =	simm.s32 $0x300;
	s8 =	simm.s32 $0x480  }
.LBB2_15:
0x2d1: {  	_ =	sfence.sel $0x180000  }
0x2d2: {  	[bflag:$0x0] =	sbarrier.arrive $0xFFFF  }
0x2d3: {  	_ =	strace $0x90000047  }
0x2d4: {  	s0 =	stileid.u32;
	[bflag:$0x2] =	sbarrier.arrive $0xFFFF  }
0x2d5: {  	p0 =	sne.s32 s0, $0x0;
	s0 =	rddreg [dreg:$0x3]  }
0x2d6: {  	s0 =	sadd.s32 @!p0 $0x100000, s0  }
0x2d7: {  	[sflag:s0] =	ssyncadd.tile.s32 @!p0 $0x1;
	_ =	shalt  }
.Lfunc_end2:
_tile_overlayer_lowered:
.L_overlay_start_2:
0x2d8: {  	(tag) =	ssettag $0x2  }
0x2d9: {  	s0 =	rddreg [dreg:$0x0];
	s2 =	stileid.u32  }
0x2da: {  	s1 =	rddreg [dreg:$0x1];
	p0 =	sne.s32 s2, $0x0  }
0x2db: {  	s3 =	rddreg [dreg:$0x2];
	[bflag:$0x3] =	sbarrier.arrive $0xFFFF;
	s2 =	simm.s32 @!p0 $0x1C1A  }
0x2dc: {  	[timem:s3], [sflag:s2] =	dma.local @!p0 [hbm:s0], s1  }
0x2dd: {  	s0 =	simm.s32 @!p0 $0x1A  }
0x2de: {  	_ =	swait.ge @!p0 [sflag:s0], s1  }
0x2df: {  	s1 =	ssub.s32 @!p0 $0x0, s1;
	[sflag:s0] =	ssyncset.done @!p0 $0x0  }
0x2e0: {  	[sflag:s0] =	ssyncadd.s32 @!p0 s1  }
0x2e1: {  	[bflag:$0x3] =	sbarrier.arrive $0xFFFF  }
0x2e2: {  	_ =	shalt  }

</sc_bundles>
